<compile_context>
chip_gen: v7x
topology: tpu7x:2x2x1
jax: 0.10.2.dev20260603
libtpu: 0.0.44.dev20260713+nightly
codegen_flags: <defaults>
</compile_context>

<pallas_src>
import jax
import jax.numpy as jnp
from jax import lax
from jax.experimental import pallas as pl
from jax.experimental.pallas import tpu as pltpu
from jax.experimental.pallas import tpu_sc as plsc

RES = 384
N = 20000
SIGMA = 0.005
HW = round(3 * SIGMA * RES)
W = 2 * HW + 1
INV_DENOM = 1.0 / (2.0 * SIGMA * SIGMA)
INV_RES1 = 1.0 / (RES - 1)

NC = 2
NS = 16
LANES = 16
NW = NC * NS

K = 4
BH = RES * K // NW
NP = N // K
NGK = (NP + LANES - 1) // LANES
NP_PAD = NGK * LANES
CHUNK = BH * RES // K
PAD = 128
SLOT = BH * RES


def _body(cx_hbm, cy_hbm, wt_hbm, out_hbm,
          cx_v, cy_v, wt_v, lst_v, band_v, mrg_v, shared, sem):
    cid = lax.axis_index("c")
    sid = lax.axis_index("s")
    member = sid % K
    band = (cid * NS + sid) // K
    band_lo = band * BH
    p0 = member * NP

    cpx = pltpu.make_async_copy(cx_hbm.at[pl.ds(p0, NP)], cx_v, sem)
    cpy = pltpu.make_async_copy(cy_hbm.at[pl.ds(p0, NP)], cy_v, sem)
    cpw = pltpu.make_async_copy(wt_hbm.at[pl.ds(p0, NP)], wt_v, sem)
    cpx.start()
    cpy.start()
    cpw.start()

    zv = jnp.zeros((LANES,), jnp.float32)

    def zero(j, carry):
        band_v[pl.ds(j * LANES, LANES)] = zv
        return carry

    lax.fori_loop(0, (2 * PAD + BH * RES) // LANES, zero, jnp.int32(0),
                  unroll=8)
    cpx.wait()
    cpy.wait()
    cpw.wait()

    lane = lax.iota(jnp.int32, LANES)
    lo_t = band_lo - HW

    span = jnp.uint32(BH + 2 * HW)

    def filt(g, carry):
        ids, off = carry
        cyv = cy_v[pl.ds(g * LANES, LANES)]
        icy = (cyv * RES).astype(jnp.int32)
        m = (icy - lo_t).astype(jnp.uint32) < span
        if NP % LANES:
            m = m & (ids < NP)
        pos = off + lax.cumsum(m.astype(jnp.int32), axis=0) - 1
        plsc.store_scatter(lst_v, [pos], ids, mask=m)
        return ids + LANES, off + plsc.all_reduce_population_count(m)

    ids0 = lane
    off0 = jnp.zeros((LANES,), jnp.int32)
    _, offn = lax.fori_loop(0, NGK, filt, (ids0, off0), unroll=4)
    cnt = jnp.max(offn)

    def splat(g, carry):
        base = g * LANES
        valid = (base + lane) < cnt
        idxv = lst_v[pl.ds(base, LANES)]
        idxv = jnp.where(valid, idxv, 0)
        cxg = plsc.load_gather(cx_v, [idxv])
        cyg = plsc.load_gather(cy_v, [idxv])
        wtg = plsc.load_gather(wt_v, [idxv])
        wtg = jnp.where(valid, wtg, 0.0)
        icx = (cxg * RES).astype(jnp.int32)
        icy = (cyg * RES).astype(jnp.int32)

        colf = []
        c0 = icx - HW
        for dc in range(W):
            cc = c0 + dc
            cm = cc.astype(jnp.uint32) < jnp.uint32(RES)
            xs = cc.astype(jnp.float32) * INV_RES1
            dx = xs - cxg
            f = jnp.exp(dx * dx * -INV_DENOM)
            colf.append(jnp.where(cm, f, 0.0))

        c0p = c0 + PAD
        r0 = icy - HW
        for dr in range(W):
            rr = r0 + dr
            rm = (rr >= band_lo) & (rr < band_lo + BH)
            rloc = jnp.where(rm, rr - band_lo, 0)
            ys = rr.astype(jnp.float32) * INV_RES1
            dy = ys - cyg
            rowf = wtg * jnp.exp(dy * dy * -INV_DENOM)
            idx0 = rloc * RES + c0p
            for dc in range(W):
                plsc.addupdate_scatter(
                    band_v, [idx0 + dc], rowf * colf[dc], mask=rm)
        return carry

    ng2 = (cnt + LANES - 1) // LANES
    lax.fori_loop(0, ng2, splat, jnp.int32(0))

    pltpu.sync_copy(band_v.at[pl.ds(PAD, SLOT)], shared.at[sid])
    plsc.subcore_barrier()
    gbase = (sid // K) * K
    cps = [pltpu.make_async_copy(
        shared.at[gbase + j, pl.ds(member * CHUNK, CHUNK)],
        mrg_v.at[j], sem) for j in range(K)]
    for cp in cps:
        cp.start()
    for cp in cps:
        cp.wait()

    def merge(j, carry):
        acc = mrg_v[0, pl.ds(j * LANES, LANES)]
        for t in range(1, K):
            acc = acc + mrg_v[t, pl.ds(j * LANES, LANES)]
        mrg_v[0, pl.ds(j * LANES, LANES)] = acc
        return carry

    lax.fori_loop(0, CHUNK // LANES, merge, jnp.int32(0), unroll=4)

    pltpu.sync_copy(mrg_v.at[0],
                    out_hbm.at[pl.ds(band_lo * RES + member * CHUNK, CHUNK)])


def kernel(p):
    cx = jnp.asarray(p[:, 0])
    cy = jnp.asarray(p[:, 1])
    wt = jnp.asarray(p[:, 2])
    mesh = plsc.VectorSubcoreMesh(
        core_axis_name="c", subcore_axis_name="s",
        num_cores=NC, num_subcores=NS)
    img0 = pl.kernel(
        _body,
        out_type=jax.ShapeDtypeStruct((RES * RES,), jnp.float32),
        mesh=mesh,
        compiler_params=pltpu.CompilerParams(
            needs_layout_passes=False, skip_device_barrier=True),
        scratch_types=[
            pltpu.VMEM((NP,), jnp.float32),
            pltpu.VMEM((NP,), jnp.float32),
            pltpu.VMEM((NP,), jnp.float32),
            pltpu.VMEM((NP_PAD,), jnp.int32),
            pltpu.VMEM((2 * PAD + BH * RES,), jnp.float32),
            pltpu.VMEM((K, CHUNK), jnp.float32),
            pltpu.VMEM_SHARED((NS, SLOT), jnp.float32),
            pltpu.SemaphoreType.DMA,
        ],
    )(cx, cy, wt).reshape(RES, RES)
    img = jnp.stack([img0, jnp.zeros_like(img0)])
    return img[None]

# --- scband reference (transcript-rebuilt; emitter-appended) ---
"""Pipeline reference for scband-soft-point2-image-43516608643718 (READ-ONLY COPY).

The authoritative reference and input builder live on the scoring server;
editing this copy changes nothing except your own understanding.
"""

import jax, jax.numpy as jnp
import numpy as np

D_S = 2
D_F = 1
KERNEL_SIGMA = 0.005
RES = 384
N = 20000
HW = round(3 * KERNEL_SIGMA * RES)  # 6 -> 13x13 window per point


def setup_inputs(seed: int = 0) -> dict:
    key = jax.random.key(seed)
    p = jax.random.uniform(key, (N, D_S + D_F), dtype=jnp.float32)
    return {"p": p}


def reference(p):
    res = RES
    hw = HW
    denom = 2.0 * (KERNEL_SIGMA ** 2)
    n = p.shape[0]
    w = 2 * hw + 1

    cx = p[:, 0]
    cy = p[:, 1]
    wt = p[:, 2]

    icx = jnp.floor(cx * res).astype(jnp.int32)
    icy = jnp.floor(cy * res).astype(jnp.int32)

    offs = jnp.arange(-hw, hw + 1, dtype=jnp.int32)
    rows = icy[:, None] + offs[None, :]  # [N, w]
    cols = icx[:, None] + offs[None, :]  # [N, w]

    rmask = (rows >= 0) & (rows < res)
    cmask = (cols >= 0) & (cols < res)
    rc = jnp.clip(rows, 0, res - 1)
    cc = jnp.clip(cols, 0, res - 1)

    # mesh built from linspace(0,1,res): value at pixel index i is i/(res-1)
    ys = rc.astype(jnp.float32) / (res - 1)  # [N, w]
    xs = cc.astype(jnp.float32) / (res - 1)  # [N, w]

    dy2 = (ys - cy[:, None]) ** 2  # [N, w]
    dx2 = (xs - cx[:, None]) ** 2  # [N, w]

    g = wt[:, None, None] * jnp.exp(-(dy2[:, :, None] + dx2[:, None, :]) / denom)  # [N, w, w]
    mask = (rmask[:, :, None] & cmask[:, None, :]).astype(g.dtype)
    vals = g * mask

    rr = jnp.broadcast_to(rc[:, :, None], (n, w, w)).reshape(-1)
    ccb = jnp.broadcast_to(cc[:, None, :], (n, w, w)).reshape(-1)

    img0 = jnp.zeros((res, res), dtype=jnp.float32).at[rr, ccb].add(vals.reshape(-1))
    img = jnp.zeros((D_F + 1, res, res), dtype=jnp.float32).at[0].set(img0)
    return img[None]

if __name__ == "__main__":
    import jax
    _d = setup_inputs()
    print(jax.jit(kernel)(*tuple(_d.values())))

</pallas_src>

<mosaic_0001>
#map = affine_map<(d0, d1) -> (0)>
module attributes {stable_mosaic.version = 14 : i64} {
  func.func @_body(%arg0: i32, %arg1: i32, %arg2: memref<20000xf32, #tpu.memory_space<hbm>>, %arg3: memref<20000xf32, #tpu.memory_space<hbm>>, %arg4: memref<20000xf32, #tpu.memory_space<hbm>>, %arg5: memref<147456xf32, #tpu.memory_space<hbm>>, %arg6: memref<5000xf32, #tpu.memory_space<vmem>>, %arg7: memref<5000xf32, #tpu.memory_space<vmem>>, %arg8: memref<5000xf32, #tpu.memory_space<vmem>>, %arg9: memref<5008xi32, #tpu.memory_space<vmem>>, %arg10: memref<18688xf32, #tpu.memory_space<vmem>>, %arg11: memref<4x4608xf32, #tpu.memory_space<vmem>>, %arg12: memref<16x18432xf32, #tpu.memory_space<vmem_shared>>, %arg13: memref<!tpu.dma_semaphore, #tpu.memory_space<semaphore_mem>>) attributes {dimension_semantics = [#tpu.dimension_semantics<core_parallel>, #tpu.dimension_semantics<subcore_parallel>], iteration_bounds = array<i64: 2, 16>, scalar_prefetch = 0 : i64, scratch_operands = 8 : i64, tpu.core_type = #tpu.core_type<sc_vector_subcore>, window_params = [{transform_indices = #map}, {transform_indices = #map}, {transform_indices = #map}, {transform_indices = #map}]} {
    %jit3A = arith.constant 4 : i32
    %eq3A = arith.constant 0 : i32
    %eq3A_0 = arith.cmpi eq, %jit3A, %eq3A : i32
    %jit3A_1 = arith.constant 1 : i32
    %select_n3A = arith.select %eq3A_0, %jit3A_1, %jit3A : i32
    %rem3A = arith.remsi %arg1, %select_n3A : i32
    %ne3A = arith.constant 0 : i32
    %ne3A_2 = arith.cmpi ne, %rem3A, %ne3A : i32
    %lt3A = arith.constant 0 : i32
    %lt3A_3 = arith.cmpi slt, %rem3A, %lt3A : i32
    %lt3A_4 = arith.constant 0 : i32
    %lt3A_5 = arith.cmpi slt, %select_n3A, %lt3A_4 : i32
    %ne3A_6 = arith.xori %lt3A_3, %lt3A_5 : i1
    %and3A = arith.andi %ne3A_6, %ne3A_2 : i1
    %add3A = arith.addi %rem3A, %select_n3A : i32
    %select_n3A_7 = arith.select %and3A, %add3A, %rem3A : i32
    %mul3A = arith.constant 16 : i32
    %mul3A_8 = arith.muli %arg0, %mul3A : i32
    %add3A_9 = arith.addi %mul3A_8, %arg1 : i32
    %jit3A_10 = arith.constant 4 : i32
    %div3A = arith.divsi %add3A_9, %jit3A_10 : i32
    %sign3A = arith.constant 0 : i32
    %sign3A_11 = arith.cmpi sgt, %add3A_9, %sign3A : i32
    %sign3A_12 = arith.extui %sign3A_11 : i1 to i32
    %sign3A_13 = arith.constant 0 : i32
    %sign3A_14 = arith.cmpi slt, %add3A_9, %sign3A_13 : i32
    %sign3A_15 = arith.extui %sign3A_14 : i1 to i32
    %sign3A_16 = arith.subi %sign3A_12, %sign3A_15 : i32
    %sign3A_17 = arith.constant 0 : i32
    %sign3A_18 = arith.cmpi sgt, %jit3A_10, %sign3A_17 : i32
    %sign3A_19 = arith.extui %sign3A_18 : i1 to i32
    %sign3A_20 = arith.constant 0 : i32
    %sign3A_21 = arith.cmpi slt, %jit3A_10, %sign3A_20 : i32
    %sign3A_22 = arith.extui %sign3A_21 : i1 to i32
    %sign3A_23 = arith.subi %sign3A_19, %sign3A_22 : i32
    %ne3A_24 = arith.cmpi ne, %sign3A_16, %sign3A_23 : i32
    %rem3A_25 = arith.remsi %add3A_9, %jit3A_10 : i32
    %ne3A_26 = arith.constant 0 : i32
    %ne3A_27 = arith.cmpi ne, %rem3A_25, %ne3A_26 : i32
    %and3A_28 = arith.andi %ne3A_24, %ne3A_27 : i1
    %sub3A = arith.constant 1 : i32
    %sub3A_29 = arith.subi %div3A, %sub3A : i32
    %select_n3A_30 = arith.select %and3A_28, %sub3A_29, %div3A : i32
    %mul3A_31 = arith.constant 48 : i32
    %mul3A_32 = arith.muli %select_n3A_30, %mul3A_31 : i32
    %mul3A_33 = arith.constant 5000 : i32
    %mul3A_34 = arith.muli %select_n3A_7, %mul3A_33 : i32
    %dma_start3A = tpu.memref_slice %arg2[%mul3A_34] : memref<20000xf32, #tpu.memory_space<hbm>> -> memref<5000xf32, #tpu.memory_space<hbm>>
    %dma_start3A_35 = tpu.memref_slice %arg2[%mul3A_34] : memref<20000xf32, #tpu.memory_space<hbm>> -> memref<5000xf32, #tpu.memory_space<hbm>>
    tpu.enqueue_dma source(%dma_start3A_35 : memref<5000xf32, #tpu.memory_space<hbm>>) target(%arg6 : memref<5000xf32, #tpu.memory_space<vmem>>) target_semaphore(%arg13 : memref<!tpu.dma_semaphore, #tpu.memory_space<semaphore_mem>>)
    %dma_start3A_36 = tpu.memref_slice %arg3[%mul3A_34] : memref<20000xf32, #tpu.memory_space<hbm>> -> memref<5000xf32, #tpu.memory_space<hbm>>
    %dma_start3A_37 = tpu.memref_slice %arg3[%mul3A_34] : memref<20000xf32, #tpu.memory_space<hbm>> -> memref<5000xf32, #tpu.memory_space<hbm>>
    tpu.enqueue_dma source(%dma_start3A_37 : memref<5000xf32, #tpu.memory_space<hbm>>) target(%arg7 : memref<5000xf32, #tpu.memory_space<vmem>>) target_semaphore(%arg13 : memref<!tpu.dma_semaphore, #tpu.memory_space<semaphore_mem>>)
    %dma_start3A_38 = tpu.memref_slice %arg4[%mul3A_34] : memref<20000xf32, #tpu.memory_space<hbm>> -> memref<5000xf32, #tpu.memory_space<hbm>>
    %dma_start3A_39 = tpu.memref_slice %arg4[%mul3A_34] : memref<20000xf32, #tpu.memory_space<hbm>> -> memref<5000xf32, #tpu.memory_space<hbm>>
    tpu.enqueue_dma source(%dma_start3A_39 : memref<5000xf32, #tpu.memory_space<hbm>>) target(%arg8 : memref<5000xf32, #tpu.memory_space<vmem>>) target_semaphore(%arg13 : memref<!tpu.dma_semaphore, #tpu.memory_space<semaphore_mem>>)
    %broadcast_in_dim3A = arith.constant 0.000000e+00 : f32
    %broadcast_in_dim3A_40 = vector.broadcast %broadcast_in_dim3A : f32 to vector<16xf32>
    %scan3A = arith.constant 0 : i32
    %scan3A_41 = arith.constant 0 : i32
    %scan3A_42 = arith.constant 1168 : i32
    %scan3A_43 = arith.addi %scan3A_41, %scan3A_42 : i32
    %scan3A_44 = arith.constant 8 : i32
    scf.for %scan3A_274 = %scan3A_41 to %scan3A_43 step %scan3A_44  : i32 {
      %mul3A_275 = arith.constant 16 : i32
      %mul3A_276 = arith.muli %scan3A_274, %mul3A_275 : i32
      %swap3A = arith.index_cast %mul3A_276 : i32 to index
      %swap3A_277 = tpu.vector_load %arg10[%swap3A] {strides = array<i32>} : memref<18688xf32, #tpu.memory_space<vmem>>, vector<16xf32>,
      tpu.vector_store %arg10[%swap3A], %broadcast_in_dim3A_40 {strides = array<i32>} : memref<18688xf32, #tpu.memory_space<vmem>>, vector<16xf32>,
      %scan3A_278 = arith.constant 1 : i32
      %scan3A_279 = arith.addi %scan3A_274, %scan3A_278 : i32
      %mul3A_280 = arith.constant 16 : i32
      %mul3A_281 = arith.muli %scan3A_279, %mul3A_280 : i32
      %swap3A_282 = arith.index_cast %mul3A_281 : i32 to index
      %swap3A_283 = tpu.vector_load %arg10[%swap3A_282] {strides = array<i32>} : memref<18688xf32, #tpu.memory_space<vmem>>, vector<16xf32>,
      tpu.vector_store %arg10[%swap3A_282], %broadcast_in_dim3A_40 {strides = array<i32>} : memref<18688xf32, #tpu.memory_space<vmem>>, vector<16xf32>,
      %scan3A_284 = arith.constant 2 : i32
      %scan3A_285 = arith.addi %scan3A_274, %scan3A_284 : i32
      %mul3A_286 = arith.constant 16 : i32
      %mul3A_287 = arith.muli %scan3A_285, %mul3A_286 : i32
      %swap3A_288 = arith.index_cast %mul3A_287 : i32 to index
      %swap3A_289 = tpu.vector_load %arg10[%swap3A_288] {strides = array<i32>} : memref<18688xf32, #tpu.memory_space<vmem>>, vector<16xf32>,
      tpu.vector_store %arg10[%swap3A_288], %broadcast_in_dim3A_40 {strides = array<i32>} : memref<18688xf32, #tpu.memory_space<vmem>>, vector<16xf32>,
      %scan3A_290 = arith.constant 3 : i32
      %scan3A_291 = arith.addi %scan3A_274, %scan3A_290 : i32
      %mul3A_292 = arith.constant 16 : i32
      %mul3A_293 = arith.muli %scan3A_291, %mul3A_292 : i32
      %swap3A_294 = arith.index_cast %mul3A_293 : i32 to index
      %swap3A_295 = tpu.vector_load %arg10[%swap3A_294] {strides = array<i32>} : memref<18688xf32, #tpu.memory_space<vmem>>, vector<16xf32>,
      tpu.vector_store %arg10[%swap3A_294], %broadcast_in_dim3A_40 {strides = array<i32>} : memref<18688xf32, #tpu.memory_space<vmem>>, vector<16xf32>,
      %scan3A_296 = arith.constant 4 : i32
      %scan3A_297 = arith.addi %scan3A_274, %scan3A_296 : i32
      %mul3A_298 = arith.constant 16 : i32
      %mul3A_299 = arith.muli %scan3A_297, %mul3A_298 : i32
      %swap3A_300 = arith.index_cast %mul3A_299 : i32 to index
      %swap3A_301 = tpu.vector_load %arg10[%swap3A_300] {strides = array<i32>} : memref<18688xf32, #tpu.memory_space<vmem>>, vector<16xf32>,
      tpu.vector_store %arg10[%swap3A_300], %broadcast_in_dim3A_40 {strides = array<i32>} : memref<18688xf32, #tpu.memory_space<vmem>>, vector<16xf32>,
      %scan3A_302 = arith.constant 5 : i32
      %scan3A_303 = arith.addi %scan3A_274, %scan3A_302 : i32
      %mul3A_304 = arith.constant 16 : i32
      %mul3A_305 = arith.muli %scan3A_303, %mul3A_304 : i32
      %swap3A_306 = arith.index_cast %mul3A_305 : i32 to index
      %swap3A_307 = tpu.vector_load %arg10[%swap3A_306] {strides = array<i32>} : memref<18688xf32, #tpu.memory_space<vmem>>, vector<16xf32>,
      tpu.vector_store %arg10[%swap3A_306], %broadcast_in_dim3A_40 {strides = array<i32>} : memref<18688xf32, #tpu.memory_space<vmem>>, vector<16xf32>,
      %scan3A_308 = arith.constant 6 : i32
      %scan3A_309 = arith.addi %scan3A_274, %scan3A_308 : i32
      %mul3A_310 = arith.constant 16 : i32
      %mul3A_311 = arith.muli %scan3A_309, %mul3A_310 : i32
      %swap3A_312 = arith.index_cast %mul3A_311 : i32 to index
      %swap3A_313 = tpu.vector_load %arg10[%swap3A_312] {strides = array<i32>} : memref<18688xf32, #tpu.memory_space<vmem>>, vector<16xf32>,
      tpu.vector_store %arg10[%swap3A_312], %broadcast_in_dim3A_40 {strides = array<i32>} : memref<18688xf32, #tpu.memory_space<vmem>>, vector<16xf32>,
      %scan3A_314 = arith.constant 7 : i32
      %scan3A_315 = arith.addi %scan3A_274, %scan3A_314 : i32
      %mul3A_316 = arith.constant 16 : i32
      %mul3A_317 = arith.muli %scan3A_315, %mul3A_316 : i32
      %swap3A_318 = arith.index_cast %mul3A_317 : i32 to index
      %swap3A_319 = tpu.vector_load %arg10[%swap3A_318] {strides = array<i32>} : memref<18688xf32, #tpu.memory_space<vmem>>, vector<16xf32>,
      tpu.vector_store %arg10[%swap3A_318], %broadcast_in_dim3A_40 {strides = array<i32>} : memref<18688xf32, #tpu.memory_space<vmem>>, vector<16xf32>,
    }
    %scan3A_45 = arith.constant 1168 : i32
    %dma_wait3A = tpu.memref_slice %arg2[%mul3A_34] : memref<20000xf32, #tpu.memory_space<hbm>> -> memref<5000xf32, #tpu.memory_space<hbm>>
    %dma_wait3A_46 = tpu.memref_slice %arg2[%mul3A_34] : memref<20000xf32, #tpu.memory_space<hbm>> -> memref<5000xf32, #tpu.memory_space<hbm>>
    tpu.wait_dma2 semaphore(%arg13 : memref<!tpu.dma_semaphore, #tpu.memory_space<semaphore_mem>>) src(%dma_wait3A_46 : memref<5000xf32, #tpu.memory_space<hbm>>) dst(%arg6 : memref<5000xf32, #tpu.memory_space<vmem>>)
    %dma_wait3A_47 = tpu.memref_slice %arg3[%mul3A_34] : memref<20000xf32, #tpu.memory_space<hbm>> -> memref<5000xf32, #tpu.memory_space<hbm>>
    %dma_wait3A_48 = tpu.memref_slice %arg3[%mul3A_34] : memref<20000xf32, #tpu.memory_space<hbm>> -> memref<5000xf32, #tpu.memory_space<hbm>>
    tpu.wait_dma2 semaphore(%arg13 : memref<!tpu.dma_semaphore, #tpu.memory_space<semaphore_mem>>) src(%dma_wait3A_48 : memref<5000xf32, #tpu.memory_space<hbm>>) dst(%arg7 : memref<5000xf32, #tpu.memory_space<vmem>>)
    %dma_wait3A_49 = tpu.memref_slice %arg4[%mul3A_34] : memref<20000xf32, #tpu.memory_space<hbm>> -> memref<5000xf32, #tpu.memory_space<hbm>>
    %dma_wait3A_50 = tpu.memref_slice %arg4[%mul3A_34] : memref<20000xf32, #tpu.memory_space<hbm>> -> memref<5000xf32, #tpu.memory_space<hbm>>
    tpu.wait_dma2 semaphore(%arg13 : memref<!tpu.dma_semaphore, #tpu.memory_space<semaphore_mem>>) src(%dma_wait3A_50 : memref<5000xf32, #tpu.memory_space<hbm>>) dst(%arg8 : memref<5000xf32, #tpu.memory_space<vmem>>)
    %iota3A = tpu.iota {dimensions = array<i32: 0>} : vector<16xi32>
    %sub3A_51 = arith.constant 6 : i32
    %sub3A_52 = arith.subi %mul3A_32, %sub3A_51 : i32
    %broadcast_in_dim3A_53 = arith.constant 0 : i32
    %broadcast_in_dim3A_54 = vector.broadcast %broadcast_in_dim3A_53 : i32 to vector<16xi32>
    %scan3A_55 = arith.constant 60 : i32
    %scan3A_56 = arith.constant 0 : i32
    %scan3A_57 = arith.constant 312 : i32
    %scan3A_58 = arith.addi %scan3A_56, %scan3A_57 : i32
    %scan3A_59 = arith.constant 4 : i32
    %scan3A_60:2 = scf.for %scan3A_274 = %scan3A_56 to %scan3A_58 step %scan3A_59 iter_args(%scan3A_275 = %iota3A, %scan3A_276 = %broadcast_in_dim3A_54) -> (vector<16xi32>, vector<16xi32>)  : i32 {
      %mul3A_277 = arith.constant 16 : i32
      %mul3A_278 = arith.muli %scan3A_274, %mul3A_277 : i32
      %get3A_279 = arith.index_cast %mul3A_278 : i32 to index
      %get3A_280 = tpu.vector_load %arg7[%get3A_279] {strides = array<i32>} : memref<5000xf32, #tpu.memory_space<vmem>>, vector<16xf32>,
      %mul3A_281 = arith.constant 3.840000e+02 : f32
      %mul3A_282 = vector.broadcast %mul3A_281 : f32 to vector<16xf32>
      %mul3A_283 = arith.mulf %get3A_280, %mul3A_282 : vector<16xf32>
      %convert_element_type3A_284 = arith.fptosi %mul3A_283 : vector<16xf32> to vector<16xi32>
      %sub3A_285 = vector.broadcast %sub3A_52 : i32 to vector<16xi32>
      %sub3A_286 = arith.subi %convert_element_type3A_284, %sub3A_285 : vector<16xi32>
      %lt3A_287 = vector.broadcast %scan3A_55 : i32 to vector<16xi32>
      %lt3A_288 = arith.cmpi ult, %sub3A_286, %lt3A_287 : vector<16xi32>
      %lt3A_289 = arith.constant 5000 : i32
      %lt3A_290 = vector.broadcast %lt3A_289 : i32 to vector<16xi32>
      %lt3A_291 = arith.cmpi slt, %scan3A_275, %lt3A_290 : vector<16xi32>
      %and3A_292 = arith.andi %lt3A_288, %lt3A_291 : vector<16xi1>
      %convert_element_type3A_293 = arith.extui %and3A_292 : vector<16xi1> to vector<16xi32>
      %cumsum3A_294 = arith.constant true
      %cumsum3A_295 = vector.broadcast %cumsum3A_294 : i1 to vector<16xi1>
      %cumsum3A_296 = tpu.scan <sum>, %convert_element_type3A_293 masked %cumsum3A_295 : vector<16xi32>, vector<16xi1> -> vector<16xi32>
      %add3A_297 = arith.addi %scan3A_276, %cumsum3A_296 : vector<16xi32>
      %sub3A_298 = arith.constant 1 : i32
      %sub3A_299 = vector.broadcast %sub3A_298 : i32 to vector<16xi32>
      %sub3A_300 = arith.subi %add3A_297, %sub3A_299 : vector<16xi32>
      tpu.vector_store_idx %arg9[%sub3A_300], %scan3A_275 masked %and3A_292 : memref<5008xi32, #tpu.memory_space<vmem>>[vector<16xi32>], vector<16xi32>, vector<16xi1>
      %add3A_301 = arith.constant 16 : i32
      %add3A_302 = vector.broadcast %add3A_301 : i32 to vector<16xi32>
      %add3A_303 = arith.addi %scan3A_275, %add3A_302 : vector<16xi32>
      %all_reduce_population_count3A_304 = tpu.all_reduce %and3A_292 {dim = 0 : i64, kind = #tpu.reduction_kind<sum>} : vector<16xi1> -> vector<16xi32>
      %add3A_305 = arith.addi %scan3A_276, %all_reduce_population_count3A_304 : vector<16xi32>
      %scan3A_306 = arith.constant 1 : i32
      %scan3A_307 = arith.addi %scan3A_274, %scan3A_306 : i32
      %mul3A_308 = arith.constant 16 : i32
      %mul3A_309 = arith.muli %scan3A_307, %mul3A_308 : i32
      %get3A_310 = arith.index_cast %mul3A_309 : i32 to index
      %get3A_311 = tpu.vector_load %arg7[%get3A_310] {strides = array<i32>} : memref<5000xf32, #tpu.memory_space<vmem>>, vector<16xf32>,
      %mul3A_312 = arith.constant 3.840000e+02 : f32
      %mul3A_313 = vector.broadcast %mul3A_312 : f32 to vector<16xf32>
      %mul3A_314 = arith.mulf %get3A_311, %mul3A_313 : vector<16xf32>
      %convert_element_type3A_315 = arith.fptosi %mul3A_314 : vector<16xf32> to vector<16xi32>
      %sub3A_316 = vector.broadcast %sub3A_52 : i32 to vector<16xi32>
      %sub3A_317 = arith.subi %convert_element_type3A_315, %sub3A_316 : vector<16xi32>
      %lt3A_318 = vector.broadcast %scan3A_55 : i32 to vector<16xi32>
      %lt3A_319 = arith.cmpi ult, %sub3A_317, %lt3A_318 : vector<16xi32>
      %lt3A_320 = arith.constant 5000 : i32
      %lt3A_321 = vector.broadcast %lt3A_320 : i32 to vector<16xi32>
      %lt3A_322 = arith.cmpi slt, %add3A_303, %lt3A_321 : vector<16xi32>
      %and3A_323 = arith.andi %lt3A_319, %lt3A_322 : vector<16xi1>
      %convert_element_type3A_324 = arith.extui %and3A_323 : vector<16xi1> to vector<16xi32>
      %cumsum3A_325 = arith.constant true
      %cumsum3A_326 = vector.broadcast %cumsum3A_325 : i1 to vector<16xi1>
      %cumsum3A_327 = tpu.scan <sum>, %convert_element_type3A_324 masked %cumsum3A_326 : vector<16xi32>, vector<16xi1> -> vector<16xi32>
      %add3A_328 = arith.addi %add3A_305, %cumsum3A_327 : vector<16xi32>
      %sub3A_329 = arith.constant 1 : i32
      %sub3A_330 = vector.broadcast %sub3A_329 : i32 to vector<16xi32>
      %sub3A_331 = arith.subi %add3A_328, %sub3A_330 : vector<16xi32>
      tpu.vector_store_idx %arg9[%sub3A_331], %add3A_303 masked %and3A_323 : memref<5008xi32, #tpu.memory_space<vmem>>[vector<16xi32>], vector<16xi32>, vector<16xi1>
      %add3A_332 = arith.constant 16 : i32
      %add3A_333 = vector.broadcast %add3A_332 : i32 to vector<16xi32>
      %add3A_334 = arith.addi %add3A_303, %add3A_333 : vector<16xi32>
      %all_reduce_population_count3A_335 = tpu.all_reduce %and3A_323 {dim = 0 : i64, kind = #tpu.reduction_kind<sum>} : vector<16xi1> -> vector<16xi32>
      %add3A_336 = arith.addi %add3A_305, %all_reduce_population_count3A_335 : vector<16xi32>
      %scan3A_337 = arith.constant 2 : i32
      %scan3A_338 = arith.addi %scan3A_274, %scan3A_337 : i32
      %mul3A_339 = arith.constant 16 : i32
      %mul3A_340 = arith.muli %scan3A_338, %mul3A_339 : i32
      %get3A_341 = arith.index_cast %mul3A_340 : i32 to index
      %get3A_342 = tpu.vector_load %arg7[%get3A_341] {strides = array<i32>} : memref<5000xf32, #tpu.memory_space<vmem>>, vector<16xf32>,
      %mul3A_343 = arith.constant 3.840000e+02 : f32
      %mul3A_344 = vector.broadcast %mul3A_343 : f32 to vector<16xf32>
      %mul3A_345 = arith.mulf %get3A_342, %mul3A_344 : vector<16xf32>
      %convert_element_type3A_346 = arith.fptosi %mul3A_345 : vector<16xf32> to vector<16xi32>
      %sub3A_347 = vector.broadcast %sub3A_52 : i32 to vector<16xi32>
      %sub3A_348 = arith.subi %convert_element_type3A_346, %sub3A_347 : vector<16xi32>
      %lt3A_349 = vector.broadcast %scan3A_55 : i32 to vector<16xi32>
      %lt3A_350 = arith.cmpi ult, %sub3A_348, %lt3A_349 : vector<16xi32>
      %lt3A_351 = arith.constant 5000 : i32
      %lt3A_352 = vector.broadcast %lt3A_351 : i32 to vector<16xi32>
      %lt3A_353 = arith.cmpi slt, %add3A_334, %lt3A_352 : vector<16xi32>
      %and3A_354 = arith.andi %lt3A_350, %lt3A_353 : vector<16xi1>
      %convert_element_type3A_355 = arith.extui %and3A_354 : vector<16xi1> to vector<16xi32>
      %cumsum3A_356 = arith.constant true
      %cumsum3A_357 = vector.broadcast %cumsum3A_356 : i1 to vector<16xi1>
      %cumsum3A_358 = tpu.scan <sum>, %convert_element_type3A_355 masked %cumsum3A_357 : vector<16xi32>, vector<16xi1> -> vector<16xi32>
      %add3A_359 = arith.addi %add3A_336, %cumsum3A_358 : vector<16xi32>
      %sub3A_360 = arith.constant 1 : i32
      %sub3A_361 = vector.broadcast %sub3A_360 : i32 to vector<16xi32>
      %sub3A_362 = arith.subi %add3A_359, %sub3A_361 : vector<16xi32>
      tpu.vector_store_idx %arg9[%sub3A_362], %add3A_334 masked %and3A_354 : memref<5008xi32, #tpu.memory_space<vmem>>[vector<16xi32>], vector<16xi32>, vector<16xi1>
      %add3A_363 = arith.constant 16 : i32
      %add3A_364 = vector.broadcast %add3A_363 : i32 to vector<16xi32>
      %add3A_365 = arith.addi %add3A_334, %add3A_364 : vector<16xi32>
      %all_reduce_population_count3A_366 = tpu.all_reduce %and3A_354 {dim = 0 : i64, kind = #tpu.reduction_kind<sum>} : vector<16xi1> -> vector<16xi32>
      %add3A_367 = arith.addi %add3A_336, %all_reduce_population_count3A_366 : vector<16xi32>
      %scan3A_368 = arith.constant 3 : i32
      %scan3A_369 = arith.addi %scan3A_274, %scan3A_368 : i32
      %mul3A_370 = arith.constant 16 : i32
      %mul3A_371 = arith.muli %scan3A_369, %mul3A_370 : i32
      %get3A_372 = arith.index_cast %mul3A_371 : i32 to index
      %get3A_373 = tpu.vector_load %arg7[%get3A_372] {strides = array<i32>} : memref<5000xf32, #tpu.memory_space<vmem>>, vector<16xf32>,
      %mul3A_374 = arith.constant 3.840000e+02 : f32
      %mul3A_375 = vector.broadcast %mul3A_374 : f32 to vector<16xf32>
      %mul3A_376 = arith.mulf %get3A_373, %mul3A_375 : vector<16xf32>
      %convert_element_type3A_377 = arith.fptosi %mul3A_376 : vector<16xf32> to vector<16xi32>
      %sub3A_378 = vector.broadcast %sub3A_52 : i32 to vector<16xi32>
      %sub3A_379 = arith.subi %convert_element_type3A_377, %sub3A_378 : vector<16xi32>
      %lt3A_380 = vector.broadcast %scan3A_55 : i32 to vector<16xi32>
      %lt3A_381 = arith.cmpi ult, %sub3A_379, %lt3A_380 : vector<16xi32>
      %lt3A_382 = arith.constant 5000 : i32
      %lt3A_383 = vector.broadcast %lt3A_382 : i32 to vector<16xi32>
      %lt3A_384 = arith.cmpi slt, %add3A_365, %lt3A_383 : vector<16xi32>
      %and3A_385 = arith.andi %lt3A_381, %lt3A_384 : vector<16xi1>
      %convert_element_type3A_386 = arith.extui %and3A_385 : vector<16xi1> to vector<16xi32>
      %cumsum3A_387 = arith.constant true
      %cumsum3A_388 = vector.broadcast %cumsum3A_387 : i1 to vector<16xi1>
      %cumsum3A_389 = tpu.scan <sum>, %convert_element_type3A_386 masked %cumsum3A_388 : vector<16xi32>, vector<16xi1> -> vector<16xi32>
      %add3A_390 = arith.addi %add3A_367, %cumsum3A_389 : vector<16xi32>
      %sub3A_391 = arith.constant 1 : i32
      %sub3A_392 = vector.broadcast %sub3A_391 : i32 to vector<16xi32>
      %sub3A_393 = arith.subi %add3A_390, %sub3A_392 : vector<16xi32>
      tpu.vector_store_idx %arg9[%sub3A_393], %add3A_365 masked %and3A_385 : memref<5008xi32, #tpu.memory_space<vmem>>[vector<16xi32>], vector<16xi32>, vector<16xi1>
      %add3A_394 = arith.constant 16 : i32
      %add3A_395 = vector.broadcast %add3A_394 : i32 to vector<16xi32>
      %add3A_396 = arith.addi %add3A_365, %add3A_395 : vector<16xi32>
      %all_reduce_population_count3A_397 = tpu.all_reduce %and3A_385 {dim = 0 : i64, kind = #tpu.reduction_kind<sum>} : vector<16xi1> -> vector<16xi32>
      %add3A_398 = arith.addi %add3A_367, %all_reduce_population_count3A_397 : vector<16xi32>
      scf.yield %add3A_396, %add3A_398 : vector<16xi32>, vector<16xi32>
    }
    %scan3A_61 = arith.constant 312 : i32
    %scan3A_62 = arith.addi %scan3A_56, %scan3A_61 : i32
    %mul3A_63 = arith.constant 16 : i32
    %mul3A_64 = arith.muli %scan3A_62, %mul3A_63 : i32
    %get3A = arith.index_cast %mul3A_64 : i32 to index
    %get3A_65 = tpu.vector_load %arg7[%get3A] {strides = array<i32>} : memref<5000xf32, #tpu.memory_space<vmem>>, vector<16xf32>,
    %mul3A_66 = arith.constant 3.840000e+02 : f32
    %mul3A_67 = vector.broadcast %mul3A_66 : f32 to vector<16xf32>
    %mul3A_68 = arith.mulf %get3A_65, %mul3A_67 : vector<16xf32>
    %convert_element_type3A = arith.fptosi %mul3A_68 : vector<16xf32> to vector<16xi32>
    %sub3A_69 = vector.broadcast %sub3A_52 : i32 to vector<16xi32>
    %sub3A_70 = arith.subi %convert_element_type3A, %sub3A_69 : vector<16xi32>
    %lt3A_71 = vector.broadcast %scan3A_55 : i32 to vector<16xi32>
    %lt3A_72 = arith.cmpi ult, %sub3A_70, %lt3A_71 : vector<16xi32>
    %lt3A_73 = arith.constant 5000 : i32
    %lt3A_74 = vector.broadcast %lt3A_73 : i32 to vector<16xi32>
    %lt3A_75 = arith.cmpi slt, %scan3A_60#0, %lt3A_74 : vector<16xi32>
    %and3A_76 = arith.andi %lt3A_72, %lt3A_75 : vector<16xi1>
    %convert_element_type3A_77 = arith.extui %and3A_76 : vector<16xi1> to vector<16xi32>
    %cumsum3A = arith.constant true
    %cumsum3A_78 = vector.broadcast %cumsum3A : i1 to vector<16xi1>
    %cumsum3A_79 = tpu.scan <sum>, %convert_element_type3A_77 masked %cumsum3A_78 : vector<16xi32>, vector<16xi1> -> vector<16xi32>
    %add3A_80 = arith.addi %scan3A_60#1, %cumsum3A_79 : vector<16xi32>
    %sub3A_81 = arith.constant 1 : i32
    %sub3A_82 = vector.broadcast %sub3A_81 : i32 to vector<16xi32>
    %sub3A_83 = arith.subi %add3A_80, %sub3A_82 : vector<16xi32>
    tpu.vector_store_idx %arg9[%sub3A_83], %scan3A_60#0 masked %and3A_76 : memref<5008xi32, #tpu.memory_space<vmem>>[vector<16xi32>], vector<16xi32>, vector<16xi1>
    %add3A_84 = arith.constant 16 : i32
    %add3A_85 = vector.broadcast %add3A_84 : i32 to vector<16xi32>
    %add3A_86 = arith.addi %scan3A_60#0, %add3A_85 : vector<16xi32>
    %all_reduce_population_count3A = tpu.all_reduce %and3A_76 {dim = 0 : i64, kind = #tpu.reduction_kind<sum>} : vector<16xi1> -> vector<16xi32>
    %add3A_87 = arith.addi %scan3A_60#1, %all_reduce_population_count3A : vector<16xi32>
    %scan3A_88 = arith.constant 313 : i32
    %reduce_max3A = arith.constant true
    %reduce_max3A_89 = vector.broadcast %reduce_max3A : i1 to vector<16xi1>
    %reduce_max3A_90 = arith.constant -2147483648 : i32
    %reduce_max3A_91 = vector.broadcast %reduce_max3A_90 : i32 to vector<16xi32>
    %reduce_max3A_92 = arith.xori %add3A_87, %reduce_max3A_91 : vector<16xi32>
    %reduce_max3A_93 = tpu.scan <max>, %reduce_max3A_92 masked %reduce_max3A_89 : vector<16xi32>, vector<16xi1> -> vector<16xi32>
    %reduce_max3A_94 = arith.xori %reduce_max3A_93, %reduce_max3A_91 : vector<16xi32>
    %reduce_max3A_95 = vector.extract %reduce_max3A_94[15] : i32 from vector<16xi32>
    %add3A_96 = arith.constant 16 : i32
    %add3A_97 = arith.addi %reduce_max3A_95, %add3A_96 : i32
    %sub3A_98 = arith.constant 1 : i32
    %sub3A_99 = arith.subi %add3A_97, %sub3A_98 : i32
    %jit3A_100 = arith.constant 16 : i32
    %div3A_101 = arith.divsi %sub3A_99, %jit3A_100 : i32
    %sign3A_102 = arith.constant 0 : i32
    %sign3A_103 = arith.cmpi sgt, %sub3A_99, %sign3A_102 : i32
    %sign3A_104 = arith.extui %sign3A_103 : i1 to i32
    %sign3A_105 = arith.constant 0 : i32
    %sign3A_106 = arith.cmpi slt, %sub3A_99, %sign3A_105 : i32
    %sign3A_107 = arith.extui %sign3A_106 : i1 to i32
    %sign3A_108 = arith.subi %sign3A_104, %sign3A_107 : i32
    %sign3A_109 = arith.constant 0 : i32
    %sign3A_110 = arith.cmpi sgt, %jit3A_100, %sign3A_109 : i32
    %sign3A_111 = arith.extui %sign3A_110 : i1 to i32
    %sign3A_112 = arith.constant 0 : i32
    %sign3A_113 = arith.cmpi slt, %jit3A_100, %sign3A_112 : i32
    %sign3A_114 = arith.extui %sign3A_113 : i1 to i32
    %sign3A_115 = arith.subi %sign3A_111, %sign3A_114 : i32
    %ne3A_116 = arith.cmpi ne, %sign3A_108, %sign3A_115 : i32
    %rem3A_117 = arith.remsi %sub3A_99, %jit3A_100 : i32
    %ne3A_118 = arith.constant 0 : i32
    %ne3A_119 = arith.cmpi ne, %rem3A_117, %ne3A_118 : i32
    %and3A_120 = arith.andi %ne3A_116, %ne3A_119 : i1
    %sub3A_121 = arith.constant 1 : i32
    %sub3A_122 = arith.subi %div3A_101, %sub3A_121 : i32
    %select_n3A_123 = arith.select %and3A_120, %sub3A_122, %div3A_101 : i32
    %while3A = arith.constant 0 : i32
    %while3A_124 = arith.constant 0 : i32
    %while3A_125 = arith.subi %select_n3A_123, %while3A_124 : i32
    %while3A_126 = arith.addi %while3A_124, %while3A_125 : i32
    %while3A_127 = arith.constant 1 : i32
    %while3A_128 = arith.divsi %while3A_125, %while3A_127 : i32
    %while3A_129 = arith.muli %while3A_128, %while3A_127 : i32
    %while3A_130 = arith.addi %while3A_124, %while3A_129 : i32
    %while3A_131 = arith.constant 1 : i32
    scf.for %while3A_274 = %while3A_124 to %while3A_130 step %while3A_131  : i32 {
      %mul3A_275 = arith.constant 16 : i32
      %mul3A_276 = arith.muli %while3A_274, %mul3A_275 : i32
      %add3A_277 = vector.broadcast %mul3A_276 : i32 to vector<16xi32>
      %add3A_278 = arith.addi %add3A_277, %iota3A : vector<16xi32>
      %lt3A_279 = vector.broadcast %reduce_max3A_95 : i32 to vector<16xi32>
      %lt3A_280 = arith.cmpi slt, %add3A_278, %lt3A_279 : vector<16xi32>
      %get3A_281 = arith.index_cast %mul3A_276 : i32 to index
      %get3A_282 = tpu.vector_load %arg9[%get3A_281] {strides = array<i32>} : memref<5008xi32, #tpu.memory_space<vmem>>, vector<16xi32>,
      %jit3A_283 = arith.constant 0 : i32
      %broadcast_in_dim3A_284 = vector.broadcast %jit3A_283 : i32 to vector<16xi32>
      %select_n3A_285 = arith.select %lt3A_280, %get3A_282, %broadcast_in_dim3A_284 : vector<16xi1>, vector<16xi32>
      %gather3A = tpu.vector_load_idx %arg6[%select_n3A_285] : memref<5000xf32, #tpu.memory_space<vmem>>[vector<16xi32>], vector<16xf32>,
      %gather3A_286 = tpu.vector_load_idx %arg7[%select_n3A_285] : memref<5000xf32, #tpu.memory_space<vmem>>[vector<16xi32>], vector<16xf32>,
      %gather3A_287 = tpu.vector_load_idx %arg8[%select_n3A_285] : memref<5000xf32, #tpu.memory_space<vmem>>[vector<16xi32>], vector<16xf32>,
      %jit3A_288 = arith.constant 0.000000e+00 : f32
      %broadcast_in_dim3A_289 = vector.broadcast %jit3A_288 : f32 to vector<16xf32>
      %select_n3A_290 = arith.select %lt3A_280, %gather3A_287, %broadcast_in_dim3A_289 : vector<16xi1>, vector<16xf32>
      %mul3A_291 = arith.constant 3.840000e+02 : f32
      %mul3A_292 = vector.broadcast %mul3A_291 : f32 to vector<16xf32>
      %mul3A_293 = arith.mulf %gather3A, %mul3A_292 : vector<16xf32>
      %convert_element_type3A_294 = arith.fptosi %mul3A_293 : vector<16xf32> to vector<16xi32>
      %mul3A_295 = arith.constant 3.840000e+02 : f32
      %mul3A_296 = vector.broadcast %mul3A_295 : f32 to vector<16xf32>
      %mul3A_297 = arith.mulf %gather3A_286, %mul3A_296 : vector<16xf32>
      %convert_element_type3A_298 = arith.fptosi %mul3A_297 : vector<16xf32> to vector<16xi32>
      %sub3A_299 = arith.constant 6 : i32
      %sub3A_300 = vector.broadcast %sub3A_299 : i32 to vector<16xi32>
      %sub3A_301 = arith.subi %convert_element_type3A_294, %sub3A_300 : vector<16xi32>
      %add3A_302 = arith.constant 0 : i32
      %add3A_303 = vector.broadcast %add3A_302 : i32 to vector<16xi32>
      %add3A_304 = arith.addi %sub3A_301, %add3A_303 : vector<16xi32>
      %lt3A_305 = arith.constant 384 : i32
      %lt3A_306 = vector.broadcast %lt3A_305 : i32 to vector<16xi32>
      %lt3A_307 = arith.cmpi ult, %add3A_304, %lt3A_306 : vector<16xi32>
      %convert_element_type3A_308 = arith.sitofp %add3A_304 : vector<16xi32> to vector<16xf32>
      %mul3A_309 = arith.constant 0.0026109661 : f32
      %mul3A_310 = vector.broadcast %mul3A_309 : f32 to vector<16xf32>
      %mul3A_311 = arith.mulf %convert_element_type3A_308, %mul3A_310 : vector<16xf32>
      %sub3A_312 = arith.subf %mul3A_311, %gather3A : vector<16xf32>
      %mul3A_313 = arith.mulf %sub3A_312, %sub3A_312 : vector<16xf32>
      %mul3A_314 = arith.constant -2.000000e+04 : f32
      %mul3A_315 = vector.broadcast %mul3A_314 : f32 to vector<16xf32>
      %mul3A_316 = arith.mulf %mul3A_313, %mul3A_315 : vector<16xf32>
      %exp3A = math.exp %mul3A_316 : vector<16xf32>
      %jit3A_317 = arith.constant 0.000000e+00 : f32
      %broadcast_in_dim3A_318 = vector.broadcast %jit3A_317 : f32 to vector<16xf32>
      %select_n3A_319 = arith.select %lt3A_307, %exp3A, %broadcast_in_dim3A_318 : vector<16xi1>, vector<16xf32>
      %add3A_320 = arith.constant 1 : i32
      %add3A_321 = vector.broadcast %add3A_320 : i32 to vector<16xi32>
      %add3A_322 = arith.addi %sub3A_301, %add3A_321 : vector<16xi32>
      %lt3A_323 = arith.constant 384 : i32
      %lt3A_324 = vector.broadcast %lt3A_323 : i32 to vector<16xi32>
      %lt3A_325 = arith.cmpi ult, %add3A_322, %lt3A_324 : vector<16xi32>
      %convert_element_type3A_326 = arith.sitofp %add3A_322 : vector<16xi32> to vector<16xf32>
      %mul3A_327 = arith.constant 0.0026109661 : f32
      %mul3A_328 = vector.broadcast %mul3A_327 : f32 to vector<16xf32>
      %mul3A_329 = arith.mulf %convert_element_type3A_326, %mul3A_328 : vector<16xf32>
      %sub3A_330 = arith.subf %mul3A_329, %gather3A : vector<16xf32>
      %mul3A_331 = arith.mulf %sub3A_330, %sub3A_330 : vector<16xf32>
      %mul3A_332 = arith.constant -2.000000e+04 : f32
      %mul3A_333 = vector.broadcast %mul3A_332 : f32 to vector<16xf32>
      %mul3A_334 = arith.mulf %mul3A_331, %mul3A_333 : vector<16xf32>
      %exp3A_335 = math.exp %mul3A_334 : vector<16xf32>
      %jit3A_336 = arith.constant 0.000000e+00 : f32
      %broadcast_in_dim3A_337 = vector.broadcast %jit3A_336 : f32 to vector<16xf32>
      %select_n3A_338 = arith.select %lt3A_325, %exp3A_335, %broadcast_in_dim3A_337 : vector<16xi1>, vector<16xf32>
      %add3A_339 = arith.constant 2 : i32
      %add3A_340 = vector.broadcast %add3A_339 : i32 to vector<16xi32>
      %add3A_341 = arith.addi %sub3A_301, %add3A_340 : vector<16xi32>
      %lt3A_342 = arith.constant 384 : i32
      %lt3A_343 = vector.broadcast %lt3A_342 : i32 to vector<16xi32>
      %lt3A_344 = arith.cmpi ult, %add3A_341, %lt3A_343 : vector<16xi32>
      %convert_element_type3A_345 = arith.sitofp %add3A_341 : vector<16xi32> to vector<16xf32>
      %mul3A_346 = arith.constant 0.0026109661 : f32
      %mul3A_347 = vector.broadcast %mul3A_346 : f32 to vector<16xf32>
      %mul3A_348 = arith.mulf %convert_element_type3A_345, %mul3A_347 : vector<16xf32>
      %sub3A_349 = arith.subf %mul3A_348, %gather3A : vector<16xf32>
      %mul3A_350 = arith.mulf %sub3A_349, %sub3A_349 : vector<16xf32>
      %mul3A_351 = arith.constant -2.000000e+04 : f32
      %mul3A_352 = vector.broadcast %mul3A_351 : f32 to vector<16xf32>
      %mul3A_353 = arith.mulf %mul3A_350, %mul3A_352 : vector<16xf32>
      %exp3A_354 = math.exp %mul3A_353 : vector<16xf32>
      %jit3A_355 = arith.constant 0.000000e+00 : f32
      %broadcast_in_dim3A_356 = vector.broadcast %jit3A_355 : f32 to vector<16xf32>
      %select_n3A_357 = arith.select %lt3A_344, %exp3A_354, %broadcast_in_dim3A_356 : vector<16xi1>, vector<16xf32>
      %add3A_358 = arith.constant 3 : i32
      %add3A_359 = vector.broadcast %add3A_358 : i32 to vector<16xi32>
      %add3A_360 = arith.addi %sub3A_301, %add3A_359 : vector<16xi32>
      %lt3A_361 = arith.constant 384 : i32
      %lt3A_362 = vector.broadcast %lt3A_361 : i32 to vector<16xi32>
      %lt3A_363 = arith.cmpi ult, %add3A_360, %lt3A_362 : vector<16xi32>
      %convert_element_type3A_364 = arith.sitofp %add3A_360 : vector<16xi32> to vector<16xf32>
      %mul3A_365 = arith.constant 0.0026109661 : f32
      %mul3A_366 = vector.broadcast %mul3A_365 : f32 to vector<16xf32>
      %mul3A_367 = arith.mulf %convert_element_type3A_364, %mul3A_366 : vector<16xf32>
      %sub3A_368 = arith.subf %mul3A_367, %gather3A : vector<16xf32>
      %mul3A_369 = arith.mulf %sub3A_368, %sub3A_368 : vector<16xf32>
      %mul3A_370 = arith.constant -2.000000e+04 : f32
      %mul3A_371 = vector.broadcast %mul3A_370 : f32 to vector<16xf32>
      %mul3A_372 = arith.mulf %mul3A_369, %mul3A_371 : vector<16xf32>
      %exp3A_373 = math.exp %mul3A_372 : vector<16xf32>
      %jit3A_374 = arith.constant 0.000000e+00 : f32
      %broadcast_in_dim3A_375 = vector.broadcast %jit3A_374 : f32 to vector<16xf32>
      %select_n3A_376 = arith.select %lt3A_363, %exp3A_373, %broadcast_in_dim3A_375 : vector<16xi1>, vector<16xf32>
      %add3A_377 = arith.constant 4 : i32
      %add3A_378 = vector.broadcast %add3A_377 : i32 to vector<16xi32>
      %add3A_379 = arith.addi %sub3A_301, %add3A_378 : vector<16xi32>
      %lt3A_380 = arith.constant 384 : i32
      %lt3A_381 = vector.broadcast %lt3A_380 : i32 to vector<16xi32>
      %lt3A_382 = arith.cmpi ult, %add3A_379, %lt3A_381 : vector<16xi32>
      %convert_element_type3A_383 = arith.sitofp %add3A_379 : vector<16xi32> to vector<16xf32>
      %mul3A_384 = arith.constant 0.0026109661 : f32
      %mul3A_385 = vector.broadcast %mul3A_384 : f32 to vector<16xf32>
      %mul3A_386 = arith.mulf %convert_element_type3A_383, %mul3A_385 : vector<16xf32>
      %sub3A_387 = arith.subf %mul3A_386, %gather3A : vector<16xf32>
      %mul3A_388 = arith.mulf %sub3A_387, %sub3A_387 : vector<16xf32>
      %mul3A_389 = arith.constant -2.000000e+04 : f32
      %mul3A_390 = vector.broadcast %mul3A_389 : f32 to vector<16xf32>
      %mul3A_391 = arith.mulf %mul3A_388, %mul3A_390 : vector<16xf32>
      %exp3A_392 = math.exp %mul3A_391 : vector<16xf32>
      %jit3A_393 = arith.constant 0.000000e+00 : f32
      %broadcast_in_dim3A_394 = vector.broadcast %jit3A_393 : f32 to vector<16xf32>
      %select_n3A_395 = arith.select %lt3A_382, %exp3A_392, %broadcast_in_dim3A_394 : vector<16xi1>, vector<16xf32>
      %add3A_396 = arith.constant 5 : i32
      %add3A_397 = vector.broadcast %add3A_396 : i32 to vector<16xi32>
      %add3A_398 = arith.addi %sub3A_301, %add3A_397 : vector<16xi32>
      %lt3A_399 = arith.constant 384 : i32
      %lt3A_400 = vector.broadcast %lt3A_399 : i32 to vector<16xi32>
      %lt3A_401 = arith.cmpi ult, %add3A_398, %lt3A_400 : vector<16xi32>
      %convert_element_type3A_402 = arith.sitofp %add3A_398 : vector<16xi32> to vector<16xf32>
      %mul3A_403 = arith.constant 0.0026109661 : f32
      %mul3A_404 = vector.broadcast %mul3A_403 : f32 to vector<16xf32>
      %mul3A_405 = arith.mulf %convert_element_type3A_402, %mul3A_404 : vector<16xf32>
      %sub3A_406 = arith.subf %mul3A_405, %gather3A : vector<16xf32>
      %mul3A_407 = arith.mulf %sub3A_406, %sub3A_406 : vector<16xf32>
      %mul3A_408 = arith.constant -2.000000e+04 : f32
      %mul3A_409 = vector.broadcast %mul3A_408 : f32 to vector<16xf32>
      %mul3A_410 = arith.mulf %mul3A_407, %mul3A_409 : vector<16xf32>
      %exp3A_411 = math.exp %mul3A_410 : vector<16xf32>
      %jit3A_412 = arith.constant 0.000000e+00 : f32
      %broadcast_in_dim3A_413 = vector.broadcast %jit3A_412 : f32 to vector<16xf32>
      %select_n3A_414 = arith.select %lt3A_401, %exp3A_411, %broadcast_in_dim3A_413 : vector<16xi1>, vector<16xf32>
      %add3A_415 = arith.constant 6 : i32
      %add3A_416 = vector.broadcast %add3A_415 : i32 to vector<16xi32>
      %add3A_417 = arith.addi %sub3A_301, %add3A_416 : vector<16xi32>
      %lt3A_418 = arith.constant 384 : i32
      %lt3A_419 = vector.broadcast %lt3A_418 : i32 to vector<16xi32>
      %lt3A_420 = arith.cmpi ult, %add3A_417, %lt3A_419 : vector<16xi32>
      %convert_element_type3A_421 = arith.sitofp %add3A_417 : vector<16xi32> to vector<16xf32>
      %mul3A_422 = arith.constant 0.0026109661 : f32
      %mul3A_423 = vector.broadcast %mul3A_422 : f32 to vector<16xf32>
      %mul3A_424 = arith.mulf %convert_element_type3A_421, %mul3A_423 : vector<16xf32>
      %sub3A_425 = arith.subf %mul3A_424, %gather3A : vector<16xf32>
      %mul3A_426 = arith.mulf %sub3A_425, %sub3A_425 : vector<16xf32>
      %mul3A_427 = arith.constant -2.000000e+04 : f32
      %mul3A_428 = vector.broadcast %mul3A_427 : f32 to vector<16xf32>
      %mul3A_429 = arith.mulf %mul3A_426, %mul3A_428 : vector<16xf32>
      %exp3A_430 = math.exp %mul3A_429 : vector<16xf32>
      %jit3A_431 = arith.constant 0.000000e+00 : f32
      %broadcast_in_dim3A_432 = vector.broadcast %jit3A_431 : f32 to vector<16xf32>
      %select_n3A_433 = arith.select %lt3A_420, %exp3A_430, %broadcast_in_dim3A_432 : vector<16xi1>, vector<16xf32>
      %add3A_434 = arith.constant 7 : i32
      %add3A_435 = vector.broadcast %add3A_434 : i32 to vector<16xi32>
      %add3A_436 = arith.addi %sub3A_301, %add3A_435 : vector<16xi32>
      %lt3A_437 = arith.constant 384 : i32
      %lt3A_438 = vector.broadcast %lt3A_437 : i32 to vector<16xi32>
      %lt3A_439 = arith.cmpi ult, %add3A_436, %lt3A_438 : vector<16xi32>
      %convert_element_type3A_440 = arith.sitofp %add3A_436 : vector<16xi32> to vector<16xf32>
      %mul3A_441 = arith.constant 0.0026109661 : f32
      %mul3A_442 = vector.broadcast %mul3A_441 : f32 to vector<16xf32>
      %mul3A_443 = arith.mulf %convert_element_type3A_440, %mul3A_442 : vector<16xf32>
      %sub3A_444 = arith.subf %mul3A_443, %gather3A : vector<16xf32>
      %mul3A_445 = arith.mulf %sub3A_444, %sub3A_444 : vector<16xf32>
      %mul3A_446 = arith.constant -2.000000e+04 : f32
      %mul3A_447 = vector.broadcast %mul3A_446 : f32 to vector<16xf32>
      %mul3A_448 = arith.mulf %mul3A_445, %mul3A_447 : vector<16xf32>
      %exp3A_449 = math.exp %mul3A_448 : vector<16xf32>
      %jit3A_450 = arith.constant 0.000000e+00 : f32
      %broadcast_in_dim3A_451 = vector.broadcast %jit3A_450 : f32 to vector<16xf32>
      %select_n3A_452 = arith.select %lt3A_439, %exp3A_449, %broadcast_in_dim3A_451 : vector<16xi1>, vector<16xf32>
      %add3A_453 = arith.constant 8 : i32
      %add3A_454 = vector.broadcast %add3A_453 : i32 to vector<16xi32>
      %add3A_455 = arith.addi %sub3A_301, %add3A_454 : vector<16xi32>
      %lt3A_456 = arith.constant 384 : i32
      %lt3A_457 = vector.broadcast %lt3A_456 : i32 to vector<16xi32>
      %lt3A_458 = arith.cmpi ult, %add3A_455, %lt3A_457 : vector<16xi32>
      %convert_element_type3A_459 = arith.sitofp %add3A_455 : vector<16xi32> to vector<16xf32>
      %mul3A_460 = arith.constant 0.0026109661 : f32
      %mul3A_461 = vector.broadcast %mul3A_460 : f32 to vector<16xf32>
      %mul3A_462 = arith.mulf %convert_element_type3A_459, %mul3A_461 : vector<16xf32>
      %sub3A_463 = arith.subf %mul3A_462, %gather3A : vector<16xf32>
      %mul3A_464 = arith.mulf %sub3A_463, %sub3A_463 : vector<16xf32>
      %mul3A_465 = arith.constant -2.000000e+04 : f32
      %mul3A_466 = vector.broadcast %mul3A_465 : f32 to vector<16xf32>
      %mul3A_467 = arith.mulf %mul3A_464, %mul3A_466 : vector<16xf32>
      %exp3A_468 = math.exp %mul3A_467 : vector<16xf32>
      %jit3A_469 = arith.constant 0.000000e+00 : f32
      %broadcast_in_dim3A_470 = vector.broadcast %jit3A_469 : f32 to vector<16xf32>
      %select_n3A_471 = arith.select %lt3A_458, %exp3A_468, %broadcast_in_dim3A_470 : vector<16xi1>, vector<16xf32>
      %add3A_472 = arith.constant 9 : i32
      %add3A_473 = vector.broadcast %add3A_472 : i32 to vector<16xi32>
      %add3A_474 = arith.addi %sub3A_301, %add3A_473 : vector<16xi32>
      %lt3A_475 = arith.constant 384 : i32
      %lt3A_476 = vector.broadcast %lt3A_475 : i32 to vector<16xi32>
      %lt3A_477 = arith.cmpi ult, %add3A_474, %lt3A_476 : vector<16xi32>
      %convert_element_type3A_478 = arith.sitofp %add3A_474 : vector<16xi32> to vector<16xf32>
      %mul3A_479 = arith.constant 0.0026109661 : f32
      %mul3A_480 = vector.broadcast %mul3A_479 : f32 to vector<16xf32>
      %mul3A_481 = arith.mulf %convert_element_type3A_478, %mul3A_480 : vector<16xf32>
      %sub3A_482 = arith.subf %mul3A_481, %gather3A : vector<16xf32>
      %mul3A_483 = arith.mulf %sub3A_482, %sub3A_482 : vector<16xf32>
      %mul3A_484 = arith.constant -2.000000e+04 : f32
      %mul3A_485 = vector.broadcast %mul3A_484 : f32 to vector<16xf32>
      %mul3A_486 = arith.mulf %mul3A_483, %mul3A_485 : vector<16xf32>
      %exp3A_487 = math.exp %mul3A_486 : vector<16xf32>
      %jit3A_488 = arith.constant 0.000000e+00 : f32
      %broadcast_in_dim3A_489 = vector.broadcast %jit3A_488 : f32 to vector<16xf32>
      %select_n3A_490 = arith.select %lt3A_477, %exp3A_487, %broadcast_in_dim3A_489 : vector<16xi1>, vector<16xf32>
      %add3A_491 = arith.constant 10 : i32
      %add3A_492 = vector.broadcast %add3A_491 : i32 to vector<16xi32>
      %add3A_493 = arith.addi %sub3A_301, %add3A_492 : vector<16xi32>
      %lt3A_494 = arith.constant 384 : i32
      %lt3A_495 = vector.broadcast %lt3A_494 : i32 to vector<16xi32>
      %lt3A_496 = arith.cmpi ult, %add3A_493, %lt3A_495 : vector<16xi32>
      %convert_element_type3A_497 = arith.sitofp %add3A_493 : vector<16xi32> to vector<16xf32>
      %mul3A_498 = arith.constant 0.0026109661 : f32
      %mul3A_499 = vector.broadcast %mul3A_498 : f32 to vector<16xf32>
      %mul3A_500 = arith.mulf %convert_element_type3A_497, %mul3A_499 : vector<16xf32>
      %sub3A_501 = arith.subf %mul3A_500, %gather3A : vector<16xf32>
      %mul3A_502 = arith.mulf %sub3A_501, %sub3A_501 : vector<16xf32>
      %mul3A_503 = arith.constant -2.000000e+04 : f32
      %mul3A_504 = vector.broadcast %mul3A_503 : f32 to vector<16xf32>
      %mul3A_505 = arith.mulf %mul3A_502, %mul3A_504 : vector<16xf32>
      %exp3A_506 = math.exp %mul3A_505 : vector<16xf32>
      %jit3A_507 = arith.constant 0.000000e+00 : f32
      %broadcast_in_dim3A_508 = vector.broadcast %jit3A_507 : f32 to vector<16xf32>
      %select_n3A_509 = arith.select %lt3A_496, %exp3A_506, %broadcast_in_dim3A_508 : vector<16xi1>, vector<16xf32>
      %add3A_510 = arith.constant 11 : i32
      %add3A_511 = vector.broadcast %add3A_510 : i32 to vector<16xi32>
      %add3A_512 = arith.addi %sub3A_301, %add3A_511 : vector<16xi32>
      %lt3A_513 = arith.constant 384 : i32
      %lt3A_514 = vector.broadcast %lt3A_513 : i32 to vector<16xi32>
      %lt3A_515 = arith.cmpi ult, %add3A_512, %lt3A_514 : vector<16xi32>
      %convert_element_type3A_516 = arith.sitofp %add3A_512 : vector<16xi32> to vector<16xf32>
      %mul3A_517 = arith.constant 0.0026109661 : f32
      %mul3A_518 = vector.broadcast %mul3A_517 : f32 to vector<16xf32>
      %mul3A_519 = arith.mulf %convert_element_type3A_516, %mul3A_518 : vector<16xf32>
      %sub3A_520 = arith.subf %mul3A_519, %gather3A : vector<16xf32>
      %mul3A_521 = arith.mulf %sub3A_520, %sub3A_520 : vector<16xf32>
      %mul3A_522 = arith.constant -2.000000e+04 : f32
      %mul3A_523 = vector.broadcast %mul3A_522 : f32 to vector<16xf32>
      %mul3A_524 = arith.mulf %mul3A_521, %mul3A_523 : vector<16xf32>
      %exp3A_525 = math.exp %mul3A_524 : vector<16xf32>
      %jit3A_526 = arith.constant 0.000000e+00 : f32
      %broadcast_in_dim3A_527 = vector.broadcast %jit3A_526 : f32 to vector<16xf32>
      %select_n3A_528 = arith.select %lt3A_515, %exp3A_525, %broadcast_in_dim3A_527 : vector<16xi1>, vector<16xf32>
      %add3A_529 = arith.constant 12 : i32
      %add3A_530 = vector.broadcast %add3A_529 : i32 to vector<16xi32>
      %add3A_531 = arith.addi %sub3A_301, %add3A_530 : vector<16xi32>
      %lt3A_532 = arith.constant 384 : i32
      %lt3A_533 = vector.broadcast %lt3A_532 : i32 to vector<16xi32>
      %lt3A_534 = arith.cmpi ult, %add3A_531, %lt3A_533 : vector<16xi32>
      %convert_element_type3A_535 = arith.sitofp %add3A_531 : vector<16xi32> to vector<16xf32>
      %mul3A_536 = arith.constant 0.0026109661 : f32
      %mul3A_537 = vector.broadcast %mul3A_536 : f32 to vector<16xf32>
      %mul3A_538 = arith.mulf %convert_element_type3A_535, %mul3A_537 : vector<16xf32>
      %sub3A_539 = arith.subf %mul3A_538, %gather3A : vector<16xf32>
      %mul3A_540 = arith.mulf %sub3A_539, %sub3A_539 : vector<16xf32>
      %mul3A_541 = arith.constant -2.000000e+04 : f32
      %mul3A_542 = vector.broadcast %mul3A_541 : f32 to vector<16xf32>
      %mul3A_543 = arith.mulf %mul3A_540, %mul3A_542 : vector<16xf32>
      %exp3A_544 = math.exp %mul3A_543 : vector<16xf32>
      %jit3A_545 = arith.constant 0.000000e+00 : f32
      %broadcast_in_dim3A_546 = vector.broadcast %jit3A_545 : f32 to vector<16xf32>
      %select_n3A_547 = arith.select %lt3A_534, %exp3A_544, %broadcast_in_dim3A_546 : vector<16xi1>, vector<16xf32>
      %add3A_548 = arith.constant 128 : i32
      %add3A_549 = vector.broadcast %add3A_548 : i32 to vector<16xi32>
      %add3A_550 = arith.addi %sub3A_301, %add3A_549 : vector<16xi32>
      %sub3A_551 = arith.constant 6 : i32
      %sub3A_552 = vector.broadcast %sub3A_551 : i32 to vector<16xi32>
      %sub3A_553 = arith.subi %convert_element_type3A_298, %sub3A_552 : vector<16xi32>
      %add3A_554 = arith.constant 0 : i32
      %add3A_555 = vector.broadcast %add3A_554 : i32 to vector<16xi32>
      %add3A_556 = arith.addi %sub3A_553, %add3A_555 : vector<16xi32>
      %ge3A = vector.broadcast %mul3A_32 : i32 to vector<16xi32>
      %ge3A_557 = arith.cmpi sge, %add3A_556, %ge3A : vector<16xi32>
      %add3A_558 = arith.constant 48 : i32
      %add3A_559 = arith.addi %mul3A_32, %add3A_558 : i32
      %lt3A_560 = vector.broadcast %add3A_559 : i32 to vector<16xi32>
      %lt3A_561 = arith.cmpi slt, %add3A_556, %lt3A_560 : vector<16xi32>
      %and3A_562 = arith.andi %ge3A_557, %lt3A_561 : vector<16xi1>
      %sub3A_563 = vector.broadcast %mul3A_32 : i32 to vector<16xi32>
      %sub3A_564 = arith.subi %add3A_556, %sub3A_563 : vector<16xi32>
      %jit3A_565 = arith.constant 0 : i32
      %broadcast_in_dim3A_566 = vector.broadcast %jit3A_565 : i32 to vector<16xi32>
      %select_n3A_567 = arith.select %and3A_562, %sub3A_564, %broadcast_in_dim3A_566 : vector<16xi1>, vector<16xi32>
      %convert_element_type3A_568 = arith.sitofp %add3A_556 : vector<16xi32> to vector<16xf32>
      %mul3A_569 = arith.constant 0.0026109661 : f32
      %mul3A_570 = vector.broadcast %mul3A_569 : f32 to vector<16xf32>
      %mul3A_571 = arith.mulf %convert_element_type3A_568, %mul3A_570 : vector<16xf32>
      %sub3A_572 = arith.subf %mul3A_571, %gather3A_286 : vector<16xf32>
      %mul3A_573 = arith.mulf %sub3A_572, %sub3A_572 : vector<16xf32>
      %mul3A_574 = arith.constant -2.000000e+04 : f32
      %mul3A_575 = vector.broadcast %mul3A_574 : f32 to vector<16xf32>
      %mul3A_576 = arith.mulf %mul3A_573, %mul3A_575 : vector<16xf32>
      %exp3A_577 = math.exp %mul3A_576 : vector<16xf32>
      %mul3A_578 = arith.mulf %select_n3A_290, %exp3A_577 : vector<16xf32>
      %mul3A_579 = arith.constant 384 : i32
      %mul3A_580 = vector.broadcast %mul3A_579 : i32 to vector<16xi32>
      %mul3A_581 = arith.muli %select_n3A_567, %mul3A_580 : vector<16xi32>
      %add3A_582 = arith.addi %mul3A_581, %add3A_550 : vector<16xi32>
      %add3A_583 = arith.constant 0 : i32
      %add3A_584 = vector.broadcast %add3A_583 : i32 to vector<16xi32>
      %add3A_585 = arith.addi %add3A_582, %add3A_584 : vector<16xi32>
      %mul3A_586 = arith.mulf %mul3A_578, %select_n3A_319 : vector<16xf32>
      tpu.vector_store_idx %arg10[%add3A_585], %mul3A_586 masked %and3A_562 {add = true} : memref<18688xf32, #tpu.memory_space<vmem>>[vector<16xi32>], vector<16xf32>, vector<16xi1>
      %add3A_587 = arith.constant 1 : i32
      %add3A_588 = vector.broadcast %add3A_587 : i32 to vector<16xi32>
      %add3A_589 = arith.addi %add3A_582, %add3A_588 : vector<16xi32>
      %mul3A_590 = arith.mulf %mul3A_578, %select_n3A_338 : vector<16xf32>
      tpu.vector_store_idx %arg10[%add3A_589], %mul3A_590 masked %and3A_562 {add = true} : memref<18688xf32, #tpu.memory_space<vmem>>[vector<16xi32>], vector<16xf32>, vector<16xi1>
      %add3A_591 = arith.constant 2 : i32
      %add3A_592 = vector.broadcast %add3A_591 : i32 to vector<16xi32>
      %add3A_593 = arith.addi %add3A_582, %add3A_592 : vector<16xi32>
      %mul3A_594 = arith.mulf %mul3A_578, %select_n3A_357 : vector<16xf32>
      tpu.vector_store_idx %arg10[%add3A_593], %mul3A_594 masked %and3A_562 {add = true} : memref<18688xf32, #tpu.memory_space<vmem>>[vector<16xi32>], vector<16xf32>, vector<16xi1>
      %add3A_595 = arith.constant 3 : i32
      %add3A_596 = vector.broadcast %add3A_595 : i32 to vector<16xi32>
      %add3A_597 = arith.addi %add3A_582, %add3A_596 : vector<16xi32>
      %mul3A_598 = arith.mulf %mul3A_578, %select_n3A_376 : vector<16xf32>
      tpu.vector_store_idx %arg10[%add3A_597], %mul3A_598 masked %and3A_562 {add = true} : memref<18688xf32, #tpu.memory_space<vmem>>[vector<16xi32>], vector<16xf32>, vector<16xi1>
      %add3A_599 = arith.constant 4 : i32
      %add3A_600 = vector.broadcast %add3A_599 : i32 to vector<16xi32>
      %add3A_601 = arith.addi %add3A_582, %add3A_600 : vector<16xi32>
      %mul3A_602 = arith.mulf %mul3A_578, %select_n3A_395 : vector<16xf32>
      tpu.vector_store_idx %arg10[%add3A_601], %mul3A_602 masked %and3A_562 {add = true} : memref<18688xf32, #tpu.memory_space<vmem>>[vector<16xi32>], vector<16xf32>, vector<16xi1>
      %add3A_603 = arith.constant 5 : i32
      %add3A_604 = vector.broadcast %add3A_603 : i32 to vector<16xi32>
      %add3A_605 = arith.addi %add3A_582, %add3A_604 : vector<16xi32>
      %mul3A_606 = arith.mulf %mul3A_578, %select_n3A_414 : vector<16xf32>
      tpu.vector_store_idx %arg10[%add3A_605], %mul3A_606 masked %and3A_562 {add = true} : memref<18688xf32, #tpu.memory_space<vmem>>[vector<16xi32>], vector<16xf32>, vector<16xi1>
      %add3A_607 = arith.constant 6 : i32
      %add3A_608 = vector.broadcast %add3A_607 : i32 to vector<16xi32>
      %add3A_609 = arith.addi %add3A_582, %add3A_608 : vector<16xi32>
      %mul3A_610 = arith.mulf %mul3A_578, %select_n3A_433 : vector<16xf32>
      tpu.vector_store_idx %arg10[%add3A_609], %mul3A_610 masked %and3A_562 {add = true} : memref<18688xf32, #tpu.memory_space<vmem>>[vector<16xi32>], vector<16xf32>, vector<16xi1>
      %add3A_611 = arith.constant 7 : i32
      %add3A_612 = vector.broadcast %add3A_611 : i32 to vector<16xi32>
      %add3A_613 = arith.addi %add3A_582, %add3A_612 : vector<16xi32>
      %mul3A_614 = arith.mulf %mul3A_578, %select_n3A_452 : vector<16xf32>
      tpu.vector_store_idx %arg10[%add3A_613], %mul3A_614 masked %and3A_562 {add = true} : memref<18688xf32, #tpu.memory_space<vmem>>[vector<16xi32>], vector<16xf32>, vector<16xi1>
      %add3A_615 = arith.constant 8 : i32
      %add3A_616 = vector.broadcast %add3A_615 : i32 to vector<16xi32>
      %add3A_617 = arith.addi %add3A_582, %add3A_616 : vector<16xi32>
      %mul3A_618 = arith.mulf %mul3A_578, %select_n3A_471 : vector<16xf32>
      tpu.vector_store_idx %arg10[%add3A_617], %mul3A_618 masked %and3A_562 {add = true} : memref<18688xf32, #tpu.memory_space<vmem>>[vector<16xi32>], vector<16xf32>, vector<16xi1>
      %add3A_619 = arith.constant 9 : i32
      %add3A_620 = vector.broadcast %add3A_619 : i32 to vector<16xi32>
      %add3A_621 = arith.addi %add3A_582, %add3A_620 : vector<16xi32>
      %mul3A_622 = arith.mulf %mul3A_578, %select_n3A_490 : vector<16xf32>
      tpu.vector_store_idx %arg10[%add3A_621], %mul3A_622 masked %and3A_562 {add = true} : memref<18688xf32, #tpu.memory_space<vmem>>[vector<16xi32>], vector<16xf32>, vector<16xi1>
      %add3A_623 = arith.constant 10 : i32
      %add3A_624 = vector.broadcast %add3A_623 : i32 to vector<16xi32>
      %add3A_625 = arith.addi %add3A_582, %add3A_624 : vector<16xi32>
      %mul3A_626 = arith.mulf %mul3A_578, %select_n3A_509 : vector<16xf32>
      tpu.vector_store_idx %arg10[%add3A_625], %mul3A_626 masked %and3A_562 {add = true} : memref<18688xf32, #tpu.memory_space<vmem>>[vector<16xi32>], vector<16xf32>, vector<16xi1>
      %add3A_627 = arith.constant 11 : i32
      %add3A_628 = vector.broadcast %add3A_627 : i32 to vector<16xi32>
      %add3A_629 = arith.addi %add3A_582, %add3A_628 : vector<16xi32>
      %mul3A_630 = arith.mulf %mul3A_578, %select_n3A_528 : vector<16xf32>
      tpu.vector_store_idx %arg10[%add3A_629], %mul3A_630 masked %and3A_562 {add = true} : memref<18688xf32, #tpu.memory_space<vmem>>[vector<16xi32>], vector<16xf32>, vector<16xi1>
      %add3A_631 = arith.constant 12 : i32
      %add3A_632 = vector.broadcast %add3A_631 : i32 to vector<16xi32>
      %add3A_633 = arith.addi %add3A_582, %add3A_632 : vector<16xi32>
      %mul3A_634 = arith.mulf %mul3A_578, %select_n3A_547 : vector<16xf32>
      tpu.vector_store_idx %arg10[%add3A_633], %mul3A_634 masked %and3A_562 {add = true} : memref<18688xf32, #tpu.memory_space<vmem>>[vector<16xi32>], vector<16xf32>, vector<16xi1>
      %add3A_635 = arith.constant 1 : i32
      %add3A_636 = vector.broadcast %add3A_635 : i32 to vector<16xi32>
      %add3A_637 = arith.addi %sub3A_553, %add3A_636 : vector<16xi32>
      %ge3A_638 = vector.broadcast %mul3A_32 : i32 to vector<16xi32>
      %ge3A_639 = arith.cmpi sge, %add3A_637, %ge3A_638 : vector<16xi32>
      %add3A_640 = arith.constant 48 : i32
      %add3A_641 = arith.addi %mul3A_32, %add3A_640 : i32
      %lt3A_642 = vector.broadcast %add3A_641 : i32 to vector<16xi32>
      %lt3A_643 = arith.cmpi slt, %add3A_637, %lt3A_642 : vector<16xi32>
      %and3A_644 = arith.andi %ge3A_639, %lt3A_643 : vector<16xi1>
      %sub3A_645 = vector.broadcast %mul3A_32 : i32 to vector<16xi32>
      %sub3A_646 = arith.subi %add3A_637, %sub3A_645 : vector<16xi32>
      %jit3A_647 = arith.constant 0 : i32
      %broadcast_in_dim3A_648 = vector.broadcast %jit3A_647 : i32 to vector<16xi32>
      %select_n3A_649 = arith.select %and3A_644, %sub3A_646, %broadcast_in_dim3A_648 : vector<16xi1>, vector<16xi32>
      %convert_element_type3A_650 = arith.sitofp %add3A_637 : vector<16xi32> to vector<16xf32>
      %mul3A_651 = arith.constant 0.0026109661 : f32
      %mul3A_652 = vector.broadcast %mul3A_651 : f32 to vector<16xf32>
      %mul3A_653 = arith.mulf %convert_element_type3A_650, %mul3A_652 : vector<16xf32>
      %sub3A_654 = arith.subf %mul3A_653, %gather3A_286 : vector<16xf32>
      %mul3A_655 = arith.mulf %sub3A_654, %sub3A_654 : vector<16xf32>
      %mul3A_656 = arith.constant -2.000000e+04 : f32
      %mul3A_657 = vector.broadcast %mul3A_656 : f32 to vector<16xf32>
      %mul3A_658 = arith.mulf %mul3A_655, %mul3A_657 : vector<16xf32>
      %exp3A_659 = math.exp %mul3A_658 : vector<16xf32>
      %mul3A_660 = arith.mulf %select_n3A_290, %exp3A_659 : vector<16xf32>
      %mul3A_661 = arith.constant 384 : i32
      %mul3A_662 = vector.broadcast %mul3A_661 : i32 to vector<16xi32>
      %mul3A_663 = arith.muli %select_n3A_649, %mul3A_662 : vector<16xi32>
      %add3A_664 = arith.addi %mul3A_663, %add3A_550 : vector<16xi32>
      %add3A_665 = arith.constant 0 : i32
      %add3A_666 = vector.broadcast %add3A_665 : i32 to vector<16xi32>
      %add3A_667 = arith.addi %add3A_664, %add3A_666 : vector<16xi32>
      %mul3A_668 = arith.mulf %mul3A_660, %select_n3A_319 : vector<16xf32>
      tpu.vector_store_idx %arg10[%add3A_667], %mul3A_668 masked %and3A_644 {add = true} : memref<18688xf32, #tpu.memory_space<vmem>>[vector<16xi32>], vector<16xf32>, vector<16xi1>
      %add3A_669 = arith.constant 1 : i32
      %add3A_670 = vector.broadcast %add3A_669 : i32 to vector<16xi32>
      %add3A_671 = arith.addi %add3A_664, %add3A_670 : vector<16xi32>
      %mul3A_672 = arith.mulf %mul3A_660, %select_n3A_338 : vector<16xf32>
      tpu.vector_store_idx %arg10[%add3A_671], %mul3A_672 masked %and3A_644 {add = true} : memref<18688xf32, #tpu.memory_space<vmem>>[vector<16xi32>], vector<16xf32>, vector<16xi1>
      %add3A_673 = arith.constant 2 : i32
      %add3A_674 = vector.broadcast %add3A_673 : i32 to vector<16xi32>
      %add3A_675 = arith.addi %add3A_664, %add3A_674 : vector<16xi32>
      %mul3A_676 = arith.mulf %mul3A_660, %select_n3A_357 : vector<16xf32>
      tpu.vector_store_idx %arg10[%add3A_675], %mul3A_676 masked %and3A_644 {add = true} : memref<18688xf32, #tpu.memory_space<vmem>>[vector<16xi32>], vector<16xf32>, vector<16xi1>
      %add3A_677 = arith.constant 3 : i32
      %add3A_678 = vector.broadcast %add3A_677 : i32 to vector<16xi32>
      %add3A_679 = arith.addi %add3A_664, %add3A_678 : vector<16xi32>
      %mul3A_680 = arith.mulf %mul3A_660, %select_n3A_376 : vector<16xf32>
      tpu.vector_store_idx %arg10[%add3A_679], %mul3A_680 masked %and3A_644 {add = true} : memref<18688xf32, #tpu.memory_space<vmem>>[vector<16xi32>], vector<16xf32>, vector<16xi1>
      %add3A_681 = arith.constant 4 : i32
      %add3A_682 = vector.broadcast %add3A_681 : i32 to vector<16xi32>
      %add3A_683 = arith.addi %add3A_664, %add3A_682 : vector<16xi32>
      %mul3A_684 = arith.mulf %mul3A_660, %select_n3A_395 : vector<16xf32>
      tpu.vector_store_idx %arg10[%add3A_683], %mul3A_684 masked %and3A_644 {add = true} : memref<18688xf32, #tpu.memory_space<vmem>>[vector<16xi32>], vector<16xf32>, vector<16xi1>
      %add3A_685 = arith.constant 5 : i32
      %add3A_686 = vector.broadcast %add3A_685 : i32 to vector<16xi32>
      %add3A_687 = arith.addi %add3A_664, %add3A_686 : vector<16xi32>
      %mul3A_688 = arith.mulf %mul3A_660, %select_n3A_414 : vector<16xf32>
      tpu.vector_store_idx %arg10[%add3A_687], %mul3A_688 masked %and3A_644 {add = true} : memref<18688xf32, #tpu.memory_space<vmem>>[vector<16xi32>], vector<16xf32>, vector<16xi1>
      %add3A_689 = arith.constant 6 : i32
      %add3A_690 = vector.broadcast %add3A_689 : i32 to vector<16xi32>
      %add3A_691 = arith.addi %add3A_664, %add3A_690 : vector<16xi32>
      %mul3A_692 = arith.mulf %mul3A_660, %select_n3A_433 : vector<16xf32>
      tpu.vector_store_idx %arg10[%add3A_691], %mul3A_692 masked %and3A_644 {add = true} : memref<18688xf32, #tpu.memory_space<vmem>>[vector<16xi32>], vector<16xf32>, vector<16xi1>
      %add3A_693 = arith.constant 7 : i32
      %add3A_694 = vector.broadcast %add3A_693 : i32 to vector<16xi32>
      %add3A_695 = arith.addi %add3A_664, %add3A_694 : vector<16xi32>
      %mul3A_696 = arith.mulf %mul3A_660, %select_n3A_452 : vector<16xf32>
      tpu.vector_store_idx %arg10[%add3A_695], %mul3A_696 masked %and3A_644 {add = true} : memref<18688xf32, #tpu.memory_space<vmem>>[vector<16xi32>], vector<16xf32>, vector<16xi1>
      %add3A_697 = arith.constant 8 : i32
      %add3A_698 = vector.broadcast %add3A_697 : i32 to vector<16xi32>
      %add3A_699 = arith.addi %add3A_664, %add3A_698 : vector<16xi32>
      %mul3A_700 = arith.mulf %mul3A_660, %select_n3A_471 : vector<16xf32>
      tpu.vector_store_idx %arg10[%add3A_699], %mul3A_700 masked %and3A_644 {add = true} : memref<18688xf32, #tpu.memory_space<vmem>>[vector<16xi32>], vector<16xf32>, vector<16xi1>
      %add3A_701 = arith.constant 9 : i32
      %add3A_702 = vector.broadcast %add3A_701 : i32 to vector<16xi32>
      %add3A_703 = arith.addi %add3A_664, %add3A_702 : vector<16xi32>
      %mul3A_704 = arith.mulf %mul3A_660, %select_n3A_490 : vector<16xf32>
      tpu.vector_store_idx %arg10[%add3A_703], %mul3A_704 masked %and3A_644 {add = true} : memref<18688xf32, #tpu.memory_space<vmem>>[vector<16xi32>], vector<16xf32>, vector<16xi1>
      %add3A_705 = arith.constant 10 : i32
      %add3A_706 = vector.broadcast %add3A_705 : i32 to vector<16xi32>
      %add3A_707 = arith.addi %add3A_664, %add3A_706 : vector<16xi32>
      %mul3A_708 = arith.mulf %mul3A_660, %select_n3A_509 : vector<16xf32>
      tpu.vector_store_idx %arg10[%add3A_707], %mul3A_708 masked %and3A_644 {add = true} : memref<18688xf32, #tpu.memory_space<vmem>>[vector<16xi32>], vector<16xf32>, vector<16xi1>
      %add3A_709 = arith.constant 11 : i32
      %add3A_710 = vector.broadcast %add3A_709 : i32 to vector<16xi32>
      %add3A_711 = arith.addi %add3A_664, %add3A_710 : vector<16xi32>
      %mul3A_712 = arith.mulf %mul3A_660, %select_n3A_528 : vector<16xf32>
      tpu.vector_store_idx %arg10[%add3A_711], %mul3A_712 masked %and3A_644 {add = true} : memref<18688xf32, #tpu.memory_space<vmem>>[vector<16xi32>], vector<16xf32>, vector<16xi1>
      %add3A_713 = arith.constant 12 : i32
      %add3A_714 = vector.broadcast %add3A_713 : i32 to vector<16xi32>
      %add3A_715 = arith.addi %add3A_664, %add3A_714 : vector<16xi32>
      %mul3A_716 = arith.mulf %mul3A_660, %select_n3A_547 : vector<16xf32>
      tpu.vector_store_idx %arg10[%add3A_715], %mul3A_716 masked %and3A_644 {add = true} : memref<18688xf32, #tpu.memory_space<vmem>>[vector<16xi32>], vector<16xf32>, vector<16xi1>
      %add3A_717 = arith.constant 2 : i32
      %add3A_718 = vector.broadcast %add3A_717 : i32 to vector<16xi32>
      %add3A_719 = arith.addi %sub3A_553, %add3A_718 : vector<16xi32>
      %ge3A_720 = vector.broadcast %mul3A_32 : i32 to vector<16xi32>
      %ge3A_721 = arith.cmpi sge, %add3A_719, %ge3A_720 : vector<16xi32>
      %add3A_722 = arith.constant 48 : i32
      %add3A_723 = arith.addi %mul3A_32, %add3A_722 : i32
      %lt3A_724 = vector.broadcast %add3A_723 : i32 to vector<16xi32>
      %lt3A_725 = arith.cmpi slt, %add3A_719, %lt3A_724 : vector<16xi32>
      %and3A_726 = arith.andi %ge3A_721, %lt3A_725 : vector<16xi1>
      %sub3A_727 = vector.broadcast %mul3A_32 : i32 to vector<16xi32>
      %sub3A_728 = arith.subi %add3A_719, %sub3A_727 : vector<16xi32>
      %jit3A_729 = arith.constant 0 : i32
      %broadcast_in_dim3A_730 = vector.broadcast %jit3A_729 : i32 to vector<16xi32>
      %select_n3A_731 = arith.select %and3A_726, %sub3A_728, %broadcast_in_dim3A_730 : vector<16xi1>, vector<16xi32>
      %convert_element_type3A_732 = arith.sitofp %add3A_719 : vector<16xi32> to vector<16xf32>
      %mul3A_733 = arith.constant 0.0026109661 : f32
      %mul3A_734 = vector.broadcast %mul3A_733 : f32 to vector<16xf32>
      %mul3A_735 = arith.mulf %convert_element_type3A_732, %mul3A_734 : vector<16xf32>
      %sub3A_736 = arith.subf %mul3A_735, %gather3A_286 : vector<16xf32>
      %mul3A_737 = arith.mulf %sub3A_736, %sub3A_736 : vector<16xf32>
      %mul3A_738 = arith.constant -2.000000e+04 : f32
      %mul3A_739 = vector.broadcast %mul3A_738 : f32 to vector<16xf32>
      %mul3A_740 = arith.mulf %mul3A_737, %mul3A_739 : vector<16xf32>
      %exp3A_741 = math.exp %mul3A_740 : vector<16xf32>
      %mul3A_742 = arith.mulf %select_n3A_290, %exp3A_741 : vector<16xf32>
      %mul3A_743 = arith.constant 384 : i32
      %mul3A_744 = vector.broadcast %mul3A_743 : i32 to vector<16xi32>
      %mul3A_745 = arith.muli %select_n3A_731, %mul3A_744 : vector<16xi32>
      %add3A_746 = arith.addi %mul3A_745, %add3A_550 : vector<16xi32>
      %add3A_747 = arith.constant 0 : i32
      %add3A_748 = vector.broadcast %add3A_747 : i32 to vector<16xi32>
      %add3A_749 = arith.addi %add3A_746, %add3A_748 : vector<16xi32>
      %mul3A_750 = arith.mulf %mul3A_742, %select_n3A_319 : vector<16xf32>
      tpu.vector_store_idx %arg10[%add3A_749], %mul3A_750 masked %and3A_726 {add = true} : memref<18688xf32, #tpu.memory_space<vmem>>[vector<16xi32>], vector<16xf32>, vector<16xi1>
      %add3A_751 = arith.constant 1 : i32
      %add3A_752 = vector.broadcast %add3A_751 : i32 to vector<16xi32>
      %add3A_753 = arith.addi %add3A_746, %add3A_752 : vector<16xi32>
      %mul3A_754 = arith.mulf %mul3A_742, %select_n3A_338 : vector<16xf32>
      tpu.vector_store_idx %arg10[%add3A_753], %mul3A_754 masked %and3A_726 {add = true} : memref<18688xf32, #tpu.memory_space<vmem>>[vector<16xi32>], vector<16xf32>, vector<16xi1>
      %add3A_755 = arith.constant 2 : i32
      %add3A_756 = vector.broadcast %add3A_755 : i32 to vector<16xi32>
      %add3A_757 = arith.addi %add3A_746, %add3A_756 : vector<16xi32>
      %mul3A_758 = arith.mulf %mul3A_742, %select_n3A_357 : vector<16xf32>
      tpu.vector_store_idx %arg10[%add3A_757], %mul3A_758 masked %and3A_726 {add = true} : memref<18688xf32, #tpu.memory_space<vmem>>[vector<16xi32>], vector<16xf32>, vector<16xi1>
      %add3A_759 = arith.constant 3 : i32
      %add3A_760 = vector.broadcast %add3A_759 : i32 to vector<16xi32>
      %add3A_761 = arith.addi %add3A_746, %add3A_760 : vector<16xi32>
      %mul3A_762 = arith.mulf %mul3A_742, %select_n3A_376 : vector<16xf32>
      tpu.vector_store_idx %arg10[%add3A_761], %mul3A_762 masked %and3A_726 {add = true} : memref<18688xf32, #tpu.memory_space<vmem>>[vector<16xi32>], vector<16xf32>, vector<16xi1>
      %add3A_763 = arith.constant 4 : i32
      %add3A_764 = vector.broadcast %add3A_763 : i32 to vector<16xi32>
      %add3A_765 = arith.addi %add3A_746, %add3A_764 : vector<16xi32>
      %mul3A_766 = arith.mulf %mul3A_742, %select_n3A_395 : vector<16xf32>
      tpu.vector_store_idx %arg10[%add3A_765], %mul3A_766 masked %and3A_726 {add = true} : memref<18688xf32, #tpu.memory_space<vmem>>[vector<16xi32>], vector<16xf32>, vector<16xi1>
      %add3A_767 = arith.constant 5 : i32
      %add3A_768 = vector.broadcast %add3A_767 : i32 to vector<16xi32>
      %add3A_769 = arith.addi %add3A_746, %add3A_768 : vector<16xi32>
      %mul3A_770 = arith.mulf %mul3A_742, %select_n3A_414 : vector<16xf32>
      tpu.vector_store_idx %arg10[%add3A_769], %mul3A_770 masked %and3A_726 {add = true} : memref<18688xf32, #tpu.memory_space<vmem>>[vector<16xi32>], vector<16xf32>, vector<16xi1>
      %add3A_771 = arith.constant 6 : i32
      %add3A_772 = vector.broadcast %add3A_771 : i32 to vector<16xi32>
      %add3A_773 = arith.addi %add3A_746, %add3A_772 : vector<16xi32>
      %mul3A_774 = arith.mulf %mul3A_742, %select_n3A_433 : vector<16xf32>
      tpu.vector_store_idx %arg10[%add3A_773], %mul3A_774 masked %and3A_726 {add = true} : memref<18688xf32, #tpu.memory_space<vmem>>[vector<16xi32>], vector<16xf32>, vector<16xi1>
      %add3A_775 = arith.constant 7 : i32
      %add3A_776 = vector.broadcast %add3A_775 : i32 to vector<16xi32>
      %add3A_777 = arith.addi %add3A_746, %add3A_776 : vector<16xi32>
      %mul3A_778 = arith.mulf %mul3A_742, %select_n3A_452 : vector<16xf32>
      tpu.vector_store_idx %arg10[%add3A_777], %mul3A_778 masked %and3A_726 {add = true} : memref<18688xf32, #tpu.memory_space<vmem>>[vector<16xi32>], vector<16xf32>, vector<16xi1>
      %add3A_779 = arith.constant 8 : i32
      %add3A_780 = vector.broadcast %add3A_779 : i32 to vector<16xi32>
      %add3A_781 = arith.addi %add3A_746, %add3A_780 : vector<16xi32>
      %mul3A_782 = arith.mulf %mul3A_742, %select_n3A_471 : vector<16xf32>
      tpu.vector_store_idx %arg10[%add3A_781], %mul3A_782 masked %and3A_726 {add = true} : memref<18688xf32, #tpu.memory_space<vmem>>[vector<16xi32>], vector<16xf32>, vector<16xi1>
      %add3A_783 = arith.constant 9 : i32
      %add3A_784 = vector.broadcast %add3A_783 : i32 to vector<16xi32>
      %add3A_785 = arith.addi %add3A_746, %add3A_784 : vector<16xi32>
      %mul3A_786 = arith.mulf %mul3A_742, %select_n3A_490 : vector<16xf32>
      tpu.vector_store_idx %arg10[%add3A_785], %mul3A_786 masked %and3A_726 {add = true} : memref<18688xf32, #tpu.memory_space<vmem>>[vector<16xi32>], vector<16xf32>, vector<16xi1>
      %add3A_787 = arith.constant 10 : i32
      %add3A_788 = vector.broadcast %add3A_787 : i32 to vector<16xi32>
      %add3A_789 = arith.addi %add3A_746, %add3A_788 : vector<16xi32>
      %mul3A_790 = arith.mulf %mul3A_742, %select_n3A_509 : vector<16xf32>
      tpu.vector_store_idx %arg10[%add3A_789], %mul3A_790 masked %and3A_726 {add = true} : memref<18688xf32, #tpu.memory_space<vmem>>[vector<16xi32>], vector<16xf32>, vector<16xi1>
      %add3A_791 = arith.constant 11 : i32
      %add3A_792 = vector.broadcast %add3A_791 : i32 to vector<16xi32>
      %add3A_793 = arith.addi %add3A_746, %add3A_792 : vector<16xi32>
      %mul3A_794 = arith.mulf %mul3A_742, %select_n3A_528 : vector<16xf32>
      tpu.vector_store_idx %arg10[%add3A_793], %mul3A_794 masked %and3A_726 {add = true} : memref<18688xf32, #tpu.memory_space<vmem>>[vector<16xi32>], vector<16xf32>, vector<16xi1>
      %add3A_795 = arith.constant 12 : i32
      %add3A_796 = vector.broadcast %add3A_795 : i32 to vector<16xi32>
      %add3A_797 = arith.addi %add3A_746, %add3A_796 : vector<16xi32>
      %mul3A_798 = arith.mulf %mul3A_742, %select_n3A_547 : vector<16xf32>
      tpu.vector_store_idx %arg10[%add3A_797], %mul3A_798 masked %and3A_726 {add = true} : memref<18688xf32, #tpu.memory_space<vmem>>[vector<16xi32>], vector<16xf32>, vector<16xi1>
      %add3A_799 = arith.constant 3 : i32
      %add3A_800 = vector.broadcast %add3A_799 : i32 to vector<16xi32>
      %add3A_801 = arith.addi %sub3A_553, %add3A_800 : vector<16xi32>
      %ge3A_802 = vector.broadcast %mul3A_32 : i32 to vector<16xi32>
      %ge3A_803 = arith.cmpi sge, %add3A_801, %ge3A_802 : vector<16xi32>
      %add3A_804 = arith.constant 48 : i32
      %add3A_805 = arith.addi %mul3A_32, %add3A_804 : i32
      %lt3A_806 = vector.broadcast %add3A_805 : i32 to vector<16xi32>
      %lt3A_807 = arith.cmpi slt, %add3A_801, %lt3A_806 : vector<16xi32>
      %and3A_808 = arith.andi %ge3A_803, %lt3A_807 : vector<16xi1>
      %sub3A_809 = vector.broadcast %mul3A_32 : i32 to vector<16xi32>
      %sub3A_810 = arith.subi %add3A_801, %sub3A_809 : vector<16xi32>
      %jit3A_811 = arith.constant 0 : i32
      %broadcast_in_dim3A_812 = vector.broadcast %jit3A_811 : i32 to vector<16xi32>
      %select_n3A_813 = arith.select %and3A_808, %sub3A_810, %broadcast_in_dim3A_812 : vector<16xi1>, vector<16xi32>
      %convert_element_type3A_814 = arith.sitofp %add3A_801 : vector<16xi32> to vector<16xf32>
      %mul3A_815 = arith.constant 0.0026109661 : f32
      %mul3A_816 = vector.broadcast %mul3A_815 : f32 to vector<16xf32>
      %mul3A_817 = arith.mulf %convert_element_type3A_814, %mul3A_816 : vector<16xf32>
      %sub3A_818 = arith.subf %mul3A_817, %gather3A_286 : vector<16xf32>
      %mul3A_819 = arith.mulf %sub3A_818, %sub3A_818 : vector<16xf32>
      %mul3A_820 = arith.constant -2.000000e+04 : f32
      %mul3A_821 = vector.broadcast %mul3A_820 : f32 to vector<16xf32>
      %mul3A_822 = arith.mulf %mul3A_819, %mul3A_821 : vector<16xf32>
      %exp3A_823 = math.exp %mul3A_822 : vector<16xf32>
      %mul3A_824 = arith.mulf %select_n3A_290, %exp3A_823 : vector<16xf32>
      %mul3A_825 = arith.constant 384 : i32
      %mul3A_826 = vector.broadcast %mul3A_825 : i32 to vector<16xi32>
      %mul3A_827 = arith.muli %select_n3A_813, %mul3A_826 : vector<16xi32>
      %add3A_828 = arith.addi %mul3A_827, %add3A_550 : vector<16xi32>
      %add3A_829 = arith.constant 0 : i32
      %add3A_830 = vector.broadcast %add3A_829 : i32 to vector<16xi32>
      %add3A_831 = arith.addi %add3A_828, %add3A_830 : vector<16xi32>
      %mul3A_832 = arith.mulf %mul3A_824, %select_n3A_319 : vector<16xf32>
      tpu.vector_store_idx %arg10[%add3A_831], %mul3A_832 masked %and3A_808 {add = true} : memref<18688xf32, #tpu.memory_space<vmem>>[vector<16xi32>], vector<16xf32>, vector<16xi1>
      %add3A_833 = arith.constant 1 : i32
      %add3A_834 = vector.broadcast %add3A_833 : i32 to vector<16xi32>
      %add3A_835 = arith.addi %add3A_828, %add3A_834 : vector<16xi32>
      %mul3A_836 = arith.mulf %mul3A_824, %select_n3A_338 : vector<16xf32>
      tpu.vector_store_idx %arg10[%add3A_835], %mul3A_836 masked %and3A_808 {add = true} : memref<18688xf32, #tpu.memory_space<vmem>>[vector<16xi32>], vector<16xf32>, vector<16xi1>
      %add3A_837 = arith.constant 2 : i32
      %add3A_838 = vector.broadcast %add3A_837 : i32 to vector<16xi32>
      %add3A_839 = arith.addi %add3A_828, %add3A_838 : vector<16xi32>
      %mul3A_840 = arith.mulf %mul3A_824, %select_n3A_357 : vector<16xf32>
      tpu.vector_store_idx %arg10[%add3A_839], %mul3A_840 masked %and3A_808 {add = true} : memref<18688xf32, #tpu.memory_space<vmem>>[vector<16xi32>], vector<16xf32>, vector<16xi1>
      %add3A_841 = arith.constant 3 : i32
      %add3A_842 = vector.broadcast %add3A_841 : i32 to vector<16xi32>
      %add3A_843 = arith.addi %add3A_828, %add3A_842 : vector<16xi32>
      %mul3A_844 = arith.mulf %mul3A_824, %select_n3A_376 : vector<16xf32>
      tpu.vector_store_idx %arg10[%add3A_843], %mul3A_844 masked %and3A_808 {add = true} : memref<18688xf32, #tpu.memory_space<vmem>>[vector<16xi32>], vector<16xf32>, vector<16xi1>
      %add3A_845 = arith.constant 4 : i32
      %add3A_846 = vector.broadcast %add3A_845 : i32 to vector<16xi32>
      %add3A_847 = arith.addi %add3A_828, %add3A_846 : vector<16xi32>
      %mul3A_848 = arith.mulf %mul3A_824, %select_n3A_395 : vector<16xf32>
      tpu.vector_store_idx %arg10[%add3A_847], %mul3A_848 masked %and3A_808 {add = true} : memref<18688xf32, #tpu.memory_space<vmem>>[vector<16xi32>], vector<16xf32>, vector<16xi1>
      %add3A_849 = arith.constant 5 : i32
      %add3A_850 = vector.broadcast %add3A_849 : i32 to vector<16xi32>
      %add3A_851 = arith.addi %add3A_828, %add3A_850 : vector<16xi32>
      %mul3A_852 = arith.mulf %mul3A_824, %select_n3A_414 : vector<16xf32>
      tpu.vector_store_idx %arg10[%add3A_851], %mul3A_852 masked %and3A_808 {add = true} : memref<18688xf32, #tpu.memory_space<vmem>>[vector<16xi32>], vector<16xf32>, vector<16xi1>
      %add3A_853 = arith.constant 6 : i32
      %add3A_854 = vector.broadcast %add3A_853 : i32 to vector<16xi32>
      %add3A_855 = arith.addi %add3A_828, %add3A_854 : vector<16xi32>
      %mul3A_856 = arith.mulf %mul3A_824, %select_n3A_433 : vector<16xf32>
      tpu.vector_store_idx %arg10[%add3A_855], %mul3A_856 masked %and3A_808 {add = true} : memref<18688xf32, #tpu.memory_space<vmem>>[vector<16xi32>], vector<16xf32>, vector<16xi1>
      %add3A_857 = arith.constant 7 : i32
      %add3A_858 = vector.broadcast %add3A_857 : i32 to vector<16xi32>
      %add3A_859 = arith.addi %add3A_828, %add3A_858 : vector<16xi32>
      %mul3A_860 = arith.mulf %mul3A_824, %select_n3A_452 : vector<16xf32>
      tpu.vector_store_idx %arg10[%add3A_859], %mul3A_860 masked %and3A_808 {add = true} : memref<18688xf32, #tpu.memory_space<vmem>>[vector<16xi32>], vector<16xf32>, vector<16xi1>
      %add3A_861 = arith.constant 8 : i32
      %add3A_862 = vector.broadcast %add3A_861 : i32 to vector<16xi32>
      %add3A_863 = arith.addi %add3A_828, %add3A_862 : vector<16xi32>
      %mul3A_864 = arith.mulf %mul3A_824, %select_n3A_471 : vector<16xf32>
      tpu.vector_store_idx %arg10[%add3A_863], %mul3A_864 masked %and3A_808 {add = true} : memref<18688xf32, #tpu.memory_space<vmem>>[vector<16xi32>], vector<16xf32>, vector<16xi1>
      %add3A_865 = arith.constant 9 : i32
      %add3A_866 = vector.broadcast %add3A_865 : i32 to vector<16xi32>
      %add3A_867 = arith.addi %add3A_828, %add3A_866 : vector<16xi32>
      %mul3A_868 = arith.mulf %mul3A_824, %select_n3A_490 : vector<16xf32>
      tpu.vector_store_idx %arg10[%add3A_867], %mul3A_868 masked %and3A_808 {add = true} : memref<18688xf32, #tpu.memory_space<vmem>>[vector<16xi32>], vector<16xf32>, vector<16xi1>
      %add3A_869 = arith.constant 10 : i32
      %add3A_870 = vector.broadcast %add3A_869 : i32 to vector<16xi32>
      %add3A_871 = arith.addi %add3A_828, %add3A_870 : vector<16xi32>
      %mul3A_872 = arith.mulf %mul3A_824, %select_n3A_509 : vector<16xf32>
      tpu.vector_store_idx %arg10[%add3A_871], %mul3A_872 masked %and3A_808 {add = true} : memref<18688xf32, #tpu.memory_space<vmem>>[vector<16xi32>], vector<16xf32>, vector<16xi1>
      %add3A_873 = arith.constant 11 : i32
      %add3A_874 = vector.broadcast %add3A_873 : i32 to vector<16xi32>
      %add3A_875 = arith.addi %add3A_828, %add3A_874 : vector<16xi32>
      %mul3A_876 = arith.mulf %mul3A_824, %select_n3A_528 : vector<16xf32>
      tpu.vector_store_idx %arg10[%add3A_875], %mul3A_876 masked %and3A_808 {add = true} : memref<18688xf32, #tpu.memory_space<vmem>>[vector<16xi32>], vector<16xf32>, vector<16xi1>
      %add3A_877 = arith.constant 12 : i32
      %add3A_878 = vector.broadcast %add3A_877 : i32 to vector<16xi32>
      %add3A_879 = arith.addi %add3A_828, %add3A_878 : vector<16xi32>
      %mul3A_880 = arith.mulf %mul3A_824, %select_n3A_547 : vector<16xf32>
      tpu.vector_store_idx %arg10[%add3A_879], %mul3A_880 masked %and3A_808 {add = true} : memref<18688xf32, #tpu.memory_space<vmem>>[vector<16xi32>], vector<16xf32>, vector<16xi1>
      %add3A_881 = arith.constant 4 : i32
      %add3A_882 = vector.broadcast %add3A_881 : i32 to vector<16xi32>
      %add3A_883 = arith.addi %sub3A_553, %add3A_882 : vector<16xi32>
      %ge3A_884 = vector.broadcast %mul3A_32 : i32 to vector<16xi32>
      %ge3A_885 = arith.cmpi sge, %add3A_883, %ge3A_884 : vector<16xi32>
      %add3A_886 = arith.constant 48 : i32
      %add3A_887 = arith.addi %mul3A_32, %add3A_886 : i32
      %lt3A_888 = vector.broadcast %add3A_887 : i32 to vector<16xi32>
      %lt3A_889 = arith.cmpi slt, %add3A_883, %lt3A_888 : vector<16xi32>
      %and3A_890 = arith.andi %ge3A_885, %lt3A_889 : vector<16xi1>
      %sub3A_891 = vector.broadcast %mul3A_32 : i32 to vector<16xi32>
      %sub3A_892 = arith.subi %add3A_883, %sub3A_891 : vector<16xi32>
      %jit3A_893 = arith.constant 0 : i32
      %broadcast_in_dim3A_894 = vector.broadcast %jit3A_893 : i32 to vector<16xi32>
      %select_n3A_895 = arith.select %and3A_890, %sub3A_892, %broadcast_in_dim3A_894 : vector<16xi1>, vector<16xi32>
      %convert_element_type3A_896 = arith.sitofp %add3A_883 : vector<16xi32> to vector<16xf32>
      %mul3A_897 = arith.constant 0.0026109661 : f32
      %mul3A_898 = vector.broadcast %mul3A_897 : f32 to vector<16xf32>
      %mul3A_899 = arith.mulf %convert_element_type3A_896, %mul3A_898 : vector<16xf32>
      %sub3A_900 = arith.subf %mul3A_899, %gather3A_286 : vector<16xf32>
      %mul3A_901 = arith.mulf %sub3A_900, %sub3A_900 : vector<16xf32>
      %mul3A_902 = arith.constant -2.000000e+04 : f32
      %mul3A_903 = vector.broadcast %mul3A_902 : f32 to vector<16xf32>
      %mul3A_904 = arith.mulf %mul3A_901, %mul3A_903 : vector<16xf32>
      %exp3A_905 = math.exp %mul3A_904 : vector<16xf32>
      %mul3A_906 = arith.mulf %select_n3A_290, %exp3A_905 : vector<16xf32>
      %mul3A_907 = arith.constant 384 : i32
      %mul3A_908 = vector.broadcast %mul3A_907 : i32 to vector<16xi32>
      %mul3A_909 = arith.muli %select_n3A_895, %mul3A_908 : vector<16xi32>
      %add3A_910 = arith.addi %mul3A_909, %add3A_550 : vector<16xi32>
      %add3A_911 = arith.constant 0 : i32
      %add3A_912 = vector.broadcast %add3A_911 : i32 to vector<16xi32>
      %add3A_913 = arith.addi %add3A_910, %add3A_912 : vector<16xi32>
      %mul3A_914 = arith.mulf %mul3A_906, %select_n3A_319 : vector<16xf32>
      tpu.vector_store_idx %arg10[%add3A_913], %mul3A_914 masked %and3A_890 {add = true} : memref<18688xf32, #tpu.memory_space<vmem>>[vector<16xi32>], vector<16xf32>, vector<16xi1>
      %add3A_915 = arith.constant 1 : i32
      %add3A_916 = vector.broadcast %add3A_915 : i32 to vector<16xi32>
      %add3A_917 = arith.addi %add3A_910, %add3A_916 : vector<16xi32>
      %mul3A_918 = arith.mulf %mul3A_906, %select_n3A_338 : vector<16xf32>
      tpu.vector_store_idx %arg10[%add3A_917], %mul3A_918 masked %and3A_890 {add = true} : memref<18688xf32, #tpu.memory_space<vmem>>[vector<16xi32>], vector<16xf32>, vector<16xi1>
      %add3A_919 = arith.constant 2 : i32
      %add3A_920 = vector.broadcast %add3A_919 : i32 to vector<16xi32>
      %add3A_921 = arith.addi %add3A_910, %add3A_920 : vector<16xi32>
      %mul3A_922 = arith.mulf %mul3A_906, %select_n3A_357 : vector<16xf32>
      tpu.vector_store_idx %arg10[%add3A_921], %mul3A_922 masked %and3A_890 {add = true} : memref<18688xf32, #tpu.memory_space<vmem>>[vector<16xi32>], vector<16xf32>, vector<16xi1>
      %add3A_923 = arith.constant 3 : i32
      %add3A_924 = vector.broadcast %add3A_923 : i32 to vector<16xi32>
      %add3A_925 = arith.addi %add3A_910, %add3A_924 : vector<16xi32>
      %mul3A_926 = arith.mulf %mul3A_906, %select_n3A_376 : vector<16xf32>
      tpu.vector_store_idx %arg10[%add3A_925], %mul3A_926 masked %and3A_890 {add = true} : memref<18688xf32, #tpu.memory_space<vmem>>[vector<16xi32>], vector<16xf32>, vector<16xi1>
      %add3A_927 = arith.constant 4 : i32
      %add3A_928 = vector.broadcast %add3A_927 : i32 to vector<16xi32>
      %add3A_929 = arith.addi %add3A_910, %add3A_928 : vector<16xi32>
      %mul3A_930 = arith.mulf %mul3A_906, %select_n3A_395 : vector<16xf32>
      tpu.vector_store_idx %arg10[%add3A_929], %mul3A_930 masked %and3A_890 {add = true} : memref<18688xf32, #tpu.memory_space<vmem>>[vector<16xi32>], vector<16xf32>, vector<16xi1>
      %add3A_931 = arith.constant 5 : i32
      %add3A_932 = vector.broadcast %add3A_931 : i32 to vector<16xi32>
      %add3A_933 = arith.addi %add3A_910, %add3A_932 : vector<16xi32>
      %mul3A_934 = arith.mulf %mul3A_906, %select_n3A_414 : vector<16xf32>
      tpu.vector_store_idx %arg10[%add3A_933], %mul3A_934 masked %and3A_890 {add = true} : memref<18688xf32, #tpu.memory_space<vmem>>[vector<16xi32>], vector<16xf32>, vector<16xi1>
      %add3A_935 = arith.constant 6 : i32
      %add3A_936 = vector.broadcast %add3A_935 : i32 to vector<16xi32>
      %add3A_937 = arith.addi %add3A_910, %add3A_936 : vector<16xi32>
      %mul3A_938 = arith.mulf %mul3A_906, %select_n3A_433 : vector<16xf32>
      tpu.vector_store_idx %arg10[%add3A_937], %mul3A_938 masked %and3A_890 {add = true} : memref<18688xf32, #tpu.memory_space<vmem>>[vector<16xi32>], vector<16xf32>, vector<16xi1>
      %add3A_939 = arith.constant 7 : i32
      %add3A_940 = vector.broadcast %add3A_939 : i32 to vector<16xi32>
      %add3A_941 = arith.addi %add3A_910, %add3A_940 : vector<16xi32>
      %mul3A_942 = arith.mulf %mul3A_906, %select_n3A_452 : vector<16xf32>
      tpu.vector_store_idx %arg10[%add3A_941], %mul3A_942 masked %and3A_890 {add = true} : memref<18688xf32, #tpu.memory_space<vmem>>[vector<16xi32>], vector<16xf32>, vector<16xi1>
      %add3A_943 = arith.constant 8 : i32
      %add3A_944 = vector.broadcast %add3A_943 : i32 to vector<16xi32>
      %add3A_945 = arith.addi %add3A_910, %add3A_944 : vector<16xi32>
      %mul3A_946 = arith.mulf %mul3A_906, %select_n3A_471 : vector<16xf32>
      tpu.vector_store_idx %arg10[%add3A_945], %mul3A_946 masked %and3A_890 {add = true} : memref<18688xf32, #tpu.memory_space<vmem>>[vector<16xi32>], vector<16xf32>, vector<16xi1>
      %add3A_947 = arith.constant 9 : i32
      %add3A_948 = vector.broadcast %add3A_947 : i32 to vector<16xi32>
      %add3A_949 = arith.addi %add3A_910, %add3A_948 : vector<16xi32>
      %mul3A_950 = arith.mulf %mul3A_906, %select_n3A_490 : vector<16xf32>
      tpu.vector_store_idx %arg10[%add3A_949], %mul3A_950 masked %and3A_890 {add = true} : memref<18688xf32, #tpu.memory_space<vmem>>[vector<16xi32>], vector<16xf32>, vector<16xi1>
      %add3A_951 = arith.constant 10 : i32
      %add3A_952 = vector.broadcast %add3A_951 : i32 to vector<16xi32>
      %add3A_953 = arith.addi %add3A_910, %add3A_952 : vector<16xi32>
      %mul3A_954 = arith.mulf %mul3A_906, %select_n3A_509 : vector<16xf32>
      tpu.vector_store_idx %arg10[%add3A_953], %mul3A_954 masked %and3A_890 {add = true} : memref<18688xf32, #tpu.memory_space<vmem>>[vector<16xi32>], vector<16xf32>, vector<16xi1>
      %add3A_955 = arith.constant 11 : i32
      %add3A_956 = vector.broadcast %add3A_955 : i32 to vector<16xi32>
      %add3A_957 = arith.addi %add3A_910, %add3A_956 : vector<16xi32>
      %mul3A_958 = arith.mulf %mul3A_906, %select_n3A_528 : vector<16xf32>
      tpu.vector_store_idx %arg10[%add3A_957], %mul3A_958 masked %and3A_890 {add = true} : memref<18688xf32, #tpu.memory_space<vmem>>[vector<16xi32>], vector<16xf32>, vector<16xi1>
      %add3A_959 = arith.constant 12 : i32
      %add3A_960 = vector.broadcast %add3A_959 : i32 to vector<16xi32>
      %add3A_961 = arith.addi %add3A_910, %add3A_960 : vector<16xi32>
      %mul3A_962 = arith.mulf %mul3A_906, %select_n3A_547 : vector<16xf32>
      tpu.vector_store_idx %arg10[%add3A_961], %mul3A_962 masked %and3A_890 {add = true} : memref<18688xf32, #tpu.memory_space<vmem>>[vector<16xi32>], vector<16xf32>, vector<16xi1>
      %add3A_963 = arith.constant 5 : i32
      %add3A_964 = vector.broadcast %add3A_963 : i32 to vector<16xi32>
      %add3A_965 = arith.addi %sub3A_553, %add3A_964 : vector<16xi32>
      %ge3A_966 = vector.broadcast %mul3A_32 : i32 to vector<16xi32>
      %ge3A_967 = arith.cmpi sge, %add3A_965, %ge3A_966 : vector<16xi32>
      %add3A_968 = arith.constant 48 : i32
      %add3A_969 = arith.addi %mul3A_32, %add3A_968 : i32
      %lt3A_970 = vector.broadcast %add3A_969 : i32 to vector<16xi32>
      %lt3A_971 = arith.cmpi slt, %add3A_965, %lt3A_970 : vector<16xi32>
      %and3A_972 = arith.andi %ge3A_967, %lt3A_971 : vector<16xi1>
      %sub3A_973 = vector.broadcast %mul3A_32 : i32 to vector<16xi32>
      %sub3A_974 = arith.subi %add3A_965, %sub3A_973 : vector<16xi32>
      %jit3A_975 = arith.constant 0 : i32
      %broadcast_in_dim3A_976 = vector.broadcast %jit3A_975 : i32 to vector<16xi32>
      %select_n3A_977 = arith.select %and3A_972, %sub3A_974, %broadcast_in_dim3A_976 : vector<16xi1>, vector<16xi32>
      %convert_element_type3A_978 = arith.sitofp %add3A_965 : vector<16xi32> to vector<16xf32>
      %mul3A_979 = arith.constant 0.0026109661 : f32
      %mul3A_980 = vector.broadcast %mul3A_979 : f32 to vector<16xf32>
      %mul3A_981 = arith.mulf %convert_element_type3A_978, %mul3A_980 : vector<16xf32>
      %sub3A_982 = arith.subf %mul3A_981, %gather3A_286 : vector<16xf32>
      %mul3A_983 = arith.mulf %sub3A_982, %sub3A_982 : vector<16xf32>
      %mul3A_984 = arith.constant -2.000000e+04 : f32
      %mul3A_985 = vector.broadcast %mul3A_984 : f32 to vector<16xf32>
      %mul3A_986 = arith.mulf %mul3A_983, %mul3A_985 : vector<16xf32>
      %exp3A_987 = math.exp %mul3A_986 : vector<16xf32>
      %mul3A_988 = arith.mulf %select_n3A_290, %exp3A_987 : vector<16xf32>
      %mul3A_989 = arith.constant 384 : i32
      %mul3A_990 = vector.broadcast %mul3A_989 : i32 to vector<16xi32>
      %mul3A_991 = arith.muli %select_n3A_977, %mul3A_990 : vector<16xi32>
      %add3A_992 = arith.addi %mul3A_991, %add3A_550 : vector<16xi32>
      %add3A_993 = arith.constant 0 : i32
      %add3A_994 = vector.broadcast %add3A_993 : i32 to vector<16xi32>
      %add3A_995 = arith.addi %add3A_992, %add3A_994 : vector<16xi32>
      %mul3A_996 = arith.mulf %mul3A_988, %select_n3A_319 : vector<16xf32>
      tpu.vector_store_idx %arg10[%add3A_995], %mul3A_996 masked %and3A_972 {add = true} : memref<18688xf32, #tpu.memory_space<vmem>>[vector<16xi32>], vector<16xf32>, vector<16xi1>
      %add3A_997 = arith.constant 1 : i32
      %add3A_998 = vector.broadcast %add3A_997 : i32 to vector<16xi32>
      %add3A_999 = arith.addi %add3A_992, %add3A_998 : vector<16xi32>
      %mul3A_1000 = arith.mulf %mul3A_988, %select_n3A_338 : vector<16xf32>
      tpu.vector_store_idx %arg10[%add3A_999], %mul3A_1000 masked %and3A_972 {add = true} : memref<18688xf32, #tpu.memory_space<vmem>>[vector<16xi32>], vector<16xf32>, vector<16xi1>
      %add3A_1001 = arith.constant 2 : i32
      %add3A_1002 = vector.broadcast %add3A_1001 : i32 to vector<16xi32>
      %add3A_1003 = arith.addi %add3A_992, %add3A_1002 : vector<16xi32>
      %mul3A_1004 = arith.mulf %mul3A_988, %select_n3A_357 : vector<16xf32>
      tpu.vector_store_idx %arg10[%add3A_1003], %mul3A_1004 masked %and3A_972 {add = true} : memref<18688xf32, #tpu.memory_space<vmem>>[vector<16xi32>], vector<16xf32>, vector<16xi1>
      %add3A_1005 = arith.constant 3 : i32
      %add3A_1006 = vector.broadcast %add3A_1005 : i32 to vector<16xi32>
      %add3A_1007 = arith.addi %add3A_992, %add3A_1006 : vector<16xi32>
      %mul3A_1008 = arith.mulf %mul3A_988, %select_n3A_376 : vector<16xf32>
      tpu.vector_store_idx %arg10[%add3A_1007], %mul3A_1008 masked %and3A_972 {add = true} : memref<18688xf32, #tpu.memory_space<vmem>>[vector<16xi32>], vector<16xf32>, vector<16xi1>
      %add3A_1009 = arith.constant 4 : i32
      %add3A_1010 = vector.broadcast %add3A_1009 : i32 to vector<16xi32>
      %add3A_1011 = arith.addi %add3A_992, %add3A_1010 : vector<16xi32>
      %mul3A_1012 = arith.mulf %mul3A_988, %select_n3A_395 : vector<16xf32>
      tpu.vector_store_idx %arg10[%add3A_1011], %mul3A_1012 masked %and3A_972 {add = true} : memref<18688xf32, #tpu.memory_space<vmem>>[vector<16xi32>], vector<16xf32>, vector<16xi1>
      %add3A_1013 = arith.constant 5 : i32
      %add3A_1014 = vector.broadcast %add3A_1013 : i32 to vector<16xi32>
      %add3A_1015 = arith.addi %add3A_992, %add3A_1014 : vector<16xi32>
      %mul3A_1016 = arith.mulf %mul3A_988, %select_n3A_414 : vector<16xf32>
      tpu.vector_store_idx %arg10[%add3A_1015], %mul3A_1016 masked %and3A_972 {add = true} : memref<18688xf32, #tpu.memory_space<vmem>>[vector<16xi32>], vector<16xf32>, vector<16xi1>
      %add3A_1017 = arith.constant 6 : i32
      %add3A_1018 = vector.broadcast %add3A_1017 : i32 to vector<16xi32>
      %add3A_1019 = arith.addi %add3A_992, %add3A_1018 : vector<16xi32>
      %mul3A_1020 = arith.mulf %mul3A_988, %select_n3A_433 : vector<16xf32>
      tpu.vector_store_idx %arg10[%add3A_1019], %mul3A_1020 masked %and3A_972 {add = true} : memref<18688xf32, #tpu.memory_space<vmem>>[vector<16xi32>], vector<16xf32>, vector<16xi1>
      %add3A_1021 = arith.constant 7 : i32
      %add3A_1022 = vector.broadcast %add3A_1021 : i32 to vector<16xi32>
      %add3A_1023 = arith.addi %add3A_992, %add3A_1022 : vector<16xi32>
      %mul3A_1024 = arith.mulf %mul3A_988, %select_n3A_452 : vector<16xf32>
      tpu.vector_store_idx %arg10[%add3A_1023], %mul3A_1024 masked %and3A_972 {add = true} : memref<18688xf32, #tpu.memory_space<vmem>>[vector<16xi32>], vector<16xf32>, vector<16xi1>
      %add3A_1025 = arith.constant 8 : i32
      %add3A_1026 = vector.broadcast %add3A_1025 : i32 to vector<16xi32>
      %add3A_1027 = arith.addi %add3A_992, %add3A_1026 : vector<16xi32>
      %mul3A_1028 = arith.mulf %mul3A_988, %select_n3A_471 : vector<16xf32>
      tpu.vector_store_idx %arg10[%add3A_1027], %mul3A_1028 masked %and3A_972 {add = true} : memref<18688xf32, #tpu.memory_space<vmem>>[vector<16xi32>], vector<16xf32>, vector<16xi1>
      %add3A_1029 = arith.constant 9 : i32
      %add3A_1030 = vector.broadcast %add3A_1029 : i32 to vector<16xi32>
      %add3A_1031 = arith.addi %add3A_992, %add3A_1030 : vector<16xi32>
      %mul3A_1032 = arith.mulf %mul3A_988, %select_n3A_490 : vector<16xf32>
      tpu.vector_store_idx %arg10[%add3A_1031], %mul3A_1032 masked %and3A_972 {add = true} : memref<18688xf32, #tpu.memory_space<vmem>>[vector<16xi32>], vector<16xf32>, vector<16xi1>
      %add3A_1033 = arith.constant 10 : i32
      %add3A_1034 = vector.broadcast %add3A_1033 : i32 to vector<16xi32>
      %add3A_1035 = arith.addi %add3A_992, %add3A_1034 : vector<16xi32>
      %mul3A_1036 = arith.mulf %mul3A_988, %select_n3A_509 : vector<16xf32>
      tpu.vector_store_idx %arg10[%add3A_1035], %mul3A_1036 masked %and3A_972 {add = true} : memref<18688xf32, #tpu.memory_space<vmem>>[vector<16xi32>], vector<16xf32>, vector<16xi1>
      %add3A_1037 = arith.constant 11 : i32
      %add3A_1038 = vector.broadcast %add3A_1037 : i32 to vector<16xi32>
      %add3A_1039 = arith.addi %add3A_992, %add3A_1038 : vector<16xi32>
      %mul3A_1040 = arith.mulf %mul3A_988, %select_n3A_528 : vector<16xf32>
      tpu.vector_store_idx %arg10[%add3A_1039], %mul3A_1040 masked %and3A_972 {add = true} : memref<18688xf32, #tpu.memory_space<vmem>>[vector<16xi32>], vector<16xf32>, vector<16xi1>
      %add3A_1041 = arith.constant 12 : i32
      %add3A_1042 = vector.broadcast %add3A_1041 : i32 to vector<16xi32>
      %add3A_1043 = arith.addi %add3A_992, %add3A_1042 : vector<16xi32>
      %mul3A_1044 = arith.mulf %mul3A_988, %select_n3A_547 : vector<16xf32>
      tpu.vector_store_idx %arg10[%add3A_1043], %mul3A_1044 masked %and3A_972 {add = true} : memref<18688xf32, #tpu.memory_space<vmem>>[vector<16xi32>], vector<16xf32>, vector<16xi1>
      %add3A_1045 = arith.constant 6 : i32
      %add3A_1046 = vector.broadcast %add3A_1045 : i32 to vector<16xi32>
      %add3A_1047 = arith.addi %sub3A_553, %add3A_1046 : vector<16xi32>
      %ge3A_1048 = vector.broadcast %mul3A_32 : i32 to vector<16xi32>
      %ge3A_1049 = arith.cmpi sge, %add3A_1047, %ge3A_1048 : vector<16xi32>
      %add3A_1050 = arith.constant 48 : i32
      %add3A_1051 = arith.addi %mul3A_32, %add3A_1050 : i32
      %lt3A_1052 = vector.broadcast %add3A_1051 : i32 to vector<16xi32>
      %lt3A_1053 = arith.cmpi slt, %add3A_1047, %lt3A_1052 : vector<16xi32>
      %and3A_1054 = arith.andi %ge3A_1049, %lt3A_1053 : vector<16xi1>
      %sub3A_1055 = vector.broadcast %mul3A_32 : i32 to vector<16xi32>
      %sub3A_1056 = arith.subi %add3A_1047, %sub3A_1055 : vector<16xi32>
      %jit3A_1057 = arith.constant 0 : i32
      %broadcast_in_dim3A_1058 = vector.broadcast %jit3A_1057 : i32 to vector<16xi32>
      %select_n3A_1059 = arith.select %and3A_1054, %sub3A_1056, %broadcast_in_dim3A_1058 : vector<16xi1>, vector<16xi32>
      %convert_element_type3A_1060 = arith.sitofp %add3A_1047 : vector<16xi32> to vector<16xf32>
      %mul3A_1061 = arith.constant 0.0026109661 : f32
      %mul3A_1062 = vector.broadcast %mul3A_1061 : f32 to vector<16xf32>
      %mul3A_1063 = arith.mulf %convert_element_type3A_1060, %mul3A_1062 : vector<16xf32>
      %sub3A_1064 = arith.subf %mul3A_1063, %gather3A_286 : vector<16xf32>
      %mul3A_1065 = arith.mulf %sub3A_1064, %sub3A_1064 : vector<16xf32>
      %mul3A_1066 = arith.constant -2.000000e+04 : f32
      %mul3A_1067 = vector.broadcast %mul3A_1066 : f32 to vector<16xf32>
      %mul3A_1068 = arith.mulf %mul3A_1065, %mul3A_1067 : vector<16xf32>
      %exp3A_1069 = math.exp %mul3A_1068 : vector<16xf32>
      %mul3A_1070 = arith.mulf %select_n3A_290, %exp3A_1069 : vector<16xf32>
      %mul3A_1071 = arith.constant 384 : i32
      %mul3A_1072 = vector.broadcast %mul3A_1071 : i32 to vector<16xi32>
      %mul3A_1073 = arith.muli %select_n3A_1059, %mul3A_1072 : vector<16xi32>
      %add3A_1074 = arith.addi %mul3A_1073, %add3A_550 : vector<16xi32>
      %add3A_1075 = arith.constant 0 : i32
      %add3A_1076 = vector.broadcast %add3A_1075 : i32 to vector<16xi32>
      %add3A_1077 = arith.addi %add3A_1074, %add3A_1076 : vector<16xi32>
      %mul3A_1078 = arith.mulf %mul3A_1070, %select_n3A_319 : vector<16xf32>
      tpu.vector_store_idx %arg10[%add3A_1077], %mul3A_1078 masked %and3A_1054 {add = true} : memref<18688xf32, #tpu.memory_space<vmem>>[vector<16xi32>], vector<16xf32>, vector<16xi1>
      %add3A_1079 = arith.constant 1 : i32
      %add3A_1080 = vector.broadcast %add3A_1079 : i32 to vector<16xi32>
      %add3A_1081 = arith.addi %add3A_1074, %add3A_1080 : vector<16xi32>
      %mul3A_1082 = arith.mulf %mul3A_1070, %select_n3A_338 : vector<16xf32>
      tpu.vector_store_idx %arg10[%add3A_1081], %mul3A_1082 masked %and3A_1054 {add = true} : memref<18688xf32, #tpu.memory_space<vmem>>[vector<16xi32>], vector<16xf32>, vector<16xi1>
      %add3A_1083 = arith.constant 2 : i32
      %add3A_1084 = vector.broadcast %add3A_1083 : i32 to vector<16xi32>
      %add3A_1085 = arith.addi %add3A_1074, %add3A_1084 : vector<16xi32>
      %mul3A_1086 = arith.mulf %mul3A_1070, %select_n3A_357 : vector<16xf32>
      tpu.vector_store_idx %arg10[%add3A_1085], %mul3A_1086 masked %and3A_1054 {add = true} : memref<18688xf32, #tpu.memory_space<vmem>>[vector<16xi32>], vector<16xf32>, vector<16xi1>
      %add3A_1087 = arith.constant 3 : i32
      %add3A_1088 = vector.broadcast %add3A_1087 : i32 to vector<16xi32>
      %add3A_1089 = arith.addi %add3A_1074, %add3A_1088 : vector<16xi32>
      %mul3A_1090 = arith.mulf %mul3A_1070, %select_n3A_376 : vector<16xf32>
      tpu.vector_store_idx %arg10[%add3A_1089], %mul3A_1090 masked %and3A_1054 {add = true} : memref<18688xf32, #tpu.memory_space<vmem>>[vector<16xi32>], vector<16xf32>, vector<16xi1>
      %add3A_1091 = arith.constant 4 : i32
      %add3A_1092 = vector.broadcast %add3A_1091 : i32 to vector<16xi32>
      %add3A_1093 = arith.addi %add3A_1074, %add3A_1092 : vector<16xi32>
      %mul3A_1094 = arith.mulf %mul3A_1070, %select_n3A_395 : vector<16xf32>
      tpu.vector_store_idx %arg10[%add3A_1093], %mul3A_1094 masked %and3A_1054 {add = true} : memref<18688xf32, #tpu.memory_space<vmem>>[vector<16xi32>], vector<16xf32>, vector<16xi1>
      %add3A_1095 = arith.constant 5 : i32
      %add3A_1096 = vector.broadcast %add3A_1095 : i32 to vector<16xi32>
      %add3A_1097 = arith.addi %add3A_1074, %add3A_1096 : vector<16xi32>
      %mul3A_1098 = arith.mulf %mul3A_1070, %select_n3A_414 : vector<16xf32>
      tpu.vector_store_idx %arg10[%add3A_1097], %mul3A_1098 masked %and3A_1054 {add = true} : memref<18688xf32, #tpu.memory_space<vmem>>[vector<16xi32>], vector<16xf32>, vector<16xi1>
      %add3A_1099 = arith.constant 6 : i32
      %add3A_1100 = vector.broadcast %add3A_1099 : i32 to vector<16xi32>
      %add3A_1101 = arith.addi %add3A_1074, %add3A_1100 : vector<16xi32>
      %mul3A_1102 = arith.mulf %mul3A_1070, %select_n3A_433 : vector<16xf32>
      tpu.vector_store_idx %arg10[%add3A_1101], %mul3A_1102 masked %and3A_1054 {add = true} : memref<18688xf32, #tpu.memory_space<vmem>>[vector<16xi32>], vector<16xf32>, vector<16xi1>
      %add3A_1103 = arith.constant 7 : i32
      %add3A_1104 = vector.broadcast %add3A_1103 : i32 to vector<16xi32>
      %add3A_1105 = arith.addi %add3A_1074, %add3A_1104 : vector<16xi32>
      %mul3A_1106 = arith.mulf %mul3A_1070, %select_n3A_452 : vector<16xf32>
      tpu.vector_store_idx %arg10[%add3A_1105], %mul3A_1106 masked %and3A_1054 {add = true} : memref<18688xf32, #tpu.memory_space<vmem>>[vector<16xi32>], vector<16xf32>, vector<16xi1>
      %add3A_1107 = arith.constant 8 : i32
      %add3A_1108 = vector.broadcast %add3A_1107 : i32 to vector<16xi32>
      %add3A_1109 = arith.addi %add3A_1074, %add3A_1108 : vector<16xi32>
      %mul3A_1110 = arith.mulf %mul3A_1070, %select_n3A_471 : vector<16xf32>
      tpu.vector_store_idx %arg10[%add3A_1109], %mul3A_1110 masked %and3A_1054 {add = true} : memref<18688xf32, #tpu.memory_space<vmem>>[vector<16xi32>], vector<16xf32>, vector<16xi1>
      %add3A_1111 = arith.constant 9 : i32
      %add3A_1112 = vector.broadcast %add3A_1111 : i32 to vector<16xi32>
      %add3A_1113 = arith.addi %add3A_1074, %add3A_1112 : vector<16xi32>
      %mul3A_1114 = arith.mulf %mul3A_1070, %select_n3A_490 : vector<16xf32>
      tpu.vector_store_idx %arg10[%add3A_1113], %mul3A_1114 masked %and3A_1054 {add = true} : memref<18688xf32, #tpu.memory_space<vmem>>[vector<16xi32>], vector<16xf32>, vector<16xi1>
      %add3A_1115 = arith.constant 10 : i32
      %add3A_1116 = vector.broadcast %add3A_1115 : i32 to vector<16xi32>
      %add3A_1117 = arith.addi %add3A_1074, %add3A_1116 : vector<16xi32>
      %mul3A_1118 = arith.mulf %mul3A_1070, %select_n3A_509 : vector<16xf32>
      tpu.vector_store_idx %arg10[%add3A_1117], %mul3A_1118 masked %and3A_1054 {add = true} : memref<18688xf32, #tpu.memory_space<vmem>>[vector<16xi32>], vector<16xf32>, vector<16xi1>
      %add3A_1119 = arith.constant 11 : i32
      %add3A_1120 = vector.broadcast %add3A_1119 : i32 to vector<16xi32>
      %add3A_1121 = arith.addi %add3A_1074, %add3A_1120 : vector<16xi32>
      %mul3A_1122 = arith.mulf %mul3A_1070, %select_n3A_528 : vector<16xf32>
      tpu.vector_store_idx %arg10[%add3A_1121], %mul3A_1122 masked %and3A_1054 {add = true} : memref<18688xf32, #tpu.memory_space<vmem>>[vector<16xi32>], vector<16xf32>, vector<16xi1>
      %add3A_1123 = arith.constant 12 : i32
      %add3A_1124 = vector.broadcast %add3A_1123 : i32 to vector<16xi32>
      %add3A_1125 = arith.addi %add3A_1074, %add3A_1124 : vector<16xi32>
      %mul3A_1126 = arith.mulf %mul3A_1070, %select_n3A_547 : vector<16xf32>
      tpu.vector_store_idx %arg10[%add3A_1125], %mul3A_1126 masked %and3A_1054 {add = true} : memref<18688xf32, #tpu.memory_space<vmem>>[vector<16xi32>], vector<16xf32>, vector<16xi1>
      %add3A_1127 = arith.constant 7 : i32
      %add3A_1128 = vector.broadcast %add3A_1127 : i32 to vector<16xi32>
      %add3A_1129 = arith.addi %sub3A_553, %add3A_1128 : vector<16xi32>
      %ge3A_1130 = vector.broadcast %mul3A_32 : i32 to vector<16xi32>
      %ge3A_1131 = arith.cmpi sge, %add3A_1129, %ge3A_1130 : vector<16xi32>
      %add3A_1132 = arith.constant 48 : i32
      %add3A_1133 = arith.addi %mul3A_32, %add3A_1132 : i32
      %lt3A_1134 = vector.broadcast %add3A_1133 : i32 to vector<16xi32>
      %lt3A_1135 = arith.cmpi slt, %add3A_1129, %lt3A_1134 : vector<16xi32>
      %and3A_1136 = arith.andi %ge3A_1131, %lt3A_1135 : vector<16xi1>
      %sub3A_1137 = vector.broadcast %mul3A_32 : i32 to vector<16xi32>
      %sub3A_1138 = arith.subi %add3A_1129, %sub3A_1137 : vector<16xi32>
      %jit3A_1139 = arith.constant 0 : i32
      %broadcast_in_dim3A_1140 = vector.broadcast %jit3A_1139 : i32 to vector<16xi32>
      %select_n3A_1141 = arith.select %and3A_1136, %sub3A_1138, %broadcast_in_dim3A_1140 : vector<16xi1>, vector<16xi32>
      %convert_element_type3A_1142 = arith.sitofp %add3A_1129 : vector<16xi32> to vector<16xf32>
      %mul3A_1143 = arith.constant 0.0026109661 : f32
      %mul3A_1144 = vector.broadcast %mul3A_1143 : f32 to vector<16xf32>
      %mul3A_1145 = arith.mulf %convert_element_type3A_1142, %mul3A_1144 : vector<16xf32>
      %sub3A_1146 = arith.subf %mul3A_1145, %gather3A_286 : vector<16xf32>
      %mul3A_1147 = arith.mulf %sub3A_1146, %sub3A_1146 : vector<16xf32>
      %mul3A_1148 = arith.constant -2.000000e+04 : f32
      %mul3A_1149 = vector.broadcast %mul3A_1148 : f32 to vector<16xf32>
      %mul3A_1150 = arith.mulf %mul3A_1147, %mul3A_1149 : vector<16xf32>
      %exp3A_1151 = math.exp %mul3A_1150 : vector<16xf32>
      %mul3A_1152 = arith.mulf %select_n3A_290, %exp3A_1151 : vector<16xf32>
      %mul3A_1153 = arith.constant 384 : i32
      %mul3A_1154 = vector.broadcast %mul3A_1153 : i32 to vector<16xi32>
      %mul3A_1155 = arith.muli %select_n3A_1141, %mul3A_1154 : vector<16xi32>
      %add3A_1156 = arith.addi %mul3A_1155, %add3A_550 : vector<16xi32>
      %add3A_1157 = arith.constant 0 : i32
      %add3A_1158 = vector.broadcast %add3A_1157 : i32 to vector<16xi32>
      %add3A_1159 = arith.addi %add3A_1156, %add3A_1158 : vector<16xi32>
      %mul3A_1160 = arith.mulf %mul3A_1152, %select_n3A_319 : vector<16xf32>
      tpu.vector_store_idx %arg10[%add3A_1159], %mul3A_1160 masked %and3A_1136 {add = true} : memref<18688xf32, #tpu.memory_space<vmem>>[vector<16xi32>], vector<16xf32>, vector<16xi1>
      %add3A_1161 = arith.constant 1 : i32
      %add3A_1162 = vector.broadcast %add3A_1161 : i32 to vector<16xi32>
      %add3A_1163 = arith.addi %add3A_1156, %add3A_1162 : vector<16xi32>
      %mul3A_1164 = arith.mulf %mul3A_1152, %select_n3A_338 : vector<16xf32>
      tpu.vector_store_idx %arg10[%add3A_1163], %mul3A_1164 masked %and3A_1136 {add = true} : memref<18688xf32, #tpu.memory_space<vmem>>[vector<16xi32>], vector<16xf32>, vector<16xi1>
      %add3A_1165 = arith.constant 2 : i32
      %add3A_1166 = vector.broadcast %add3A_1165 : i32 to vector<16xi32>
      %add3A_1167 = arith.addi %add3A_1156, %add3A_1166 : vector<16xi32>
      %mul3A_1168 = arith.mulf %mul3A_1152, %select_n3A_357 : vector<16xf32>
      tpu.vector_store_idx %arg10[%add3A_1167], %mul3A_1168 masked %and3A_1136 {add = true} : memref<18688xf32, #tpu.memory_space<vmem>>[vector<16xi32>], vector<16xf32>, vector<16xi1>
      %add3A_1169 = arith.constant 3 : i32
      %add3A_1170 = vector.broadcast %add3A_1169 : i32 to vector<16xi32>
      %add3A_1171 = arith.addi %add3A_1156, %add3A_1170 : vector<16xi32>
      %mul3A_1172 = arith.mulf %mul3A_1152, %select_n3A_376 : vector<16xf32>
      tpu.vector_store_idx %arg10[%add3A_1171], %mul3A_1172 masked %and3A_1136 {add = true} : memref<18688xf32, #tpu.memory_space<vmem>>[vector<16xi32>], vector<16xf32>, vector<16xi1>
      %add3A_1173 = arith.constant 4 : i32
      %add3A_1174 = vector.broadcast %add3A_1173 : i32 to vector<16xi32>
      %add3A_1175 = arith.addi %add3A_1156, %add3A_1174 : vector<16xi32>
      %mul3A_1176 = arith.mulf %mul3A_1152, %select_n3A_395 : vector<16xf32>
      tpu.vector_store_idx %arg10[%add3A_1175], %mul3A_1176 masked %and3A_1136 {add = true} : memref<18688xf32, #tpu.memory_space<vmem>>[vector<16xi32>], vector<16xf32>, vector<16xi1>
      %add3A_1177 = arith.constant 5 : i32
      %add3A_1178 = vector.broadcast %add3A_1177 : i32 to vector<16xi32>
      %add3A_1179 = arith.addi %add3A_1156, %add3A_1178 : vector<16xi32>
      %mul3A_1180 = arith.mulf %mul3A_1152, %select_n3A_414 : vector<16xf32>
      tpu.vector_store_idx %arg10[%add3A_1179], %mul3A_1180 masked %and3A_1136 {add = true} : memref<18688xf32, #tpu.memory_space<vmem>>[vector<16xi32>], vector<16xf32>, vector<16xi1>
      %add3A_1181 = arith.constant 6 : i32
      %add3A_1182 = vector.broadcast %add3A_1181 : i32 to vector<16xi32>
      %add3A_1183 = arith.addi %add3A_1156, %add3A_1182 : vector<16xi32>
      %mul3A_1184 = arith.mulf %mul3A_1152, %select_n3A_433 : vector<16xf32>
      tpu.vector_store_idx %arg10[%add3A_1183], %mul3A_1184 masked %and3A_1136 {add = true} : memref<18688xf32, #tpu.memory_space<vmem>>[vector<16xi32>], vector<16xf32>, vector<16xi1>
      %add3A_1185 = arith.constant 7 : i32
      %add3A_1186 = vector.broadcast %add3A_1185 : i32 to vector<16xi32>
      %add3A_1187 = arith.addi %add3A_1156, %add3A_1186 : vector<16xi32>
      %mul3A_1188 = arith.mulf %mul3A_1152, %select_n3A_452 : vector<16xf32>
      tpu.vector_store_idx %arg10[%add3A_1187], %mul3A_1188 masked %and3A_1136 {add = true} : memref<18688xf32, #tpu.memory_space<vmem>>[vector<16xi32>], vector<16xf32>, vector<16xi1>
      %add3A_1189 = arith.constant 8 : i32
      %add3A_1190 = vector.broadcast %add3A_1189 : i32 to vector<16xi32>
      %add3A_1191 = arith.addi %add3A_1156, %add3A_1190 : vector<16xi32>
      %mul3A_1192 = arith.mulf %mul3A_1152, %select_n3A_471 : vector<16xf32>
      tpu.vector_store_idx %arg10[%add3A_1191], %mul3A_1192 masked %and3A_1136 {add = true} : memref<18688xf32, #tpu.memory_space<vmem>>[vector<16xi32>], vector<16xf32>, vector<16xi1>
      %add3A_1193 = arith.constant 9 : i32
      %add3A_1194 = vector.broadcast %add3A_1193 : i32 to vector<16xi32>
      %add3A_1195 = arith.addi %add3A_1156, %add3A_1194 : vector<16xi32>
      %mul3A_1196 = arith.mulf %mul3A_1152, %select_n3A_490 : vector<16xf32>
      tpu.vector_store_idx %arg10[%add3A_1195], %mul3A_1196 masked %and3A_1136 {add = true} : memref<18688xf32, #tpu.memory_space<vmem>>[vector<16xi32>], vector<16xf32>, vector<16xi1>
      %add3A_1197 = arith.constant 10 : i32
      %add3A_1198 = vector.broadcast %add3A_1197 : i32 to vector<16xi32>
      %add3A_1199 = arith.addi %add3A_1156, %add3A_1198 : vector<16xi32>
      %mul3A_1200 = arith.mulf %mul3A_1152, %select_n3A_509 : vector<16xf32>
      tpu.vector_store_idx %arg10[%add3A_1199], %mul3A_1200 masked %and3A_1136 {add = true} : memref<18688xf32, #tpu.memory_space<vmem>>[vector<16xi32>], vector<16xf32>, vector<16xi1>
      %add3A_1201 = arith.constant 11 : i32
      %add3A_1202 = vector.broadcast %add3A_1201 : i32 to vector<16xi32>
      %add3A_1203 = arith.addi %add3A_1156, %add3A_1202 : vector<16xi32>
      %mul3A_1204 = arith.mulf %mul3A_1152, %select_n3A_528 : vector<16xf32>
      tpu.vector_store_idx %arg10[%add3A_1203], %mul3A_1204 masked %and3A_1136 {add = true} : memref<18688xf32, #tpu.memory_space<vmem>>[vector<16xi32>], vector<16xf32>, vector<16xi1>
      %add3A_1205 = arith.constant 12 : i32
      %add3A_1206 = vector.broadcast %add3A_1205 : i32 to vector<16xi32>
      %add3A_1207 = arith.addi %add3A_1156, %add3A_1206 : vector<16xi32>
      %mul3A_1208 = arith.mulf %mul3A_1152, %select_n3A_547 : vector<16xf32>
      tpu.vector_store_idx %arg10[%add3A_1207], %mul3A_1208 masked %and3A_1136 {add = true} : memref<18688xf32, #tpu.memory_space<vmem>>[vector<16xi32>], vector<16xf32>, vector<16xi1>
      %add3A_1209 = arith.constant 8 : i32
      %add3A_1210 = vector.broadcast %add3A_1209 : i32 to vector<16xi32>
      %add3A_1211 = arith.addi %sub3A_553, %add3A_1210 : vector<16xi32>
      %ge3A_1212 = vector.broadcast %mul3A_32 : i32 to vector<16xi32>
      %ge3A_1213 = arith.cmpi sge, %add3A_1211, %ge3A_1212 : vector<16xi32>
      %add3A_1214 = arith.constant 48 : i32
      %add3A_1215 = arith.addi %mul3A_32, %add3A_1214 : i32
      %lt3A_1216 = vector.broadcast %add3A_1215 : i32 to vector<16xi32>
      %lt3A_1217 = arith.cmpi slt, %add3A_1211, %lt3A_1216 : vector<16xi32>
      %and3A_1218 = arith.andi %ge3A_1213, %lt3A_1217 : vector<16xi1>
      %sub3A_1219 = vector.broadcast %mul3A_32 : i32 to vector<16xi32>
      %sub3A_1220 = arith.subi %add3A_1211, %sub3A_1219 : vector<16xi32>
      %jit3A_1221 = arith.constant 0 : i32
      %broadcast_in_dim3A_1222 = vector.broadcast %jit3A_1221 : i32 to vector<16xi32>
      %select_n3A_1223 = arith.select %and3A_1218, %sub3A_1220, %broadcast_in_dim3A_1222 : vector<16xi1>, vector<16xi32>
      %convert_element_type3A_1224 = arith.sitofp %add3A_1211 : vector<16xi32> to vector<16xf32>
      %mul3A_1225 = arith.constant 0.0026109661 : f32
      %mul3A_1226 = vector.broadcast %mul3A_1225 : f32 to vector<16xf32>
      %mul3A_1227 = arith.mulf %convert_element_type3A_1224, %mul3A_1226 : vector<16xf32>
      %sub3A_1228 = arith.subf %mul3A_1227, %gather3A_286 : vector<16xf32>
      %mul3A_1229 = arith.mulf %sub3A_1228, %sub3A_1228 : vector<16xf32>
      %mul3A_1230 = arith.constant -2.000000e+04 : f32
      %mul3A_1231 = vector.broadcast %mul3A_1230 : f32 to vector<16xf32>
      %mul3A_1232 = arith.mulf %mul3A_1229, %mul3A_1231 : vector<16xf32>
      %exp3A_1233 = math.exp %mul3A_1232 : vector<16xf32>
      %mul3A_1234 = arith.mulf %select_n3A_290, %exp3A_1233 : vector<16xf32>
      %mul3A_1235 = arith.constant 384 : i32
      %mul3A_1236 = vector.broadcast %mul3A_1235 : i32 to vector<16xi32>
      %mul3A_1237 = arith.muli %select_n3A_1223, %mul3A_1236 : vector<16xi32>
      %add3A_1238 = arith.addi %mul3A_1237, %add3A_550 : vector<16xi32>
      %add3A_1239 = arith.constant 0 : i32
      %add3A_1240 = vector.broadcast %add3A_1239 : i32 to vector<16xi32>
      %add3A_1241 = arith.addi %add3A_1238, %add3A_1240 : vector<16xi32>
      %mul3A_1242 = arith.mulf %mul3A_1234, %select_n3A_319 : vector<16xf32>
      tpu.vector_store_idx %arg10[%add3A_1241], %mul3A_1242 masked %and3A_1218 {add = true} : memref<18688xf32, #tpu.memory_space<vmem>>[vector<16xi32>], vector<16xf32>, vector<16xi1>
      %add3A_1243 = arith.constant 1 : i32
      %add3A_1244 = vector.broadcast %add3A_1243 : i32 to vector<16xi32>
      %add3A_1245 = arith.addi %add3A_1238, %add3A_1244 : vector<16xi32>
      %mul3A_1246 = arith.mulf %mul3A_1234, %select_n3A_338 : vector<16xf32>
      tpu.vector_store_idx %arg10[%add3A_1245], %mul3A_1246 masked %and3A_1218 {add = true} : memref<18688xf32, #tpu.memory_space<vmem>>[vector<16xi32>], vector<16xf32>, vector<16xi1>
      %add3A_1247 = arith.constant 2 : i32
      %add3A_1248 = vector.broadcast %add3A_1247 : i32 to vector<16xi32>
      %add3A_1249 = arith.addi %add3A_1238, %add3A_1248 : vector<16xi32>
      %mul3A_1250 = arith.mulf %mul3A_1234, %select_n3A_357 : vector<16xf32>
      tpu.vector_store_idx %arg10[%add3A_1249], %mul3A_1250 masked %and3A_1218 {add = true} : memref<18688xf32, #tpu.memory_space<vmem>>[vector<16xi32>], vector<16xf32>, vector<16xi1>
      %add3A_1251 = arith.constant 3 : i32
      %add3A_1252 = vector.broadcast %add3A_1251 : i32 to vector<16xi32>
      %add3A_1253 = arith.addi %add3A_1238, %add3A_1252 : vector<16xi32>
      %mul3A_1254 = arith.mulf %mul3A_1234, %select_n3A_376 : vector<16xf32>
      tpu.vector_store_idx %arg10[%add3A_1253], %mul3A_1254 masked %and3A_1218 {add = true} : memref<18688xf32, #tpu.memory_space<vmem>>[vector<16xi32>], vector<16xf32>, vector<16xi1>
      %add3A_1255 = arith.constant 4 : i32
      %add3A_1256 = vector.broadcast %add3A_1255 : i32 to vector<16xi32>
      %add3A_1257 = arith.addi %add3A_1238, %add3A_1256 : vector<16xi32>
      %mul3A_1258 = arith.mulf %mul3A_1234, %select_n3A_395 : vector<16xf32>
      tpu.vector_store_idx %arg10[%add3A_1257], %mul3A_1258 masked %and3A_1218 {add = true} : memref<18688xf32, #tpu.memory_space<vmem>>[vector<16xi32>], vector<16xf32>, vector<16xi1>
      %add3A_1259 = arith.constant 5 : i32
      %add3A_1260 = vector.broadcast %add3A_1259 : i32 to vector<16xi32>
      %add3A_1261 = arith.addi %add3A_1238, %add3A_1260 : vector<16xi32>
      %mul3A_1262 = arith.mulf %mul3A_1234, %select_n3A_414 : vector<16xf32>
      tpu.vector_store_idx %arg10[%add3A_1261], %mul3A_1262 masked %and3A_1218 {add = true} : memref<18688xf32, #tpu.memory_space<vmem>>[vector<16xi32>], vector<16xf32>, vector<16xi1>
      %add3A_1263 = arith.constant 6 : i32
      %add3A_1264 = vector.broadcast %add3A_1263 : i32 to vector<16xi32>
      %add3A_1265 = arith.addi %add3A_1238, %add3A_1264 : vector<16xi32>
      %mul3A_1266 = arith.mulf %mul3A_1234, %select_n3A_433 : vector<16xf32>
      tpu.vector_store_idx %arg10[%add3A_1265], %mul3A_1266 masked %and3A_1218 {add = true} : memref<18688xf32, #tpu.memory_space<vmem>>[vector<16xi32>], vector<16xf32>, vector<16xi1>
      %add3A_1267 = arith.constant 7 : i32
      %add3A_1268 = vector.broadcast %add3A_1267 : i32 to vector<16xi32>
      %add3A_1269 = arith.addi %add3A_1238, %add3A_1268 : vector<16xi32>
      %mul3A_1270 = arith.mulf %mul3A_1234, %select_n3A_452 : vector<16xf32>
      tpu.vector_store_idx %arg10[%add3A_1269], %mul3A_1270 masked %and3A_1218 {add = true} : memref<18688xf32, #tpu.memory_space<vmem>>[vector<16xi32>], vector<16xf32>, vector<16xi1>
      %add3A_1271 = arith.constant 8 : i32
      %add3A_1272 = vector.broadcast %add3A_1271 : i32 to vector<16xi32>
      %add3A_1273 = arith.addi %add3A_1238, %add3A_1272 : vector<16xi32>
      %mul3A_1274 = arith.mulf %mul3A_1234, %select_n3A_471 : vector<16xf32>
      tpu.vector_store_idx %arg10[%add3A_1273], %mul3A_1274 masked %and3A_1218 {add = true} : memref<18688xf32, #tpu.memory_space<vmem>>[vector<16xi32>], vector<16xf32>, vector<16xi1>
      %add3A_1275 = arith.constant 9 : i32
      %add3A_1276 = vector.broadcast %add3A_1275 : i32 to vector<16xi32>
      %add3A_1277 = arith.addi %add3A_1238, %add3A_1276 : vector<16xi32>
      %mul3A_1278 = arith.mulf %mul3A_1234, %select_n3A_490 : vector<16xf32>
      tpu.vector_store_idx %arg10[%add3A_1277], %mul3A_1278 masked %and3A_1218 {add = true} : memref<18688xf32, #tpu.memory_space<vmem>>[vector<16xi32>], vector<16xf32>, vector<16xi1>
      %add3A_1279 = arith.constant 10 : i32
      %add3A_1280 = vector.broadcast %add3A_1279 : i32 to vector<16xi32>
      %add3A_1281 = arith.addi %add3A_1238, %add3A_1280 : vector<16xi32>
      %mul3A_1282 = arith.mulf %mul3A_1234, %select_n3A_509 : vector<16xf32>
      tpu.vector_store_idx %arg10[%add3A_1281], %mul3A_1282 masked %and3A_1218 {add = true} : memref<18688xf32, #tpu.memory_space<vmem>>[vector<16xi32>], vector<16xf32>, vector<16xi1>
      %add3A_1283 = arith.constant 11 : i32
      %add3A_1284 = vector.broadcast %add3A_1283 : i32 to vector<16xi32>
      %add3A_1285 = arith.addi %add3A_1238, %add3A_1284 : vector<16xi32>
      %mul3A_1286 = arith.mulf %mul3A_1234, %select_n3A_528 : vector<16xf32>
      tpu.vector_store_idx %arg10[%add3A_1285], %mul3A_1286 masked %and3A_1218 {add = true} : memref<18688xf32, #tpu.memory_space<vmem>>[vector<16xi32>], vector<16xf32>, vector<16xi1>
      %add3A_1287 = arith.constant 12 : i32
      %add3A_1288 = vector.broadcast %add3A_1287 : i32 to vector<16xi32>
      %add3A_1289 = arith.addi %add3A_1238, %add3A_1288 : vector<16xi32>
      %mul3A_1290 = arith.mulf %mul3A_1234, %select_n3A_547 : vector<16xf32>
      tpu.vector_store_idx %arg10[%add3A_1289], %mul3A_1290 masked %and3A_1218 {add = true} : memref<18688xf32, #tpu.memory_space<vmem>>[vector<16xi32>], vector<16xf32>, vector<16xi1>
      %add3A_1291 = arith.constant 9 : i32
      %add3A_1292 = vector.broadcast %add3A_1291 : i32 to vector<16xi32>
      %add3A_1293 = arith.addi %sub3A_553, %add3A_1292 : vector<16xi32>
      %ge3A_1294 = vector.broadcast %mul3A_32 : i32 to vector<16xi32>
      %ge3A_1295 = arith.cmpi sge, %add3A_1293, %ge3A_1294 : vector<16xi32>
      %add3A_1296 = arith.constant 48 : i32
      %add3A_1297 = arith.addi %mul3A_32, %add3A_1296 : i32
      %lt3A_1298 = vector.broadcast %add3A_1297 : i32 to vector<16xi32>
      %lt3A_1299 = arith.cmpi slt, %add3A_1293, %lt3A_1298 : vector<16xi32>
      %and3A_1300 = arith.andi %ge3A_1295, %lt3A_1299 : vector<16xi1>
      %sub3A_1301 = vector.broadcast %mul3A_32 : i32 to vector<16xi32>
      %sub3A_1302 = arith.subi %add3A_1293, %sub3A_1301 : vector<16xi32>
      %jit3A_1303 = arith.constant 0 : i32
      %broadcast_in_dim3A_1304 = vector.broadcast %jit3A_1303 : i32 to vector<16xi32>
      %select_n3A_1305 = arith.select %and3A_1300, %sub3A_1302, %broadcast_in_dim3A_1304 : vector<16xi1>, vector<16xi32>
      %convert_element_type3A_1306 = arith.sitofp %add3A_1293 : vector<16xi32> to vector<16xf32>
      %mul3A_1307 = arith.constant 0.0026109661 : f32
      %mul3A_1308 = vector.broadcast %mul3A_1307 : f32 to vector<16xf32>
      %mul3A_1309 = arith.mulf %convert_element_type3A_1306, %mul3A_1308 : vector<16xf32>
      %sub3A_1310 = arith.subf %mul3A_1309, %gather3A_286 : vector<16xf32>
      %mul3A_1311 = arith.mulf %sub3A_1310, %sub3A_1310 : vector<16xf32>
      %mul3A_1312 = arith.constant -2.000000e+04 : f32
      %mul3A_1313 = vector.broadcast %mul3A_1312 : f32 to vector<16xf32>
      %mul3A_1314 = arith.mulf %mul3A_1311, %mul3A_1313 : vector<16xf32>
      %exp3A_1315 = math.exp %mul3A_1314 : vector<16xf32>
      %mul3A_1316 = arith.mulf %select_n3A_290, %exp3A_1315 : vector<16xf32>
      %mul3A_1317 = arith.constant 384 : i32
      %mul3A_1318 = vector.broadcast %mul3A_1317 : i32 to vector<16xi32>
      %mul3A_1319 = arith.muli %select_n3A_1305, %mul3A_1318 : vector<16xi32>
      %add3A_1320 = arith.addi %mul3A_1319, %add3A_550 : vector<16xi32>
      %add3A_1321 = arith.constant 0 : i32
      %add3A_1322 = vector.broadcast %add3A_1321 : i32 to vector<16xi32>
      %add3A_1323 = arith.addi %add3A_1320, %add3A_1322 : vector<16xi32>
      %mul3A_1324 = arith.mulf %mul3A_1316, %select_n3A_319 : vector<16xf32>
      tpu.vector_store_idx %arg10[%add3A_1323], %mul3A_1324 masked %and3A_1300 {add = true} : memref<18688xf32, #tpu.memory_space<vmem>>[vector<16xi32>], vector<16xf32>, vector<16xi1>
      %add3A_1325 = arith.constant 1 : i32
      %add3A_1326 = vector.broadcast %add3A_1325 : i32 to vector<16xi32>
      %add3A_1327 = arith.addi %add3A_1320, %add3A_1326 : vector<16xi32>
      %mul3A_1328 = arith.mulf %mul3A_1316, %select_n3A_338 : vector<16xf32>
      tpu.vector_store_idx %arg10[%add3A_1327], %mul3A_1328 masked %and3A_1300 {add = true} : memref<18688xf32, #tpu.memory_space<vmem>>[vector<16xi32>], vector<16xf32>, vector<16xi1>
      %add3A_1329 = arith.constant 2 : i32
      %add3A_1330 = vector.broadcast %add3A_1329 : i32 to vector<16xi32>
      %add3A_1331 = arith.addi %add3A_1320, %add3A_1330 : vector<16xi32>
      %mul3A_1332 = arith.mulf %mul3A_1316, %select_n3A_357 : vector<16xf32>
      tpu.vector_store_idx %arg10[%add3A_1331], %mul3A_1332 masked %and3A_1300 {add = true} : memref<18688xf32, #tpu.memory_space<vmem>>[vector<16xi32>], vector<16xf32>, vector<16xi1>
      %add3A_1333 = arith.constant 3 : i32
      %add3A_1334 = vector.broadcast %add3A_1333 : i32 to vector<16xi32>
      %add3A_1335 = arith.addi %add3A_1320, %add3A_1334 : vector<16xi32>
      %mul3A_1336 = arith.mulf %mul3A_1316, %select_n3A_376 : vector<16xf32>
      tpu.vector_store_idx %arg10[%add3A_1335], %mul3A_1336 masked %and3A_1300 {add = true} : memref<18688xf32, #tpu.memory_space<vmem>>[vector<16xi32>], vector<16xf32>, vector<16xi1>
      %add3A_1337 = arith.constant 4 : i32
      %add3A_1338 = vector.broadcast %add3A_1337 : i32 to vector<16xi32>
      %add3A_1339 = arith.addi %add3A_1320, %add3A_1338 : vector<16xi32>
      %mul3A_1340 = arith.mulf %mul3A_1316, %select_n3A_395 : vector<16xf32>
      tpu.vector_store_idx %arg10[%add3A_1339], %mul3A_1340 masked %and3A_1300 {add = true} : memref<18688xf32, #tpu.memory_space<vmem>>[vector<16xi32>], vector<16xf32>, vector<16xi1>
      %add3A_1341 = arith.constant 5 : i32
      %add3A_1342 = vector.broadcast %add3A_1341 : i32 to vector<16xi32>
      %add3A_1343 = arith.addi %add3A_1320, %add3A_1342 : vector<16xi32>
      %mul3A_1344 = arith.mulf %mul3A_1316, %select_n3A_414 : vector<16xf32>
      tpu.vector_store_idx %arg10[%add3A_1343], %mul3A_1344 masked %and3A_1300 {add = true} : memref<18688xf32, #tpu.memory_space<vmem>>[vector<16xi32>], vector<16xf32>, vector<16xi1>
      %add3A_1345 = arith.constant 6 : i32
      %add3A_1346 = vector.broadcast %add3A_1345 : i32 to vector<16xi32>
      %add3A_1347 = arith.addi %add3A_1320, %add3A_1346 : vector<16xi32>
      %mul3A_1348 = arith.mulf %mul3A_1316, %select_n3A_433 : vector<16xf32>
      tpu.vector_store_idx %arg10[%add3A_1347], %mul3A_1348 masked %and3A_1300 {add = true} : memref<18688xf32, #tpu.memory_space<vmem>>[vector<16xi32>], vector<16xf32>, vector<16xi1>
      %add3A_1349 = arith.constant 7 : i32
      %add3A_1350 = vector.broadcast %add3A_1349 : i32 to vector<16xi32>
      %add3A_1351 = arith.addi %add3A_1320, %add3A_1350 : vector<16xi32>
      %mul3A_1352 = arith.mulf %mul3A_1316, %select_n3A_452 : vector<16xf32>
      tpu.vector_store_idx %arg10[%add3A_1351], %mul3A_1352 masked %and3A_1300 {add = true} : memref<18688xf32, #tpu.memory_space<vmem>>[vector<16xi32>], vector<16xf32>, vector<16xi1>
      %add3A_1353 = arith.constant 8 : i32
      %add3A_1354 = vector.broadcast %add3A_1353 : i32 to vector<16xi32>
      %add3A_1355 = arith.addi %add3A_1320, %add3A_1354 : vector<16xi32>
      %mul3A_1356 = arith.mulf %mul3A_1316, %select_n3A_471 : vector<16xf32>
      tpu.vector_store_idx %arg10[%add3A_1355], %mul3A_1356 masked %and3A_1300 {add = true} : memref<18688xf32, #tpu.memory_space<vmem>>[vector<16xi32>], vector<16xf32>, vector<16xi1>
      %add3A_1357 = arith.constant 9 : i32
      %add3A_1358 = vector.broadcast %add3A_1357 : i32 to vector<16xi32>
      %add3A_1359 = arith.addi %add3A_1320, %add3A_1358 : vector<16xi32>
      %mul3A_1360 = arith.mulf %mul3A_1316, %select_n3A_490 : vector<16xf32>
      tpu.vector_store_idx %arg10[%add3A_1359], %mul3A_1360 masked %and3A_1300 {add = true} : memref<18688xf32, #tpu.memory_space<vmem>>[vector<16xi32>], vector<16xf32>, vector<16xi1>
      %add3A_1361 = arith.constant 10 : i32
      %add3A_1362 = vector.broadcast %add3A_1361 : i32 to vector<16xi32>
      %add3A_1363 = arith.addi %add3A_1320, %add3A_1362 : vector<16xi32>
      %mul3A_1364 = arith.mulf %mul3A_1316, %select_n3A_509 : vector<16xf32>
      tpu.vector_store_idx %arg10[%add3A_1363], %mul3A_1364 masked %and3A_1300 {add = true} : memref<18688xf32, #tpu.memory_space<vmem>>[vector<16xi32>], vector<16xf32>, vector<16xi1>
      %add3A_1365 = arith.constant 11 : i32
      %add3A_1366 = vector.broadcast %add3A_1365 : i32 to vector<16xi32>
      %add3A_1367 = arith.addi %add3A_1320, %add3A_1366 : vector<16xi32>
      %mul3A_1368 = arith.mulf %mul3A_1316, %select_n3A_528 : vector<16xf32>
      tpu.vector_store_idx %arg10[%add3A_1367], %mul3A_1368 masked %and3A_1300 {add = true} : memref<18688xf32, #tpu.memory_space<vmem>>[vector<16xi32>], vector<16xf32>, vector<16xi1>
      %add3A_1369 = arith.constant 12 : i32
      %add3A_1370 = vector.broadcast %add3A_1369 : i32 to vector<16xi32>
      %add3A_1371 = arith.addi %add3A_1320, %add3A_1370 : vector<16xi32>
      %mul3A_1372 = arith.mulf %mul3A_1316, %select_n3A_547 : vector<16xf32>
      tpu.vector_store_idx %arg10[%add3A_1371], %mul3A_1372 masked %and3A_1300 {add = true} : memref<18688xf32, #tpu.memory_space<vmem>>[vector<16xi32>], vector<16xf32>, vector<16xi1>
      %add3A_1373 = arith.constant 10 : i32
      %add3A_1374 = vector.broadcast %add3A_1373 : i32 to vector<16xi32>
      %add3A_1375 = arith.addi %sub3A_553, %add3A_1374 : vector<16xi32>
      %ge3A_1376 = vector.broadcast %mul3A_32 : i32 to vector<16xi32>
      %ge3A_1377 = arith.cmpi sge, %add3A_1375, %ge3A_1376 : vector<16xi32>
      %add3A_1378 = arith.constant 48 : i32
      %add3A_1379 = arith.addi %mul3A_32, %add3A_1378 : i32
      %lt3A_1380 = vector.broadcast %add3A_1379 : i32 to vector<16xi32>
      %lt3A_1381 = arith.cmpi slt, %add3A_1375, %lt3A_1380 : vector<16xi32>
      %and3A_1382 = arith.andi %ge3A_1377, %lt3A_1381 : vector<16xi1>
      %sub3A_1383 = vector.broadcast %mul3A_32 : i32 to vector<16xi32>
      %sub3A_1384 = arith.subi %add3A_1375, %sub3A_1383 : vector<16xi32>
      %jit3A_1385 = arith.constant 0 : i32
      %broadcast_in_dim3A_1386 = vector.broadcast %jit3A_1385 : i32 to vector<16xi32>
      %select_n3A_1387 = arith.select %and3A_1382, %sub3A_1384, %broadcast_in_dim3A_1386 : vector<16xi1>, vector<16xi32>
      %convert_element_type3A_1388 = arith.sitofp %add3A_1375 : vector<16xi32> to vector<16xf32>
      %mul3A_1389 = arith.constant 0.0026109661 : f32
      %mul3A_1390 = vector.broadcast %mul3A_1389 : f32 to vector<16xf32>
      %mul3A_1391 = arith.mulf %convert_element_type3A_1388, %mul3A_1390 : vector<16xf32>
      %sub3A_1392 = arith.subf %mul3A_1391, %gather3A_286 : vector<16xf32>
      %mul3A_1393 = arith.mulf %sub3A_1392, %sub3A_1392 : vector<16xf32>
      %mul3A_1394 = arith.constant -2.000000e+04 : f32
      %mul3A_1395 = vector.broadcast %mul3A_1394 : f32 to vector<16xf32>
      %mul3A_1396 = arith.mulf %mul3A_1393, %mul3A_1395 : vector<16xf32>
      %exp3A_1397 = math.exp %mul3A_1396 : vector<16xf32>
      %mul3A_1398 = arith.mulf %select_n3A_290, %exp3A_1397 : vector<16xf32>
      %mul3A_1399 = arith.constant 384 : i32
      %mul3A_1400 = vector.broadcast %mul3A_1399 : i32 to vector<16xi32>
      %mul3A_1401 = arith.muli %select_n3A_1387, %mul3A_1400 : vector<16xi32>
      %add3A_1402 = arith.addi %mul3A_1401, %add3A_550 : vector<16xi32>
      %add3A_1403 = arith.constant 0 : i32
      %add3A_1404 = vector.broadcast %add3A_1403 : i32 to vector<16xi32>
      %add3A_1405 = arith.addi %add3A_1402, %add3A_1404 : vector<16xi32>
      %mul3A_1406 = arith.mulf %mul3A_1398, %select_n3A_319 : vector<16xf32>
      tpu.vector_store_idx %arg10[%add3A_1405], %mul3A_1406 masked %and3A_1382 {add = true} : memref<18688xf32, #tpu.memory_space<vmem>>[vector<16xi32>], vector<16xf32>, vector<16xi1>
      %add3A_1407 = arith.constant 1 : i32
      %add3A_1408 = vector.broadcast %add3A_1407 : i32 to vector<16xi32>
      %add3A_1409 = arith.addi %add3A_1402, %add3A_1408 : vector<16xi32>
      %mul3A_1410 = arith.mulf %mul3A_1398, %select_n3A_338 : vector<16xf32>
      tpu.vector_store_idx %arg10[%add3A_1409], %mul3A_1410 masked %and3A_1382 {add = true} : memref<18688xf32, #tpu.memory_space<vmem>>[vector<16xi32>], vector<16xf32>, vector<16xi1>
      %add3A_1411 = arith.constant 2 : i32
      %add3A_1412 = vector.broadcast %add3A_1411 : i32 to vector<16xi32>
      %add3A_1413 = arith.addi %add3A_1402, %add3A_1412 : vector<16xi32>
      %mul3A_1414 = arith.mulf %mul3A_1398, %select_n3A_357 : vector<16xf32>
      tpu.vector_store_idx %arg10[%add3A_1413], %mul3A_1414 masked %and3A_1382 {add = true} : memref<18688xf32, #tpu.memory_space<vmem>>[vector<16xi32>], vector<16xf32>, vector<16xi1>
      %add3A_1415 = arith.constant 3 : i32
      %add3A_1416 = vector.broadcast %add3A_1415 : i32 to vector<16xi32>
      %add3A_1417 = arith.addi %add3A_1402, %add3A_1416 : vector<16xi32>
      %mul3A_1418 = arith.mulf %mul3A_1398, %select_n3A_376 : vector<16xf32>
      tpu.vector_store_idx %arg10[%add3A_1417], %mul3A_1418 masked %and3A_1382 {add = true} : memref<18688xf32, #tpu.memory_space<vmem>>[vector<16xi32>], vector<16xf32>, vector<16xi1>
      %add3A_1419 = arith.constant 4 : i32
      %add3A_1420 = vector.broadcast %add3A_1419 : i32 to vector<16xi32>
      %add3A_1421 = arith.addi %add3A_1402, %add3A_1420 : vector<16xi32>
      %mul3A_1422 = arith.mulf %mul3A_1398, %select_n3A_395 : vector<16xf32>
      tpu.vector_store_idx %arg10[%add3A_1421], %mul3A_1422 masked %and3A_1382 {add = true} : memref<18688xf32, #tpu.memory_space<vmem>>[vector<16xi32>], vector<16xf32>, vector<16xi1>
      %add3A_1423 = arith.constant 5 : i32
      %add3A_1424 = vector.broadcast %add3A_1423 : i32 to vector<16xi32>
      %add3A_1425 = arith.addi %add3A_1402, %add3A_1424 : vector<16xi32>
      %mul3A_1426 = arith.mulf %mul3A_1398, %select_n3A_414 : vector<16xf32>
      tpu.vector_store_idx %arg10[%add3A_1425], %mul3A_1426 masked %and3A_1382 {add = true} : memref<18688xf32, #tpu.memory_space<vmem>>[vector<16xi32>], vector<16xf32>, vector<16xi1>
      %add3A_1427 = arith.constant 6 : i32
      %add3A_1428 = vector.broadcast %add3A_1427 : i32 to vector<16xi32>
      %add3A_1429 = arith.addi %add3A_1402, %add3A_1428 : vector<16xi32>
      %mul3A_1430 = arith.mulf %mul3A_1398, %select_n3A_433 : vector<16xf32>
      tpu.vector_store_idx %arg10[%add3A_1429], %mul3A_1430 masked %and3A_1382 {add = true} : memref<18688xf32, #tpu.memory_space<vmem>>[vector<16xi32>], vector<16xf32>, vector<16xi1>
      %add3A_1431 = arith.constant 7 : i32
      %add3A_1432 = vector.broadcast %add3A_1431 : i32 to vector<16xi32>
      %add3A_1433 = arith.addi %add3A_1402, %add3A_1432 : vector<16xi32>
      %mul3A_1434 = arith.mulf %mul3A_1398, %select_n3A_452 : vector<16xf32>
      tpu.vector_store_idx %arg10[%add3A_1433], %mul3A_1434 masked %and3A_1382 {add = true} : memref<18688xf32, #tpu.memory_space<vmem>>[vector<16xi32>], vector<16xf32>, vector<16xi1>
      %add3A_1435 = arith.constant 8 : i32
      %add3A_1436 = vector.broadcast %add3A_1435 : i32 to vector<16xi32>
      %add3A_1437 = arith.addi %add3A_1402, %add3A_1436 : vector<16xi32>
      %mul3A_1438 = arith.mulf %mul3A_1398, %select_n3A_471 : vector<16xf32>
      tpu.vector_store_idx %arg10[%add3A_1437], %mul3A_1438 masked %and3A_1382 {add = true} : memref<18688xf32, #tpu.memory_space<vmem>>[vector<16xi32>], vector<16xf32>, vector<16xi1>
      %add3A_1439 = arith.constant 9 : i32
      %add3A_1440 = vector.broadcast %add3A_1439 : i32 to vector<16xi32>
      %add3A_1441 = arith.addi %add3A_1402, %add3A_1440 : vector<16xi32>
      %mul3A_1442 = arith.mulf %mul3A_1398, %select_n3A_490 : vector<16xf32>
      tpu.vector_store_idx %arg10[%add3A_1441], %mul3A_1442 masked %and3A_1382 {add = true} : memref<18688xf32, #tpu.memory_space<vmem>>[vector<16xi32>], vector<16xf32>, vector<16xi1>
      %add3A_1443 = arith.constant 10 : i32
      %add3A_1444 = vector.broadcast %add3A_1443 : i32 to vector<16xi32>
      %add3A_1445 = arith.addi %add3A_1402, %add3A_1444 : vector<16xi32>
      %mul3A_1446 = arith.mulf %mul3A_1398, %select_n3A_509 : vector<16xf32>
      tpu.vector_store_idx %arg10[%add3A_1445], %mul3A_1446 masked %and3A_1382 {add = true} : memref<18688xf32, #tpu.memory_space<vmem>>[vector<16xi32>], vector<16xf32>, vector<16xi1>
      %add3A_1447 = arith.constant 11 : i32
      %add3A_1448 = vector.broadcast %add3A_1447 : i32 to vector<16xi32>
      %add3A_1449 = arith.addi %add3A_1402, %add3A_1448 : vector<16xi32>
      %mul3A_1450 = arith.mulf %mul3A_1398, %select_n3A_528 : vector<16xf32>
      tpu.vector_store_idx %arg10[%add3A_1449], %mul3A_1450 masked %and3A_1382 {add = true} : memref<18688xf32, #tpu.memory_space<vmem>>[vector<16xi32>], vector<16xf32>, vector<16xi1>
      %add3A_1451 = arith.constant 12 : i32
      %add3A_1452 = vector.broadcast %add3A_1451 : i32 to vector<16xi32>
      %add3A_1453 = arith.addi %add3A_1402, %add3A_1452 : vector<16xi32>
      %mul3A_1454 = arith.mulf %mul3A_1398, %select_n3A_547 : vector<16xf32>
      tpu.vector_store_idx %arg10[%add3A_1453], %mul3A_1454 masked %and3A_1382 {add = true} : memref<18688xf32, #tpu.memory_space<vmem>>[vector<16xi32>], vector<16xf32>, vector<16xi1>
      %add3A_1455 = arith.constant 11 : i32
      %add3A_1456 = vector.broadcast %add3A_1455 : i32 to vector<16xi32>
      %add3A_1457 = arith.addi %sub3A_553, %add3A_1456 : vector<16xi32>
      %ge3A_1458 = vector.broadcast %mul3A_32 : i32 to vector<16xi32>
      %ge3A_1459 = arith.cmpi sge, %add3A_1457, %ge3A_1458 : vector<16xi32>
      %add3A_1460 = arith.constant 48 : i32
      %add3A_1461 = arith.addi %mul3A_32, %add3A_1460 : i32
      %lt3A_1462 = vector.broadcast %add3A_1461 : i32 to vector<16xi32>
      %lt3A_1463 = arith.cmpi slt, %add3A_1457, %lt3A_1462 : vector<16xi32>
      %and3A_1464 = arith.andi %ge3A_1459, %lt3A_1463 : vector<16xi1>
      %sub3A_1465 = vector.broadcast %mul3A_32 : i32 to vector<16xi32>
      %sub3A_1466 = arith.subi %add3A_1457, %sub3A_1465 : vector<16xi32>
      %jit3A_1467 = arith.constant 0 : i32
      %broadcast_in_dim3A_1468 = vector.broadcast %jit3A_1467 : i32 to vector<16xi32>
      %select_n3A_1469 = arith.select %and3A_1464, %sub3A_1466, %broadcast_in_dim3A_1468 : vector<16xi1>, vector<16xi32>
      %convert_element_type3A_1470 = arith.sitofp %add3A_1457 : vector<16xi32> to vector<16xf32>
      %mul3A_1471 = arith.constant 0.0026109661 : f32
      %mul3A_1472 = vector.broadcast %mul3A_1471 : f32 to vector<16xf32>
      %mul3A_1473 = arith.mulf %convert_element_type3A_1470, %mul3A_1472 : vector<16xf32>
      %sub3A_1474 = arith.subf %mul3A_1473, %gather3A_286 : vector<16xf32>
      %mul3A_1475 = arith.mulf %sub3A_1474, %sub3A_1474 : vector<16xf32>
      %mul3A_1476 = arith.constant -2.000000e+04 : f32
      %mul3A_1477 = vector.broadcast %mul3A_1476 : f32 to vector<16xf32>
      %mul3A_1478 = arith.mulf %mul3A_1475, %mul3A_1477 : vector<16xf32>
      %exp3A_1479 = math.exp %mul3A_1478 : vector<16xf32>
      %mul3A_1480 = arith.mulf %select_n3A_290, %exp3A_1479 : vector<16xf32>
      %mul3A_1481 = arith.constant 384 : i32
      %mul3A_1482 = vector.broadcast %mul3A_1481 : i32 to vector<16xi32>
      %mul3A_1483 = arith.muli %select_n3A_1469, %mul3A_1482 : vector<16xi32>
      %add3A_1484 = arith.addi %mul3A_1483, %add3A_550 : vector<16xi32>
      %add3A_1485 = arith.constant 0 : i32
      %add3A_1486 = vector.broadcast %add3A_1485 : i32 to vector<16xi32>
      %add3A_1487 = arith.addi %add3A_1484, %add3A_1486 : vector<16xi32>
      %mul3A_1488 = arith.mulf %mul3A_1480, %select_n3A_319 : vector<16xf32>
      tpu.vector_store_idx %arg10[%add3A_1487], %mul3A_1488 masked %and3A_1464 {add = true} : memref<18688xf32, #tpu.memory_space<vmem>>[vector<16xi32>], vector<16xf32>, vector<16xi1>
      %add3A_1489 = arith.constant 1 : i32
      %add3A_1490 = vector.broadcast %add3A_1489 : i32 to vector<16xi32>
      %add3A_1491 = arith.addi %add3A_1484, %add3A_1490 : vector<16xi32>
      %mul3A_1492 = arith.mulf %mul3A_1480, %select_n3A_338 : vector<16xf32>
      tpu.vector_store_idx %arg10[%add3A_1491], %mul3A_1492 masked %and3A_1464 {add = true} : memref<18688xf32, #tpu.memory_space<vmem>>[vector<16xi32>], vector<16xf32>, vector<16xi1>
      %add3A_1493 = arith.constant 2 : i32
      %add3A_1494 = vector.broadcast %add3A_1493 : i32 to vector<16xi32>
      %add3A_1495 = arith.addi %add3A_1484, %add3A_1494 : vector<16xi32>
      %mul3A_1496 = arith.mulf %mul3A_1480, %select_n3A_357 : vector<16xf32>
      tpu.vector_store_idx %arg10[%add3A_1495], %mul3A_1496 masked %and3A_1464 {add = true} : memref<18688xf32, #tpu.memory_space<vmem>>[vector<16xi32>], vector<16xf32>, vector<16xi1>
      %add3A_1497 = arith.constant 3 : i32
      %add3A_1498 = vector.broadcast %add3A_1497 : i32 to vector<16xi32>
      %add3A_1499 = arith.addi %add3A_1484, %add3A_1498 : vector<16xi32>
      %mul3A_1500 = arith.mulf %mul3A_1480, %select_n3A_376 : vector<16xf32>
      tpu.vector_store_idx %arg10[%add3A_1499], %mul3A_1500 masked %and3A_1464 {add = true} : memref<18688xf32, #tpu.memory_space<vmem>>[vector<16xi32>], vector<16xf32>, vector<16xi1>
      %add3A_1501 = arith.constant 4 : i32
      %add3A_1502 = vector.broadcast %add3A_1501 : i32 to vector<16xi32>
      %add3A_1503 = arith.addi %add3A_1484, %add3A_1502 : vector<16xi32>
      %mul3A_1504 = arith.mulf %mul3A_1480, %select_n3A_395 : vector<16xf32>
      tpu.vector_store_idx %arg10[%add3A_1503], %mul3A_1504 masked %and3A_1464 {add = true} : memref<18688xf32, #tpu.memory_space<vmem>>[vector<16xi32>], vector<16xf32>, vector<16xi1>
      %add3A_1505 = arith.constant 5 : i32
      %add3A_1506 = vector.broadcast %add3A_1505 : i32 to vector<16xi32>
      %add3A_1507 = arith.addi %add3A_1484, %add3A_1506 : vector<16xi32>
      %mul3A_1508 = arith.mulf %mul3A_1480, %select_n3A_414 : vector<16xf32>
      tpu.vector_store_idx %arg10[%add3A_1507], %mul3A_1508 masked %and3A_1464 {add = true} : memref<18688xf32, #tpu.memory_space<vmem>>[vector<16xi32>], vector<16xf32>, vector<16xi1>
      %add3A_1509 = arith.constant 6 : i32
      %add3A_1510 = vector.broadcast %add3A_1509 : i32 to vector<16xi32>
      %add3A_1511 = arith.addi %add3A_1484, %add3A_1510 : vector<16xi32>
      %mul3A_1512 = arith.mulf %mul3A_1480, %select_n3A_433 : vector<16xf32>
      tpu.vector_store_idx %arg10[%add3A_1511], %mul3A_1512 masked %and3A_1464 {add = true} : memref<18688xf32, #tpu.memory_space<vmem>>[vector<16xi32>], vector<16xf32>, vector<16xi1>
      %add3A_1513 = arith.constant 7 : i32
      %add3A_1514 = vector.broadcast %add3A_1513 : i32 to vector<16xi32>
      %add3A_1515 = arith.addi %add3A_1484, %add3A_1514 : vector<16xi32>
      %mul3A_1516 = arith.mulf %mul3A_1480, %select_n3A_452 : vector<16xf32>
      tpu.vector_store_idx %arg10[%add3A_1515], %mul3A_1516 masked %and3A_1464 {add = true} : memref<18688xf32, #tpu.memory_space<vmem>>[vector<16xi32>], vector<16xf32>, vector<16xi1>
      %add3A_1517 = arith.constant 8 : i32
      %add3A_1518 = vector.broadcast %add3A_1517 : i32 to vector<16xi32>
      %add3A_1519 = arith.addi %add3A_1484, %add3A_1518 : vector<16xi32>
      %mul3A_1520 = arith.mulf %mul3A_1480, %select_n3A_471 : vector<16xf32>
      tpu.vector_store_idx %arg10[%add3A_1519], %mul3A_1520 masked %and3A_1464 {add = true} : memref<18688xf32, #tpu.memory_space<vmem>>[vector<16xi32>], vector<16xf32>, vector<16xi1>
      %add3A_1521 = arith.constant 9 : i32
      %add3A_1522 = vector.broadcast %add3A_1521 : i32 to vector<16xi32>
      %add3A_1523 = arith.addi %add3A_1484, %add3A_1522 : vector<16xi32>
      %mul3A_1524 = arith.mulf %mul3A_1480, %select_n3A_490 : vector<16xf32>
      tpu.vector_store_idx %arg10[%add3A_1523], %mul3A_1524 masked %and3A_1464 {add = true} : memref<18688xf32, #tpu.memory_space<vmem>>[vector<16xi32>], vector<16xf32>, vector<16xi1>
      %add3A_1525 = arith.constant 10 : i32
      %add3A_1526 = vector.broadcast %add3A_1525 : i32 to vector<16xi32>
      %add3A_1527 = arith.addi %add3A_1484, %add3A_1526 : vector<16xi32>
      %mul3A_1528 = arith.mulf %mul3A_1480, %select_n3A_509 : vector<16xf32>
      tpu.vector_store_idx %arg10[%add3A_1527], %mul3A_1528 masked %and3A_1464 {add = true} : memref<18688xf32, #tpu.memory_space<vmem>>[vector<16xi32>], vector<16xf32>, vector<16xi1>
      %add3A_1529 = arith.constant 11 : i32
      %add3A_1530 = vector.broadcast %add3A_1529 : i32 to vector<16xi32>
      %add3A_1531 = arith.addi %add3A_1484, %add3A_1530 : vector<16xi32>
      %mul3A_1532 = arith.mulf %mul3A_1480, %select_n3A_528 : vector<16xf32>
      tpu.vector_store_idx %arg10[%add3A_1531], %mul3A_1532 masked %and3A_1464 {add = true} : memref<18688xf32, #tpu.memory_space<vmem>>[vector<16xi32>], vector<16xf32>, vector<16xi1>
      %add3A_1533 = arith.constant 12 : i32
      %add3A_1534 = vector.broadcast %add3A_1533 : i32 to vector<16xi32>
      %add3A_1535 = arith.addi %add3A_1484, %add3A_1534 : vector<16xi32>
      %mul3A_1536 = arith.mulf %mul3A_1480, %select_n3A_547 : vector<16xf32>
      tpu.vector_store_idx %arg10[%add3A_1535], %mul3A_1536 masked %and3A_1464 {add = true} : memref<18688xf32, #tpu.memory_space<vmem>>[vector<16xi32>], vector<16xf32>, vector<16xi1>
      %add3A_1537 = arith.constant 12 : i32
      %add3A_1538 = vector.broadcast %add3A_1537 : i32 to vector<16xi32>
      %add3A_1539 = arith.addi %sub3A_553, %add3A_1538 : vector<16xi32>
      %ge3A_1540 = vector.broadcast %mul3A_32 : i32 to vector<16xi32>
      %ge3A_1541 = arith.cmpi sge, %add3A_1539, %ge3A_1540 : vector<16xi32>
      %add3A_1542 = arith.constant 48 : i32
      %add3A_1543 = arith.addi %mul3A_32, %add3A_1542 : i32
      %lt3A_1544 = vector.broadcast %add3A_1543 : i32 to vector<16xi32>
      %lt3A_1545 = arith.cmpi slt, %add3A_1539, %lt3A_1544 : vector<16xi32>
      %and3A_1546 = arith.andi %ge3A_1541, %lt3A_1545 : vector<16xi1>
      %sub3A_1547 = vector.broadcast %mul3A_32 : i32 to vector<16xi32>
      %sub3A_1548 = arith.subi %add3A_1539, %sub3A_1547 : vector<16xi32>
      %jit3A_1549 = arith.constant 0 : i32
      %broadcast_in_dim3A_1550 = vector.broadcast %jit3A_1549 : i32 to vector<16xi32>
      %select_n3A_1551 = arith.select %and3A_1546, %sub3A_1548, %broadcast_in_dim3A_1550 : vector<16xi1>, vector<16xi32>
      %convert_element_type3A_1552 = arith.sitofp %add3A_1539 : vector<16xi32> to vector<16xf32>
      %mul3A_1553 = arith.constant 0.0026109661 : f32
      %mul3A_1554 = vector.broadcast %mul3A_1553 : f32 to vector<16xf32>
      %mul3A_1555 = arith.mulf %convert_element_type3A_1552, %mul3A_1554 : vector<16xf32>
      %sub3A_1556 = arith.subf %mul3A_1555, %gather3A_286 : vector<16xf32>
      %mul3A_1557 = arith.mulf %sub3A_1556, %sub3A_1556 : vector<16xf32>
      %mul3A_1558 = arith.constant -2.000000e+04 : f32
      %mul3A_1559 = vector.broadcast %mul3A_1558 : f32 to vector<16xf32>
      %mul3A_1560 = arith.mulf %mul3A_1557, %mul3A_1559 : vector<16xf32>
      %exp3A_1561 = math.exp %mul3A_1560 : vector<16xf32>
      %mul3A_1562 = arith.mulf %select_n3A_290, %exp3A_1561 : vector<16xf32>
      %mul3A_1563 = arith.constant 384 : i32
      %mul3A_1564 = vector.broadcast %mul3A_1563 : i32 to vector<16xi32>
      %mul3A_1565 = arith.muli %select_n3A_1551, %mul3A_1564 : vector<16xi32>
      %add3A_1566 = arith.addi %mul3A_1565, %add3A_550 : vector<16xi32>
      %add3A_1567 = arith.constant 0 : i32
      %add3A_1568 = vector.broadcast %add3A_1567 : i32 to vector<16xi32>
      %add3A_1569 = arith.addi %add3A_1566, %add3A_1568 : vector<16xi32>
      %mul3A_1570 = arith.mulf %mul3A_1562, %select_n3A_319 : vector<16xf32>
      tpu.vector_store_idx %arg10[%add3A_1569], %mul3A_1570 masked %and3A_1546 {add = true} : memref<18688xf32, #tpu.memory_space<vmem>>[vector<16xi32>], vector<16xf32>, vector<16xi1>
      %add3A_1571 = arith.constant 1 : i32
      %add3A_1572 = vector.broadcast %add3A_1571 : i32 to vector<16xi32>
      %add3A_1573 = arith.addi %add3A_1566, %add3A_1572 : vector<16xi32>
      %mul3A_1574 = arith.mulf %mul3A_1562, %select_n3A_338 : vector<16xf32>
      tpu.vector_store_idx %arg10[%add3A_1573], %mul3A_1574 masked %and3A_1546 {add = true} : memref<18688xf32, #tpu.memory_space<vmem>>[vector<16xi32>], vector<16xf32>, vector<16xi1>
      %add3A_1575 = arith.constant 2 : i32
      %add3A_1576 = vector.broadcast %add3A_1575 : i32 to vector<16xi32>
      %add3A_1577 = arith.addi %add3A_1566, %add3A_1576 : vector<16xi32>
      %mul3A_1578 = arith.mulf %mul3A_1562, %select_n3A_357 : vector<16xf32>
      tpu.vector_store_idx %arg10[%add3A_1577], %mul3A_1578 masked %and3A_1546 {add = true} : memref<18688xf32, #tpu.memory_space<vmem>>[vector<16xi32>], vector<16xf32>, vector<16xi1>
      %add3A_1579 = arith.constant 3 : i32
      %add3A_1580 = vector.broadcast %add3A_1579 : i32 to vector<16xi32>
      %add3A_1581 = arith.addi %add3A_1566, %add3A_1580 : vector<16xi32>
      %mul3A_1582 = arith.mulf %mul3A_1562, %select_n3A_376 : vector<16xf32>
      tpu.vector_store_idx %arg10[%add3A_1581], %mul3A_1582 masked %and3A_1546 {add = true} : memref<18688xf32, #tpu.memory_space<vmem>>[vector<16xi32>], vector<16xf32>, vector<16xi1>
      %add3A_1583 = arith.constant 4 : i32
      %add3A_1584 = vector.broadcast %add3A_1583 : i32 to vector<16xi32>
      %add3A_1585 = arith.addi %add3A_1566, %add3A_1584 : vector<16xi32>
      %mul3A_1586 = arith.mulf %mul3A_1562, %select_n3A_395 : vector<16xf32>
      tpu.vector_store_idx %arg10[%add3A_1585], %mul3A_1586 masked %and3A_1546 {add = true} : memref<18688xf32, #tpu.memory_space<vmem>>[vector<16xi32>], vector<16xf32>, vector<16xi1>
      %add3A_1587 = arith.constant 5 : i32
      %add3A_1588 = vector.broadcast %add3A_1587 : i32 to vector<16xi32>
      %add3A_1589 = arith.addi %add3A_1566, %add3A_1588 : vector<16xi32>
      %mul3A_1590 = arith.mulf %mul3A_1562, %select_n3A_414 : vector<16xf32>
      tpu.vector_store_idx %arg10[%add3A_1589], %mul3A_1590 masked %and3A_1546 {add = true} : memref<18688xf32, #tpu.memory_space<vmem>>[vector<16xi32>], vector<16xf32>, vector<16xi1>
      %add3A_1591 = arith.constant 6 : i32
      %add3A_1592 = vector.broadcast %add3A_1591 : i32 to vector<16xi32>
      %add3A_1593 = arith.addi %add3A_1566, %add3A_1592 : vector<16xi32>
      %mul3A_1594 = arith.mulf %mul3A_1562, %select_n3A_433 : vector<16xf32>
      tpu.vector_store_idx %arg10[%add3A_1593], %mul3A_1594 masked %and3A_1546 {add = true} : memref<18688xf32, #tpu.memory_space<vmem>>[vector<16xi32>], vector<16xf32>, vector<16xi1>
      %add3A_1595 = arith.constant 7 : i32
      %add3A_1596 = vector.broadcast %add3A_1595 : i32 to vector<16xi32>
      %add3A_1597 = arith.addi %add3A_1566, %add3A_1596 : vector<16xi32>
      %mul3A_1598 = arith.mulf %mul3A_1562, %select_n3A_452 : vector<16xf32>
      tpu.vector_store_idx %arg10[%add3A_1597], %mul3A_1598 masked %and3A_1546 {add = true} : memref<18688xf32, #tpu.memory_space<vmem>>[vector<16xi32>], vector<16xf32>, vector<16xi1>
      %add3A_1599 = arith.constant 8 : i32
      %add3A_1600 = vector.broadcast %add3A_1599 : i32 to vector<16xi32>
      %add3A_1601 = arith.addi %add3A_1566, %add3A_1600 : vector<16xi32>
      %mul3A_1602 = arith.mulf %mul3A_1562, %select_n3A_471 : vector<16xf32>
      tpu.vector_store_idx %arg10[%add3A_1601], %mul3A_1602 masked %and3A_1546 {add = true} : memref<18688xf32, #tpu.memory_space<vmem>>[vector<16xi32>], vector<16xf32>, vector<16xi1>
      %add3A_1603 = arith.constant 9 : i32
      %add3A_1604 = vector.broadcast %add3A_1603 : i32 to vector<16xi32>
      %add3A_1605 = arith.addi %add3A_1566, %add3A_1604 : vector<16xi32>
      %mul3A_1606 = arith.mulf %mul3A_1562, %select_n3A_490 : vector<16xf32>
      tpu.vector_store_idx %arg10[%add3A_1605], %mul3A_1606 masked %and3A_1546 {add = true} : memref<18688xf32, #tpu.memory_space<vmem>>[vector<16xi32>], vector<16xf32>, vector<16xi1>
      %add3A_1607 = arith.constant 10 : i32
      %add3A_1608 = vector.broadcast %add3A_1607 : i32 to vector<16xi32>
      %add3A_1609 = arith.addi %add3A_1566, %add3A_1608 : vector<16xi32>
      %mul3A_1610 = arith.mulf %mul3A_1562, %select_n3A_509 : vector<16xf32>
      tpu.vector_store_idx %arg10[%add3A_1609], %mul3A_1610 masked %and3A_1546 {add = true} : memref<18688xf32, #tpu.memory_space<vmem>>[vector<16xi32>], vector<16xf32>, vector<16xi1>
      %add3A_1611 = arith.constant 11 : i32
      %add3A_1612 = vector.broadcast %add3A_1611 : i32 to vector<16xi32>
      %add3A_1613 = arith.addi %add3A_1566, %add3A_1612 : vector<16xi32>
      %mul3A_1614 = arith.mulf %mul3A_1562, %select_n3A_528 : vector<16xf32>
      tpu.vector_store_idx %arg10[%add3A_1613], %mul3A_1614 masked %and3A_1546 {add = true} : memref<18688xf32, #tpu.memory_space<vmem>>[vector<16xi32>], vector<16xf32>, vector<16xi1>
      %add3A_1615 = arith.constant 12 : i32
      %add3A_1616 = vector.broadcast %add3A_1615 : i32 to vector<16xi32>
      %add3A_1617 = arith.addi %add3A_1566, %add3A_1616 : vector<16xi32>
      %mul3A_1618 = arith.mulf %mul3A_1562, %select_n3A_547 : vector<16xf32>
      tpu.vector_store_idx %arg10[%add3A_1617], %mul3A_1618 masked %and3A_1546 {add = true} : memref<18688xf32, #tpu.memory_space<vmem>>[vector<16xi32>], vector<16xf32>, vector<16xi1>
    }
    %while3A_132 = arith.constant 1 : i32
    scf.for %while3A_274 = %while3A_130 to %while3A_126 step %while3A_132  : i32 {
      %mul3A_275 = arith.constant 16 : i32
      %mul3A_276 = arith.muli %while3A_274, %mul3A_275 : i32
      %add3A_277 = vector.broadcast %mul3A_276 : i32 to vector<16xi32>
      %add3A_278 = arith.addi %add3A_277, %iota3A : vector<16xi32>
      %lt3A_279 = vector.broadcast %reduce_max3A_95 : i32 to vector<16xi32>
      %lt3A_280 = arith.cmpi slt, %add3A_278, %lt3A_279 : vector<16xi32>
      %get3A_281 = arith.index_cast %mul3A_276 : i32 to index
      %get3A_282 = tpu.vector_load %arg9[%get3A_281] {strides = array<i32>} : memref<5008xi32, #tpu.memory_space<vmem>>, vector<16xi32>,
      %jit3A_283 = arith.constant 0 : i32
      %broadcast_in_dim3A_284 = vector.broadcast %jit3A_283 : i32 to vector<16xi32>
      %select_n3A_285 = arith.select %lt3A_280, %get3A_282, %broadcast_in_dim3A_284 : vector<16xi1>, vector<16xi32>
      %gather3A = tpu.vector_load_idx %arg6[%select_n3A_285] : memref<5000xf32, #tpu.memory_space<vmem>>[vector<16xi32>], vector<16xf32>,
      %gather3A_286 = tpu.vector_load_idx %arg7[%select_n3A_285] : memref<5000xf32, #tpu.memory_space<vmem>>[vector<16xi32>], vector<16xf32>,
      %gather3A_287 = tpu.vector_load_idx %arg8[%select_n3A_285] : memref<5000xf32, #tpu.memory_space<vmem>>[vector<16xi32>], vector<16xf32>,
      %jit3A_288 = arith.constant 0.000000e+00 : f32
      %broadcast_in_dim3A_289 = vector.broadcast %jit3A_288 : f32 to vector<16xf32>
      %select_n3A_290 = arith.select %lt3A_280, %gather3A_287, %broadcast_in_dim3A_289 : vector<16xi1>, vector<16xf32>
      %mul3A_291 = arith.constant 3.840000e+02 : f32
      %mul3A_292 = vector.broadcast %mul3A_291 : f32 to vector<16xf32>
      %mul3A_293 = arith.mulf %gather3A, %mul3A_292 : vector<16xf32>
      %convert_element_type3A_294 = arith.fptosi %mul3A_293 : vector<16xf32> to vector<16xi32>
      %mul3A_295 = arith.constant 3.840000e+02 : f32
      %mul3A_296 = vector.broadcast %mul3A_295 : f32 to vector<16xf32>
      %mul3A_297 = arith.mulf %gather3A_286, %mul3A_296 : vector<16xf32>
      %convert_element_type3A_298 = arith.fptosi %mul3A_297 : vector<16xf32> to vector<16xi32>
      %sub3A_299 = arith.constant 6 : i32
      %sub3A_300 = vector.broadcast %sub3A_299 : i32 to vector<16xi32>
      %sub3A_301 = arith.subi %convert_element_type3A_294, %sub3A_300 : vector<16xi32>
      %add3A_302 = arith.constant 0 : i32
      %add3A_303 = vector.broadcast %add3A_302 : i32 to vector<16xi32>
      %add3A_304 = arith.addi %sub3A_301, %add3A_303 : vector<16xi32>
      %lt3A_305 = arith.constant 384 : i32
      %lt3A_306 = vector.broadcast %lt3A_305 : i32 to vector<16xi32>
      %lt3A_307 = arith.cmpi ult, %add3A_304, %lt3A_306 : vector<16xi32>
      %convert_element_type3A_308 = arith.sitofp %add3A_304 : vector<16xi32> to vector<16xf32>
      %mul3A_309 = arith.constant 0.0026109661 : f32
      %mul3A_310 = vector.broadcast %mul3A_309 : f32 to vector<16xf32>
      %mul3A_311 = arith.mulf %convert_element_type3A_308, %mul3A_310 : vector<16xf32>
      %sub3A_312 = arith.subf %mul3A_311, %gather3A : vector<16xf32>
      %mul3A_313 = arith.mulf %sub3A_312, %sub3A_312 : vector<16xf32>
      %mul3A_314 = arith.constant -2.000000e+04 : f32
      %mul3A_315 = vector.broadcast %mul3A_314 : f32 to vector<16xf32>
      %mul3A_316 = arith.mulf %mul3A_313, %mul3A_315 : vector<16xf32>
      %exp3A = math.exp %mul3A_316 : vector<16xf32>
      %jit3A_317 = arith.constant 0.000000e+00 : f32
      %broadcast_in_dim3A_318 = vector.broadcast %jit3A_317 : f32 to vector<16xf32>
      %select_n3A_319 = arith.select %lt3A_307, %exp3A, %broadcast_in_dim3A_318 : vector<16xi1>, vector<16xf32>
      %add3A_320 = arith.constant 1 : i32
      %add3A_321 = vector.broadcast %add3A_320 : i32 to vector<16xi32>
      %add3A_322 = arith.addi %sub3A_301, %add3A_321 : vector<16xi32>
      %lt3A_323 = arith.constant 384 : i32
      %lt3A_324 = vector.broadcast %lt3A_323 : i32 to vector<16xi32>
      %lt3A_325 = arith.cmpi ult, %add3A_322, %lt3A_324 : vector<16xi32>
      %convert_element_type3A_326 = arith.sitofp %add3A_322 : vector<16xi32> to vector<16xf32>
      %mul3A_327 = arith.constant 0.0026109661 : f32
      %mul3A_328 = vector.broadcast %mul3A_327 : f32 to vector<16xf32>
      %mul3A_329 = arith.mulf %convert_element_type3A_326, %mul3A_328 : vector<16xf32>
      %sub3A_330 = arith.subf %mul3A_329, %gather3A : vector<16xf32>
      %mul3A_331 = arith.mulf %sub3A_330, %sub3A_330 : vector<16xf32>
      %mul3A_332 = arith.constant -2.000000e+04 : f32
      %mul3A_333 = vector.broadcast %mul3A_332 : f32 to vector<16xf32>
      %mul3A_334 = arith.mulf %mul3A_331, %mul3A_333 : vector<16xf32>
      %exp3A_335 = math.exp %mul3A_334 : vector<16xf32>
      %jit3A_336 = arith.constant 0.000000e+00 : f32
      %broadcast_in_dim3A_337 = vector.broadcast %jit3A_336 : f32 to vector<16xf32>
      %select_n3A_338 = arith.select %lt3A_325, %exp3A_335, %broadcast_in_dim3A_337 : vector<16xi1>, vector<16xf32>
      %add3A_339 = arith.constant 2 : i32
      %add3A_340 = vector.broadcast %add3A_339 : i32 to vector<16xi32>
      %add3A_341 = arith.addi %sub3A_301, %add3A_340 : vector<16xi32>
      %lt3A_342 = arith.constant 384 : i32
      %lt3A_343 = vector.broadcast %lt3A_342 : i32 to vector<16xi32>
      %lt3A_344 = arith.cmpi ult, %add3A_341, %lt3A_343 : vector<16xi32>
      %convert_element_type3A_345 = arith.sitofp %add3A_341 : vector<16xi32> to vector<16xf32>
      %mul3A_346 = arith.constant 0.0026109661 : f32
      %mul3A_347 = vector.broadcast %mul3A_346 : f32 to vector<16xf32>
      %mul3A_348 = arith.mulf %convert_element_type3A_345, %mul3A_347 : vector<16xf32>
      %sub3A_349 = arith.subf %mul3A_348, %gather3A : vector<16xf32>
      %mul3A_350 = arith.mulf %sub3A_349, %sub3A_349 : vector<16xf32>
      %mul3A_351 = arith.constant -2.000000e+04 : f32
      %mul3A_352 = vector.broadcast %mul3A_351 : f32 to vector<16xf32>
      %mul3A_353 = arith.mulf %mul3A_350, %mul3A_352 : vector<16xf32>
      %exp3A_354 = math.exp %mul3A_353 : vector<16xf32>
      %jit3A_355 = arith.constant 0.000000e+00 : f32
      %broadcast_in_dim3A_356 = vector.broadcast %jit3A_355 : f32 to vector<16xf32>
      %select_n3A_357 = arith.select %lt3A_344, %exp3A_354, %broadcast_in_dim3A_356 : vector<16xi1>, vector<16xf32>
      %add3A_358 = arith.constant 3 : i32
      %add3A_359 = vector.broadcast %add3A_358 : i32 to vector<16xi32>
      %add3A_360 = arith.addi %sub3A_301, %add3A_359 : vector<16xi32>
      %lt3A_361 = arith.constant 384 : i32
      %lt3A_362 = vector.broadcast %lt3A_361 : i32 to vector<16xi32>
      %lt3A_363 = arith.cmpi ult, %add3A_360, %lt3A_362 : vector<16xi32>
      %convert_element_type3A_364 = arith.sitofp %add3A_360 : vector<16xi32> to vector<16xf32>
      %mul3A_365 = arith.constant 0.0026109661 : f32
      %mul3A_366 = vector.broadcast %mul3A_365 : f32 to vector<16xf32>
      %mul3A_367 = arith.mulf %convert_element_type3A_364, %mul3A_366 : vector<16xf32>
      %sub3A_368 = arith.subf %mul3A_367, %gather3A : vector<16xf32>
      %mul3A_369 = arith.mulf %sub3A_368, %sub3A_368 : vector<16xf32>
      %mul3A_370 = arith.constant -2.000000e+04 : f32
      %mul3A_371 = vector.broadcast %mul3A_370 : f32 to vector<16xf32>
      %mul3A_372 = arith.mulf %mul3A_369, %mul3A_371 : vector<16xf32>
      %exp3A_373 = math.exp %mul3A_372 : vector<16xf32>
      %jit3A_374 = arith.constant 0.000000e+00 : f32
      %broadcast_in_dim3A_375 = vector.broadcast %jit3A_374 : f32 to vector<16xf32>
      %select_n3A_376 = arith.select %lt3A_363, %exp3A_373, %broadcast_in_dim3A_375 : vector<16xi1>, vector<16xf32>
      %add3A_377 = arith.constant 4 : i32
      %add3A_378 = vector.broadcast %add3A_377 : i32 to vector<16xi32>
      %add3A_379 = arith.addi %sub3A_301, %add3A_378 : vector<16xi32>
      %lt3A_380 = arith.constant 384 : i32
      %lt3A_381 = vector.broadcast %lt3A_380 : i32 to vector<16xi32>
      %lt3A_382 = arith.cmpi ult, %add3A_379, %lt3A_381 : vector<16xi32>
      %convert_element_type3A_383 = arith.sitofp %add3A_379 : vector<16xi32> to vector<16xf32>
      %mul3A_384 = arith.constant 0.0026109661 : f32
      %mul3A_385 = vector.broadcast %mul3A_384 : f32 to vector<16xf32>
      %mul3A_386 = arith.mulf %convert_element_type3A_383, %mul3A_385 : vector<16xf32>
      %sub3A_387 = arith.subf %mul3A_386, %gather3A : vector<16xf32>
      %mul3A_388 = arith.mulf %sub3A_387, %sub3A_387 : vector<16xf32>
      %mul3A_389 = arith.constant -2.000000e+04 : f32
      %mul3A_390 = vector.broadcast %mul3A_389 : f32 to vector<16xf32>
      %mul3A_391 = arith.mulf %mul3A_388, %mul3A_390 : vector<16xf32>
      %exp3A_392 = math.exp %mul3A_391 : vector<16xf32>
      %jit3A_393 = arith.constant 0.000000e+00 : f32
      %broadcast_in_dim3A_394 = vector.broadcast %jit3A_393 : f32 to vector<16xf32>
      %select_n3A_395 = arith.select %lt3A_382, %exp3A_392, %broadcast_in_dim3A_394 : vector<16xi1>, vector<16xf32>
      %add3A_396 = arith.constant 5 : i32
      %add3A_397 = vector.broadcast %add3A_396 : i32 to vector<16xi32>
      %add3A_398 = arith.addi %sub3A_301, %add3A_397 : vector<16xi32>
      %lt3A_399 = arith.constant 384 : i32
      %lt3A_400 = vector.broadcast %lt3A_399 : i32 to vector<16xi32>
      %lt3A_401 = arith.cmpi ult, %add3A_398, %lt3A_400 : vector<16xi32>
      %convert_element_type3A_402 = arith.sitofp %add3A_398 : vector<16xi32> to vector<16xf32>
      %mul3A_403 = arith.constant 0.0026109661 : f32
      %mul3A_404 = vector.broadcast %mul3A_403 : f32 to vector<16xf32>
      %mul3A_405 = arith.mulf %convert_element_type3A_402, %mul3A_404 : vector<16xf32>
      %sub3A_406 = arith.subf %mul3A_405, %gather3A : vector<16xf32>
      %mul3A_407 = arith.mulf %sub3A_406, %sub3A_406 : vector<16xf32>
      %mul3A_408 = arith.constant -2.000000e+04 : f32
      %mul3A_409 = vector.broadcast %mul3A_408 : f32 to vector<16xf32>
      %mul3A_410 = arith.mulf %mul3A_407, %mul3A_409 : vector<16xf32>
      %exp3A_411 = math.exp %mul3A_410 : vector<16xf32>
      %jit3A_412 = arith.constant 0.000000e+00 : f32
      %broadcast_in_dim3A_413 = vector.broadcast %jit3A_412 : f32 to vector<16xf32>
      %select_n3A_414 = arith.select %lt3A_401, %exp3A_411, %broadcast_in_dim3A_413 : vector<16xi1>, vector<16xf32>
      %add3A_415 = arith.constant 6 : i32
      %add3A_416 = vector.broadcast %add3A_415 : i32 to vector<16xi32>
      %add3A_417 = arith.addi %sub3A_301, %add3A_416 : vector<16xi32>
      %lt3A_418 = arith.constant 384 : i32
      %lt3A_419 = vector.broadcast %lt3A_418 : i32 to vector<16xi32>
      %lt3A_420 = arith.cmpi ult, %add3A_417, %lt3A_419 : vector<16xi32>
      %convert_element_type3A_421 = arith.sitofp %add3A_417 : vector<16xi32> to vector<16xf32>
      %mul3A_422 = arith.constant 0.0026109661 : f32
      %mul3A_423 = vector.broadcast %mul3A_422 : f32 to vector<16xf32>
      %mul3A_424 = arith.mulf %convert_element_type3A_421, %mul3A_423 : vector<16xf32>
      %sub3A_425 = arith.subf %mul3A_424, %gather3A : vector<16xf32>
      %mul3A_426 = arith.mulf %sub3A_425, %sub3A_425 : vector<16xf32>
      %mul3A_427 = arith.constant -2.000000e+04 : f32
      %mul3A_428 = vector.broadcast %mul3A_427 : f32 to vector<16xf32>
      %mul3A_429 = arith.mulf %mul3A_426, %mul3A_428 : vector<16xf32>
      %exp3A_430 = math.exp %mul3A_429 : vector<16xf32>
      %jit3A_431 = arith.constant 0.000000e+00 : f32
      %broadcast_in_dim3A_432 = vector.broadcast %jit3A_431 : f32 to vector<16xf32>
      %select_n3A_433 = arith.select %lt3A_420, %exp3A_430, %broadcast_in_dim3A_432 : vector<16xi1>, vector<16xf32>
      %add3A_434 = arith.constant 7 : i32
      %add3A_435 = vector.broadcast %add3A_434 : i32 to vector<16xi32>
      %add3A_436 = arith.addi %sub3A_301, %add3A_435 : vector<16xi32>
      %lt3A_437 = arith.constant 384 : i32
      %lt3A_438 = vector.broadcast %lt3A_437 : i32 to vector<16xi32>
      %lt3A_439 = arith.cmpi ult, %add3A_436, %lt3A_438 : vector<16xi32>
      %convert_element_type3A_440 = arith.sitofp %add3A_436 : vector<16xi32> to vector<16xf32>
      %mul3A_441 = arith.constant 0.0026109661 : f32
      %mul3A_442 = vector.broadcast %mul3A_441 : f32 to vector<16xf32>
      %mul3A_443 = arith.mulf %convert_element_type3A_440, %mul3A_442 : vector<16xf32>
      %sub3A_444 = arith.subf %mul3A_443, %gather3A : vector<16xf32>
      %mul3A_445 = arith.mulf %sub3A_444, %sub3A_444 : vector<16xf32>
      %mul3A_446 = arith.constant -2.000000e+04 : f32
      %mul3A_447 = vector.broadcast %mul3A_446 : f32 to vector<16xf32>
      %mul3A_448 = arith.mulf %mul3A_445, %mul3A_447 : vector<16xf32>
      %exp3A_449 = math.exp %mul3A_448 : vector<16xf32>
      %jit3A_450 = arith.constant 0.000000e+00 : f32
      %broadcast_in_dim3A_451 = vector.broadcast %jit3A_450 : f32 to vector<16xf32>
      %select_n3A_452 = arith.select %lt3A_439, %exp3A_449, %broadcast_in_dim3A_451 : vector<16xi1>, vector<16xf32>
      %add3A_453 = arith.constant 8 : i32
      %add3A_454 = vector.broadcast %add3A_453 : i32 to vector<16xi32>
      %add3A_455 = arith.addi %sub3A_301, %add3A_454 : vector<16xi32>
      %lt3A_456 = arith.constant 384 : i32
      %lt3A_457 = vector.broadcast %lt3A_456 : i32 to vector<16xi32>
      %lt3A_458 = arith.cmpi ult, %add3A_455, %lt3A_457 : vector<16xi32>
      %convert_element_type3A_459 = arith.sitofp %add3A_455 : vector<16xi32> to vector<16xf32>
      %mul3A_460 = arith.constant 0.0026109661 : f32
      %mul3A_461 = vector.broadcast %mul3A_460 : f32 to vector<16xf32>
      %mul3A_462 = arith.mulf %convert_element_type3A_459, %mul3A_461 : vector<16xf32>
      %sub3A_463 = arith.subf %mul3A_462, %gather3A : vector<16xf32>
      %mul3A_464 = arith.mulf %sub3A_463, %sub3A_463 : vector<16xf32>
      %mul3A_465 = arith.constant -2.000000e+04 : f32
      %mul3A_466 = vector.broadcast %mul3A_465 : f32 to vector<16xf32>
      %mul3A_467 = arith.mulf %mul3A_464, %mul3A_466 : vector<16xf32>
      %exp3A_468 = math.exp %mul3A_467 : vector<16xf32>
      %jit3A_469 = arith.constant 0.000000e+00 : f32
      %broadcast_in_dim3A_470 = vector.broadcast %jit3A_469 : f32 to vector<16xf32>
      %select_n3A_471 = arith.select %lt3A_458, %exp3A_468, %broadcast_in_dim3A_470 : vector<16xi1>, vector<16xf32>
      %add3A_472 = arith.constant 9 : i32
      %add3A_473 = vector.broadcast %add3A_472 : i32 to vector<16xi32>
      %add3A_474 = arith.addi %sub3A_301, %add3A_473 : vector<16xi32>
      %lt3A_475 = arith.constant 384 : i32
      %lt3A_476 = vector.broadcast %lt3A_475 : i32 to vector<16xi32>
      %lt3A_477 = arith.cmpi ult, %add3A_474, %lt3A_476 : vector<16xi32>
      %convert_element_type3A_478 = arith.sitofp %add3A_474 : vector<16xi32> to vector<16xf32>
      %mul3A_479 = arith.constant 0.0026109661 : f32
      %mul3A_480 = vector.broadcast %mul3A_479 : f32 to vector<16xf32>
      %mul3A_481 = arith.mulf %convert_element_type3A_478, %mul3A_480 : vector<16xf32>
      %sub3A_482 = arith.subf %mul3A_481, %gather3A : vector<16xf32>
      %mul3A_483 = arith.mulf %sub3A_482, %sub3A_482 : vector<16xf32>
      %mul3A_484 = arith.constant -2.000000e+04 : f32
      %mul3A_485 = vector.broadcast %mul3A_484 : f32 to vector<16xf32>
      %mul3A_486 = arith.mulf %mul3A_483, %mul3A_485 : vector<16xf32>
      %exp3A_487 = math.exp %mul3A_486 : vector<16xf32>
      %jit3A_488 = arith.constant 0.000000e+00 : f32
      %broadcast_in_dim3A_489 = vector.broadcast %jit3A_488 : f32 to vector<16xf32>
      %select_n3A_490 = arith.select %lt3A_477, %exp3A_487, %broadcast_in_dim3A_489 : vector<16xi1>, vector<16xf32>
      %add3A_491 = arith.constant 10 : i32
      %add3A_492 = vector.broadcast %add3A_491 : i32 to vector<16xi32>
      %add3A_493 = arith.addi %sub3A_301, %add3A_492 : vector<16xi32>
      %lt3A_494 = arith.constant 384 : i32
      %lt3A_495 = vector.broadcast %lt3A_494 : i32 to vector<16xi32>
      %lt3A_496 = arith.cmpi ult, %add3A_493, %lt3A_495 : vector<16xi32>
      %convert_element_type3A_497 = arith.sitofp %add3A_493 : vector<16xi32> to vector<16xf32>
      %mul3A_498 = arith.constant 0.0026109661 : f32
      %mul3A_499 = vector.broadcast %mul3A_498 : f32 to vector<16xf32>
      %mul3A_500 = arith.mulf %convert_element_type3A_497, %mul3A_499 : vector<16xf32>
      %sub3A_501 = arith.subf %mul3A_500, %gather3A : vector<16xf32>
      %mul3A_502 = arith.mulf %sub3A_501, %sub3A_501 : vector<16xf32>
      %mul3A_503 = arith.constant -2.000000e+04 : f32
      %mul3A_504 = vector.broadcast %mul3A_503 : f32 to vector<16xf32>
      %mul3A_505 = arith.mulf %mul3A_502, %mul3A_504 : vector<16xf32>
      %exp3A_506 = math.exp %mul3A_505 : vector<16xf32>
      %jit3A_507 = arith.constant 0.000000e+00 : f32
      %broadcast_in_dim3A_508 = vector.broadcast %jit3A_507 : f32 to vector<16xf32>
      %select_n3A_509 = arith.select %lt3A_496, %exp3A_506, %broadcast_in_dim3A_508 : vector<16xi1>, vector<16xf32>
      %add3A_510 = arith.constant 11 : i32
      %add3A_511 = vector.broadcast %add3A_510 : i32 to vector<16xi32>
      %add3A_512 = arith.addi %sub3A_301, %add3A_511 : vector<16xi32>
      %lt3A_513 = arith.constant 384 : i32
      %lt3A_514 = vector.broadcast %lt3A_513 : i32 to vector<16xi32>
      %lt3A_515 = arith.cmpi ult, %add3A_512, %lt3A_514 : vector<16xi32>
      %convert_element_type3A_516 = arith.sitofp %add3A_512 : vector<16xi32> to vector<16xf32>
      %mul3A_517 = arith.constant 0.0026109661 : f32
      %mul3A_518 = vector.broadcast %mul3A_517 : f32 to vector<16xf32>
      %mul3A_519 = arith.mulf %convert_element_type3A_516, %mul3A_518 : vector<16xf32>
      %sub3A_520 = arith.subf %mul3A_519, %gather3A : vector<16xf32>
      %mul3A_521 = arith.mulf %sub3A_520, %sub3A_520 : vector<16xf32>
      %mul3A_522 = arith.constant -2.000000e+04 : f32
      %mul3A_523 = vector.broadcast %mul3A_522 : f32 to vector<16xf32>
      %mul3A_524 = arith.mulf %mul3A_521, %mul3A_523 : vector<16xf32>
      %exp3A_525 = math.exp %mul3A_524 : vector<16xf32>
      %jit3A_526 = arith.constant 0.000000e+00 : f32
      %broadcast_in_dim3A_527 = vector.broadcast %jit3A_526 : f32 to vector<16xf32>
      %select_n3A_528 = arith.select %lt3A_515, %exp3A_525, %broadcast_in_dim3A_527 : vector<16xi1>, vector<16xf32>
      %add3A_529 = arith.constant 12 : i32
      %add3A_530 = vector.broadcast %add3A_529 : i32 to vector<16xi32>
      %add3A_531 = arith.addi %sub3A_301, %add3A_530 : vector<16xi32>
      %lt3A_532 = arith.constant 384 : i32
      %lt3A_533 = vector.broadcast %lt3A_532 : i32 to vector<16xi32>
      %lt3A_534 = arith.cmpi ult, %add3A_531, %lt3A_533 : vector<16xi32>
      %convert_element_type3A_535 = arith.sitofp %add3A_531 : vector<16xi32> to vector<16xf32>
      %mul3A_536 = arith.constant 0.0026109661 : f32
      %mul3A_537 = vector.broadcast %mul3A_536 : f32 to vector<16xf32>
      %mul3A_538 = arith.mulf %convert_element_type3A_535, %mul3A_537 : vector<16xf32>
      %sub3A_539 = arith.subf %mul3A_538, %gather3A : vector<16xf32>
      %mul3A_540 = arith.mulf %sub3A_539, %sub3A_539 : vector<16xf32>
      %mul3A_541 = arith.constant -2.000000e+04 : f32
      %mul3A_542 = vector.broadcast %mul3A_541 : f32 to vector<16xf32>
      %mul3A_543 = arith.mulf %mul3A_540, %mul3A_542 : vector<16xf32>
      %exp3A_544 = math.exp %mul3A_543 : vector<16xf32>
      %jit3A_545 = arith.constant 0.000000e+00 : f32
      %broadcast_in_dim3A_546 = vector.broadcast %jit3A_545 : f32 to vector<16xf32>
      %select_n3A_547 = arith.select %lt3A_534, %exp3A_544, %broadcast_in_dim3A_546 : vector<16xi1>, vector<16xf32>
      %add3A_548 = arith.constant 128 : i32
      %add3A_549 = vector.broadcast %add3A_548 : i32 to vector<16xi32>
      %add3A_550 = arith.addi %sub3A_301, %add3A_549 : vector<16xi32>
      %sub3A_551 = arith.constant 6 : i32
      %sub3A_552 = vector.broadcast %sub3A_551 : i32 to vector<16xi32>
      %sub3A_553 = arith.subi %convert_element_type3A_298, %sub3A_552 : vector<16xi32>
      %add3A_554 = arith.constant 0 : i32
      %add3A_555 = vector.broadcast %add3A_554 : i32 to vector<16xi32>
      %add3A_556 = arith.addi %sub3A_553, %add3A_555 : vector<16xi32>
      %ge3A = vector.broadcast %mul3A_32 : i32 to vector<16xi32>
      %ge3A_557 = arith.cmpi sge, %add3A_556, %ge3A : vector<16xi32>
      %add3A_558 = arith.constant 48 : i32
      %add3A_559 = arith.addi %mul3A_32, %add3A_558 : i32
      %lt3A_560 = vector.broadcast %add3A_559 : i32 to vector<16xi32>
      %lt3A_561 = arith.cmpi slt, %add3A_556, %lt3A_560 : vector<16xi32>
      %and3A_562 = arith.andi %ge3A_557, %lt3A_561 : vector<16xi1>
      %sub3A_563 = vector.broadcast %mul3A_32 : i32 to vector<16xi32>
      %sub3A_564 = arith.subi %add3A_556, %sub3A_563 : vector<16xi32>
      %jit3A_565 = arith.constant 0 : i32
      %broadcast_in_dim3A_566 = vector.broadcast %jit3A_565 : i32 to vector<16xi32>
      %select_n3A_567 = arith.select %and3A_562, %sub3A_564, %broadcast_in_dim3A_566 : vector<16xi1>, vector<16xi32>
      %convert_element_type3A_568 = arith.sitofp %add3A_556 : vector<16xi32> to vector<16xf32>
      %mul3A_569 = arith.constant 0.0026109661 : f32
      %mul3A_570 = vector.broadcast %mul3A_569 : f32 to vector<16xf32>
      %mul3A_571 = arith.mulf %convert_element_type3A_568, %mul3A_570 : vector<16xf32>
      %sub3A_572 = arith.subf %mul3A_571, %gather3A_286 : vector<16xf32>
      %mul3A_573 = arith.mulf %sub3A_572, %sub3A_572 : vector<16xf32>
      %mul3A_574 = arith.constant -2.000000e+04 : f32
      %mul3A_575 = vector.broadcast %mul3A_574 : f32 to vector<16xf32>
      %mul3A_576 = arith.mulf %mul3A_573, %mul3A_575 : vector<16xf32>
      %exp3A_577 = math.exp %mul3A_576 : vector<16xf32>
      %mul3A_578 = arith.mulf %select_n3A_290, %exp3A_577 : vector<16xf32>
      %mul3A_579 = arith.constant 384 : i32
      %mul3A_580 = vector.broadcast %mul3A_579 : i32 to vector<16xi32>
      %mul3A_581 = arith.muli %select_n3A_567, %mul3A_580 : vector<16xi32>
      %add3A_582 = arith.addi %mul3A_581, %add3A_550 : vector<16xi32>
      %add3A_583 = arith.constant 0 : i32
      %add3A_584 = vector.broadcast %add3A_583 : i32 to vector<16xi32>
      %add3A_585 = arith.addi %add3A_582, %add3A_584 : vector<16xi32>
      %mul3A_586 = arith.mulf %mul3A_578, %select_n3A_319 : vector<16xf32>
      tpu.vector_store_idx %arg10[%add3A_585], %mul3A_586 masked %and3A_562 {add = true} : memref<18688xf32, #tpu.memory_space<vmem>>[vector<16xi32>], vector<16xf32>, vector<16xi1>
      %add3A_587 = arith.constant 1 : i32
      %add3A_588 = vector.broadcast %add3A_587 : i32 to vector<16xi32>
      %add3A_589 = arith.addi %add3A_582, %add3A_588 : vector<16xi32>
      %mul3A_590 = arith.mulf %mul3A_578, %select_n3A_338 : vector<16xf32>
      tpu.vector_store_idx %arg10[%add3A_589], %mul3A_590 masked %and3A_562 {add = true} : memref<18688xf32, #tpu.memory_space<vmem>>[vector<16xi32>], vector<16xf32>, vector<16xi1>
      %add3A_591 = arith.constant 2 : i32
      %add3A_592 = vector.broadcast %add3A_591 : i32 to vector<16xi32>
      %add3A_593 = arith.addi %add3A_582, %add3A_592 : vector<16xi32>
      %mul3A_594 = arith.mulf %mul3A_578, %select_n3A_357 : vector<16xf32>
      tpu.vector_store_idx %arg10[%add3A_593], %mul3A_594 masked %and3A_562 {add = true} : memref<18688xf32, #tpu.memory_space<vmem>>[vector<16xi32>], vector<16xf32>, vector<16xi1>
      %add3A_595 = arith.constant 3 : i32
      %add3A_596 = vector.broadcast %add3A_595 : i32 to vector<16xi32>
      %add3A_597 = arith.addi %add3A_582, %add3A_596 : vector<16xi32>
      %mul3A_598 = arith.mulf %mul3A_578, %select_n3A_376 : vector<16xf32>
      tpu.vector_store_idx %arg10[%add3A_597], %mul3A_598 masked %and3A_562 {add = true} : memref<18688xf32, #tpu.memory_space<vmem>>[vector<16xi32>], vector<16xf32>, vector<16xi1>
      %add3A_599 = arith.constant 4 : i32
      %add3A_600 = vector.broadcast %add3A_599 : i32 to vector<16xi32>
      %add3A_601 = arith.addi %add3A_582, %add3A_600 : vector<16xi32>
      %mul3A_602 = arith.mulf %mul3A_578, %select_n3A_395 : vector<16xf32>
      tpu.vector_store_idx %arg10[%add3A_601], %mul3A_602 masked %and3A_562 {add = true} : memref<18688xf32, #tpu.memory_space<vmem>>[vector<16xi32>], vector<16xf32>, vector<16xi1>
      %add3A_603 = arith.constant 5 : i32
      %add3A_604 = vector.broadcast %add3A_603 : i32 to vector<16xi32>
      %add3A_605 = arith.addi %add3A_582, %add3A_604 : vector<16xi32>
      %mul3A_606 = arith.mulf %mul3A_578, %select_n3A_414 : vector<16xf32>
      tpu.vector_store_idx %arg10[%add3A_605], %mul3A_606 masked %and3A_562 {add = true} : memref<18688xf32, #tpu.memory_space<vmem>>[vector<16xi32>], vector<16xf32>, vector<16xi1>
      %add3A_607 = arith.constant 6 : i32
      %add3A_608 = vector.broadcast %add3A_607 : i32 to vector<16xi32>
      %add3A_609 = arith.addi %add3A_582, %add3A_608 : vector<16xi32>
      %mul3A_610 = arith.mulf %mul3A_578, %select_n3A_433 : vector<16xf32>
      tpu.vector_store_idx %arg10[%add3A_609], %mul3A_610 masked %and3A_562 {add = true} : memref<18688xf32, #tpu.memory_space<vmem>>[vector<16xi32>], vector<16xf32>, vector<16xi1>
      %add3A_611 = arith.constant 7 : i32
      %add3A_612 = vector.broadcast %add3A_611 : i32 to vector<16xi32>
      %add3A_613 = arith.addi %add3A_582, %add3A_612 : vector<16xi32>
      %mul3A_614 = arith.mulf %mul3A_578, %select_n3A_452 : vector<16xf32>
      tpu.vector_store_idx %arg10[%add3A_613], %mul3A_614 masked %and3A_562 {add = true} : memref<18688xf32, #tpu.memory_space<vmem>>[vector<16xi32>], vector<16xf32>, vector<16xi1>
      %add3A_615 = arith.constant 8 : i32
      %add3A_616 = vector.broadcast %add3A_615 : i32 to vector<16xi32>
      %add3A_617 = arith.addi %add3A_582, %add3A_616 : vector<16xi32>
      %mul3A_618 = arith.mulf %mul3A_578, %select_n3A_471 : vector<16xf32>
      tpu.vector_store_idx %arg10[%add3A_617], %mul3A_618 masked %and3A_562 {add = true} : memref<18688xf32, #tpu.memory_space<vmem>>[vector<16xi32>], vector<16xf32>, vector<16xi1>
      %add3A_619 = arith.constant 9 : i32
      %add3A_620 = vector.broadcast %add3A_619 : i32 to vector<16xi32>
      %add3A_621 = arith.addi %add3A_582, %add3A_620 : vector<16xi32>
      %mul3A_622 = arith.mulf %mul3A_578, %select_n3A_490 : vector<16xf32>
      tpu.vector_store_idx %arg10[%add3A_621], %mul3A_622 masked %and3A_562 {add = true} : memref<18688xf32, #tpu.memory_space<vmem>>[vector<16xi32>], vector<16xf32>, vector<16xi1>
      %add3A_623 = arith.constant 10 : i32
      %add3A_624 = vector.broadcast %add3A_623 : i32 to vector<16xi32>
      %add3A_625 = arith.addi %add3A_582, %add3A_624 : vector<16xi32>
      %mul3A_626 = arith.mulf %mul3A_578, %select_n3A_509 : vector<16xf32>
      tpu.vector_store_idx %arg10[%add3A_625], %mul3A_626 masked %and3A_562 {add = true} : memref<18688xf32, #tpu.memory_space<vmem>>[vector<16xi32>], vector<16xf32>, vector<16xi1>
      %add3A_627 = arith.constant 11 : i32
      %add3A_628 = vector.broadcast %add3A_627 : i32 to vector<16xi32>
      %add3A_629 = arith.addi %add3A_582, %add3A_628 : vector<16xi32>
      %mul3A_630 = arith.mulf %mul3A_578, %select_n3A_528 : vector<16xf32>
      tpu.vector_store_idx %arg10[%add3A_629], %mul3A_630 masked %and3A_562 {add = true} : memref<18688xf32, #tpu.memory_space<vmem>>[vector<16xi32>], vector<16xf32>, vector<16xi1>
      %add3A_631 = arith.constant 12 : i32
      %add3A_632 = vector.broadcast %add3A_631 : i32 to vector<16xi32>
      %add3A_633 = arith.addi %add3A_582, %add3A_632 : vector<16xi32>
      %mul3A_634 = arith.mulf %mul3A_578, %select_n3A_547 : vector<16xf32>
      tpu.vector_store_idx %arg10[%add3A_633], %mul3A_634 masked %and3A_562 {add = true} : memref<18688xf32, #tpu.memory_space<vmem>>[vector<16xi32>], vector<16xf32>, vector<16xi1>
      %add3A_635 = arith.constant 1 : i32
      %add3A_636 = vector.broadcast %add3A_635 : i32 to vector<16xi32>
      %add3A_637 = arith.addi %sub3A_553, %add3A_636 : vector<16xi32>
      %ge3A_638 = vector.broadcast %mul3A_32 : i32 to vector<16xi32>
      %ge3A_639 = arith.cmpi sge, %add3A_637, %ge3A_638 : vector<16xi32>
      %add3A_640 = arith.constant 48 : i32
      %add3A_641 = arith.addi %mul3A_32, %add3A_640 : i32
      %lt3A_642 = vector.broadcast %add3A_641 : i32 to vector<16xi32>
      %lt3A_643 = arith.cmpi slt, %add3A_637, %lt3A_642 : vector<16xi32>
      %and3A_644 = arith.andi %ge3A_639, %lt3A_643 : vector<16xi1>
      %sub3A_645 = vector.broadcast %mul3A_32 : i32 to vector<16xi32>
      %sub3A_646 = arith.subi %add3A_637, %sub3A_645 : vector<16xi32>
      %jit3A_647 = arith.constant 0 : i32
      %broadcast_in_dim3A_648 = vector.broadcast %jit3A_647 : i32 to vector<16xi32>
      %select_n3A_649 = arith.select %and3A_644, %sub3A_646, %broadcast_in_dim3A_648 : vector<16xi1>, vector<16xi32>
      %convert_element_type3A_650 = arith.sitofp %add3A_637 : vector<16xi32> to vector<16xf32>
      %mul3A_651 = arith.constant 0.0026109661 : f32
      %mul3A_652 = vector.broadcast %mul3A_651 : f32 to vector<16xf32>
      %mul3A_653 = arith.mulf %convert_element_type3A_650, %mul3A_652 : vector<16xf32>
      %sub3A_654 = arith.subf %mul3A_653, %gather3A_286 : vector<16xf32>
      %mul3A_655 = arith.mulf %sub3A_654, %sub3A_654 : vector<16xf32>
      %mul3A_656 = arith.constant -2.000000e+04 : f32
      %mul3A_657 = vector.broadcast %mul3A_656 : f32 to vector<16xf32>
      %mul3A_658 = arith.mulf %mul3A_655, %mul3A_657 : vector<16xf32>
      %exp3A_659 = math.exp %mul3A_658 : vector<16xf32>
      %mul3A_660 = arith.mulf %select_n3A_290, %exp3A_659 : vector<16xf32>
      %mul3A_661 = arith.constant 384 : i32
      %mul3A_662 = vector.broadcast %mul3A_661 : i32 to vector<16xi32>
      %mul3A_663 = arith.muli %select_n3A_649, %mul3A_662 : vector<16xi32>
      %add3A_664 = arith.addi %mul3A_663, %add3A_550 : vector<16xi32>
      %add3A_665 = arith.constant 0 : i32
      %add3A_666 = vector.broadcast %add3A_665 : i32 to vector<16xi32>
      %add3A_667 = arith.addi %add3A_664, %add3A_666 : vector<16xi32>
      %mul3A_668 = arith.mulf %mul3A_660, %select_n3A_319 : vector<16xf32>
      tpu.vector_store_idx %arg10[%add3A_667], %mul3A_668 masked %and3A_644 {add = true} : memref<18688xf32, #tpu.memory_space<vmem>>[vector<16xi32>], vector<16xf32>, vector<16xi1>
      %add3A_669 = arith.constant 1 : i32
      %add3A_670 = vector.broadcast %add3A_669 : i32 to vector<16xi32>
      %add3A_671 = arith.addi %add3A_664, %add3A_670 : vector<16xi32>
      %mul3A_672 = arith.mulf %mul3A_660, %select_n3A_338 : vector<16xf32>
      tpu.vector_store_idx %arg10[%add3A_671], %mul3A_672 masked %and3A_644 {add = true} : memref<18688xf32, #tpu.memory_space<vmem>>[vector<16xi32>], vector<16xf32>, vector<16xi1>
      %add3A_673 = arith.constant 2 : i32
      %add3A_674 = vector.broadcast %add3A_673 : i32 to vector<16xi32>
      %add3A_675 = arith.addi %add3A_664, %add3A_674 : vector<16xi32>
      %mul3A_676 = arith.mulf %mul3A_660, %select_n3A_357 : vector<16xf32>
      tpu.vector_store_idx %arg10[%add3A_675], %mul3A_676 masked %and3A_644 {add = true} : memref<18688xf32, #tpu.memory_space<vmem>>[vector<16xi32>], vector<16xf32>, vector<16xi1>
      %add3A_677 = arith.constant 3 : i32
      %add3A_678 = vector.broadcast %add3A_677 : i32 to vector<16xi32>
      %add3A_679 = arith.addi %add3A_664, %add3A_678 : vector<16xi32>
      %mul3A_680 = arith.mulf %mul3A_660, %select_n3A_376 : vector<16xf32>
      tpu.vector_store_idx %arg10[%add3A_679], %mul3A_680 masked %and3A_644 {add = true} : memref<18688xf32, #tpu.memory_space<vmem>>[vector<16xi32>], vector<16xf32>, vector<16xi1>
      %add3A_681 = arith.constant 4 : i32
      %add3A_682 = vector.broadcast %add3A_681 : i32 to vector<16xi32>
      %add3A_683 = arith.addi %add3A_664, %add3A_682 : vector<16xi32>
      %mul3A_684 = arith.mulf %mul3A_660, %select_n3A_395 : vector<16xf32>
      tpu.vector_store_idx %arg10[%add3A_683], %mul3A_684 masked %and3A_644 {add = true} : memref<18688xf32, #tpu.memory_space<vmem>>[vector<16xi32>], vector<16xf32>, vector<16xi1>
      %add3A_685 = arith.constant 5 : i32
      %add3A_686 = vector.broadcast %add3A_685 : i32 to vector<16xi32>
      %add3A_687 = arith.addi %add3A_664, %add3A_686 : vector<16xi32>
      %mul3A_688 = arith.mulf %mul3A_660, %select_n3A_414 : vector<16xf32>
      tpu.vector_store_idx %arg10[%add3A_687], %mul3A_688 masked %and3A_644 {add = true} : memref<18688xf32, #tpu.memory_space<vmem>>[vector<16xi32>], vector<16xf32>, vector<16xi1>
      %add3A_689 = arith.constant 6 : i32
      %add3A_690 = vector.broadcast %add3A_689 : i32 to vector<16xi32>
      %add3A_691 = arith.addi %add3A_664, %add3A_690 : vector<16xi32>
      %mul3A_692 = arith.mulf %mul3A_660, %select_n3A_433 : vector<16xf32>
      tpu.vector_store_idx %arg10[%add3A_691], %mul3A_692 masked %and3A_644 {add = true} : memref<18688xf32, #tpu.memory_space<vmem>>[vector<16xi32>], vector<16xf32>, vector<16xi1>
      %add3A_693 = arith.constant 7 : i32
      %add3A_694 = vector.broadcast %add3A_693 : i32 to vector<16xi32>
      %add3A_695 = arith.addi %add3A_664, %add3A_694 : vector<16xi32>
      %mul3A_696 = arith.mulf %mul3A_660, %select_n3A_452 : vector<16xf32>
      tpu.vector_store_idx %arg10[%add3A_695], %mul3A_696 masked %and3A_644 {add = true} : memref<18688xf32, #tpu.memory_space<vmem>>[vector<16xi32>], vector<16xf32>, vector<16xi1>
      %add3A_697 = arith.constant 8 : i32
      %add3A_698 = vector.broadcast %add3A_697 : i32 to vector<16xi32>
      %add3A_699 = arith.addi %add3A_664, %add3A_698 : vector<16xi32>
      %mul3A_700 = arith.mulf %mul3A_660, %select_n3A_471 : vector<16xf32>
      tpu.vector_store_idx %arg10[%add3A_699], %mul3A_700 masked %and3A_644 {add = true} : memref<18688xf32, #tpu.memory_space<vmem>>[vector<16xi32>], vector<16xf32>, vector<16xi1>
      %add3A_701 = arith.constant 9 : i32
      %add3A_702 = vector.broadcast %add3A_701 : i32 to vector<16xi32>
      %add3A_703 = arith.addi %add3A_664, %add3A_702 : vector<16xi32>
      %mul3A_704 = arith.mulf %mul3A_660, %select_n3A_490 : vector<16xf32>
      tpu.vector_store_idx %arg10[%add3A_703], %mul3A_704 masked %and3A_644 {add = true} : memref<18688xf32, #tpu.memory_space<vmem>>[vector<16xi32>], vector<16xf32>, vector<16xi1>
      %add3A_705 = arith.constant 10 : i32
      %add3A_706 = vector.broadcast %add3A_705 : i32 to vector<16xi32>
      %add3A_707 = arith.addi %add3A_664, %add3A_706 : vector<16xi32>
      %mul3A_708 = arith.mulf %mul3A_660, %select_n3A_509 : vector<16xf32>
      tpu.vector_store_idx %arg10[%add3A_707], %mul3A_708 masked %and3A_644 {add = true} : memref<18688xf32, #tpu.memory_space<vmem>>[vector<16xi32>], vector<16xf32>, vector<16xi1>
      %add3A_709 = arith.constant 11 : i32
      %add3A_710 = vector.broadcast %add3A_709 : i32 to vector<16xi32>
      %add3A_711 = arith.addi %add3A_664, %add3A_710 : vector<16xi32>
      %mul3A_712 = arith.mulf %mul3A_660, %select_n3A_528 : vector<16xf32>
      tpu.vector_store_idx %arg10[%add3A_711], %mul3A_712 masked %and3A_644 {add = true} : memref<18688xf32, #tpu.memory_space<vmem>>[vector<16xi32>], vector<16xf32>, vector<16xi1>
      %add3A_713 = arith.constant 12 : i32
      %add3A_714 = vector.broadcast %add3A_713 : i32 to vector<16xi32>
      %add3A_715 = arith.addi %add3A_664, %add3A_714 : vector<16xi32>
      %mul3A_716 = arith.mulf %mul3A_660, %select_n3A_547 : vector<16xf32>
      tpu.vector_store_idx %arg10[%add3A_715], %mul3A_716 masked %and3A_644 {add = true} : memref<18688xf32, #tpu.memory_space<vmem>>[vector<16xi32>], vector<16xf32>, vector<16xi1>
      %add3A_717 = arith.constant 2 : i32
      %add3A_718 = vector.broadcast %add3A_717 : i32 to vector<16xi32>
      %add3A_719 = arith.addi %sub3A_553, %add3A_718 : vector<16xi32>
      %ge3A_720 = vector.broadcast %mul3A_32 : i32 to vector<16xi32>
      %ge3A_721 = arith.cmpi sge, %add3A_719, %ge3A_720 : vector<16xi32>
      %add3A_722 = arith.constant 48 : i32
      %add3A_723 = arith.addi %mul3A_32, %add3A_722 : i32
      %lt3A_724 = vector.broadcast %add3A_723 : i32 to vector<16xi32>
      %lt3A_725 = arith.cmpi slt, %add3A_719, %lt3A_724 : vector<16xi32>
      %and3A_726 = arith.andi %ge3A_721, %lt3A_725 : vector<16xi1>
      %sub3A_727 = vector.broadcast %mul3A_32 : i32 to vector<16xi32>
      %sub3A_728 = arith.subi %add3A_719, %sub3A_727 : vector<16xi32>
      %jit3A_729 = arith.constant 0 : i32
      %broadcast_in_dim3A_730 = vector.broadcast %jit3A_729 : i32 to vector<16xi32>
      %select_n3A_731 = arith.select %and3A_726, %sub3A_728, %broadcast_in_dim3A_730 : vector<16xi1>, vector<16xi32>
      %convert_element_type3A_732 = arith.sitofp %add3A_719 : vector<16xi32> to vector<16xf32>
      %mul3A_733 = arith.constant 0.0026109661 : f32
      %mul3A_734 = vector.broadcast %mul3A_733 : f32 to vector<16xf32>
      %mul3A_735 = arith.mulf %convert_element_type3A_732, %mul3A_734 : vector<16xf32>
      %sub3A_736 = arith.subf %mul3A_735, %gather3A_286 : vector<16xf32>
      %mul3A_737 = arith.mulf %sub3A_736, %sub3A_736 : vector<16xf32>
      %mul3A_738 = arith.constant -2.000000e+04 : f32
      %mul3A_739 = vector.broadcast %mul3A_738 : f32 to vector<16xf32>
      %mul3A_740 = arith.mulf %mul3A_737, %mul3A_739 : vector<16xf32>
      %exp3A_741 = math.exp %mul3A_740 : vector<16xf32>
      %mul3A_742 = arith.mulf %select_n3A_290, %exp3A_741 : vector<16xf32>
      %mul3A_743 = arith.constant 384 : i32
      %mul3A_744 = vector.broadcast %mul3A_743 : i32 to vector<16xi32>
      %mul3A_745 = arith.muli %select_n3A_731, %mul3A_744 : vector<16xi32>
      %add3A_746 = arith.addi %mul3A_745, %add3A_550 : vector<16xi32>
      %add3A_747 = arith.constant 0 : i32
      %add3A_748 = vector.broadcast %add3A_747 : i32 to vector<16xi32>
      %add3A_749 = arith.addi %add3A_746, %add3A_748 : vector<16xi32>
      %mul3A_750 = arith.mulf %mul3A_742, %select_n3A_319 : vector<16xf32>
      tpu.vector_store_idx %arg10[%add3A_749], %mul3A_750 masked %and3A_726 {add = true} : memref<18688xf32, #tpu.memory_space<vmem>>[vector<16xi32>], vector<16xf32>, vector<16xi1>
      %add3A_751 = arith.constant 1 : i32
      %add3A_752 = vector.broadcast %add3A_751 : i32 to vector<16xi32>
      %add3A_753 = arith.addi %add3A_746, %add3A_752 : vector<16xi32>
      %mul3A_754 = arith.mulf %mul3A_742, %select_n3A_338 : vector<16xf32>
      tpu.vector_store_idx %arg10[%add3A_753], %mul3A_754 masked %and3A_726 {add = true} : memref<18688xf32, #tpu.memory_space<vmem>>[vector<16xi32>], vector<16xf32>, vector<16xi1>
      %add3A_755 = arith.constant 2 : i32
      %add3A_756 = vector.broadcast %add3A_755 : i32 to vector<16xi32>
      %add3A_757 = arith.addi %add3A_746, %add3A_756 : vector<16xi32>
      %mul3A_758 = arith.mulf %mul3A_742, %select_n3A_357 : vector<16xf32>
      tpu.vector_store_idx %arg10[%add3A_757], %mul3A_758 masked %and3A_726 {add = true} : memref<18688xf32, #tpu.memory_space<vmem>>[vector<16xi32>], vector<16xf32>, vector<16xi1>
      %add3A_759 = arith.constant 3 : i32
      %add3A_760 = vector.broadcast %add3A_759 : i32 to vector<16xi32>
      %add3A_761 = arith.addi %add3A_746, %add3A_760 : vector<16xi32>
      %mul3A_762 = arith.mulf %mul3A_742, %select_n3A_376 : vector<16xf32>
      tpu.vector_store_idx %arg10[%add3A_761], %mul3A_762 masked %and3A_726 {add = true} : memref<18688xf32, #tpu.memory_space<vmem>>[vector<16xi32>], vector<16xf32>, vector<16xi1>
      %add3A_763 = arith.constant 4 : i32
      %add3A_764 = vector.broadcast %add3A_763 : i32 to vector<16xi32>
      %add3A_765 = arith.addi %add3A_746, %add3A_764 : vector<16xi32>
      %mul3A_766 = arith.mulf %mul3A_742, %select_n3A_395 : vector<16xf32>
      tpu.vector_store_idx %arg10[%add3A_765], %mul3A_766 masked %and3A_726 {add = true} : memref<18688xf32, #tpu.memory_space<vmem>>[vector<16xi32>], vector<16xf32>, vector<16xi1>
      %add3A_767 = arith.constant 5 : i32
      %add3A_768 = vector.broadcast %add3A_767 : i32 to vector<16xi32>
      %add3A_769 = arith.addi %add3A_746, %add3A_768 : vector<16xi32>
      %mul3A_770 = arith.mulf %mul3A_742, %select_n3A_414 : vector<16xf32>
      tpu.vector_store_idx %arg10[%add3A_769], %mul3A_770 masked %and3A_726 {add = true} : memref<18688xf32, #tpu.memory_space<vmem>>[vector<16xi32>], vector<16xf32>, vector<16xi1>
      %add3A_771 = arith.constant 6 : i32
      %add3A_772 = vector.broadcast %add3A_771 : i32 to vector<16xi32>
      %add3A_773 = arith.addi %add3A_746, %add3A_772 : vector<16xi32>
      %mul3A_774 = arith.mulf %mul3A_742, %select_n3A_433 : vector<16xf32>
      tpu.vector_store_idx %arg10[%add3A_773], %mul3A_774 masked %and3A_726 {add = true} : memref<18688xf32, #tpu.memory_space<vmem>>[vector<16xi32>], vector<16xf32>, vector<16xi1>
      %add3A_775 = arith.constant 7 : i32
      %add3A_776 = vector.broadcast %add3A_775 : i32 to vector<16xi32>
      %add3A_777 = arith.addi %add3A_746, %add3A_776 : vector<16xi32>
      %mul3A_778 = arith.mulf %mul3A_742, %select_n3A_452 : vector<16xf32>
      tpu.vector_store_idx %arg10[%add3A_777], %mul3A_778 masked %and3A_726 {add = true} : memref<18688xf32, #tpu.memory_space<vmem>>[vector<16xi32>], vector<16xf32>, vector<16xi1>
      %add3A_779 = arith.constant 8 : i32
      %add3A_780 = vector.broadcast %add3A_779 : i32 to vector<16xi32>
      %add3A_781 = arith.addi %add3A_746, %add3A_780 : vector<16xi32>
      %mul3A_782 = arith.mulf %mul3A_742, %select_n3A_471 : vector<16xf32>
      tpu.vector_store_idx %arg10[%add3A_781], %mul3A_782 masked %and3A_726 {add = true} : memref<18688xf32, #tpu.memory_space<vmem>>[vector<16xi32>], vector<16xf32>, vector<16xi1>
      %add3A_783 = arith.constant 9 : i32
      %add3A_784 = vector.broadcast %add3A_783 : i32 to vector<16xi32>
      %add3A_785 = arith.addi %add3A_746, %add3A_784 : vector<16xi32>
      %mul3A_786 = arith.mulf %mul3A_742, %select_n3A_490 : vector<16xf32>
      tpu.vector_store_idx %arg10[%add3A_785], %mul3A_786 masked %and3A_726 {add = true} : memref<18688xf32, #tpu.memory_space<vmem>>[vector<16xi32>], vector<16xf32>, vector<16xi1>
      %add3A_787 = arith.constant 10 : i32
      %add3A_788 = vector.broadcast %add3A_787 : i32 to vector<16xi32>
      %add3A_789 = arith.addi %add3A_746, %add3A_788 : vector<16xi32>
      %mul3A_790 = arith.mulf %mul3A_742, %select_n3A_509 : vector<16xf32>
      tpu.vector_store_idx %arg10[%add3A_789], %mul3A_790 masked %and3A_726 {add = true} : memref<18688xf32, #tpu.memory_space<vmem>>[vector<16xi32>], vector<16xf32>, vector<16xi1>
      %add3A_791 = arith.constant 11 : i32
      %add3A_792 = vector.broadcast %add3A_791 : i32 to vector<16xi32>
      %add3A_793 = arith.addi %add3A_746, %add3A_792 : vector<16xi32>
      %mul3A_794 = arith.mulf %mul3A_742, %select_n3A_528 : vector<16xf32>
      tpu.vector_store_idx %arg10[%add3A_793], %mul3A_794 masked %and3A_726 {add = true} : memref<18688xf32, #tpu.memory_space<vmem>>[vector<16xi32>], vector<16xf32>, vector<16xi1>
      %add3A_795 = arith.constant 12 : i32
      %add3A_796 = vector.broadcast %add3A_795 : i32 to vector<16xi32>
      %add3A_797 = arith.addi %add3A_746, %add3A_796 : vector<16xi32>
      %mul3A_798 = arith.mulf %mul3A_742, %select_n3A_547 : vector<16xf32>
      tpu.vector_store_idx %arg10[%add3A_797], %mul3A_798 masked %and3A_726 {add = true} : memref<18688xf32, #tpu.memory_space<vmem>>[vector<16xi32>], vector<16xf32>, vector<16xi1>
      %add3A_799 = arith.constant 3 : i32
      %add3A_800 = vector.broadcast %add3A_799 : i32 to vector<16xi32>
      %add3A_801 = arith.addi %sub3A_553, %add3A_800 : vector<16xi32>
      %ge3A_802 = vector.broadcast %mul3A_32 : i32 to vector<16xi32>
      %ge3A_803 = arith.cmpi sge, %add3A_801, %ge3A_802 : vector<16xi32>
      %add3A_804 = arith.constant 48 : i32
      %add3A_805 = arith.addi %mul3A_32, %add3A_804 : i32
      %lt3A_806 = vector.broadcast %add3A_805 : i32 to vector<16xi32>
      %lt3A_807 = arith.cmpi slt, %add3A_801, %lt3A_806 : vector<16xi32>
      %and3A_808 = arith.andi %ge3A_803, %lt3A_807 : vector<16xi1>
      %sub3A_809 = vector.broadcast %mul3A_32 : i32 to vector<16xi32>
      %sub3A_810 = arith.subi %add3A_801, %sub3A_809 : vector<16xi32>
      %jit3A_811 = arith.constant 0 : i32
      %broadcast_in_dim3A_812 = vector.broadcast %jit3A_811 : i32 to vector<16xi32>
      %select_n3A_813 = arith.select %and3A_808, %sub3A_810, %broadcast_in_dim3A_812 : vector<16xi1>, vector<16xi32>
      %convert_element_type3A_814 = arith.sitofp %add3A_801 : vector<16xi32> to vector<16xf32>
      %mul3A_815 = arith.constant 0.0026109661 : f32
      %mul3A_816 = vector.broadcast %mul3A_815 : f32 to vector<16xf32>
      %mul3A_817 = arith.mulf %convert_element_type3A_814, %mul3A_816 : vector<16xf32>
      %sub3A_818 = arith.subf %mul3A_817, %gather3A_286 : vector<16xf32>
      %mul3A_819 = arith.mulf %sub3A_818, %sub3A_818 : vector<16xf32>
      %mul3A_820 = arith.constant -2.000000e+04 : f32
      %mul3A_821 = vector.broadcast %mul3A_820 : f32 to vector<16xf32>
      %mul3A_822 = arith.mulf %mul3A_819, %mul3A_821 : vector<16xf32>
      %exp3A_823 = math.exp %mul3A_822 : vector<16xf32>
      %mul3A_824 = arith.mulf %select_n3A_290, %exp3A_823 : vector<16xf32>
      %mul3A_825 = arith.constant 384 : i32
      %mul3A_826 = vector.broadcast %mul3A_825 : i32 to vector<16xi32>
      %mul3A_827 = arith.muli %select_n3A_813, %mul3A_826 : vector<16xi32>
      %add3A_828 = arith.addi %mul3A_827, %add3A_550 : vector<16xi32>
      %add3A_829 = arith.constant 0 : i32
      %add3A_830 = vector.broadcast %add3A_829 : i32 to vector<16xi32>
      %add3A_831 = arith.addi %add3A_828, %add3A_830 : vector<16xi32>
      %mul3A_832 = arith.mulf %mul3A_824, %select_n3A_319 : vector<16xf32>
      tpu.vector_store_idx %arg10[%add3A_831], %mul3A_832 masked %and3A_808 {add = true} : memref<18688xf32, #tpu.memory_space<vmem>>[vector<16xi32>], vector<16xf32>, vector<16xi1>
      %add3A_833 = arith.constant 1 : i32
      %add3A_834 = vector.broadcast %add3A_833 : i32 to vector<16xi32>
      %add3A_835 = arith.addi %add3A_828, %add3A_834 : vector<16xi32>
      %mul3A_836 = arith.mulf %mul3A_824, %select_n3A_338 : vector<16xf32>
      tpu.vector_store_idx %arg10[%add3A_835], %mul3A_836 masked %and3A_808 {add = true} : memref<18688xf32, #tpu.memory_space<vmem>>[vector<16xi32>], vector<16xf32>, vector<16xi1>
      %add3A_837 = arith.constant 2 : i32
      %add3A_838 = vector.broadcast %add3A_837 : i32 to vector<16xi32>
      %add3A_839 = arith.addi %add3A_828, %add3A_838 : vector<16xi32>
      %mul3A_840 = arith.mulf %mul3A_824, %select_n3A_357 : vector<16xf32>
      tpu.vector_store_idx %arg10[%add3A_839], %mul3A_840 masked %and3A_808 {add = true} : memref<18688xf32, #tpu.memory_space<vmem>>[vector<16xi32>], vector<16xf32>, vector<16xi1>
      %add3A_841 = arith.constant 3 : i32
      %add3A_842 = vector.broadcast %add3A_841 : i32 to vector<16xi32>
      %add3A_843 = arith.addi %add3A_828, %add3A_842 : vector<16xi32>
      %mul3A_844 = arith.mulf %mul3A_824, %select_n3A_376 : vector<16xf32>
      tpu.vector_store_idx %arg10[%add3A_843], %mul3A_844 masked %and3A_808 {add = true} : memref<18688xf32, #tpu.memory_space<vmem>>[vector<16xi32>], vector<16xf32>, vector<16xi1>
      %add3A_845 = arith.constant 4 : i32
      %add3A_846 = vector.broadcast %add3A_845 : i32 to vector<16xi32>
      %add3A_847 = arith.addi %add3A_828, %add3A_846 : vector<16xi32>
      %mul3A_848 = arith.mulf %mul3A_824, %select_n3A_395 : vector<16xf32>
      tpu.vector_store_idx %arg10[%add3A_847], %mul3A_848 masked %and3A_808 {add = true} : memref<18688xf32, #tpu.memory_space<vmem>>[vector<16xi32>], vector<16xf32>, vector<16xi1>
      %add3A_849 = arith.constant 5 : i32
      %add3A_850 = vector.broadcast %add3A_849 : i32 to vector<16xi32>
      %add3A_851 = arith.addi %add3A_828, %add3A_850 : vector<16xi32>
      %mul3A_852 = arith.mulf %mul3A_824, %select_n3A_414 : vector<16xf32>
      tpu.vector_store_idx %arg10[%add3A_851], %mul3A_852 masked %and3A_808 {add = true} : memref<18688xf32, #tpu.memory_space<vmem>>[vector<16xi32>], vector<16xf32>, vector<16xi1>
      %add3A_853 = arith.constant 6 : i32
      %add3A_854 = vector.broadcast %add3A_853 : i32 to vector<16xi32>
      %add3A_855 = arith.addi %add3A_828, %add3A_854 : vector<16xi32>
      %mul3A_856 = arith.mulf %mul3A_824, %select_n3A_433 : vector<16xf32>
      tpu.vector_store_idx %arg10[%add3A_855], %mul3A_856 masked %and3A_808 {add = true} : memref<18688xf32, #tpu.memory_space<vmem>>[vector<16xi32>], vector<16xf32>, vector<16xi1>
      %add3A_857 = arith.constant 7 : i32
      %add3A_858 = vector.broadcast %add3A_857 : i32 to vector<16xi32>
      %add3A_859 = arith.addi %add3A_828, %add3A_858 : vector<16xi32>
      %mul3A_860 = arith.mulf %mul3A_824, %select_n3A_452 : vector<16xf32>
      tpu.vector_store_idx %arg10[%add3A_859], %mul3A_860 masked %and3A_808 {add = true} : memref<18688xf32, #tpu.memory_space<vmem>>[vector<16xi32>], vector<16xf32>, vector<16xi1>
      %add3A_861 = arith.constant 8 : i32
      %add3A_862 = vector.broadcast %add3A_861 : i32 to vector<16xi32>
      %add3A_863 = arith.addi %add3A_828, %add3A_862 : vector<16xi32>
      %mul3A_864 = arith.mulf %mul3A_824, %select_n3A_471 : vector<16xf32>
      tpu.vector_store_idx %arg10[%add3A_863], %mul3A_864 masked %and3A_808 {add = true} : memref<18688xf32, #tpu.memory_space<vmem>>[vector<16xi32>], vector<16xf32>, vector<16xi1>
      %add3A_865 = arith.constant 9 : i32
      %add3A_866 = vector.broadcast %add3A_865 : i32 to vector<16xi32>
      %add3A_867 = arith.addi %add3A_828, %add3A_866 : vector<16xi32>
      %mul3A_868 = arith.mulf %mul3A_824, %select_n3A_490 : vector<16xf32>
      tpu.vector_store_idx %arg10[%add3A_867], %mul3A_868 masked %and3A_808 {add = true} : memref<18688xf32, #tpu.memory_space<vmem>>[vector<16xi32>], vector<16xf32>, vector<16xi1>
      %add3A_869 = arith.constant 10 : i32
      %add3A_870 = vector.broadcast %add3A_869 : i32 to vector<16xi32>
      %add3A_871 = arith.addi %add3A_828, %add3A_870 : vector<16xi32>
      %mul3A_872 = arith.mulf %mul3A_824, %select_n3A_509 : vector<16xf32>
      tpu.vector_store_idx %arg10[%add3A_871], %mul3A_872 masked %and3A_808 {add = true} : memref<18688xf32, #tpu.memory_space<vmem>>[vector<16xi32>], vector<16xf32>, vector<16xi1>
      %add3A_873 = arith.constant 11 : i32
      %add3A_874 = vector.broadcast %add3A_873 : i32 to vector<16xi32>
      %add3A_875 = arith.addi %add3A_828, %add3A_874 : vector<16xi32>
      %mul3A_876 = arith.mulf %mul3A_824, %select_n3A_528 : vector<16xf32>
      tpu.vector_store_idx %arg10[%add3A_875], %mul3A_876 masked %and3A_808 {add = true} : memref<18688xf32, #tpu.memory_space<vmem>>[vector<16xi32>], vector<16xf32>, vector<16xi1>
      %add3A_877 = arith.constant 12 : i32
      %add3A_878 = vector.broadcast %add3A_877 : i32 to vector<16xi32>
      %add3A_879 = arith.addi %add3A_828, %add3A_878 : vector<16xi32>
      %mul3A_880 = arith.mulf %mul3A_824, %select_n3A_547 : vector<16xf32>
      tpu.vector_store_idx %arg10[%add3A_879], %mul3A_880 masked %and3A_808 {add = true} : memref<18688xf32, #tpu.memory_space<vmem>>[vector<16xi32>], vector<16xf32>, vector<16xi1>
      %add3A_881 = arith.constant 4 : i32
      %add3A_882 = vector.broadcast %add3A_881 : i32 to vector<16xi32>
      %add3A_883 = arith.addi %sub3A_553, %add3A_882 : vector<16xi32>
      %ge3A_884 = vector.broadcast %mul3A_32 : i32 to vector<16xi32>
      %ge3A_885 = arith.cmpi sge, %add3A_883, %ge3A_884 : vector<16xi32>
      %add3A_886 = arith.constant 48 : i32
      %add3A_887 = arith.addi %mul3A_32, %add3A_886 : i32
      %lt3A_888 = vector.broadcast %add3A_887 : i32 to vector<16xi32>
      %lt3A_889 = arith.cmpi slt, %add3A_883, %lt3A_888 : vector<16xi32>
      %and3A_890 = arith.andi %ge3A_885, %lt3A_889 : vector<16xi1>
      %sub3A_891 = vector.broadcast %mul3A_32 : i32 to vector<16xi32>
      %sub3A_892 = arith.subi %add3A_883, %sub3A_891 : vector<16xi32>
      %jit3A_893 = arith.constant 0 : i32
      %broadcast_in_dim3A_894 = vector.broadcast %jit3A_893 : i32 to vector<16xi32>
      %select_n3A_895 = arith.select %and3A_890, %sub3A_892, %broadcast_in_dim3A_894 : vector<16xi1>, vector<16xi32>
      %convert_element_type3A_896 = arith.sitofp %add3A_883 : vector<16xi32> to vector<16xf32>
      %mul3A_897 = arith.constant 0.0026109661 : f32
      %mul3A_898 = vector.broadcast %mul3A_897 : f32 to vector<16xf32>
      %mul3A_899 = arith.mulf %convert_element_type3A_896, %mul3A_898 : vector<16xf32>
      %sub3A_900 = arith.subf %mul3A_899, %gather3A_286 : vector<16xf32>
      %mul3A_901 = arith.mulf %sub3A_900, %sub3A_900 : vector<16xf32>
      %mul3A_902 = arith.constant -2.000000e+04 : f32
      %mul3A_903 = vector.broadcast %mul3A_902 : f32 to vector<16xf32>
      %mul3A_904 = arith.mulf %mul3A_901, %mul3A_903 : vector<16xf32>
      %exp3A_905 = math.exp %mul3A_904 : vector<16xf32>
      %mul3A_906 = arith.mulf %select_n3A_290, %exp3A_905 : vector<16xf32>
      %mul3A_907 = arith.constant 384 : i32
      %mul3A_908 = vector.broadcast %mul3A_907 : i32 to vector<16xi32>
      %mul3A_909 = arith.muli %select_n3A_895, %mul3A_908 : vector<16xi32>
      %add3A_910 = arith.addi %mul3A_909, %add3A_550 : vector<16xi32>
      %add3A_911 = arith.constant 0 : i32
      %add3A_912 = vector.broadcast %add3A_911 : i32 to vector<16xi32>
      %add3A_913 = arith.addi %add3A_910, %add3A_912 : vector<16xi32>
      %mul3A_914 = arith.mulf %mul3A_906, %select_n3A_319 : vector<16xf32>
      tpu.vector_store_idx %arg10[%add3A_913], %mul3A_914 masked %and3A_890 {add = true} : memref<18688xf32, #tpu.memory_space<vmem>>[vector<16xi32>], vector<16xf32>, vector<16xi1>
      %add3A_915 = arith.constant 1 : i32
      %add3A_916 = vector.broadcast %add3A_915 : i32 to vector<16xi32>
      %add3A_917 = arith.addi %add3A_910, %add3A_916 : vector<16xi32>
      %mul3A_918 = arith.mulf %mul3A_906, %select_n3A_338 : vector<16xf32>
      tpu.vector_store_idx %arg10[%add3A_917], %mul3A_918 masked %and3A_890 {add = true} : memref<18688xf32, #tpu.memory_space<vmem>>[vector<16xi32>], vector<16xf32>, vector<16xi1>
      %add3A_919 = arith.constant 2 : i32
      %add3A_920 = vector.broadcast %add3A_919 : i32 to vector<16xi32>
      %add3A_921 = arith.addi %add3A_910, %add3A_920 : vector<16xi32>
      %mul3A_922 = arith.mulf %mul3A_906, %select_n3A_357 : vector<16xf32>
      tpu.vector_store_idx %arg10[%add3A_921], %mul3A_922 masked %and3A_890 {add = true} : memref<18688xf32, #tpu.memory_space<vmem>>[vector<16xi32>], vector<16xf32>, vector<16xi1>
      %add3A_923 = arith.constant 3 : i32
      %add3A_924 = vector.broadcast %add3A_923 : i32 to vector<16xi32>
      %add3A_925 = arith.addi %add3A_910, %add3A_924 : vector<16xi32>
      %mul3A_926 = arith.mulf %mul3A_906, %select_n3A_376 : vector<16xf32>
      tpu.vector_store_idx %arg10[%add3A_925], %mul3A_926 masked %and3A_890 {add = true} : memref<18688xf32, #tpu.memory_space<vmem>>[vector<16xi32>], vector<16xf32>, vector<16xi1>
      %add3A_927 = arith.constant 4 : i32
      %add3A_928 = vector.broadcast %add3A_927 : i32 to vector<16xi32>
      %add3A_929 = arith.addi %add3A_910, %add3A_928 : vector<16xi32>
      %mul3A_930 = arith.mulf %mul3A_906, %select_n3A_395 : vector<16xf32>
      tpu.vector_store_idx %arg10[%add3A_929], %mul3A_930 masked %and3A_890 {add = true} : memref<18688xf32, #tpu.memory_space<vmem>>[vector<16xi32>], vector<16xf32>, vector<16xi1>
      %add3A_931 = arith.constant 5 : i32
      %add3A_932 = vector.broadcast %add3A_931 : i32 to vector<16xi32>
      %add3A_933 = arith.addi %add3A_910, %add3A_932 : vector<16xi32>
      %mul3A_934 = arith.mulf %mul3A_906, %select_n3A_414 : vector<16xf32>
      tpu.vector_store_idx %arg10[%add3A_933], %mul3A_934 masked %and3A_890 {add = true} : memref<18688xf32, #tpu.memory_space<vmem>>[vector<16xi32>], vector<16xf32>, vector<16xi1>
      %add3A_935 = arith.constant 6 : i32
      %add3A_936 = vector.broadcast %add3A_935 : i32 to vector<16xi32>
      %add3A_937 = arith.addi %add3A_910, %add3A_936 : vector<16xi32>
      %mul3A_938 = arith.mulf %mul3A_906, %select_n3A_433 : vector<16xf32>
      tpu.vector_store_idx %arg10[%add3A_937], %mul3A_938 masked %and3A_890 {add = true} : memref<18688xf32, #tpu.memory_space<vmem>>[vector<16xi32>], vector<16xf32>, vector<16xi1>
      %add3A_939 = arith.constant 7 : i32
      %add3A_940 = vector.broadcast %add3A_939 : i32 to vector<16xi32>
      %add3A_941 = arith.addi %add3A_910, %add3A_940 : vector<16xi32>
      %mul3A_942 = arith.mulf %mul3A_906, %select_n3A_452 : vector<16xf32>
      tpu.vector_store_idx %arg10[%add3A_941], %mul3A_942 masked %and3A_890 {add = true} : memref<18688xf32, #tpu.memory_space<vmem>>[vector<16xi32>], vector<16xf32>, vector<16xi1>
      %add3A_943 = arith.constant 8 : i32
      %add3A_944 = vector.broadcast %add3A_943 : i32 to vector<16xi32>
      %add3A_945 = arith.addi %add3A_910, %add3A_944 : vector<16xi32>
      %mul3A_946 = arith.mulf %mul3A_906, %select_n3A_471 : vector<16xf32>
      tpu.vector_store_idx %arg10[%add3A_945], %mul3A_946 masked %and3A_890 {add = true} : memref<18688xf32, #tpu.memory_space<vmem>>[vector<16xi32>], vector<16xf32>, vector<16xi1>
      %add3A_947 = arith.constant 9 : i32
      %add3A_948 = vector.broadcast %add3A_947 : i32 to vector<16xi32>
      %add3A_949 = arith.addi %add3A_910, %add3A_948 : vector<16xi32>
      %mul3A_950 = arith.mulf %mul3A_906, %select_n3A_490 : vector<16xf32>
      tpu.vector_store_idx %arg10[%add3A_949], %mul3A_950 masked %and3A_890 {add = true} : memref<18688xf32, #tpu.memory_space<vmem>>[vector<16xi32>], vector<16xf32>, vector<16xi1>
      %add3A_951 = arith.constant 10 : i32
      %add3A_952 = vector.broadcast %add3A_951 : i32 to vector<16xi32>
      %add3A_953 = arith.addi %add3A_910, %add3A_952 : vector<16xi32>
      %mul3A_954 = arith.mulf %mul3A_906, %select_n3A_509 : vector<16xf32>
      tpu.vector_store_idx %arg10[%add3A_953], %mul3A_954 masked %and3A_890 {add = true} : memref<18688xf32, #tpu.memory_space<vmem>>[vector<16xi32>], vector<16xf32>, vector<16xi1>
      %add3A_955 = arith.constant 11 : i32
      %add3A_956 = vector.broadcast %add3A_955 : i32 to vector<16xi32>
      %add3A_957 = arith.addi %add3A_910, %add3A_956 : vector<16xi32>
      %mul3A_958 = arith.mulf %mul3A_906, %select_n3A_528 : vector<16xf32>
      tpu.vector_store_idx %arg10[%add3A_957], %mul3A_958 masked %and3A_890 {add = true} : memref<18688xf32, #tpu.memory_space<vmem>>[vector<16xi32>], vector<16xf32>, vector<16xi1>
      %add3A_959 = arith.constant 12 : i32
      %add3A_960 = vector.broadcast %add3A_959 : i32 to vector<16xi32>
      %add3A_961 = arith.addi %add3A_910, %add3A_960 : vector<16xi32>
      %mul3A_962 = arith.mulf %mul3A_906, %select_n3A_547 : vector<16xf32>
      tpu.vector_store_idx %arg10[%add3A_961], %mul3A_962 masked %and3A_890 {add = true} : memref<18688xf32, #tpu.memory_space<vmem>>[vector<16xi32>], vector<16xf32>, vector<16xi1>
      %add3A_963 = arith.constant 5 : i32
      %add3A_964 = vector.broadcast %add3A_963 : i32 to vector<16xi32>
      %add3A_965 = arith.addi %sub3A_553, %add3A_964 : vector<16xi32>
      %ge3A_966 = vector.broadcast %mul3A_32 : i32 to vector<16xi32>
      %ge3A_967 = arith.cmpi sge, %add3A_965, %ge3A_966 : vector<16xi32>
      %add3A_968 = arith.constant 48 : i32
      %add3A_969 = arith.addi %mul3A_32, %add3A_968 : i32
      %lt3A_970 = vector.broadcast %add3A_969 : i32 to vector<16xi32>
      %lt3A_971 = arith.cmpi slt, %add3A_965, %lt3A_970 : vector<16xi32>
      %and3A_972 = arith.andi %ge3A_967, %lt3A_971 : vector<16xi1>
      %sub3A_973 = vector.broadcast %mul3A_32 : i32 to vector<16xi32>
      %sub3A_974 = arith.subi %add3A_965, %sub3A_973 : vector<16xi32>
      %jit3A_975 = arith.constant 0 : i32
      %broadcast_in_dim3A_976 = vector.broadcast %jit3A_975 : i32 to vector<16xi32>
      %select_n3A_977 = arith.select %and3A_972, %sub3A_974, %broadcast_in_dim3A_976 : vector<16xi1>, vector<16xi32>
      %convert_element_type3A_978 = arith.sitofp %add3A_965 : vector<16xi32> to vector<16xf32>
      %mul3A_979 = arith.constant 0.0026109661 : f32
      %mul3A_980 = vector.broadcast %mul3A_979 : f32 to vector<16xf32>
      %mul3A_981 = arith.mulf %convert_element_type3A_978, %mul3A_980 : vector<16xf32>
      %sub3A_982 = arith.subf %mul3A_981, %gather3A_286 : vector<16xf32>
      %mul3A_983 = arith.mulf %sub3A_982, %sub3A_982 : vector<16xf32>
      %mul3A_984 = arith.constant -2.000000e+04 : f32
      %mul3A_985 = vector.broadcast %mul3A_984 : f32 to vector<16xf32>
      %mul3A_986 = arith.mulf %mul3A_983, %mul3A_985 : vector<16xf32>
      %exp3A_987 = math.exp %mul3A_986 : vector<16xf32>
      %mul3A_988 = arith.mulf %select_n3A_290, %exp3A_987 : vector<16xf32>
      %mul3A_989 = arith.constant 384 : i32
      %mul3A_990 = vector.broadcast %mul3A_989 : i32 to vector<16xi32>
      %mul3A_991 = arith.muli %select_n3A_977, %mul3A_990 : vector<16xi32>
      %add3A_992 = arith.addi %mul3A_991, %add3A_550 : vector<16xi32>
      %add3A_993 = arith.constant 0 : i32
      %add3A_994 = vector.broadcast %add3A_993 : i32 to vector<16xi32>
      %add3A_995 = arith.addi %add3A_992, %add3A_994 : vector<16xi32>
      %mul3A_996 = arith.mulf %mul3A_988, %select_n3A_319 : vector<16xf32>
      tpu.vector_store_idx %arg10[%add3A_995], %mul3A_996 masked %and3A_972 {add = true} : memref<18688xf32, #tpu.memory_space<vmem>>[vector<16xi32>], vector<16xf32>, vector<16xi1>
      %add3A_997 = arith.constant 1 : i32
      %add3A_998 = vector.broadcast %add3A_997 : i32 to vector<16xi32>
      %add3A_999 = arith.addi %add3A_992, %add3A_998 : vector<16xi32>
      %mul3A_1000 = arith.mulf %mul3A_988, %select_n3A_338 : vector<16xf32>
      tpu.vector_store_idx %arg10[%add3A_999], %mul3A_1000 masked %and3A_972 {add = true} : memref<18688xf32, #tpu.memory_space<vmem>>[vector<16xi32>], vector<16xf32>, vector<16xi1>
      %add3A_1001 = arith.constant 2 : i32
      %add3A_1002 = vector.broadcast %add3A_1001 : i32 to vector<16xi32>
      %add3A_1003 = arith.addi %add3A_992, %add3A_1002 : vector<16xi32>
      %mul3A_1004 = arith.mulf %mul3A_988, %select_n3A_357 : vector<16xf32>
      tpu.vector_store_idx %arg10[%add3A_1003], %mul3A_1004 masked %and3A_972 {add = true} : memref<18688xf32, #tpu.memory_space<vmem>>[vector<16xi32>], vector<16xf32>, vector<16xi1>
      %add3A_1005 = arith.constant 3 : i32
      %add3A_1006 = vector.broadcast %add3A_1005 : i32 to vector<16xi32>
      %add3A_1007 = arith.addi %add3A_992, %add3A_1006 : vector<16xi32>
      %mul3A_1008 = arith.mulf %mul3A_988, %select_n3A_376 : vector<16xf32>
      tpu.vector_store_idx %arg10[%add3A_1007], %mul3A_1008 masked %and3A_972 {add = true} : memref<18688xf32, #tpu.memory_space<vmem>>[vector<16xi32>], vector<16xf32>, vector<16xi1>
      %add3A_1009 = arith.constant 4 : i32
      %add3A_1010 = vector.broadcast %add3A_1009 : i32 to vector<16xi32>
      %add3A_1011 = arith.addi %add3A_992, %add3A_1010 : vector<16xi32>
      %mul3A_1012 = arith.mulf %mul3A_988, %select_n3A_395 : vector<16xf32>
      tpu.vector_store_idx %arg10[%add3A_1011], %mul3A_1012 masked %and3A_972 {add = true} : memref<18688xf32, #tpu.memory_space<vmem>>[vector<16xi32>], vector<16xf32>, vector<16xi1>
      %add3A_1013 = arith.constant 5 : i32
      %add3A_1014 = vector.broadcast %add3A_1013 : i32 to vector<16xi32>
      %add3A_1015 = arith.addi %add3A_992, %add3A_1014 : vector<16xi32>
      %mul3A_1016 = arith.mulf %mul3A_988, %select_n3A_414 : vector<16xf32>
      tpu.vector_store_idx %arg10[%add3A_1015], %mul3A_1016 masked %and3A_972 {add = true} : memref<18688xf32, #tpu.memory_space<vmem>>[vector<16xi32>], vector<16xf32>, vector<16xi1>
      %add3A_1017 = arith.constant 6 : i32
      %add3A_1018 = vector.broadcast %add3A_1017 : i32 to vector<16xi32>
      %add3A_1019 = arith.addi %add3A_992, %add3A_1018 : vector<16xi32>
      %mul3A_1020 = arith.mulf %mul3A_988, %select_n3A_433 : vector<16xf32>
      tpu.vector_store_idx %arg10[%add3A_1019], %mul3A_1020 masked %and3A_972 {add = true} : memref<18688xf32, #tpu.memory_space<vmem>>[vector<16xi32>], vector<16xf32>, vector<16xi1>
      %add3A_1021 = arith.constant 7 : i32
      %add3A_1022 = vector.broadcast %add3A_1021 : i32 to vector<16xi32>
      %add3A_1023 = arith.addi %add3A_992, %add3A_1022 : vector<16xi32>
      %mul3A_1024 = arith.mulf %mul3A_988, %select_n3A_452 : vector<16xf32>
      tpu.vector_store_idx %arg10[%add3A_1023], %mul3A_1024 masked %and3A_972 {add = true} : memref<18688xf32, #tpu.memory_space<vmem>>[vector<16xi32>], vector<16xf32>, vector<16xi1>
      %add3A_1025 = arith.constant 8 : i32
      %add3A_1026 = vector.broadcast %add3A_1025 : i32 to vector<16xi32>
      %add3A_1027 = arith.addi %add3A_992, %add3A_1026 : vector<16xi32>
      %mul3A_1028 = arith.mulf %mul3A_988, %select_n3A_471 : vector<16xf32>
      tpu.vector_store_idx %arg10[%add3A_1027], %mul3A_1028 masked %and3A_972 {add = true} : memref<18688xf32, #tpu.memory_space<vmem>>[vector<16xi32>], vector<16xf32>, vector<16xi1>
      %add3A_1029 = arith.constant 9 : i32
      %add3A_1030 = vector.broadcast %add3A_1029 : i32 to vector<16xi32>
      %add3A_1031 = arith.addi %add3A_992, %add3A_1030 : vector<16xi32>
      %mul3A_1032 = arith.mulf %mul3A_988, %select_n3A_490 : vector<16xf32>
      tpu.vector_store_idx %arg10[%add3A_1031], %mul3A_1032 masked %and3A_972 {add = true} : memref<18688xf32, #tpu.memory_space<vmem>>[vector<16xi32>], vector<16xf32>, vector<16xi1>
      %add3A_1033 = arith.constant 10 : i32
      %add3A_1034 = vector.broadcast %add3A_1033 : i32 to vector<16xi32>
      %add3A_1035 = arith.addi %add3A_992, %add3A_1034 : vector<16xi32>
      %mul3A_1036 = arith.mulf %mul3A_988, %select_n3A_509 : vector<16xf32>
      tpu.vector_store_idx %arg10[%add3A_1035], %mul3A_1036 masked %and3A_972 {add = true} : memref<18688xf32, #tpu.memory_space<vmem>>[vector<16xi32>], vector<16xf32>, vector<16xi1>
      %add3A_1037 = arith.constant 11 : i32
      %add3A_1038 = vector.broadcast %add3A_1037 : i32 to vector<16xi32>
      %add3A_1039 = arith.addi %add3A_992, %add3A_1038 : vector<16xi32>
      %mul3A_1040 = arith.mulf %mul3A_988, %select_n3A_528 : vector<16xf32>
      tpu.vector_store_idx %arg10[%add3A_1039], %mul3A_1040 masked %and3A_972 {add = true} : memref<18688xf32, #tpu.memory_space<vmem>>[vector<16xi32>], vector<16xf32>, vector<16xi1>
      %add3A_1041 = arith.constant 12 : i32
      %add3A_1042 = vector.broadcast %add3A_1041 : i32 to vector<16xi32>
      %add3A_1043 = arith.addi %add3A_992, %add3A_1042 : vector<16xi32>
      %mul3A_1044 = arith.mulf %mul3A_988, %select_n3A_547 : vector<16xf32>
      tpu.vector_store_idx %arg10[%add3A_1043], %mul3A_1044 masked %and3A_972 {add = true} : memref<18688xf32, #tpu.memory_space<vmem>>[vector<16xi32>], vector<16xf32>, vector<16xi1>
      %add3A_1045 = arith.constant 6 : i32
      %add3A_1046 = vector.broadcast %add3A_1045 : i32 to vector<16xi32>
      %add3A_1047 = arith.addi %sub3A_553, %add3A_1046 : vector<16xi32>
      %ge3A_1048 = vector.broadcast %mul3A_32 : i32 to vector<16xi32>
      %ge3A_1049 = arith.cmpi sge, %add3A_1047, %ge3A_1048 : vector<16xi32>
      %add3A_1050 = arith.constant 48 : i32
      %add3A_1051 = arith.addi %mul3A_32, %add3A_1050 : i32
      %lt3A_1052 = vector.broadcast %add3A_1051 : i32 to vector<16xi32>
      %lt3A_1053 = arith.cmpi slt, %add3A_1047, %lt3A_1052 : vector<16xi32>
      %and3A_1054 = arith.andi %ge3A_1049, %lt3A_1053 : vector<16xi1>
      %sub3A_1055 = vector.broadcast %mul3A_32 : i32 to vector<16xi32>
      %sub3A_1056 = arith.subi %add3A_1047, %sub3A_1055 : vector<16xi32>
      %jit3A_1057 = arith.constant 0 : i32
      %broadcast_in_dim3A_1058 = vector.broadcast %jit3A_1057 : i32 to vector<16xi32>
      %select_n3A_1059 = arith.select %and3A_1054, %sub3A_1056, %broadcast_in_dim3A_1058 : vector<16xi1>, vector<16xi32>
      %convert_element_type3A_1060 = arith.sitofp %add3A_1047 : vector<16xi32> to vector<16xf32>
      %mul3A_1061 = arith.constant 0.0026109661 : f32
      %mul3A_1062 = vector.broadcast %mul3A_1061 : f32 to vector<16xf32>
      %mul3A_1063 = arith.mulf %convert_element_type3A_1060, %mul3A_1062 : vector<16xf32>
      %sub3A_1064 = arith.subf %mul3A_1063, %gather3A_286 : vector<16xf32>
      %mul3A_1065 = arith.mulf %sub3A_1064, %sub3A_1064 : vector<16xf32>
      %mul3A_1066 = arith.constant -2.000000e+04 : f32
      %mul3A_1067 = vector.broadcast %mul3A_1066 : f32 to vector<16xf32>
      %mul3A_1068 = arith.mulf %mul3A_1065, %mul3A_1067 : vector<16xf32>
      %exp3A_1069 = math.exp %mul3A_1068 : vector<16xf32>
      %mul3A_1070 = arith.mulf %select_n3A_290, %exp3A_1069 : vector<16xf32>
      %mul3A_1071 = arith.constant 384 : i32
      %mul3A_1072 = vector.broadcast %mul3A_1071 : i32 to vector<16xi32>
      %mul3A_1073 = arith.muli %select_n3A_1059, %mul3A_1072 : vector<16xi32>
      %add3A_1074 = arith.addi %mul3A_1073, %add3A_550 : vector<16xi32>
      %add3A_1075 = arith.constant 0 : i32
      %add3A_1076 = vector.broadcast %add3A_1075 : i32 to vector<16xi32>
      %add3A_1077 = arith.addi %add3A_1074, %add3A_1076 : vector<16xi32>
      %mul3A_1078 = arith.mulf %mul3A_1070, %select_n3A_319 : vector<16xf32>
      tpu.vector_store_idx %arg10[%add3A_1077], %mul3A_1078 masked %and3A_1054 {add = true} : memref<18688xf32, #tpu.memory_space<vmem>>[vector<16xi32>], vector<16xf32>, vector<16xi1>
      %add3A_1079 = arith.constant 1 : i32
      %add3A_1080 = vector.broadcast %add3A_1079 : i32 to vector<16xi32>
      %add3A_1081 = arith.addi %add3A_1074, %add3A_1080 : vector<16xi32>
      %mul3A_1082 = arith.mulf %mul3A_1070, %select_n3A_338 : vector<16xf32>
      tpu.vector_store_idx %arg10[%add3A_1081], %mul3A_1082 masked %and3A_1054 {add = true} : memref<18688xf32, #tpu.memory_space<vmem>>[vector<16xi32>], vector<16xf32>, vector<16xi1>
      %add3A_1083 = arith.constant 2 : i32
      %add3A_1084 = vector.broadcast %add3A_1083 : i32 to vector<16xi32>
      %add3A_1085 = arith.addi %add3A_1074, %add3A_1084 : vector<16xi32>
      %mul3A_1086 = arith.mulf %mul3A_1070, %select_n3A_357 : vector<16xf32>
      tpu.vector_store_idx %arg10[%add3A_1085], %mul3A_1086 masked %and3A_1054 {add = true} : memref<18688xf32, #tpu.memory_space<vmem>>[vector<16xi32>], vector<16xf32>, vector<16xi1>
      %add3A_1087 = arith.constant 3 : i32
      %add3A_1088 = vector.broadcast %add3A_1087 : i32 to vector<16xi32>
      %add3A_1089 = arith.addi %add3A_1074, %add3A_1088 : vector<16xi32>
      %mul3A_1090 = arith.mulf %mul3A_1070, %select_n3A_376 : vector<16xf32>
      tpu.vector_store_idx %arg10[%add3A_1089], %mul3A_1090 masked %and3A_1054 {add = true} : memref<18688xf32, #tpu.memory_space<vmem>>[vector<16xi32>], vector<16xf32>, vector<16xi1>
      %add3A_1091 = arith.constant 4 : i32
      %add3A_1092 = vector.broadcast %add3A_1091 : i32 to vector<16xi32>
      %add3A_1093 = arith.addi %add3A_1074, %add3A_1092 : vector<16xi32>
      %mul3A_1094 = arith.mulf %mul3A_1070, %select_n3A_395 : vector<16xf32>
      tpu.vector_store_idx %arg10[%add3A_1093], %mul3A_1094 masked %and3A_1054 {add = true} : memref<18688xf32, #tpu.memory_space<vmem>>[vector<16xi32>], vector<16xf32>, vector<16xi1>
      %add3A_1095 = arith.constant 5 : i32
      %add3A_1096 = vector.broadcast %add3A_1095 : i32 to vector<16xi32>
      %add3A_1097 = arith.addi %add3A_1074, %add3A_1096 : vector<16xi32>
      %mul3A_1098 = arith.mulf %mul3A_1070, %select_n3A_414 : vector<16xf32>
      tpu.vector_store_idx %arg10[%add3A_1097], %mul3A_1098 masked %and3A_1054 {add = true} : memref<18688xf32, #tpu.memory_space<vmem>>[vector<16xi32>], vector<16xf32>, vector<16xi1>
      %add3A_1099 = arith.constant 6 : i32
      %add3A_1100 = vector.broadcast %add3A_1099 : i32 to vector<16xi32>
      %add3A_1101 = arith.addi %add3A_1074, %add3A_1100 : vector<16xi32>
      %mul3A_1102 = arith.mulf %mul3A_1070, %select_n3A_433 : vector<16xf32>
      tpu.vector_store_idx %arg10[%add3A_1101], %mul3A_1102 masked %and3A_1054 {add = true} : memref<18688xf32, #tpu.memory_space<vmem>>[vector<16xi32>], vector<16xf32>, vector<16xi1>
      %add3A_1103 = arith.constant 7 : i32
      %add3A_1104 = vector.broadcast %add3A_1103 : i32 to vector<16xi32>
      %add3A_1105 = arith.addi %add3A_1074, %add3A_1104 : vector<16xi32>
      %mul3A_1106 = arith.mulf %mul3A_1070, %select_n3A_452 : vector<16xf32>
      tpu.vector_store_idx %arg10[%add3A_1105], %mul3A_1106 masked %and3A_1054 {add = true} : memref<18688xf32, #tpu.memory_space<vmem>>[vector<16xi32>], vector<16xf32>, vector<16xi1>
      %add3A_1107 = arith.constant 8 : i32
      %add3A_1108 = vector.broadcast %add3A_1107 : i32 to vector<16xi32>
      %add3A_1109 = arith.addi %add3A_1074, %add3A_1108 : vector<16xi32>
      %mul3A_1110 = arith.mulf %mul3A_1070, %select_n3A_471 : vector<16xf32>
      tpu.vector_store_idx %arg10[%add3A_1109], %mul3A_1110 masked %and3A_1054 {add = true} : memref<18688xf32, #tpu.memory_space<vmem>>[vector<16xi32>], vector<16xf32>, vector<16xi1>
      %add3A_1111 = arith.constant 9 : i32
      %add3A_1112 = vector.broadcast %add3A_1111 : i32 to vector<16xi32>
      %add3A_1113 = arith.addi %add3A_1074, %add3A_1112 : vector<16xi32>
      %mul3A_1114 = arith.mulf %mul3A_1070, %select_n3A_490 : vector<16xf32>
      tpu.vector_store_idx %arg10[%add3A_1113], %mul3A_1114 masked %and3A_1054 {add = true} : memref<18688xf32, #tpu.memory_space<vmem>>[vector<16xi32>], vector<16xf32>, vector<16xi1>
      %add3A_1115 = arith.constant 10 : i32
      %add3A_1116 = vector.broadcast %add3A_1115 : i32 to vector<16xi32>
      %add3A_1117 = arith.addi %add3A_1074, %add3A_1116 : vector<16xi32>
      %mul3A_1118 = arith.mulf %mul3A_1070, %select_n3A_509 : vector<16xf32>
      tpu.vector_store_idx %arg10[%add3A_1117], %mul3A_1118 masked %and3A_1054 {add = true} : memref<18688xf32, #tpu.memory_space<vmem>>[vector<16xi32>], vector<16xf32>, vector<16xi1>
      %add3A_1119 = arith.constant 11 : i32
      %add3A_1120 = vector.broadcast %add3A_1119 : i32 to vector<16xi32>
      %add3A_1121 = arith.addi %add3A_1074, %add3A_1120 : vector<16xi32>
      %mul3A_1122 = arith.mulf %mul3A_1070, %select_n3A_528 : vector<16xf32>
      tpu.vector_store_idx %arg10[%add3A_1121], %mul3A_1122 masked %and3A_1054 {add = true} : memref<18688xf32, #tpu.memory_space<vmem>>[vector<16xi32>], vector<16xf32>, vector<16xi1>
      %add3A_1123 = arith.constant 12 : i32
      %add3A_1124 = vector.broadcast %add3A_1123 : i32 to vector<16xi32>
      %add3A_1125 = arith.addi %add3A_1074, %add3A_1124 : vector<16xi32>
      %mul3A_1126 = arith.mulf %mul3A_1070, %select_n3A_547 : vector<16xf32>
      tpu.vector_store_idx %arg10[%add3A_1125], %mul3A_1126 masked %and3A_1054 {add = true} : memref<18688xf32, #tpu.memory_space<vmem>>[vector<16xi32>], vector<16xf32>, vector<16xi1>
      %add3A_1127 = arith.constant 7 : i32
      %add3A_1128 = vector.broadcast %add3A_1127 : i32 to vector<16xi32>
      %add3A_1129 = arith.addi %sub3A_553, %add3A_1128 : vector<16xi32>
      %ge3A_1130 = vector.broadcast %mul3A_32 : i32 to vector<16xi32>
      %ge3A_1131 = arith.cmpi sge, %add3A_1129, %ge3A_1130 : vector<16xi32>
      %add3A_1132 = arith.constant 48 : i32
      %add3A_1133 = arith.addi %mul3A_32, %add3A_1132 : i32
      %lt3A_1134 = vector.broadcast %add3A_1133 : i32 to vector<16xi32>
      %lt3A_1135 = arith.cmpi slt, %add3A_1129, %lt3A_1134 : vector<16xi32>
      %and3A_1136 = arith.andi %ge3A_1131, %lt3A_1135 : vector<16xi1>
      %sub3A_1137 = vector.broadcast %mul3A_32 : i32 to vector<16xi32>
      %sub3A_1138 = arith.subi %add3A_1129, %sub3A_1137 : vector<16xi32>
      %jit3A_1139 = arith.constant 0 : i32
      %broadcast_in_dim3A_1140 = vector.broadcast %jit3A_1139 : i32 to vector<16xi32>
      %select_n3A_1141 = arith.select %and3A_1136, %sub3A_1138, %broadcast_in_dim3A_1140 : vector<16xi1>, vector<16xi32>
      %convert_element_type3A_1142 = arith.sitofp %add3A_1129 : vector<16xi32> to vector<16xf32>
      %mul3A_1143 = arith.constant 0.0026109661 : f32
      %mul3A_1144 = vector.broadcast %mul3A_1143 : f32 to vector<16xf32>
      %mul3A_1145 = arith.mulf %convert_element_type3A_1142, %mul3A_1144 : vector<16xf32>
      %sub3A_1146 = arith.subf %mul3A_1145, %gather3A_286 : vector<16xf32>
      %mul3A_1147 = arith.mulf %sub3A_1146, %sub3A_1146 : vector<16xf32>
      %mul3A_1148 = arith.constant -2.000000e+04 : f32
      %mul3A_1149 = vector.broadcast %mul3A_1148 : f32 to vector<16xf32>
      %mul3A_1150 = arith.mulf %mul3A_1147, %mul3A_1149 : vector<16xf32>
      %exp3A_1151 = math.exp %mul3A_1150 : vector<16xf32>
      %mul3A_1152 = arith.mulf %select_n3A_290, %exp3A_1151 : vector<16xf32>
      %mul3A_1153 = arith.constant 384 : i32
      %mul3A_1154 = vector.broadcast %mul3A_1153 : i32 to vector<16xi32>
      %mul3A_1155 = arith.muli %select_n3A_1141, %mul3A_1154 : vector<16xi32>
      %add3A_1156 = arith.addi %mul3A_1155, %add3A_550 : vector<16xi32>
      %add3A_1157 = arith.constant 0 : i32
      %add3A_1158 = vector.broadcast %add3A_1157 : i32 to vector<16xi32>
      %add3A_1159 = arith.addi %add3A_1156, %add3A_1158 : vector<16xi32>
      %mul3A_1160 = arith.mulf %mul3A_1152, %select_n3A_319 : vector<16xf32>
      tpu.vector_store_idx %arg10[%add3A_1159], %mul3A_1160 masked %and3A_1136 {add = true} : memref<18688xf32, #tpu.memory_space<vmem>>[vector<16xi32>], vector<16xf32>, vector<16xi1>
      %add3A_1161 = arith.constant 1 : i32
      %add3A_1162 = vector.broadcast %add3A_1161 : i32 to vector<16xi32>
      %add3A_1163 = arith.addi %add3A_1156, %add3A_1162 : vector<16xi32>
      %mul3A_1164 = arith.mulf %mul3A_1152, %select_n3A_338 : vector<16xf32>
      tpu.vector_store_idx %arg10[%add3A_1163], %mul3A_1164 masked %and3A_1136 {add = true} : memref<18688xf32, #tpu.memory_space<vmem>>[vector<16xi32>], vector<16xf32>, vector<16xi1>
      %add3A_1165 = arith.constant 2 : i32
      %add3A_1166 = vector.broadcast %add3A_1165 : i32 to vector<16xi32>
      %add3A_1167 = arith.addi %add3A_1156, %add3A_1166 : vector<16xi32>
      %mul3A_1168 = arith.mulf %mul3A_1152, %select_n3A_357 : vector<16xf32>
      tpu.vector_store_idx %arg10[%add3A_1167], %mul3A_1168 masked %and3A_1136 {add = true} : memref<18688xf32, #tpu.memory_space<vmem>>[vector<16xi32>], vector<16xf32>, vector<16xi1>
      %add3A_1169 = arith.constant 3 : i32
      %add3A_1170 = vector.broadcast %add3A_1169 : i32 to vector<16xi32>
      %add3A_1171 = arith.addi %add3A_1156, %add3A_1170 : vector<16xi32>
      %mul3A_1172 = arith.mulf %mul3A_1152, %select_n3A_376 : vector<16xf32>
      tpu.vector_store_idx %arg10[%add3A_1171], %mul3A_1172 masked %and3A_1136 {add = true} : memref<18688xf32, #tpu.memory_space<vmem>>[vector<16xi32>], vector<16xf32>, vector<16xi1>
      %add3A_1173 = arith.constant 4 : i32
      %add3A_1174 = vector.broadcast %add3A_1173 : i32 to vector<16xi32>
      %add3A_1175 = arith.addi %add3A_1156, %add3A_1174 : vector<16xi32>
      %mul3A_1176 = arith.mulf %mul3A_1152, %select_n3A_395 : vector<16xf32>
      tpu.vector_store_idx %arg10[%add3A_1175], %mul3A_1176 masked %and3A_1136 {add = true} : memref<18688xf32, #tpu.memory_space<vmem>>[vector<16xi32>], vector<16xf32>, vector<16xi1>
      %add3A_1177 = arith.constant 5 : i32
      %add3A_1178 = vector.broadcast %add3A_1177 : i32 to vector<16xi32>
      %add3A_1179 = arith.addi %add3A_1156, %add3A_1178 : vector<16xi32>
      %mul3A_1180 = arith.mulf %mul3A_1152, %select_n3A_414 : vector<16xf32>
      tpu.vector_store_idx %arg10[%add3A_1179], %mul3A_1180 masked %and3A_1136 {add = true} : memref<18688xf32, #tpu.memory_space<vmem>>[vector<16xi32>], vector<16xf32>, vector<16xi1>
      %add3A_1181 = arith.constant 6 : i32
      %add3A_1182 = vector.broadcast %add3A_1181 : i32 to vector<16xi32>
      %add3A_1183 = arith.addi %add3A_1156, %add3A_1182 : vector<16xi32>
      %mul3A_1184 = arith.mulf %mul3A_1152, %select_n3A_433 : vector<16xf32>
      tpu.vector_store_idx %arg10[%add3A_1183], %mul3A_1184 masked %and3A_1136 {add = true} : memref<18688xf32, #tpu.memory_space<vmem>>[vector<16xi32>], vector<16xf32>, vector<16xi1>
      %add3A_1185 = arith.constant 7 : i32
      %add3A_1186 = vector.broadcast %add3A_1185 : i32 to vector<16xi32>
      %add3A_1187 = arith.addi %add3A_1156, %add3A_1186 : vector<16xi32>
      %mul3A_1188 = arith.mulf %mul3A_1152, %select_n3A_452 : vector<16xf32>
      tpu.vector_store_idx %arg10[%add3A_1187], %mul3A_1188 masked %and3A_1136 {add = true} : memref<18688xf32, #tpu.memory_space<vmem>>[vector<16xi32>], vector<16xf32>, vector<16xi1>
      %add3A_1189 = arith.constant 8 : i32
      %add3A_1190 = vector.broadcast %add3A_1189 : i32 to vector<16xi32>
      %add3A_1191 = arith.addi %add3A_1156, %add3A_1190 : vector<16xi32>
      %mul3A_1192 = arith.mulf %mul3A_1152, %select_n3A_471 : vector<16xf32>
      tpu.vector_store_idx %arg10[%add3A_1191], %mul3A_1192 masked %and3A_1136 {add = true} : memref<18688xf32, #tpu.memory_space<vmem>>[vector<16xi32>], vector<16xf32>, vector<16xi1>
      %add3A_1193 = arith.constant 9 : i32
      %add3A_1194 = vector.broadcast %add3A_1193 : i32 to vector<16xi32>
      %add3A_1195 = arith.addi %add3A_1156, %add3A_1194 : vector<16xi32>
      %mul3A_1196 = arith.mulf %mul3A_1152, %select_n3A_490 : vector<16xf32>
      tpu.vector_store_idx %arg10[%add3A_1195], %mul3A_1196 masked %and3A_1136 {add = true} : memref<18688xf32, #tpu.memory_space<vmem>>[vector<16xi32>], vector<16xf32>, vector<16xi1>
      %add3A_1197 = arith.constant 10 : i32
      %add3A_1198 = vector.broadcast %add3A_1197 : i32 to vector<16xi32>
      %add3A_1199 = arith.addi %add3A_1156, %add3A_1198 : vector<16xi32>
      %mul3A_1200 = arith.mulf %mul3A_1152, %select_n3A_509 : vector<16xf32>
      tpu.vector_store_idx %arg10[%add3A_1199], %mul3A_1200 masked %and3A_1136 {add = true} : memref<18688xf32, #tpu.memory_space<vmem>>[vector<16xi32>], vector<16xf32>, vector<16xi1>
      %add3A_1201 = arith.constant 11 : i32
      %add3A_1202 = vector.broadcast %add3A_1201 : i32 to vector<16xi32>
      %add3A_1203 = arith.addi %add3A_1156, %add3A_1202 : vector<16xi32>
      %mul3A_1204 = arith.mulf %mul3A_1152, %select_n3A_528 : vector<16xf32>
      tpu.vector_store_idx %arg10[%add3A_1203], %mul3A_1204 masked %and3A_1136 {add = true} : memref<18688xf32, #tpu.memory_space<vmem>>[vector<16xi32>], vector<16xf32>, vector<16xi1>
      %add3A_1205 = arith.constant 12 : i32
      %add3A_1206 = vector.broadcast %add3A_1205 : i32 to vector<16xi32>
      %add3A_1207 = arith.addi %add3A_1156, %add3A_1206 : vector<16xi32>
      %mul3A_1208 = arith.mulf %mul3A_1152, %select_n3A_547 : vector<16xf32>
      tpu.vector_store_idx %arg10[%add3A_1207], %mul3A_1208 masked %and3A_1136 {add = true} : memref<18688xf32, #tpu.memory_space<vmem>>[vector<16xi32>], vector<16xf32>, vector<16xi1>
      %add3A_1209 = arith.constant 8 : i32
      %add3A_1210 = vector.broadcast %add3A_1209 : i32 to vector<16xi32>
      %add3A_1211 = arith.addi %sub3A_553, %add3A_1210 : vector<16xi32>
      %ge3A_1212 = vector.broadcast %mul3A_32 : i32 to vector<16xi32>
      %ge3A_1213 = arith.cmpi sge, %add3A_1211, %ge3A_1212 : vector<16xi32>
      %add3A_1214 = arith.constant 48 : i32
      %add3A_1215 = arith.addi %mul3A_32, %add3A_1214 : i32
      %lt3A_1216 = vector.broadcast %add3A_1215 : i32 to vector<16xi32>
      %lt3A_1217 = arith.cmpi slt, %add3A_1211, %lt3A_1216 : vector<16xi32>
      %and3A_1218 = arith.andi %ge3A_1213, %lt3A_1217 : vector<16xi1>
      %sub3A_1219 = vector.broadcast %mul3A_32 : i32 to vector<16xi32>
      %sub3A_1220 = arith.subi %add3A_1211, %sub3A_1219 : vector<16xi32>
      %jit3A_1221 = arith.constant 0 : i32
      %broadcast_in_dim3A_1222 = vector.broadcast %jit3A_1221 : i32 to vector<16xi32>
      %select_n3A_1223 = arith.select %and3A_1218, %sub3A_1220, %broadcast_in_dim3A_1222 : vector<16xi1>, vector<16xi32>
      %convert_element_type3A_1224 = arith.sitofp %add3A_1211 : vector<16xi32> to vector<16xf32>
      %mul3A_1225 = arith.constant 0.0026109661 : f32
      %mul3A_1226 = vector.broadcast %mul3A_1225 : f32 to vector<16xf32>
      %mul3A_1227 = arith.mulf %convert_element_type3A_1224, %mul3A_1226 : vector<16xf32>
      %sub3A_1228 = arith.subf %mul3A_1227, %gather3A_286 : vector<16xf32>
      %mul3A_1229 = arith.mulf %sub3A_1228, %sub3A_1228 : vector<16xf32>
      %mul3A_1230 = arith.constant -2.000000e+04 : f32
      %mul3A_1231 = vector.broadcast %mul3A_1230 : f32 to vector<16xf32>
      %mul3A_1232 = arith.mulf %mul3A_1229, %mul3A_1231 : vector<16xf32>
      %exp3A_1233 = math.exp %mul3A_1232 : vector<16xf32>
      %mul3A_1234 = arith.mulf %select_n3A_290, %exp3A_1233 : vector<16xf32>
      %mul3A_1235 = arith.constant 384 : i32
      %mul3A_1236 = vector.broadcast %mul3A_1235 : i32 to vector<16xi32>
      %mul3A_1237 = arith.muli %select_n3A_1223, %mul3A_1236 : vector<16xi32>
      %add3A_1238 = arith.addi %mul3A_1237, %add3A_550 : vector<16xi32>
      %add3A_1239 = arith.constant 0 : i32
      %add3A_1240 = vector.broadcast %add3A_1239 : i32 to vector<16xi32>
      %add3A_1241 = arith.addi %add3A_1238, %add3A_1240 : vector<16xi32>
      %mul3A_1242 = arith.mulf %mul3A_1234, %select_n3A_319 : vector<16xf32>
      tpu.vector_store_idx %arg10[%add3A_1241], %mul3A_1242 masked %and3A_1218 {add = true} : memref<18688xf32, #tpu.memory_space<vmem>>[vector<16xi32>], vector<16xf32>, vector<16xi1>
      %add3A_1243 = arith.constant 1 : i32
      %add3A_1244 = vector.broadcast %add3A_1243 : i32 to vector<16xi32>
      %add3A_1245 = arith.addi %add3A_1238, %add3A_1244 : vector<16xi32>
      %mul3A_1246 = arith.mulf %mul3A_1234, %select_n3A_338 : vector<16xf32>
      tpu.vector_store_idx %arg10[%add3A_1245], %mul3A_1246 masked %and3A_1218 {add = true} : memref<18688xf32, #tpu.memory_space<vmem>>[vector<16xi32>], vector<16xf32>, vector<16xi1>
      %add3A_1247 = arith.constant 2 : i32
      %add3A_1248 = vector.broadcast %add3A_1247 : i32 to vector<16xi32>
      %add3A_1249 = arith.addi %add3A_1238, %add3A_1248 : vector<16xi32>
      %mul3A_1250 = arith.mulf %mul3A_1234, %select_n3A_357 : vector<16xf32>
      tpu.vector_store_idx %arg10[%add3A_1249], %mul3A_1250 masked %and3A_1218 {add = true} : memref<18688xf32, #tpu.memory_space<vmem>>[vector<16xi32>], vector<16xf32>, vector<16xi1>
      %add3A_1251 = arith.constant 3 : i32
      %add3A_1252 = vector.broadcast %add3A_1251 : i32 to vector<16xi32>
      %add3A_1253 = arith.addi %add3A_1238, %add3A_1252 : vector<16xi32>
      %mul3A_1254 = arith.mulf %mul3A_1234, %select_n3A_376 : vector<16xf32>
      tpu.vector_store_idx %arg10[%add3A_1253], %mul3A_1254 masked %and3A_1218 {add = true} : memref<18688xf32, #tpu.memory_space<vmem>>[vector<16xi32>], vector<16xf32>, vector<16xi1>
      %add3A_1255 = arith.constant 4 : i32
      %add3A_1256 = vector.broadcast %add3A_1255 : i32 to vector<16xi32>
      %add3A_1257 = arith.addi %add3A_1238, %add3A_1256 : vector<16xi32>
      %mul3A_1258 = arith.mulf %mul3A_1234, %select_n3A_395 : vector<16xf32>
      tpu.vector_store_idx %arg10[%add3A_1257], %mul3A_1258 masked %and3A_1218 {add = true} : memref<18688xf32, #tpu.memory_space<vmem>>[vector<16xi32>], vector<16xf32>, vector<16xi1>
      %add3A_1259 = arith.constant 5 : i32
      %add3A_1260 = vector.broadcast %add3A_1259 : i32 to vector<16xi32>
      %add3A_1261 = arith.addi %add3A_1238, %add3A_1260 : vector<16xi32>
      %mul3A_1262 = arith.mulf %mul3A_1234, %select_n3A_414 : vector<16xf32>
      tpu.vector_store_idx %arg10[%add3A_1261], %mul3A_1262 masked %and3A_1218 {add = true} : memref<18688xf32, #tpu.memory_space<vmem>>[vector<16xi32>], vector<16xf32>, vector<16xi1>
      %add3A_1263 = arith.constant 6 : i32
      %add3A_1264 = vector.broadcast %add3A_1263 : i32 to vector<16xi32>
      %add3A_1265 = arith.addi %add3A_1238, %add3A_1264 : vector<16xi32>
      %mul3A_1266 = arith.mulf %mul3A_1234, %select_n3A_433 : vector<16xf32>
      tpu.vector_store_idx %arg10[%add3A_1265], %mul3A_1266 masked %and3A_1218 {add = true} : memref<18688xf32, #tpu.memory_space<vmem>>[vector<16xi32>], vector<16xf32>, vector<16xi1>
      %add3A_1267 = arith.constant 7 : i32
      %add3A_1268 = vector.broadcast %add3A_1267 : i32 to vector<16xi32>
      %add3A_1269 = arith.addi %add3A_1238, %add3A_1268 : vector<16xi32>
      %mul3A_1270 = arith.mulf %mul3A_1234, %select_n3A_452 : vector<16xf32>
      tpu.vector_store_idx %arg10[%add3A_1269], %mul3A_1270 masked %and3A_1218 {add = true} : memref<18688xf32, #tpu.memory_space<vmem>>[vector<16xi32>], vector<16xf32>, vector<16xi1>
      %add3A_1271 = arith.constant 8 : i32
      %add3A_1272 = vector.broadcast %add3A_1271 : i32 to vector<16xi32>
      %add3A_1273 = arith.addi %add3A_1238, %add3A_1272 : vector<16xi32>
      %mul3A_1274 = arith.mulf %mul3A_1234, %select_n3A_471 : vector<16xf32>
      tpu.vector_store_idx %arg10[%add3A_1273], %mul3A_1274 masked %and3A_1218 {add = true} : memref<18688xf32, #tpu.memory_space<vmem>>[vector<16xi32>], vector<16xf32>, vector<16xi1>
      %add3A_1275 = arith.constant 9 : i32
      %add3A_1276 = vector.broadcast %add3A_1275 : i32 to vector<16xi32>
      %add3A_1277 = arith.addi %add3A_1238, %add3A_1276 : vector<16xi32>
      %mul3A_1278 = arith.mulf %mul3A_1234, %select_n3A_490 : vector<16xf32>
      tpu.vector_store_idx %arg10[%add3A_1277], %mul3A_1278 masked %and3A_1218 {add = true} : memref<18688xf32, #tpu.memory_space<vmem>>[vector<16xi32>], vector<16xf32>, vector<16xi1>
      %add3A_1279 = arith.constant 10 : i32
      %add3A_1280 = vector.broadcast %add3A_1279 : i32 to vector<16xi32>
      %add3A_1281 = arith.addi %add3A_1238, %add3A_1280 : vector<16xi32>
      %mul3A_1282 = arith.mulf %mul3A_1234, %select_n3A_509 : vector<16xf32>
      tpu.vector_store_idx %arg10[%add3A_1281], %mul3A_1282 masked %and3A_1218 {add = true} : memref<18688xf32, #tpu.memory_space<vmem>>[vector<16xi32>], vector<16xf32>, vector<16xi1>
      %add3A_1283 = arith.constant 11 : i32
      %add3A_1284 = vector.broadcast %add3A_1283 : i32 to vector<16xi32>
      %add3A_1285 = arith.addi %add3A_1238, %add3A_1284 : vector<16xi32>
      %mul3A_1286 = arith.mulf %mul3A_1234, %select_n3A_528 : vector<16xf32>
      tpu.vector_store_idx %arg10[%add3A_1285], %mul3A_1286 masked %and3A_1218 {add = true} : memref<18688xf32, #tpu.memory_space<vmem>>[vector<16xi32>], vector<16xf32>, vector<16xi1>
      %add3A_1287 = arith.constant 12 : i32
      %add3A_1288 = vector.broadcast %add3A_1287 : i32 to vector<16xi32>
      %add3A_1289 = arith.addi %add3A_1238, %add3A_1288 : vector<16xi32>
      %mul3A_1290 = arith.mulf %mul3A_1234, %select_n3A_547 : vector<16xf32>
      tpu.vector_store_idx %arg10[%add3A_1289], %mul3A_1290 masked %and3A_1218 {add = true} : memref<18688xf32, #tpu.memory_space<vmem>>[vector<16xi32>], vector<16xf32>, vector<16xi1>
      %add3A_1291 = arith.constant 9 : i32
      %add3A_1292 = vector.broadcast %add3A_1291 : i32 to vector<16xi32>
      %add3A_1293 = arith.addi %sub3A_553, %add3A_1292 : vector<16xi32>
      %ge3A_1294 = vector.broadcast %mul3A_32 : i32 to vector<16xi32>
      %ge3A_1295 = arith.cmpi sge, %add3A_1293, %ge3A_1294 : vector<16xi32>
      %add3A_1296 = arith.constant 48 : i32
      %add3A_1297 = arith.addi %mul3A_32, %add3A_1296 : i32
      %lt3A_1298 = vector.broadcast %add3A_1297 : i32 to vector<16xi32>
      %lt3A_1299 = arith.cmpi slt, %add3A_1293, %lt3A_1298 : vector<16xi32>
      %and3A_1300 = arith.andi %ge3A_1295, %lt3A_1299 : vector<16xi1>
      %sub3A_1301 = vector.broadcast %mul3A_32 : i32 to vector<16xi32>
      %sub3A_1302 = arith.subi %add3A_1293, %sub3A_1301 : vector<16xi32>
      %jit3A_1303 = arith.constant 0 : i32
      %broadcast_in_dim3A_1304 = vector.broadcast %jit3A_1303 : i32 to vector<16xi32>
      %select_n3A_1305 = arith.select %and3A_1300, %sub3A_1302, %broadcast_in_dim3A_1304 : vector<16xi1>, vector<16xi32>
      %convert_element_type3A_1306 = arith.sitofp %add3A_1293 : vector<16xi32> to vector<16xf32>
      %mul3A_1307 = arith.constant 0.0026109661 : f32
      %mul3A_1308 = vector.broadcast %mul3A_1307 : f32 to vector<16xf32>
      %mul3A_1309 = arith.mulf %convert_element_type3A_1306, %mul3A_1308 : vector<16xf32>
      %sub3A_1310 = arith.subf %mul3A_1309, %gather3A_286 : vector<16xf32>
      %mul3A_1311 = arith.mulf %sub3A_1310, %sub3A_1310 : vector<16xf32>
      %mul3A_1312 = arith.constant -2.000000e+04 : f32
      %mul3A_1313 = vector.broadcast %mul3A_1312 : f32 to vector<16xf32>
      %mul3A_1314 = arith.mulf %mul3A_1311, %mul3A_1313 : vector<16xf32>
      %exp3A_1315 = math.exp %mul3A_1314 : vector<16xf32>
      %mul3A_1316 = arith.mulf %select_n3A_290, %exp3A_1315 : vector<16xf32>
      %mul3A_1317 = arith.constant 384 : i32
      %mul3A_1318 = vector.broadcast %mul3A_1317 : i32 to vector<16xi32>
      %mul3A_1319 = arith.muli %select_n3A_1305, %mul3A_1318 : vector<16xi32>
      %add3A_1320 = arith.addi %mul3A_1319, %add3A_550 : vector<16xi32>
      %add3A_1321 = arith.constant 0 : i32
      %add3A_1322 = vector.broadcast %add3A_1321 : i32 to vector<16xi32>
      %add3A_1323 = arith.addi %add3A_1320, %add3A_1322 : vector<16xi32>
      %mul3A_1324 = arith.mulf %mul3A_1316, %select_n3A_319 : vector<16xf32>
      tpu.vector_store_idx %arg10[%add3A_1323], %mul3A_1324 masked %and3A_1300 {add = true} : memref<18688xf32, #tpu.memory_space<vmem>>[vector<16xi32>], vector<16xf32>, vector<16xi1>
      %add3A_1325 = arith.constant 1 : i32
      %add3A_1326 = vector.broadcast %add3A_1325 : i32 to vector<16xi32>
      %add3A_1327 = arith.addi %add3A_1320, %add3A_1326 : vector<16xi32>
      %mul3A_1328 = arith.mulf %mul3A_1316, %select_n3A_338 : vector<16xf32>
      tpu.vector_store_idx %arg10[%add3A_1327], %mul3A_1328 masked %and3A_1300 {add = true} : memref<18688xf32, #tpu.memory_space<vmem>>[vector<16xi32>], vector<16xf32>, vector<16xi1>
      %add3A_1329 = arith.constant 2 : i32
      %add3A_1330 = vector.broadcast %add3A_1329 : i32 to vector<16xi32>
      %add3A_1331 = arith.addi %add3A_1320, %add3A_1330 : vector<16xi32>
      %mul3A_1332 = arith.mulf %mul3A_1316, %select_n3A_357 : vector<16xf32>
      tpu.vector_store_idx %arg10[%add3A_1331], %mul3A_1332 masked %and3A_1300 {add = true} : memref<18688xf32, #tpu.memory_space<vmem>>[vector<16xi32>], vector<16xf32>, vector<16xi1>
      %add3A_1333 = arith.constant 3 : i32
      %add3A_1334 = vector.broadcast %add3A_1333 : i32 to vector<16xi32>
      %add3A_1335 = arith.addi %add3A_1320, %add3A_1334 : vector<16xi32>
      %mul3A_1336 = arith.mulf %mul3A_1316, %select_n3A_376 : vector<16xf32>
      tpu.vector_store_idx %arg10[%add3A_1335], %mul3A_1336 masked %and3A_1300 {add = true} : memref<18688xf32, #tpu.memory_space<vmem>>[vector<16xi32>], vector<16xf32>, vector<16xi1>
      %add3A_1337 = arith.constant 4 : i32
      %add3A_1338 = vector.broadcast %add3A_1337 : i32 to vector<16xi32>
      %add3A_1339 = arith.addi %add3A_1320, %add3A_1338 : vector<16xi32>
      %mul3A_1340 = arith.mulf %mul3A_1316, %select_n3A_395 : vector<16xf32>
      tpu.vector_store_idx %arg10[%add3A_1339], %mul3A_1340 masked %and3A_1300 {add = true} : memref<18688xf32, #tpu.memory_space<vmem>>[vector<16xi32>], vector<16xf32>, vector<16xi1>
      %add3A_1341 = arith.constant 5 : i32
      %add3A_1342 = vector.broadcast %add3A_1341 : i32 to vector<16xi32>
      %add3A_1343 = arith.addi %add3A_1320, %add3A_1342 : vector<16xi32>
      %mul3A_1344 = arith.mulf %mul3A_1316, %select_n3A_414 : vector<16xf32>
      tpu.vector_store_idx %arg10[%add3A_1343], %mul3A_1344 masked %and3A_1300 {add = true} : memref<18688xf32, #tpu.memory_space<vmem>>[vector<16xi32>], vector<16xf32>, vector<16xi1>
      %add3A_1345 = arith.constant 6 : i32
      %add3A_1346 = vector.broadcast %add3A_1345 : i32 to vector<16xi32>
      %add3A_1347 = arith.addi %add3A_1320, %add3A_1346 : vector<16xi32>
      %mul3A_1348 = arith.mulf %mul3A_1316, %select_n3A_433 : vector<16xf32>
      tpu.vector_store_idx %arg10[%add3A_1347], %mul3A_1348 masked %and3A_1300 {add = true} : memref<18688xf32, #tpu.memory_space<vmem>>[vector<16xi32>], vector<16xf32>, vector<16xi1>
      %add3A_1349 = arith.constant 7 : i32
      %add3A_1350 = vector.broadcast %add3A_1349 : i32 to vector<16xi32>
      %add3A_1351 = arith.addi %add3A_1320, %add3A_1350 : vector<16xi32>
      %mul3A_1352 = arith.mulf %mul3A_1316, %select_n3A_452 : vector<16xf32>
      tpu.vector_store_idx %arg10[%add3A_1351], %mul3A_1352 masked %and3A_1300 {add = true} : memref<18688xf32, #tpu.memory_space<vmem>>[vector<16xi32>], vector<16xf32>, vector<16xi1>
      %add3A_1353 = arith.constant 8 : i32
      %add3A_1354 = vector.broadcast %add3A_1353 : i32 to vector<16xi32>
      %add3A_1355 = arith.addi %add3A_1320, %add3A_1354 : vector<16xi32>
      %mul3A_1356 = arith.mulf %mul3A_1316, %select_n3A_471 : vector<16xf32>
      tpu.vector_store_idx %arg10[%add3A_1355], %mul3A_1356 masked %and3A_1300 {add = true} : memref<18688xf32, #tpu.memory_space<vmem>>[vector<16xi32>], vector<16xf32>, vector<16xi1>
      %add3A_1357 = arith.constant 9 : i32
      %add3A_1358 = vector.broadcast %add3A_1357 : i32 to vector<16xi32>
      %add3A_1359 = arith.addi %add3A_1320, %add3A_1358 : vector<16xi32>
      %mul3A_1360 = arith.mulf %mul3A_1316, %select_n3A_490 : vector<16xf32>
      tpu.vector_store_idx %arg10[%add3A_1359], %mul3A_1360 masked %and3A_1300 {add = true} : memref<18688xf32, #tpu.memory_space<vmem>>[vector<16xi32>], vector<16xf32>, vector<16xi1>
      %add3A_1361 = arith.constant 10 : i32
      %add3A_1362 = vector.broadcast %add3A_1361 : i32 to vector<16xi32>
      %add3A_1363 = arith.addi %add3A_1320, %add3A_1362 : vector<16xi32>
      %mul3A_1364 = arith.mulf %mul3A_1316, %select_n3A_509 : vector<16xf32>
      tpu.vector_store_idx %arg10[%add3A_1363], %mul3A_1364 masked %and3A_1300 {add = true} : memref<18688xf32, #tpu.memory_space<vmem>>[vector<16xi32>], vector<16xf32>, vector<16xi1>
      %add3A_1365 = arith.constant 11 : i32
      %add3A_1366 = vector.broadcast %add3A_1365 : i32 to vector<16xi32>
      %add3A_1367 = arith.addi %add3A_1320, %add3A_1366 : vector<16xi32>
      %mul3A_1368 = arith.mulf %mul3A_1316, %select_n3A_528 : vector<16xf32>
      tpu.vector_store_idx %arg10[%add3A_1367], %mul3A_1368 masked %and3A_1300 {add = true} : memref<18688xf32, #tpu.memory_space<vmem>>[vector<16xi32>], vector<16xf32>, vector<16xi1>
      %add3A_1369 = arith.constant 12 : i32
      %add3A_1370 = vector.broadcast %add3A_1369 : i32 to vector<16xi32>
      %add3A_1371 = arith.addi %add3A_1320, %add3A_1370 : vector<16xi32>
      %mul3A_1372 = arith.mulf %mul3A_1316, %select_n3A_547 : vector<16xf32>
      tpu.vector_store_idx %arg10[%add3A_1371], %mul3A_1372 masked %and3A_1300 {add = true} : memref<18688xf32, #tpu.memory_space<vmem>>[vector<16xi32>], vector<16xf32>, vector<16xi1>
      %add3A_1373 = arith.constant 10 : i32
      %add3A_1374 = vector.broadcast %add3A_1373 : i32 to vector<16xi32>
      %add3A_1375 = arith.addi %sub3A_553, %add3A_1374 : vector<16xi32>
      %ge3A_1376 = vector.broadcast %mul3A_32 : i32 to vector<16xi32>
      %ge3A_1377 = arith.cmpi sge, %add3A_1375, %ge3A_1376 : vector<16xi32>
      %add3A_1378 = arith.constant 48 : i32
      %add3A_1379 = arith.addi %mul3A_32, %add3A_1378 : i32
      %lt3A_1380 = vector.broadcast %add3A_1379 : i32 to vector<16xi32>
      %lt3A_1381 = arith.cmpi slt, %add3A_1375, %lt3A_1380 : vector<16xi32>
      %and3A_1382 = arith.andi %ge3A_1377, %lt3A_1381 : vector<16xi1>
      %sub3A_1383 = vector.broadcast %mul3A_32 : i32 to vector<16xi32>
      %sub3A_1384 = arith.subi %add3A_1375, %sub3A_1383 : vector<16xi32>
      %jit3A_1385 = arith.constant 0 : i32
      %broadcast_in_dim3A_1386 = vector.broadcast %jit3A_1385 : i32 to vector<16xi32>
      %select_n3A_1387 = arith.select %and3A_1382, %sub3A_1384, %broadcast_in_dim3A_1386 : vector<16xi1>, vector<16xi32>
      %convert_element_type3A_1388 = arith.sitofp %add3A_1375 : vector<16xi32> to vector<16xf32>
      %mul3A_1389 = arith.constant 0.0026109661 : f32
      %mul3A_1390 = vector.broadcast %mul3A_1389 : f32 to vector<16xf32>
      %mul3A_1391 = arith.mulf %convert_element_type3A_1388, %mul3A_1390 : vector<16xf32>
      %sub3A_1392 = arith.subf %mul3A_1391, %gather3A_286 : vector<16xf32>
      %mul3A_1393 = arith.mulf %sub3A_1392, %sub3A_1392 : vector<16xf32>
      %mul3A_1394 = arith.constant -2.000000e+04 : f32
      %mul3A_1395 = vector.broadcast %mul3A_1394 : f32 to vector<16xf32>
      %mul3A_1396 = arith.mulf %mul3A_1393, %mul3A_1395 : vector<16xf32>
      %exp3A_1397 = math.exp %mul3A_1396 : vector<16xf32>
      %mul3A_1398 = arith.mulf %select_n3A_290, %exp3A_1397 : vector<16xf32>
      %mul3A_1399 = arith.constant 384 : i32
      %mul3A_1400 = vector.broadcast %mul3A_1399 : i32 to vector<16xi32>
      %mul3A_1401 = arith.muli %select_n3A_1387, %mul3A_1400 : vector<16xi32>
      %add3A_1402 = arith.addi %mul3A_1401, %add3A_550 : vector<16xi32>
      %add3A_1403 = arith.constant 0 : i32
      %add3A_1404 = vector.broadcast %add3A_1403 : i32 to vector<16xi32>
      %add3A_1405 = arith.addi %add3A_1402, %add3A_1404 : vector<16xi32>
      %mul3A_1406 = arith.mulf %mul3A_1398, %select_n3A_319 : vector<16xf32>
      tpu.vector_store_idx %arg10[%add3A_1405], %mul3A_1406 masked %and3A_1382 {add = true} : memref<18688xf32, #tpu.memory_space<vmem>>[vector<16xi32>], vector<16xf32>, vector<16xi1>
      %add3A_1407 = arith.constant 1 : i32
      %add3A_1408 = vector.broadcast %add3A_1407 : i32 to vector<16xi32>
      %add3A_1409 = arith.addi %add3A_1402, %add3A_1408 : vector<16xi32>
      %mul3A_1410 = arith.mulf %mul3A_1398, %select_n3A_338 : vector<16xf32>
      tpu.vector_store_idx %arg10[%add3A_1409], %mul3A_1410 masked %and3A_1382 {add = true} : memref<18688xf32, #tpu.memory_space<vmem>>[vector<16xi32>], vector<16xf32>, vector<16xi1>
      %add3A_1411 = arith.constant 2 : i32
      %add3A_1412 = vector.broadcast %add3A_1411 : i32 to vector<16xi32>
      %add3A_1413 = arith.addi %add3A_1402, %add3A_1412 : vector<16xi32>
      %mul3A_1414 = arith.mulf %mul3A_1398, %select_n3A_357 : vector<16xf32>
      tpu.vector_store_idx %arg10[%add3A_1413], %mul3A_1414 masked %and3A_1382 {add = true} : memref<18688xf32, #tpu.memory_space<vmem>>[vector<16xi32>], vector<16xf32>, vector<16xi1>
      %add3A_1415 = arith.constant 3 : i32
      %add3A_1416 = vector.broadcast %add3A_1415 : i32 to vector<16xi32>
      %add3A_1417 = arith.addi %add3A_1402, %add3A_1416 : vector<16xi32>
      %mul3A_1418 = arith.mulf %mul3A_1398, %select_n3A_376 : vector<16xf32>
      tpu.vector_store_idx %arg10[%add3A_1417], %mul3A_1418 masked %and3A_1382 {add = true} : memref<18688xf32, #tpu.memory_space<vmem>>[vector<16xi32>], vector<16xf32>, vector<16xi1>
      %add3A_1419 = arith.constant 4 : i32
      %add3A_1420 = vector.broadcast %add3A_1419 : i32 to vector<16xi32>
      %add3A_1421 = arith.addi %add3A_1402, %add3A_1420 : vector<16xi32>
      %mul3A_1422 = arith.mulf %mul3A_1398, %select_n3A_395 : vector<16xf32>
      tpu.vector_store_idx %arg10[%add3A_1421], %mul3A_1422 masked %and3A_1382 {add = true} : memref<18688xf32, #tpu.memory_space<vmem>>[vector<16xi32>], vector<16xf32>, vector<16xi1>
      %add3A_1423 = arith.constant 5 : i32
      %add3A_1424 = vector.broadcast %add3A_1423 : i32 to vector<16xi32>
      %add3A_1425 = arith.addi %add3A_1402, %add3A_1424 : vector<16xi32>
      %mul3A_1426 = arith.mulf %mul3A_1398, %select_n3A_414 : vector<16xf32>
      tpu.vector_store_idx %arg10[%add3A_1425], %mul3A_1426 masked %and3A_1382 {add = true} : memref<18688xf32, #tpu.memory_space<vmem>>[vector<16xi32>], vector<16xf32>, vector<16xi1>
      %add3A_1427 = arith.constant 6 : i32
      %add3A_1428 = vector.broadcast %add3A_1427 : i32 to vector<16xi32>
      %add3A_1429 = arith.addi %add3A_1402, %add3A_1428 : vector<16xi32>
      %mul3A_1430 = arith.mulf %mul3A_1398, %select_n3A_433 : vector<16xf32>
      tpu.vector_store_idx %arg10[%add3A_1429], %mul3A_1430 masked %and3A_1382 {add = true} : memref<18688xf32, #tpu.memory_space<vmem>>[vector<16xi32>], vector<16xf32>, vector<16xi1>
      %add3A_1431 = arith.constant 7 : i32
      %add3A_1432 = vector.broadcast %add3A_1431 : i32 to vector<16xi32>
      %add3A_1433 = arith.addi %add3A_1402, %add3A_1432 : vector<16xi32>
      %mul3A_1434 = arith.mulf %mul3A_1398, %select_n3A_452 : vector<16xf32>
      tpu.vector_store_idx %arg10[%add3A_1433], %mul3A_1434 masked %and3A_1382 {add = true} : memref<18688xf32, #tpu.memory_space<vmem>>[vector<16xi32>], vector<16xf32>, vector<16xi1>
      %add3A_1435 = arith.constant 8 : i32
      %add3A_1436 = vector.broadcast %add3A_1435 : i32 to vector<16xi32>
      %add3A_1437 = arith.addi %add3A_1402, %add3A_1436 : vector<16xi32>
      %mul3A_1438 = arith.mulf %mul3A_1398, %select_n3A_471 : vector<16xf32>
      tpu.vector_store_idx %arg10[%add3A_1437], %mul3A_1438 masked %and3A_1382 {add = true} : memref<18688xf32, #tpu.memory_space<vmem>>[vector<16xi32>], vector<16xf32>, vector<16xi1>
      %add3A_1439 = arith.constant 9 : i32
      %add3A_1440 = vector.broadcast %add3A_1439 : i32 to vector<16xi32>
      %add3A_1441 = arith.addi %add3A_1402, %add3A_1440 : vector<16xi32>
      %mul3A_1442 = arith.mulf %mul3A_1398, %select_n3A_490 : vector<16xf32>
      tpu.vector_store_idx %arg10[%add3A_1441], %mul3A_1442 masked %and3A_1382 {add = true} : memref<18688xf32, #tpu.memory_space<vmem>>[vector<16xi32>], vector<16xf32>, vector<16xi1>
      %add3A_1443 = arith.constant 10 : i32
      %add3A_1444 = vector.broadcast %add3A_1443 : i32 to vector<16xi32>
      %add3A_1445 = arith.addi %add3A_1402, %add3A_1444 : vector<16xi32>
      %mul3A_1446 = arith.mulf %mul3A_1398, %select_n3A_509 : vector<16xf32>
      tpu.vector_store_idx %arg10[%add3A_1445], %mul3A_1446 masked %and3A_1382 {add = true} : memref<18688xf32, #tpu.memory_space<vmem>>[vector<16xi32>], vector<16xf32>, vector<16xi1>
      %add3A_1447 = arith.constant 11 : i32
      %add3A_1448 = vector.broadcast %add3A_1447 : i32 to vector<16xi32>
      %add3A_1449 = arith.addi %add3A_1402, %add3A_1448 : vector<16xi32>
      %mul3A_1450 = arith.mulf %mul3A_1398, %select_n3A_528 : vector<16xf32>
      tpu.vector_store_idx %arg10[%add3A_1449], %mul3A_1450 masked %and3A_1382 {add = true} : memref<18688xf32, #tpu.memory_space<vmem>>[vector<16xi32>], vector<16xf32>, vector<16xi1>
      %add3A_1451 = arith.constant 12 : i32
      %add3A_1452 = vector.broadcast %add3A_1451 : i32 to vector<16xi32>
      %add3A_1453 = arith.addi %add3A_1402, %add3A_1452 : vector<16xi32>
      %mul3A_1454 = arith.mulf %mul3A_1398, %select_n3A_547 : vector<16xf32>
      tpu.vector_store_idx %arg10[%add3A_1453], %mul3A_1454 masked %and3A_1382 {add = true} : memref<18688xf32, #tpu.memory_space<vmem>>[vector<16xi32>], vector<16xf32>, vector<16xi1>
      %add3A_1455 = arith.constant 11 : i32
      %add3A_1456 = vector.broadcast %add3A_1455 : i32 to vector<16xi32>
      %add3A_1457 = arith.addi %sub3A_553, %add3A_1456 : vector<16xi32>
      %ge3A_1458 = vector.broadcast %mul3A_32 : i32 to vector<16xi32>
      %ge3A_1459 = arith.cmpi sge, %add3A_1457, %ge3A_1458 : vector<16xi32>
      %add3A_1460 = arith.constant 48 : i32
      %add3A_1461 = arith.addi %mul3A_32, %add3A_1460 : i32
      %lt3A_1462 = vector.broadcast %add3A_1461 : i32 to vector<16xi32>
      %lt3A_1463 = arith.cmpi slt, %add3A_1457, %lt3A_1462 : vector<16xi32>
      %and3A_1464 = arith.andi %ge3A_1459, %lt3A_1463 : vector<16xi1>
      %sub3A_1465 = vector.broadcast %mul3A_32 : i32 to vector<16xi32>
      %sub3A_1466 = arith.subi %add3A_1457, %sub3A_1465 : vector<16xi32>
      %jit3A_1467 = arith.constant 0 : i32
      %broadcast_in_dim3A_1468 = vector.broadcast %jit3A_1467 : i32 to vector<16xi32>
      %select_n3A_1469 = arith.select %and3A_1464, %sub3A_1466, %broadcast_in_dim3A_1468 : vector<16xi1>, vector<16xi32>
      %convert_element_type3A_1470 = arith.sitofp %add3A_1457 : vector<16xi32> to vector<16xf32>
      %mul3A_1471 = arith.constant 0.0026109661 : f32
      %mul3A_1472 = vector.broadcast %mul3A_1471 : f32 to vector<16xf32>
      %mul3A_1473 = arith.mulf %convert_element_type3A_1470, %mul3A_1472 : vector<16xf32>
      %sub3A_1474 = arith.subf %mul3A_1473, %gather3A_286 : vector<16xf32>
      %mul3A_1475 = arith.mulf %sub3A_1474, %sub3A_1474 : vector<16xf32>
      %mul3A_1476 = arith.constant -2.000000e+04 : f32
      %mul3A_1477 = vector.broadcast %mul3A_1476 : f32 to vector<16xf32>
      %mul3A_1478 = arith.mulf %mul3A_1475, %mul3A_1477 : vector<16xf32>
      %exp3A_1479 = math.exp %mul3A_1478 : vector<16xf32>
      %mul3A_1480 = arith.mulf %select_n3A_290, %exp3A_1479 : vector<16xf32>
      %mul3A_1481 = arith.constant 384 : i32
      %mul3A_1482 = vector.broadcast %mul3A_1481 : i32 to vector<16xi32>
      %mul3A_1483 = arith.muli %select_n3A_1469, %mul3A_1482 : vector<16xi32>
      %add3A_1484 = arith.addi %mul3A_1483, %add3A_550 : vector<16xi32>
      %add3A_1485 = arith.constant 0 : i32
      %add3A_1486 = vector.broadcast %add3A_1485 : i32 to vector<16xi32>
      %add3A_1487 = arith.addi %add3A_1484, %add3A_1486 : vector<16xi32>
      %mul3A_1488 = arith.mulf %mul3A_1480, %select_n3A_319 : vector<16xf32>
      tpu.vector_store_idx %arg10[%add3A_1487], %mul3A_1488 masked %and3A_1464 {add = true} : memref<18688xf32, #tpu.memory_space<vmem>>[vector<16xi32>], vector<16xf32>, vector<16xi1>
      %add3A_1489 = arith.constant 1 : i32
      %add3A_1490 = vector.broadcast %add3A_1489 : i32 to vector<16xi32>
      %add3A_1491 = arith.addi %add3A_1484, %add3A_1490 : vector<16xi32>
      %mul3A_1492 = arith.mulf %mul3A_1480, %select_n3A_338 : vector<16xf32>
      tpu.vector_store_idx %arg10[%add3A_1491], %mul3A_1492 masked %and3A_1464 {add = true} : memref<18688xf32, #tpu.memory_space<vmem>>[vector<16xi32>], vector<16xf32>, vector<16xi1>
      %add3A_1493 = arith.constant 2 : i32
      %add3A_1494 = vector.broadcast %add3A_1493 : i32 to vector<16xi32>
      %add3A_1495 = arith.addi %add3A_1484, %add3A_1494 : vector<16xi32>
      %mul3A_1496 = arith.mulf %mul3A_1480, %select_n3A_357 : vector<16xf32>
      tpu.vector_store_idx %arg10[%add3A_1495], %mul3A_1496 masked %and3A_1464 {add = true} : memref<18688xf32, #tpu.memory_space<vmem>>[vector<16xi32>], vector<16xf32>, vector<16xi1>
      %add3A_1497 = arith.constant 3 : i32
      %add3A_1498 = vector.broadcast %add3A_1497 : i32 to vector<16xi32>
      %add3A_1499 = arith.addi %add3A_1484, %add3A_1498 : vector<16xi32>
      %mul3A_1500 = arith.mulf %mul3A_1480, %select_n3A_376 : vector<16xf32>
      tpu.vector_store_idx %arg10[%add3A_1499], %mul3A_1500 masked %and3A_1464 {add = true} : memref<18688xf32, #tpu.memory_space<vmem>>[vector<16xi32>], vector<16xf32>, vector<16xi1>
      %add3A_1501 = arith.constant 4 : i32
      %add3A_1502 = vector.broadcast %add3A_1501 : i32 to vector<16xi32>
      %add3A_1503 = arith.addi %add3A_1484, %add3A_1502 : vector<16xi32>
      %mul3A_1504 = arith.mulf %mul3A_1480, %select_n3A_395 : vector<16xf32>
      tpu.vector_store_idx %arg10[%add3A_1503], %mul3A_1504 masked %and3A_1464 {add = true} : memref<18688xf32, #tpu.memory_space<vmem>>[vector<16xi32>], vector<16xf32>, vector<16xi1>
      %add3A_1505 = arith.constant 5 : i32
      %add3A_1506 = vector.broadcast %add3A_1505 : i32 to vector<16xi32>
      %add3A_1507 = arith.addi %add3A_1484, %add3A_1506 : vector<16xi32>
      %mul3A_1508 = arith.mulf %mul3A_1480, %select_n3A_414 : vector<16xf32>
      tpu.vector_store_idx %arg10[%add3A_1507], %mul3A_1508 masked %and3A_1464 {add = true} : memref<18688xf32, #tpu.memory_space<vmem>>[vector<16xi32>], vector<16xf32>, vector<16xi1>
      %add3A_1509 = arith.constant 6 : i32
      %add3A_1510 = vector.broadcast %add3A_1509 : i32 to vector<16xi32>
      %add3A_1511 = arith.addi %add3A_1484, %add3A_1510 : vector<16xi32>
      %mul3A_1512 = arith.mulf %mul3A_1480, %select_n3A_433 : vector<16xf32>
      tpu.vector_store_idx %arg10[%add3A_1511], %mul3A_1512 masked %and3A_1464 {add = true} : memref<18688xf32, #tpu.memory_space<vmem>>[vector<16xi32>], vector<16xf32>, vector<16xi1>
      %add3A_1513 = arith.constant 7 : i32
      %add3A_1514 = vector.broadcast %add3A_1513 : i32 to vector<16xi32>
      %add3A_1515 = arith.addi %add3A_1484, %add3A_1514 : vector<16xi32>
      %mul3A_1516 = arith.mulf %mul3A_1480, %select_n3A_452 : vector<16xf32>
      tpu.vector_store_idx %arg10[%add3A_1515], %mul3A_1516 masked %and3A_1464 {add = true} : memref<18688xf32, #tpu.memory_space<vmem>>[vector<16xi32>], vector<16xf32>, vector<16xi1>
      %add3A_1517 = arith.constant 8 : i32
      %add3A_1518 = vector.broadcast %add3A_1517 : i32 to vector<16xi32>
      %add3A_1519 = arith.addi %add3A_1484, %add3A_1518 : vector<16xi32>
      %mul3A_1520 = arith.mulf %mul3A_1480, %select_n3A_471 : vector<16xf32>
      tpu.vector_store_idx %arg10[%add3A_1519], %mul3A_1520 masked %and3A_1464 {add = true} : memref<18688xf32, #tpu.memory_space<vmem>>[vector<16xi32>], vector<16xf32>, vector<16xi1>
      %add3A_1521 = arith.constant 9 : i32
      %add3A_1522 = vector.broadcast %add3A_1521 : i32 to vector<16xi32>
      %add3A_1523 = arith.addi %add3A_1484, %add3A_1522 : vector<16xi32>
      %mul3A_1524 = arith.mulf %mul3A_1480, %select_n3A_490 : vector<16xf32>
      tpu.vector_store_idx %arg10[%add3A_1523], %mul3A_1524 masked %and3A_1464 {add = true} : memref<18688xf32, #tpu.memory_space<vmem>>[vector<16xi32>], vector<16xf32>, vector<16xi1>
      %add3A_1525 = arith.constant 10 : i32
      %add3A_1526 = vector.broadcast %add3A_1525 : i32 to vector<16xi32>
      %add3A_1527 = arith.addi %add3A_1484, %add3A_1526 : vector<16xi32>
      %mul3A_1528 = arith.mulf %mul3A_1480, %select_n3A_509 : vector<16xf32>
      tpu.vector_store_idx %arg10[%add3A_1527], %mul3A_1528 masked %and3A_1464 {add = true} : memref<18688xf32, #tpu.memory_space<vmem>>[vector<16xi32>], vector<16xf32>, vector<16xi1>
      %add3A_1529 = arith.constant 11 : i32
      %add3A_1530 = vector.broadcast %add3A_1529 : i32 to vector<16xi32>
      %add3A_1531 = arith.addi %add3A_1484, %add3A_1530 : vector<16xi32>
      %mul3A_1532 = arith.mulf %mul3A_1480, %select_n3A_528 : vector<16xf32>
      tpu.vector_store_idx %arg10[%add3A_1531], %mul3A_1532 masked %and3A_1464 {add = true} : memref<18688xf32, #tpu.memory_space<vmem>>[vector<16xi32>], vector<16xf32>, vector<16xi1>
      %add3A_1533 = arith.constant 12 : i32
      %add3A_1534 = vector.broadcast %add3A_1533 : i32 to vector<16xi32>
      %add3A_1535 = arith.addi %add3A_1484, %add3A_1534 : vector<16xi32>
      %mul3A_1536 = arith.mulf %mul3A_1480, %select_n3A_547 : vector<16xf32>
      tpu.vector_store_idx %arg10[%add3A_1535], %mul3A_1536 masked %and3A_1464 {add = true} : memref<18688xf32, #tpu.memory_space<vmem>>[vector<16xi32>], vector<16xf32>, vector<16xi1>
      %add3A_1537 = arith.constant 12 : i32
      %add3A_1538 = vector.broadcast %add3A_1537 : i32 to vector<16xi32>
      %add3A_1539 = arith.addi %sub3A_553, %add3A_1538 : vector<16xi32>
      %ge3A_1540 = vector.broadcast %mul3A_32 : i32 to vector<16xi32>
      %ge3A_1541 = arith.cmpi sge, %add3A_1539, %ge3A_1540 : vector<16xi32>
      %add3A_1542 = arith.constant 48 : i32
      %add3A_1543 = arith.addi %mul3A_32, %add3A_1542 : i32
      %lt3A_1544 = vector.broadcast %add3A_1543 : i32 to vector<16xi32>
      %lt3A_1545 = arith.cmpi slt, %add3A_1539, %lt3A_1544 : vector<16xi32>
      %and3A_1546 = arith.andi %ge3A_1541, %lt3A_1545 : vector<16xi1>
      %sub3A_1547 = vector.broadcast %mul3A_32 : i32 to vector<16xi32>
      %sub3A_1548 = arith.subi %add3A_1539, %sub3A_1547 : vector<16xi32>
      %jit3A_1549 = arith.constant 0 : i32
      %broadcast_in_dim3A_1550 = vector.broadcast %jit3A_1549 : i32 to vector<16xi32>
      %select_n3A_1551 = arith.select %and3A_1546, %sub3A_1548, %broadcast_in_dim3A_1550 : vector<16xi1>, vector<16xi32>
      %convert_element_type3A_1552 = arith.sitofp %add3A_1539 : vector<16xi32> to vector<16xf32>
      %mul3A_1553 = arith.constant 0.0026109661 : f32
      %mul3A_1554 = vector.broadcast %mul3A_1553 : f32 to vector<16xf32>
      %mul3A_1555 = arith.mulf %convert_element_type3A_1552, %mul3A_1554 : vector<16xf32>
      %sub3A_1556 = arith.subf %mul3A_1555, %gather3A_286 : vector<16xf32>
      %mul3A_1557 = arith.mulf %sub3A_1556, %sub3A_1556 : vector<16xf32>
      %mul3A_1558 = arith.constant -2.000000e+04 : f32
      %mul3A_1559 = vector.broadcast %mul3A_1558 : f32 to vector<16xf32>
      %mul3A_1560 = arith.mulf %mul3A_1557, %mul3A_1559 : vector<16xf32>
      %exp3A_1561 = math.exp %mul3A_1560 : vector<16xf32>
      %mul3A_1562 = arith.mulf %select_n3A_290, %exp3A_1561 : vector<16xf32>
      %mul3A_1563 = arith.constant 384 : i32
      %mul3A_1564 = vector.broadcast %mul3A_1563 : i32 to vector<16xi32>
      %mul3A_1565 = arith.muli %select_n3A_1551, %mul3A_1564 : vector<16xi32>
      %add3A_1566 = arith.addi %mul3A_1565, %add3A_550 : vector<16xi32>
      %add3A_1567 = arith.constant 0 : i32
      %add3A_1568 = vector.broadcast %add3A_1567 : i32 to vector<16xi32>
      %add3A_1569 = arith.addi %add3A_1566, %add3A_1568 : vector<16xi32>
      %mul3A_1570 = arith.mulf %mul3A_1562, %select_n3A_319 : vector<16xf32>
      tpu.vector_store_idx %arg10[%add3A_1569], %mul3A_1570 masked %and3A_1546 {add = true} : memref<18688xf32, #tpu.memory_space<vmem>>[vector<16xi32>], vector<16xf32>, vector<16xi1>
      %add3A_1571 = arith.constant 1 : i32
      %add3A_1572 = vector.broadcast %add3A_1571 : i32 to vector<16xi32>
      %add3A_1573 = arith.addi %add3A_1566, %add3A_1572 : vector<16xi32>
      %mul3A_1574 = arith.mulf %mul3A_1562, %select_n3A_338 : vector<16xf32>
      tpu.vector_store_idx %arg10[%add3A_1573], %mul3A_1574 masked %and3A_1546 {add = true} : memref<18688xf32, #tpu.memory_space<vmem>>[vector<16xi32>], vector<16xf32>, vector<16xi1>
      %add3A_1575 = arith.constant 2 : i32
      %add3A_1576 = vector.broadcast %add3A_1575 : i32 to vector<16xi32>
      %add3A_1577 = arith.addi %add3A_1566, %add3A_1576 : vector<16xi32>
      %mul3A_1578 = arith.mulf %mul3A_1562, %select_n3A_357 : vector<16xf32>
      tpu.vector_store_idx %arg10[%add3A_1577], %mul3A_1578 masked %and3A_1546 {add = true} : memref<18688xf32, #tpu.memory_space<vmem>>[vector<16xi32>], vector<16xf32>, vector<16xi1>
      %add3A_1579 = arith.constant 3 : i32
      %add3A_1580 = vector.broadcast %add3A_1579 : i32 to vector<16xi32>
      %add3A_1581 = arith.addi %add3A_1566, %add3A_1580 : vector<16xi32>
      %mul3A_1582 = arith.mulf %mul3A_1562, %select_n3A_376 : vector<16xf32>
      tpu.vector_store_idx %arg10[%add3A_1581], %mul3A_1582 masked %and3A_1546 {add = true} : memref<18688xf32, #tpu.memory_space<vmem>>[vector<16xi32>], vector<16xf32>, vector<16xi1>
      %add3A_1583 = arith.constant 4 : i32
      %add3A_1584 = vector.broadcast %add3A_1583 : i32 to vector<16xi32>
      %add3A_1585 = arith.addi %add3A_1566, %add3A_1584 : vector<16xi32>
      %mul3A_1586 = arith.mulf %mul3A_1562, %select_n3A_395 : vector<16xf32>
      tpu.vector_store_idx %arg10[%add3A_1585], %mul3A_1586 masked %and3A_1546 {add = true} : memref<18688xf32, #tpu.memory_space<vmem>>[vector<16xi32>], vector<16xf32>, vector<16xi1>
      %add3A_1587 = arith.constant 5 : i32
      %add3A_1588 = vector.broadcast %add3A_1587 : i32 to vector<16xi32>
      %add3A_1589 = arith.addi %add3A_1566, %add3A_1588 : vector<16xi32>
      %mul3A_1590 = arith.mulf %mul3A_1562, %select_n3A_414 : vector<16xf32>
      tpu.vector_store_idx %arg10[%add3A_1589], %mul3A_1590 masked %and3A_1546 {add = true} : memref<18688xf32, #tpu.memory_space<vmem>>[vector<16xi32>], vector<16xf32>, vector<16xi1>
      %add3A_1591 = arith.constant 6 : i32
      %add3A_1592 = vector.broadcast %add3A_1591 : i32 to vector<16xi32>
      %add3A_1593 = arith.addi %add3A_1566, %add3A_1592 : vector<16xi32>
      %mul3A_1594 = arith.mulf %mul3A_1562, %select_n3A_433 : vector<16xf32>
      tpu.vector_store_idx %arg10[%add3A_1593], %mul3A_1594 masked %and3A_1546 {add = true} : memref<18688xf32, #tpu.memory_space<vmem>>[vector<16xi32>], vector<16xf32>, vector<16xi1>
      %add3A_1595 = arith.constant 7 : i32
      %add3A_1596 = vector.broadcast %add3A_1595 : i32 to vector<16xi32>
      %add3A_1597 = arith.addi %add3A_1566, %add3A_1596 : vector<16xi32>
      %mul3A_1598 = arith.mulf %mul3A_1562, %select_n3A_452 : vector<16xf32>
      tpu.vector_store_idx %arg10[%add3A_1597], %mul3A_1598 masked %and3A_1546 {add = true} : memref<18688xf32, #tpu.memory_space<vmem>>[vector<16xi32>], vector<16xf32>, vector<16xi1>
      %add3A_1599 = arith.constant 8 : i32
      %add3A_1600 = vector.broadcast %add3A_1599 : i32 to vector<16xi32>
      %add3A_1601 = arith.addi %add3A_1566, %add3A_1600 : vector<16xi32>
      %mul3A_1602 = arith.mulf %mul3A_1562, %select_n3A_471 : vector<16xf32>
      tpu.vector_store_idx %arg10[%add3A_1601], %mul3A_1602 masked %and3A_1546 {add = true} : memref<18688xf32, #tpu.memory_space<vmem>>[vector<16xi32>], vector<16xf32>, vector<16xi1>
      %add3A_1603 = arith.constant 9 : i32
      %add3A_1604 = vector.broadcast %add3A_1603 : i32 to vector<16xi32>
      %add3A_1605 = arith.addi %add3A_1566, %add3A_1604 : vector<16xi32>
      %mul3A_1606 = arith.mulf %mul3A_1562, %select_n3A_490 : vector<16xf32>
      tpu.vector_store_idx %arg10[%add3A_1605], %mul3A_1606 masked %and3A_1546 {add = true} : memref<18688xf32, #tpu.memory_space<vmem>>[vector<16xi32>], vector<16xf32>, vector<16xi1>
      %add3A_1607 = arith.constant 10 : i32
      %add3A_1608 = vector.broadcast %add3A_1607 : i32 to vector<16xi32>
      %add3A_1609 = arith.addi %add3A_1566, %add3A_1608 : vector<16xi32>
      %mul3A_1610 = arith.mulf %mul3A_1562, %select_n3A_509 : vector<16xf32>
      tpu.vector_store_idx %arg10[%add3A_1609], %mul3A_1610 masked %and3A_1546 {add = true} : memref<18688xf32, #tpu.memory_space<vmem>>[vector<16xi32>], vector<16xf32>, vector<16xi1>
      %add3A_1611 = arith.constant 11 : i32
      %add3A_1612 = vector.broadcast %add3A_1611 : i32 to vector<16xi32>
      %add3A_1613 = arith.addi %add3A_1566, %add3A_1612 : vector<16xi32>
      %mul3A_1614 = arith.mulf %mul3A_1562, %select_n3A_528 : vector<16xf32>
      tpu.vector_store_idx %arg10[%add3A_1613], %mul3A_1614 masked %and3A_1546 {add = true} : memref<18688xf32, #tpu.memory_space<vmem>>[vector<16xi32>], vector<16xf32>, vector<16xi1>
      %add3A_1615 = arith.constant 12 : i32
      %add3A_1616 = vector.broadcast %add3A_1615 : i32 to vector<16xi32>
      %add3A_1617 = arith.addi %add3A_1566, %add3A_1616 : vector<16xi32>
      %mul3A_1618 = arith.mulf %mul3A_1562, %select_n3A_547 : vector<16xf32>
      tpu.vector_store_idx %arg10[%add3A_1617], %mul3A_1618 masked %and3A_1546 {add = true} : memref<18688xf32, #tpu.memory_space<vmem>>[vector<16xi32>], vector<16xf32>, vector<16xi1>
    }
    "tpu.region"() ({
      %run_scoped3A_274 = tpu.sem_alloc : memref<!tpu.dma_semaphore, #tpu.memory_space<semaphore_mem>>
      %dma_start3A_275 = arith.constant 128 : i32
      %dma_start3A_276 = tpu.memref_slice %arg10[%dma_start3A_275] : memref<18688xf32, #tpu.memory_space<vmem>> -> memref<18432xf32, #tpu.memory_space<vmem>>
      %dma_start3A_277 = arith.constant 0 : i32
      %dma_start3A_278 = tpu.memref_slice %arg12[%arg1, %dma_start3A_277] : memref<16x18432xf32, #tpu.memory_space<vmem_shared>> -> memref<1x18432xf32, #tpu.memory_space<vmem_shared>>
      %dma_start3A_279 = tpu.memref_squeeze %dma_start3A_278 : memref<1x18432xf32, #tpu.memory_space<vmem_shared>> -> memref<18432xf32, #tpu.memory_space<vmem_shared>>
      %dma_start3A_280 = arith.constant 0 : i32
      %dma_start3A_281 = tpu.memref_slice %arg12[%arg1, %dma_start3A_280] : memref<16x18432xf32, #tpu.memory_space<vmem_shared>> -> memref<1x18432xf32, #tpu.memory_space<vmem_shared>>
      %dma_start3A_282 = tpu.memref_squeeze %dma_start3A_281 : memref<1x18432xf32, #tpu.memory_space<vmem_shared>> -> memref<18432xf32, #tpu.memory_space<vmem_shared>>
      %dma_start3A_283 = arith.constant 128 : i32
      %dma_start3A_284 = tpu.memref_slice %arg10[%dma_start3A_283] : memref<18688xf32, #tpu.memory_space<vmem>> -> memref<18432xf32, #tpu.memory_space<vmem>>
      tpu.enqueue_dma source(%dma_start3A_284 : memref<18432xf32, #tpu.memory_space<vmem>>) target(%dma_start3A_282 : memref<18432xf32, #tpu.memory_space<vmem_shared>>) target_semaphore(%run_scoped3A_274 : memref<!tpu.dma_semaphore, #tpu.memory_space<semaphore_mem>>)
      %dma_wait3A_285 = arith.constant 128 : i32
      %dma_wait3A_286 = tpu.memref_slice %arg10[%dma_wait3A_285] : memref<18688xf32, #tpu.memory_space<vmem>> -> memref<18432xf32, #tpu.memory_space<vmem>>
      %dma_wait3A_287 = arith.constant 0 : i32
      %dma_wait3A_288 = tpu.memref_slice %arg12[%arg1, %dma_wait3A_287] : memref<16x18432xf32, #tpu.memory_space<vmem_shared>> -> memref<1x18432xf32, #tpu.memory_space<vmem_shared>>
      %dma_wait3A_289 = tpu.memref_squeeze %dma_wait3A_288 : memref<1x18432xf32, #tpu.memory_space<vmem_shared>> -> memref<18432xf32, #tpu.memory_space<vmem_shared>>
      %dma_wait3A_290 = arith.constant 0 : i32
      %dma_wait3A_291 = tpu.memref_slice %arg12[%arg1, %dma_wait3A_290] : memref<16x18432xf32, #tpu.memory_space<vmem_shared>> -> memref<1x18432xf32, #tpu.memory_space<vmem_shared>>
      %dma_wait3A_292 = tpu.memref_squeeze %dma_wait3A_291 : memref<1x18432xf32, #tpu.memory_space<vmem_shared>> -> memref<18432xf32, #tpu.memory_space<vmem_shared>>
      %dma_wait3A_293 = arith.constant 128 : i32
      %dma_wait3A_294 = tpu.memref_slice %arg10[%dma_wait3A_293] : memref<18688xf32, #tpu.memory_space<vmem>> -> memref<18432xf32, #tpu.memory_space<vmem>>
      tpu.wait_dma2 semaphore(%run_scoped3A_274 : memref<!tpu.dma_semaphore, #tpu.memory_space<semaphore_mem>>) src(%dma_wait3A_294 : memref<18432xf32, #tpu.memory_space<vmem>>) dst(%dma_wait3A_292 : memref<18432xf32, #tpu.memory_space<vmem_shared>>)
      tpu.yield
    }) : () -> ()
    %barrier3A = arith.constant 0 : index
    tpu.barrier barrier_id(%barrier3A)
    %jit3A_133 = arith.constant 4 : i32
    %div3A_134 = arith.divsi %arg1, %jit3A_133 : i32
    %sign3A_135 = arith.constant 0 : i32
    %sign3A_136 = arith.cmpi sgt, %arg1, %sign3A_135 : i32
    %sign3A_137 = arith.extui %sign3A_136 : i1 to i32
    %sign3A_138 = arith.constant 0 : i32
    %sign3A_139 = arith.cmpi slt, %arg1, %sign3A_138 : i32
    %sign3A_140 = arith.extui %sign3A_139 : i1 to i32
    %sign3A_141 = arith.subi %sign3A_137, %sign3A_140 : i32
    %sign3A_142 = arith.constant 0 : i32
    %sign3A_143 = arith.cmpi sgt, %jit3A_133, %sign3A_142 : i32
    %sign3A_144 = arith.extui %sign3A_143 : i1 to i32
    %sign3A_145 = arith.constant 0 : i32
    %sign3A_146 = arith.cmpi slt, %jit3A_133, %sign3A_145 : i32
    %sign3A_147 = arith.extui %sign3A_146 : i1 to i32
    %sign3A_148 = arith.subi %sign3A_144, %sign3A_147 : i32
    %ne3A_149 = arith.cmpi ne, %sign3A_141, %sign3A_148 : i32
    %rem3A_150 = arith.remsi %arg1, %jit3A_133 : i32
    %ne3A_151 = arith.constant 0 : i32
    %ne3A_152 = arith.cmpi ne, %rem3A_150, %ne3A_151 : i32
    %and3A_153 = arith.andi %ne3A_149, %ne3A_152 : i1
    %sub3A_154 = arith.constant 1 : i32
    %sub3A_155 = arith.subi %div3A_134, %sub3A_154 : i32
    %select_n3A_156 = arith.select %and3A_153, %sub3A_155, %div3A_134 : i32
    %mul3A_157 = arith.constant 4 : i32
    %mul3A_158 = arith.muli %select_n3A_156, %mul3A_157 : i32
    %add3A_159 = arith.constant 0 : i32
    %add3A_160 = arith.addi %mul3A_158, %add3A_159 : i32
    %mul3A_161 = arith.constant 4608 : i32
    %mul3A_162 = arith.muli %select_n3A_7, %mul3A_161 : i32
    %add3A_163 = arith.constant 1 : i32
    %add3A_164 = arith.addi %mul3A_158, %add3A_163 : i32
    %mul3A_165 = arith.constant 4608 : i32
    %mul3A_166 = arith.muli %select_n3A_7, %mul3A_165 : i32
    %add3A_167 = arith.constant 2 : i32
    %add3A_168 = arith.addi %mul3A_158, %add3A_167 : i32
    %mul3A_169 = arith.constant 4608 : i32
    %mul3A_170 = arith.muli %select_n3A_7, %mul3A_169 : i32
    %add3A_171 = arith.constant 3 : i32
    %add3A_172 = arith.addi %mul3A_158, %add3A_171 : i32
    %mul3A_173 = arith.constant 4608 : i32
    %mul3A_174 = arith.muli %select_n3A_7, %mul3A_173 : i32
    %dma_start3A_175 = arith.constant 0 : i32
    %dma_start3A_176 = arith.constant 0 : i32
    %dma_start3A_177 = tpu.memref_slice %arg11[%dma_start3A_175, %dma_start3A_176] : memref<4x4608xf32, #tpu.memory_space<vmem>> -> memref<1x4608xf32, #tpu.memory_space<vmem>>
    %dma_start3A_178 = tpu.memref_squeeze %dma_start3A_177 : memref<1x4608xf32, #tpu.memory_space<vmem>> -> memref<4608xf32, #tpu.memory_space<vmem>>
    %dma_start3A_179 = tpu.memref_slice %arg12[%add3A_160, %mul3A_162] : memref<16x18432xf32, #tpu.memory_space<vmem_shared>> -> memref<1x4608xf32, #tpu.memory_space<vmem_shared>>
    %dma_start3A_180 = tpu.memref_squeeze %dma_start3A_179 : memref<1x4608xf32, #tpu.memory_space<vmem_shared>> -> memref<4608xf32, #tpu.memory_space<vmem_shared>>
    %dma_start3A_181 = arith.constant 0 : i32
    %dma_start3A_182 = tpu.memref_slice %arg11[%dma_start3A_175, %dma_start3A_181] : memref<4x4608xf32, #tpu.memory_space<vmem>> -> memref<1x4608xf32, #tpu.memory_space<vmem>>
    %dma_start3A_183 = tpu.memref_squeeze %dma_start3A_182 : memref<1x4608xf32, #tpu.memory_space<vmem>> -> memref<4608xf32, #tpu.memory_space<vmem>>
    %dma_start3A_184 = tpu.memref_slice %arg12[%add3A_160, %mul3A_162] : memref<16x18432xf32, #tpu.memory_space<vmem_shared>> -> memref<1x4608xf32, #tpu.memory_space<vmem_shared>>
    %dma_start3A_185 = tpu.memref_squeeze %dma_start3A_184 : memref<1x4608xf32, #tpu.memory_space<vmem_shared>> -> memref<4608xf32, #tpu.memory_space<vmem_shared>>
    tpu.enqueue_dma source(%dma_start3A_185 : memref<4608xf32, #tpu.memory_space<vmem_shared>>) target(%dma_start3A_183 : memref<4608xf32, #tpu.memory_space<vmem>>) target_semaphore(%arg13 : memref<!tpu.dma_semaphore, #tpu.memory_space<semaphore_mem>>)
    %dma_start3A_186 = arith.constant 1 : i32
    %dma_start3A_187 = arith.constant 0 : i32
    %dma_start3A_188 = tpu.memref_slice %arg11[%dma_start3A_186, %dma_start3A_187] : memref<4x4608xf32, #tpu.memory_space<vmem>> -> memref<1x4608xf32, #tpu.memory_space<vmem>>
    %dma_start3A_189 = tpu.memref_squeeze %dma_start3A_188 : memref<1x4608xf32, #tpu.memory_space<vmem>> -> memref<4608xf32, #tpu.memory_space<vmem>>
    %dma_start3A_190 = tpu.memref_slice %arg12[%add3A_164, %mul3A_166] : memref<16x18432xf32, #tpu.memory_space<vmem_shared>> -> memref<1x4608xf32, #tpu.memory_space<vmem_shared>>
    %dma_start3A_191 = tpu.memref_squeeze %dma_start3A_190 : memref<1x4608xf32, #tpu.memory_space<vmem_shared>> -> memref<4608xf32, #tpu.memory_space<vmem_shared>>
    %dma_start3A_192 = arith.constant 0 : i32
    %dma_start3A_193 = tpu.memref_slice %arg11[%dma_start3A_186, %dma_start3A_192] : memref<4x4608xf32, #tpu.memory_space<vmem>> -> memref<1x4608xf32, #tpu.memory_space<vmem>>
    %dma_start3A_194 = tpu.memref_squeeze %dma_start3A_193 : memref<1x4608xf32, #tpu.memory_space<vmem>> -> memref<4608xf32, #tpu.memory_space<vmem>>
    %dma_start3A_195 = tpu.memref_slice %arg12[%add3A_164, %mul3A_166] : memref<16x18432xf32, #tpu.memory_space<vmem_shared>> -> memref<1x4608xf32, #tpu.memory_space<vmem_shared>>
    %dma_start3A_196 = tpu.memref_squeeze %dma_start3A_195 : memref<1x4608xf32, #tpu.memory_space<vmem_shared>> -> memref<4608xf32, #tpu.memory_space<vmem_shared>>
    tpu.enqueue_dma source(%dma_start3A_196 : memref<4608xf32, #tpu.memory_space<vmem_shared>>) target(%dma_start3A_194 : memref<4608xf32, #tpu.memory_space<vmem>>) target_semaphore(%arg13 : memref<!tpu.dma_semaphore, #tpu.memory_space<semaphore_mem>>)
    %dma_start3A_197 = arith.constant 2 : i32
    %dma_start3A_198 = arith.constant 0 : i32
    %dma_start3A_199 = tpu.memref_slice %arg11[%dma_start3A_197, %dma_start3A_198] : memref<4x4608xf32, #tpu.memory_space<vmem>> -> memref<1x4608xf32, #tpu.memory_space<vmem>>
    %dma_start3A_200 = tpu.memref_squeeze %dma_start3A_199 : memref<1x4608xf32, #tpu.memory_space<vmem>> -> memref<4608xf32, #tpu.memory_space<vmem>>
    %dma_start3A_201 = tpu.memref_slice %arg12[%add3A_168, %mul3A_170] : memref<16x18432xf32, #tpu.memory_space<vmem_shared>> -> memref<1x4608xf32, #tpu.memory_space<vmem_shared>>
    %dma_start3A_202 = tpu.memref_squeeze %dma_start3A_201 : memref<1x4608xf32, #tpu.memory_space<vmem_shared>> -> memref<4608xf32, #tpu.memory_space<vmem_shared>>
    %dma_start3A_203 = arith.constant 0 : i32
    %dma_start3A_204 = tpu.memref_slice %arg11[%dma_start3A_197, %dma_start3A_203] : memref<4x4608xf32, #tpu.memory_space<vmem>> -> memref<1x4608xf32, #tpu.memory_space<vmem>>
    %dma_start3A_205 = tpu.memref_squeeze %dma_start3A_204 : memref<1x4608xf32, #tpu.memory_space<vmem>> -> memref<4608xf32, #tpu.memory_space<vmem>>
    %dma_start3A_206 = tpu.memref_slice %arg12[%add3A_168, %mul3A_170] : memref<16x18432xf32, #tpu.memory_space<vmem_shared>> -> memref<1x4608xf32, #tpu.memory_space<vmem_shared>>
    %dma_start3A_207 = tpu.memref_squeeze %dma_start3A_206 : memref<1x4608xf32, #tpu.memory_space<vmem_shared>> -> memref<4608xf32, #tpu.memory_space<vmem_shared>>
    tpu.enqueue_dma source(%dma_start3A_207 : memref<4608xf32, #tpu.memory_space<vmem_shared>>) target(%dma_start3A_205 : memref<4608xf32, #tpu.memory_space<vmem>>) target_semaphore(%arg13 : memref<!tpu.dma_semaphore, #tpu.memory_space<semaphore_mem>>)
    %dma_start3A_208 = arith.constant 3 : i32
    %dma_start3A_209 = arith.constant 0 : i32
    %dma_start3A_210 = tpu.memref_slice %arg11[%dma_start3A_208, %dma_start3A_209] : memref<4x4608xf32, #tpu.memory_space<vmem>> -> memref<1x4608xf32, #tpu.memory_space<vmem>>
    %dma_start3A_211 = tpu.memref_squeeze %dma_start3A_210 : memref<1x4608xf32, #tpu.memory_space<vmem>> -> memref<4608xf32, #tpu.memory_space<vmem>>
    %dma_start3A_212 = tpu.memref_slice %arg12[%add3A_172, %mul3A_174] : memref<16x18432xf32, #tpu.memory_space<vmem_shared>> -> memref<1x4608xf32, #tpu.memory_space<vmem_shared>>
    %dma_start3A_213 = tpu.memref_squeeze %dma_start3A_212 : memref<1x4608xf32, #tpu.memory_space<vmem_shared>> -> memref<4608xf32, #tpu.memory_space<vmem_shared>>
    %dma_start3A_214 = arith.constant 0 : i32
    %dma_start3A_215 = tpu.memref_slice %arg11[%dma_start3A_208, %dma_start3A_214] : memref<4x4608xf32, #tpu.memory_space<vmem>> -> memref<1x4608xf32, #tpu.memory_space<vmem>>
    %dma_start3A_216 = tpu.memref_squeeze %dma_start3A_215 : memref<1x4608xf32, #tpu.memory_space<vmem>> -> memref<4608xf32, #tpu.memory_space<vmem>>
    %dma_start3A_217 = tpu.memref_slice %arg12[%add3A_172, %mul3A_174] : memref<16x18432xf32, #tpu.memory_space<vmem_shared>> -> memref<1x4608xf32, #tpu.memory_space<vmem_shared>>
    %dma_start3A_218 = tpu.memref_squeeze %dma_start3A_217 : memref<1x4608xf32, #tpu.memory_space<vmem_shared>> -> memref<4608xf32, #tpu.memory_space<vmem_shared>>
    tpu.enqueue_dma source(%dma_start3A_218 : memref<4608xf32, #tpu.memory_space<vmem_shared>>) target(%dma_start3A_216 : memref<4608xf32, #tpu.memory_space<vmem>>) target_semaphore(%arg13 : memref<!tpu.dma_semaphore, #tpu.memory_space<semaphore_mem>>)
    %dma_wait3A_219 = arith.constant 0 : i32
    %dma_wait3A_220 = arith.constant 0 : i32
    %dma_wait3A_221 = tpu.memref_slice %arg11[%dma_wait3A_219, %dma_wait3A_220] : memref<4x4608xf32, #tpu.memory_space<vmem>> -> memref<1x4608xf32, #tpu.memory_space<vmem>>
    %dma_wait3A_222 = tpu.memref_squeeze %dma_wait3A_221 : memref<1x4608xf32, #tpu.memory_space<vmem>> -> memref<4608xf32, #tpu.memory_space<vmem>>
    %dma_wait3A_223 = tpu.memref_slice %arg12[%add3A_160, %mul3A_162] : memref<16x18432xf32, #tpu.memory_space<vmem_shared>> -> memref<1x4608xf32, #tpu.memory_space<vmem_shared>>
    %dma_wait3A_224 = tpu.memref_squeeze %dma_wait3A_223 : memref<1x4608xf32, #tpu.memory_space<vmem_shared>> -> memref<4608xf32, #tpu.memory_space<vmem_shared>>
    %dma_wait3A_225 = arith.constant 0 : i32
    %dma_wait3A_226 = tpu.memref_slice %arg11[%dma_wait3A_219, %dma_wait3A_225] : memref<4x4608xf32, #tpu.memory_space<vmem>> -> memref<1x4608xf32, #tpu.memory_space<vmem>>
    %dma_wait3A_227 = tpu.memref_squeeze %dma_wait3A_226 : memref<1x4608xf32, #tpu.memory_space<vmem>> -> memref<4608xf32, #tpu.memory_space<vmem>>
    %dma_wait3A_228 = tpu.memref_slice %arg12[%add3A_160, %mul3A_162] : memref<16x18432xf32, #tpu.memory_space<vmem_shared>> -> memref<1x4608xf32, #tpu.memory_space<vmem_shared>>
    %dma_wait3A_229 = tpu.memref_squeeze %dma_wait3A_228 : memref<1x4608xf32, #tpu.memory_space<vmem_shared>> -> memref<4608xf32, #tpu.memory_space<vmem_shared>>
    tpu.wait_dma2 semaphore(%arg13 : memref<!tpu.dma_semaphore, #tpu.memory_space<semaphore_mem>>) src(%dma_wait3A_229 : memref<4608xf32, #tpu.memory_space<vmem_shared>>) dst(%dma_wait3A_227 : memref<4608xf32, #tpu.memory_space<vmem>>)
    %dma_wait3A_230 = arith.constant 1 : i32
    %dma_wait3A_231 = arith.constant 0 : i32
    %dma_wait3A_232 = tpu.memref_slice %arg11[%dma_wait3A_230, %dma_wait3A_231] : memref<4x4608xf32, #tpu.memory_space<vmem>> -> memref<1x4608xf32, #tpu.memory_space<vmem>>
    %dma_wait3A_233 = tpu.memref_squeeze %dma_wait3A_232 : memref<1x4608xf32, #tpu.memory_space<vmem>> -> memref<4608xf32, #tpu.memory_space<vmem>>
    %dma_wait3A_234 = tpu.memref_slice %arg12[%add3A_164, %mul3A_166] : memref<16x18432xf32, #tpu.memory_space<vmem_shared>> -> memref<1x4608xf32, #tpu.memory_space<vmem_shared>>
    %dma_wait3A_235 = tpu.memref_squeeze %dma_wait3A_234 : memref<1x4608xf32, #tpu.memory_space<vmem_shared>> -> memref<4608xf32, #tpu.memory_space<vmem_shared>>
    %dma_wait3A_236 = arith.constant 0 : i32
    %dma_wait3A_237 = tpu.memref_slice %arg11[%dma_wait3A_230, %dma_wait3A_236] : memref<4x4608xf32, #tpu.memory_space<vmem>> -> memref<1x4608xf32, #tpu.memory_space<vmem>>
    %dma_wait3A_238 = tpu.memref_squeeze %dma_wait3A_237 : memref<1x4608xf32, #tpu.memory_space<vmem>> -> memref<4608xf32, #tpu.memory_space<vmem>>
    %dma_wait3A_239 = tpu.memref_slice %arg12[%add3A_164, %mul3A_166] : memref<16x18432xf32, #tpu.memory_space<vmem_shared>> -> memref<1x4608xf32, #tpu.memory_space<vmem_shared>>
    %dma_wait3A_240 = tpu.memref_squeeze %dma_wait3A_239 : memref<1x4608xf32, #tpu.memory_space<vmem_shared>> -> memref<4608xf32, #tpu.memory_space<vmem_shared>>
    tpu.wait_dma2 semaphore(%arg13 : memref<!tpu.dma_semaphore, #tpu.memory_space<semaphore_mem>>) src(%dma_wait3A_240 : memref<4608xf32, #tpu.memory_space<vmem_shared>>) dst(%dma_wait3A_238 : memref<4608xf32, #tpu.memory_space<vmem>>)
    %dma_wait3A_241 = arith.constant 2 : i32
    %dma_wait3A_242 = arith.constant 0 : i32
    %dma_wait3A_243 = tpu.memref_slice %arg11[%dma_wait3A_241, %dma_wait3A_242] : memref<4x4608xf32, #tpu.memory_space<vmem>> -> memref<1x4608xf32, #tpu.memory_space<vmem>>
    %dma_wait3A_244 = tpu.memref_squeeze %dma_wait3A_243 : memref<1x4608xf32, #tpu.memory_space<vmem>> -> memref<4608xf32, #tpu.memory_space<vmem>>
    %dma_wait3A_245 = tpu.memref_slice %arg12[%add3A_168, %mul3A_170] : memref<16x18432xf32, #tpu.memory_space<vmem_shared>> -> memref<1x4608xf32, #tpu.memory_space<vmem_shared>>
    %dma_wait3A_246 = tpu.memref_squeeze %dma_wait3A_245 : memref<1x4608xf32, #tpu.memory_space<vmem_shared>> -> memref<4608xf32, #tpu.memory_space<vmem_shared>>
    %dma_wait3A_247 = arith.constant 0 : i32
    %dma_wait3A_248 = tpu.memref_slice %arg11[%dma_wait3A_241, %dma_wait3A_247] : memref<4x4608xf32, #tpu.memory_space<vmem>> -> memref<1x4608xf32, #tpu.memory_space<vmem>>
    %dma_wait3A_249 = tpu.memref_squeeze %dma_wait3A_248 : memref<1x4608xf32, #tpu.memory_space<vmem>> -> memref<4608xf32, #tpu.memory_space<vmem>>
    %dma_wait3A_250 = tpu.memref_slice %arg12[%add3A_168, %mul3A_170] : memref<16x18432xf32, #tpu.memory_space<vmem_shared>> -> memref<1x4608xf32, #tpu.memory_space<vmem_shared>>
    %dma_wait3A_251 = tpu.memref_squeeze %dma_wait3A_250 : memref<1x4608xf32, #tpu.memory_space<vmem_shared>> -> memref<4608xf32, #tpu.memory_space<vmem_shared>>
    tpu.wait_dma2 semaphore(%arg13 : memref<!tpu.dma_semaphore, #tpu.memory_space<semaphore_mem>>) src(%dma_wait3A_251 : memref<4608xf32, #tpu.memory_space<vmem_shared>>) dst(%dma_wait3A_249 : memref<4608xf32, #tpu.memory_space<vmem>>)
    %dma_wait3A_252 = arith.constant 3 : i32
    %dma_wait3A_253 = arith.constant 0 : i32
    %dma_wait3A_254 = tpu.memref_slice %arg11[%dma_wait3A_252, %dma_wait3A_253] : memref<4x4608xf32, #tpu.memory_space<vmem>> -> memref<1x4608xf32, #tpu.memory_space<vmem>>
    %dma_wait3A_255 = tpu.memref_squeeze %dma_wait3A_254 : memref<1x4608xf32, #tpu.memory_space<vmem>> -> memref<4608xf32, #tpu.memory_space<vmem>>
    %dma_wait3A_256 = tpu.memref_slice %arg12[%add3A_172, %mul3A_174] : memref<16x18432xf32, #tpu.memory_space<vmem_shared>> -> memref<1x4608xf32, #tpu.memory_space<vmem_shared>>
    %dma_wait3A_257 = tpu.memref_squeeze %dma_wait3A_256 : memref<1x4608xf32, #tpu.memory_space<vmem_shared>> -> memref<4608xf32, #tpu.memory_space<vmem_shared>>
    %dma_wait3A_258 = arith.constant 0 : i32
    %dma_wait3A_259 = tpu.memref_slice %arg11[%dma_wait3A_252, %dma_wait3A_258] : memref<4x4608xf32, #tpu.memory_space<vmem>> -> memref<1x4608xf32, #tpu.memory_space<vmem>>
    %dma_wait3A_260 = tpu.memref_squeeze %dma_wait3A_259 : memref<1x4608xf32, #tpu.memory_space<vmem>> -> memref<4608xf32, #tpu.memory_space<vmem>>
    %dma_wait3A_261 = tpu.memref_slice %arg12[%add3A_172, %mul3A_174] : memref<16x18432xf32, #tpu.memory_space<vmem_shared>> -> memref<1x4608xf32, #tpu.memory_space<vmem_shared>>
    %dma_wait3A_262 = tpu.memref_squeeze %dma_wait3A_261 : memref<1x4608xf32, #tpu.memory_space<vmem_shared>> -> memref<4608xf32, #tpu.memory_space<vmem_shared>>
    tpu.wait_dma2 semaphore(%arg13 : memref<!tpu.dma_semaphore, #tpu.memory_space<semaphore_mem>>) src(%dma_wait3A_262 : memref<4608xf32, #tpu.memory_space<vmem_shared>>) dst(%dma_wait3A_260 : memref<4608xf32, #tpu.memory_space<vmem>>)
    %scan3A_263 = arith.constant 0 : i32
    %scan3A_264 = arith.constant 0 : i32
    %scan3A_265 = arith.constant 288 : i32
    %scan3A_266 = arith.addi %scan3A_264, %scan3A_265 : i32
    %scan3A_267 = arith.constant 4 : i32
    scf.for %scan3A_274 = %scan3A_264 to %scan3A_266 step %scan3A_267  : i32 {
      %mul3A_275 = arith.constant 16 : i32
      %mul3A_276 = arith.muli %scan3A_274, %mul3A_275 : i32
      %get3A_277 = arith.constant 0 : i32
      %get3A_278 = arith.index_cast %get3A_277 : i32 to index
      %get3A_279 = arith.index_cast %mul3A_276 : i32 to index
      %get3A_280 = tpu.vector_load %arg11[%get3A_278, %get3A_279] {strides = array<i32>} : memref<4x4608xf32, #tpu.memory_space<vmem>>, vector<16xf32>,
      %mul3A_281 = arith.constant 16 : i32
      %mul3A_282 = arith.muli %scan3A_274, %mul3A_281 : i32
      %get3A_283 = arith.constant 1 : i32
      %get3A_284 = arith.index_cast %get3A_283 : i32 to index
      %get3A_285 = arith.index_cast %mul3A_282 : i32 to index
      %get3A_286 = tpu.vector_load %arg11[%get3A_284, %get3A_285] {strides = array<i32>} : memref<4x4608xf32, #tpu.memory_space<vmem>>, vector<16xf32>,
      %add3A_287 = arith.addf %get3A_280, %get3A_286 : vector<16xf32>
      %mul3A_288 = arith.constant 16 : i32
      %mul3A_289 = arith.muli %scan3A_274, %mul3A_288 : i32
      %get3A_290 = arith.constant 2 : i32
      %get3A_291 = arith.index_cast %get3A_290 : i32 to index
      %get3A_292 = arith.index_cast %mul3A_289 : i32 to index
      %get3A_293 = tpu.vector_load %arg11[%get3A_291, %get3A_292] {strides = array<i32>} : memref<4x4608xf32, #tpu.memory_space<vmem>>, vector<16xf32>,
      %add3A_294 = arith.addf %add3A_287, %get3A_293 : vector<16xf32>
      %mul3A_295 = arith.constant 16 : i32
      %mul3A_296 = arith.muli %scan3A_274, %mul3A_295 : i32
      %get3A_297 = arith.constant 3 : i32
      %get3A_298 = arith.index_cast %get3A_297 : i32 to index
      %get3A_299 = arith.index_cast %mul3A_296 : i32 to index
      %get3A_300 = tpu.vector_load %arg11[%get3A_298, %get3A_299] {strides = array<i32>} : memref<4x4608xf32, #tpu.memory_space<vmem>>, vector<16xf32>,
      %add3A_301 = arith.addf %add3A_294, %get3A_300 : vector<16xf32>
      %mul3A_302 = arith.constant 16 : i32
      %mul3A_303 = arith.muli %scan3A_274, %mul3A_302 : i32
      %swap3A = arith.constant 0 : i32
      %swap3A_304 = arith.index_cast %swap3A : i32 to index
      %swap3A_305 = arith.index_cast %mul3A_303 : i32 to index
      %swap3A_306 = tpu.vector_load %arg11[%swap3A_304, %swap3A_305] {strides = array<i32>} : memref<4x4608xf32, #tpu.memory_space<vmem>>, vector<16xf32>,
      tpu.vector_store %arg11[%swap3A_304, %swap3A_305], %add3A_301 {strides = array<i32>} : memref<4x4608xf32, #tpu.memory_space<vmem>>, vector<16xf32>,
      %scan3A_307 = arith.constant 1 : i32
      %scan3A_308 = arith.addi %scan3A_274, %scan3A_307 : i32
      %mul3A_309 = arith.constant 16 : i32
      %mul3A_310 = arith.muli %scan3A_308, %mul3A_309 : i32
      %get3A_311 = arith.constant 0 : i32
      %get3A_312 = arith.index_cast %get3A_311 : i32 to index
      %get3A_313 = arith.index_cast %mul3A_310 : i32 to index
      %get3A_314 = tpu.vector_load %arg11[%get3A_312, %get3A_313] {strides = array<i32>} : memref<4x4608xf32, #tpu.memory_space<vmem>>, vector<16xf32>,
      %mul3A_315 = arith.constant 16 : i32
      %mul3A_316 = arith.muli %scan3A_308, %mul3A_315 : i32
      %get3A_317 = arith.constant 1 : i32
      %get3A_318 = arith.index_cast %get3A_317 : i32 to index
      %get3A_319 = arith.index_cast %mul3A_316 : i32 to index
      %get3A_320 = tpu.vector_load %arg11[%get3A_318, %get3A_319] {strides = array<i32>} : memref<4x4608xf32, #tpu.memory_space<vmem>>, vector<16xf32>,
      %add3A_321 = arith.addf %get3A_314, %get3A_320 : vector<16xf32>
      %mul3A_322 = arith.constant 16 : i32
      %mul3A_323 = arith.muli %scan3A_308, %mul3A_322 : i32
      %get3A_324 = arith.constant 2 : i32
      %get3A_325 = arith.index_cast %get3A_324 : i32 to index
      %get3A_326 = arith.index_cast %mul3A_323 : i32 to index
      %get3A_327 = tpu.vector_load %arg11[%get3A_325, %get3A_326] {strides = array<i32>} : memref<4x4608xf32, #tpu.memory_space<vmem>>, vector<16xf32>,
      %add3A_328 = arith.addf %add3A_321, %get3A_327 : vector<16xf32>
      %mul3A_329 = arith.constant 16 : i32
      %mul3A_330 = arith.muli %scan3A_308, %mul3A_329 : i32
      %get3A_331 = arith.constant 3 : i32
      %get3A_332 = arith.index_cast %get3A_331 : i32 to index
      %get3A_333 = arith.index_cast %mul3A_330 : i32 to index
      %get3A_334 = tpu.vector_load %arg11[%get3A_332, %get3A_333] {strides = array<i32>} : memref<4x4608xf32, #tpu.memory_space<vmem>>, vector<16xf32>,
      %add3A_335 = arith.addf %add3A_328, %get3A_334 : vector<16xf32>
      %mul3A_336 = arith.constant 16 : i32
      %mul3A_337 = arith.muli %scan3A_308, %mul3A_336 : i32
      %swap3A_338 = arith.constant 0 : i32
      %swap3A_339 = arith.index_cast %swap3A_338 : i32 to index
      %swap3A_340 = arith.index_cast %mul3A_337 : i32 to index
      %swap3A_341 = tpu.vector_load %arg11[%swap3A_339, %swap3A_340] {strides = array<i32>} : memref<4x4608xf32, #tpu.memory_space<vmem>>, vector<16xf32>,
      tpu.vector_store %arg11[%swap3A_339, %swap3A_340], %add3A_335 {strides = array<i32>} : memref<4x4608xf32, #tpu.memory_space<vmem>>, vector<16xf32>,
      %scan3A_342 = arith.constant 2 : i32
      %scan3A_343 = arith.addi %scan3A_274, %scan3A_342 : i32
      %mul3A_344 = arith.constant 16 : i32
      %mul3A_345 = arith.muli %scan3A_343, %mul3A_344 : i32
      %get3A_346 = arith.constant 0 : i32
      %get3A_347 = arith.index_cast %get3A_346 : i32 to index
      %get3A_348 = arith.index_cast %mul3A_345 : i32 to index
      %get3A_349 = tpu.vector_load %arg11[%get3A_347, %get3A_348] {strides = array<i32>} : memref<4x4608xf32, #tpu.memory_space<vmem>>, vector<16xf32>,
      %mul3A_350 = arith.constant 16 : i32
      %mul3A_351 = arith.muli %scan3A_343, %mul3A_350 : i32
      %get3A_352 = arith.constant 1 : i32
      %get3A_353 = arith.index_cast %get3A_352 : i32 to index
      %get3A_354 = arith.index_cast %mul3A_351 : i32 to index
      %get3A_355 = tpu.vector_load %arg11[%get3A_353, %get3A_354] {strides = array<i32>} : memref<4x4608xf32, #tpu.memory_space<vmem>>, vector<16xf32>,
      %add3A_356 = arith.addf %get3A_349, %get3A_355 : vector<16xf32>
      %mul3A_357 = arith.constant 16 : i32
      %mul3A_358 = arith.muli %scan3A_343, %mul3A_357 : i32
      %get3A_359 = arith.constant 2 : i32
      %get3A_360 = arith.index_cast %get3A_359 : i32 to index
      %get3A_361 = arith.index_cast %mul3A_358 : i32 to index
      %get3A_362 = tpu.vector_load %arg11[%get3A_360, %get3A_361] {strides = array<i32>} : memref<4x4608xf32, #tpu.memory_space<vmem>>, vector<16xf32>,
      %add3A_363 = arith.addf %add3A_356, %get3A_362 : vector<16xf32>
      %mul3A_364 = arith.constant 16 : i32
      %mul3A_365 = arith.muli %scan3A_343, %mul3A_364 : i32
      %get3A_366 = arith.constant 3 : i32
      %get3A_367 = arith.index_cast %get3A_366 : i32 to index
      %get3A_368 = arith.index_cast %mul3A_365 : i32 to index
      %get3A_369 = tpu.vector_load %arg11[%get3A_367, %get3A_368] {strides = array<i32>} : memref<4x4608xf32, #tpu.memory_space<vmem>>, vector<16xf32>,
      %add3A_370 = arith.addf %add3A_363, %get3A_369 : vector<16xf32>
      %mul3A_371 = arith.constant 16 : i32
      %mul3A_372 = arith.muli %scan3A_343, %mul3A_371 : i32
      %swap3A_373 = arith.constant 0 : i32
      %swap3A_374 = arith.index_cast %swap3A_373 : i32 to index
      %swap3A_375 = arith.index_cast %mul3A_372 : i32 to index
      %swap3A_376 = tpu.vector_load %arg11[%swap3A_374, %swap3A_375] {strides = array<i32>} : memref<4x4608xf32, #tpu.memory_space<vmem>>, vector<16xf32>,
      tpu.vector_store %arg11[%swap3A_374, %swap3A_375], %add3A_370 {strides = array<i32>} : memref<4x4608xf32, #tpu.memory_space<vmem>>, vector<16xf32>,
      %scan3A_377 = arith.constant 3 : i32
      %scan3A_378 = arith.addi %scan3A_274, %scan3A_377 : i32
      %mul3A_379 = arith.constant 16 : i32
      %mul3A_380 = arith.muli %scan3A_378, %mul3A_379 : i32
      %get3A_381 = arith.constant 0 : i32
      %get3A_382 = arith.index_cast %get3A_381 : i32 to index
      %get3A_383 = arith.index_cast %mul3A_380 : i32 to index
      %get3A_384 = tpu.vector_load %arg11[%get3A_382, %get3A_383] {strides = array<i32>} : memref<4x4608xf32, #tpu.memory_space<vmem>>, vector<16xf32>,
      %mul3A_385 = arith.constant 16 : i32
      %mul3A_386 = arith.muli %scan3A_378, %mul3A_385 : i32
      %get3A_387 = arith.constant 1 : i32
      %get3A_388 = arith.index_cast %get3A_387 : i32 to index
      %get3A_389 = arith.index_cast %mul3A_386 : i32 to index
      %get3A_390 = tpu.vector_load %arg11[%get3A_388, %get3A_389] {strides = array<i32>} : memref<4x4608xf32, #tpu.memory_space<vmem>>, vector<16xf32>,
      %add3A_391 = arith.addf %get3A_384, %get3A_390 : vector<16xf32>
      %mul3A_392 = arith.constant 16 : i32
      %mul3A_393 = arith.muli %scan3A_378, %mul3A_392 : i32
      %get3A_394 = arith.constant 2 : i32
      %get3A_395 = arith.index_cast %get3A_394 : i32 to index
      %get3A_396 = arith.index_cast %mul3A_393 : i32 to index
      %get3A_397 = tpu.vector_load %arg11[%get3A_395, %get3A_396] {strides = array<i32>} : memref<4x4608xf32, #tpu.memory_space<vmem>>, vector<16xf32>,
      %add3A_398 = arith.addf %add3A_391, %get3A_397 : vector<16xf32>
      %mul3A_399 = arith.constant 16 : i32
      %mul3A_400 = arith.muli %scan3A_378, %mul3A_399 : i32
      %get3A_401 = arith.constant 3 : i32
      %get3A_402 = arith.index_cast %get3A_401 : i32 to index
      %get3A_403 = arith.index_cast %mul3A_400 : i32 to index
      %get3A_404 = tpu.vector_load %arg11[%get3A_402, %get3A_403] {strides = array<i32>} : memref<4x4608xf32, #tpu.memory_space<vmem>>, vector<16xf32>,
      %add3A_405 = arith.addf %add3A_398, %get3A_404 : vector<16xf32>
      %mul3A_406 = arith.constant 16 : i32
      %mul3A_407 = arith.muli %scan3A_378, %mul3A_406 : i32
      %swap3A_408 = arith.constant 0 : i32
      %swap3A_409 = arith.index_cast %swap3A_408 : i32 to index
      %swap3A_410 = arith.index_cast %mul3A_407 : i32 to index
      %swap3A_411 = tpu.vector_load %arg11[%swap3A_409, %swap3A_410] {strides = array<i32>} : memref<4x4608xf32, #tpu.memory_space<vmem>>, vector<16xf32>,
      tpu.vector_store %arg11[%swap3A_409, %swap3A_410], %add3A_405 {strides = array<i32>} : memref<4x4608xf32, #tpu.memory_space<vmem>>, vector<16xf32>,
    }
    %scan3A_268 = arith.constant 288 : i32
    %mul3A_269 = arith.constant 384 : i32
    %mul3A_270 = arith.muli %mul3A_32, %mul3A_269 : i32
    %mul3A_271 = arith.constant 4608 : i32
    %mul3A_272 = arith.muli %select_n3A_7, %mul3A_271 : i32
    %add3A_273 = arith.addi %mul3A_270, %mul3A_272 : i32
    %run_scoped3A = arith.constant 0 : i32
    "tpu.region"() ({
      %run_scoped3A_274 = tpu.sem_alloc : memref<!tpu.dma_semaphore, #tpu.memory_space<semaphore_mem>>
      %dma_start3A_275 = arith.constant 0 : i32
      %dma_start3A_276 = tpu.memref_slice %arg11[%run_scoped3A, %dma_start3A_275] : memref<4x4608xf32, #tpu.memory_space<vmem>> -> memref<1x4608xf32, #tpu.memory_space<vmem>>
      %dma_start3A_277 = tpu.memref_squeeze %dma_start3A_276 : memref<1x4608xf32, #tpu.memory_space<vmem>> -> memref<4608xf32, #tpu.memory_space<vmem>>
      %dma_start3A_278 = tpu.memref_slice %arg5[%add3A_273] : memref<147456xf32, #tpu.memory_space<hbm>> -> memref<4608xf32, #tpu.memory_space<hbm>>
      %dma_start3A_279 = tpu.memref_slice %arg5[%add3A_273] : memref<147456xf32, #tpu.memory_space<hbm>> -> memref<4608xf32, #tpu.memory_space<hbm>>
      %dma_start3A_280 = arith.constant 0 : i32
      %dma_start3A_281 = tpu.memref_slice %arg11[%run_scoped3A, %dma_start3A_280] : memref<4x4608xf32, #tpu.memory_space<vmem>> -> memref<1x4608xf32, #tpu.memory_space<vmem>>
      %dma_start3A_282 = tpu.memref_squeeze %dma_start3A_281 : memref<1x4608xf32, #tpu.memory_space<vmem>> -> memref<4608xf32, #tpu.memory_space<vmem>>
      tpu.enqueue_dma source(%dma_start3A_282 : memref<4608xf32, #tpu.memory_space<vmem>>) target(%dma_start3A_279 : memref<4608xf32, #tpu.memory_space<hbm>>) target_semaphore(%run_scoped3A_274 : memref<!tpu.dma_semaphore, #tpu.memory_space<semaphore_mem>>)
      %dma_wait3A_283 = arith.constant 0 : i32
      %dma_wait3A_284 = tpu.memref_slice %arg11[%run_scoped3A, %dma_wait3A_283] : memref<4x4608xf32, #tpu.memory_space<vmem>> -> memref<1x4608xf32, #tpu.memory_space<vmem>>
      %dma_wait3A_285 = tpu.memref_squeeze %dma_wait3A_284 : memref<1x4608xf32, #tpu.memory_space<vmem>> -> memref<4608xf32, #tpu.memory_space<vmem>>
      %dma_wait3A_286 = tpu.memref_slice %arg5[%add3A_273] : memref<147456xf32, #tpu.memory_space<hbm>> -> memref<4608xf32, #tpu.memory_space<hbm>>
      %dma_wait3A_287 = tpu.memref_slice %arg5[%add3A_273] : memref<147456xf32, #tpu.memory_space<hbm>> -> memref<4608xf32, #tpu.memory_space<hbm>>
      %dma_wait3A_288 = arith.constant 0 : i32
      %dma_wait3A_289 = tpu.memref_slice %arg11[%run_scoped3A, %dma_wait3A_288] : memref<4x4608xf32, #tpu.memory_space<vmem>> -> memref<1x4608xf32, #tpu.memory_space<vmem>>
      %dma_wait3A_290 = tpu.memref_squeeze %dma_wait3A_289 : memref<1x4608xf32, #tpu.memory_space<vmem>> -> memref<4608xf32, #tpu.memory_space<vmem>>
      tpu.wait_dma2 semaphore(%run_scoped3A_274 : memref<!tpu.dma_semaphore, #tpu.memory_space<semaphore_mem>>) src(%dma_wait3A_290 : memref<4608xf32, #tpu.memory_space<vmem>>) dst(%dma_wait3A_287 : memref<4608xf32, #tpu.memory_space<hbm>>)
      tpu.yield
    }) : () -> ()
    return
  }
}

</mosaic_0001>

<sc_bundles>
// kernel: kernel.3.cloned.1.call-start
scs
__scs_entry_jumppad:
0x0: {  	(pc) =	sbr.rel $0x88, $3  }
0x1: {  	(tag) =	ssettag $0x0;
	lr =	simm.s32 $0x1  }
0x2: {  	[smem:$0x3FA0] =	sst lr;
	_ =	strace $0xD0000000  }
0x3: {  	_ = 	snop  }
0x4: {  	_ = 	snop  }
0x5: {  	_ = 	snop  }
0x6: {  	_ = 	snop  }
0x7: {  	_ = 	snop  }
__scs_overlays_trampoline_lowered:
0x8: {  	[smem:$0x3FAF] =	sst s0  }
0x9: {  	[smem:$0x3FB0] =	sst s1  }
0xa: {  	[smem:$0x3FB1] =	sst s2  }
0xb: {  	[smem:$0x3FB2] =	sst s3  }
0xc: {  	[smem:$0x3FB3] =	sst s4  }
0xd: {  	[smem:$0x3FB4] =	sst s5  }
0xe: {  	[smem:$0x3FB5] =	sst s6  }
0xf: {  	[smem:$0x3FB6] =	sst s7  }
0x10: {  	[smem:$0x3FB7] =	sst s8  }
0x11: {  	[smem:$0x3FB8] =	sst s9;
	s0 =	simm.s32 @!p0 $0x0  }
0x12: {  	s1 =	sld [smem:$0x3F9E];
	s0 =	simm.s32 @p0 $0x1  }
0x13: {  	[smem:$0x3FB9] =	sst s0;
	s0 =	simm.s32 @!p1 $0x0  }
0x14: {  	s2 =	sld [smem:$0x3F9D];
	s0 =	simm.s32 @p1 $0x1  }
0x15: {  	[smem:$0x3FBA] =	sst s0;
	s0 =	simm.s32 @!p2 $0x0  }
0x16: {  	s3 =	sld [smem:$0x3FDB];
	s0 =	simm.s32 @p2 $0x1  }
0x17: {  	s4 =	simm.s32 $0x1BF5;
	[smem:$0x3FBC] =	sst s0  }
0x18: {  	s0 =	sld [smem:$0x3F9F];
	_ =	swait.ge [sflag:s4], $0x0  }
0x19: {  	s7 =	sld [smem:$0x3FA0]  }
0x1a: {  	s8 =	sadd.s32 $0xFFFFE003, lr  }
0x1b: {  	s9 =	sadd.s32 $0xFFFFFEF7, lr;
	s5 =	simm.s32 $0xFFFFFFFF;
	p2 =	slt.u32 s8, $0xFFFFF086  }
0x1c: {  	p1 =	slt.u32 s9, $0xF7A;
	s5 =	simm.s32 @!p2 $0x0  }
0x1d: {  	s5 =	simm.s32 @p1 $0x1;
	p0 =	seq.s32 s7, s2  }
0x1e: {  	s7 =	smul.u32 @!p0 $0xF7A, s2;
	p2 =	seq.s32 @!p0 s5, $0x0  }
0x1f: {  	s9 =	smul.u32 $0xF7A, s1;
	s8 =	simm.s32 @!p0 $0x1BF5;
	p2 =	por !p2, p0  }
0x20: {  	[sflag:s8] =	ssyncset.s32 @!p0 $0xFFFFF086;
	s6 =	sadd.s32 @!p0 s3, s7;
	s7 =	simm.s32 @!p0 $0x108  }
0x21: {  	s3 =	sadd.s32 s3, s9;
	s6 =	sadd.s32 @!p0 $0x88, s6;
	s7 =	simm.s32 @p2 $0x1082  }
0x22: {  	[simem:s7], [sflag:s8] =	dma.local @!p0 [hbm:s6], $0xF7A  }
0x23: {  	s9 =	sor.u32 $0xD0000000, s2;
	s6 =	simm.s32 $0x108;
	_ =	swait.ge @!p0 [sflag:s8], $0x0  }
0x24: {  	s3 =	sadd.s32 $0x88, s3;
	s6 =	simm.s32 @!p1 $0x1082;
	[sflag:s4] =	ssyncset.s32 $0xFFFFF086  }
0x25: {  	[simem:s6], [sflag:s4] =	dma.local [hbm:s3], $0xF7A  }
0x26: {  	[smem:$0x3FA0] =	sst s1;
	(tag) =	ssettag s2;
	_ =	strace s9  }
0x27: {  	s1 =	sld [smem:$0x3FB0]  }
0x28: {  	s2 =	sld [smem:$0x3FB1]  }
0x29: {  	s4 =	sld [smem:$0x3FB3]  }
0x2a: {  	p0 =	seq.s32 s5, $0x0;
	s5 =	sld [smem:$0x3FB4]  }
0x2b: {  	s6 =	sld [smem:$0x3FB5]  }
0x2c: {  	s7 =	sld [smem:$0x3FB6]  }
0x2d: {  	s3 =	simm.s32 $0x108;
	s8 =	sld [smem:$0x3FB7]  }
0x2e: {  	s3 =	simm.s32 @!p0 $0x1082;
	s9 =	sld [smem:$0x3FB8]  }
0x2f: {  	lr =	sadd.s32 s0, s3;
	s0 =	sld [smem:$0x3FAF]  }
0x30: {  	s3 =	sld [smem:$0x3FB2]  }
0x31: {  	[smem:$0x3FBB] =	sst s10  }
0x32: {  	s10 =	sld [smem:$0x3FB9];
	_ =	sdelay $0x3  }
0x33: {  	p0 =	seq.s32 s10, $0x1;
	s10 =	sld [smem:$0x3FBB];
	_ =	sdelay $0x3  }
0x34: {  	[smem:$0x3FBB] =	sst s10  }
0x35: {  	s10 =	sld [smem:$0x3FBA];
	_ =	sdelay $0x3  }
0x36: {  	p1 =	seq.s32 s10, $0x1;
	s10 =	sld [smem:$0x3FBB];
	_ =	sdelay $0x3  }
0x37: {  	[smem:$0x3FBB] =	sst s10  }
0x38: {  	s10 =	sld [smem:$0x3FBC]  }
0x39: {  	_ = 	snop;
	(pc) =	sbr.ind lr, $3  }
0x3a: {  	_ = 	snop  }
0x3b: {  	_ = 	snop  }
0x3c: {  	p2 =	seq.s32 s10, $0x1;
	s10 =	sld [smem:$0x3FBB]  }
0x3d: {  	_ =	shalt  }
0x3e: {  	_ =	shalt  }
0x3f: {  	_ =	shalt  }
0x40: {  	_ =	shalt  }
0x41: {  	_ =	shalt  }
0x42: {  	_ =	shalt  }
0x43: {  	_ =	shalt  }
0x44: {  	_ =	shalt  }
0x45: {  	_ =	shalt  }
0x46: {  	_ =	shalt  }
0x47: {  	_ =	shalt  }
0x48: {  	_ =	shalt  }
0x49: {  	_ =	shalt  }
0x4a: {  	_ =	shalt  }
0x4b: {  	_ =	shalt  }
0x4c: {  	_ =	shalt  }
0x4d: {  	_ =	shalt  }
0x4e: {  	_ =	shalt  }
0x4f: {  	_ =	shalt  }
0x50: {  	_ =	shalt  }
0x51: {  	_ =	shalt  }
0x52: {  	_ =	shalt  }
0x53: {  	_ =	shalt  }
0x54: {  	_ =	shalt  }
0x55: {  	_ =	shalt  }
0x56: {  	_ =	shalt  }
0x57: {  	_ =	shalt  }
0x58: {  	_ =	shalt  }
0x59: {  	_ =	shalt  }
0x5a: {  	_ =	shalt  }
0x5b: {  	_ =	shalt  }
0x5c: {  	_ =	shalt  }
0x5d: {  	_ =	shalt  }
0x5e: {  	_ =	shalt  }
0x5f: {  	_ =	shalt  }
0x60: {  	_ =	shalt  }
0x61: {  	_ =	shalt  }
0x62: {  	_ =	shalt  }
0x63: {  	_ =	shalt  }
0x64: {  	_ =	shalt  }
0x65: {  	_ =	shalt  }
0x66: {  	_ =	shalt  }
0x67: {  	_ =	shalt  }
0x68: {  	_ =	shalt  }
0x69: {  	_ =	shalt  }
0x6a: {  	_ =	shalt  }
0x6b: {  	_ =	shalt  }
0x6c: {  	_ =	shalt  }
0x6d: {  	_ =	shalt  }
0x6e: {  	_ =	shalt  }
0x6f: {  	_ =	shalt  }
0x70: {  	_ =	shalt  }
0x71: {  	_ =	shalt  }
0x72: {  	_ =	shalt  }
0x73: {  	_ =	shalt  }
0x74: {  	_ =	shalt  }
0x75: {  	_ =	shalt  }
0x76: {  	_ =	shalt  }
0x77: {  	_ =	shalt  }
0x78: {  	_ =	shalt  }
0x79: {  	_ =	shalt  }
0x7a: {  	_ =	shalt  }
0x7b: {  	_ =	shalt  }
0x7c: {  	_ =	shalt  }
0x7d: {  	_ =	shalt  }
0x7e: {  	_ =	shalt  }
0x7f: {  	_ =	shalt  }
0x80: {  	_ =	shalt  }
0x81: {  	_ =	shalt  }
0x82: {  	_ =	shalt  }
0x83: {  	_ =	shalt  }
0x84: {  	_ =	shalt  }
0x85: {  	_ =	shalt  }
0x86: {  	_ =	shalt  }
0x87: {  	_ =	shalt  }
.Lfunc_end0:
.L_simem_size_0:
called_computation_lowered:
.L_overlay_start_0:
0x88: {  	s2 =	sld [smem:$0x3FD9]  }
0x89: {  	s3 =	sld [smem:$0x3FFE];
	_ =	sdelay $0x1  }
0x8a: {  	s1 =	srdreg.scid  }
0x8b: {  	s0 =	sand.u32 $0x1, s1  }
0x8c: {  	s17 =	sshll.u32 s0, $0xA;
	s2 =	sadd.s32 s3, s2  }
0x8d: {  	s2 =	sadd.s32 s2, s17  }
0x8e: {  	[smem:$0x3FC7] =	sst s2  }
0x8f: {  	_ = 	snop  }
0x90: {  	s2 =	sld [smem:$0x3FD0];
	(tm) =	ssettm $0x1  }
0x91: {  	s18 =	sld [smem:$0x3FFB];
	_ =	sdelay $0x3  }
0x92: {  	_ =	strace s18  }
0x93: {  	s3 =	sld [smem:$0x3FFC];
	_ =	sdelay $0x3  }
0x94: {  	_ =	strace s3  }
0x95: {  	s3 =	sld [smem:$0x3FFD];
	_ =	sdelay $0x3  }
0x96: {  	_ =	strace s3  }
0x97: {  	_ =	strace $0x8FFFFFFF  }
0x98: {  	s19 =	sld [smem:$0x3FDB];
	_ =	sdelay $0x1  }
0x99: {  	s4 =	simm.s32 $_scs_section_size  }
0x9a: {  	s5 =	simm.s32 $_size__tile_overlayer_lowered;
	s6 =	simm.s32 $_tile_overlayer_lowered  }
0x9b: {  	s22 =	simm.s32 $0x1BFF;
	s21 =	sshll.u32 s6, $0x1;
	s3 =	sadd.s32 s4, s19  }
0x9c: {  	s7 =	simm.s32 $0x0;
	s20 =	sshll.u32 s5, $0x1;
	s5 =	sadd.s32 s21, s3  }
0x9d: {  	[timem:s7], [sflag:s22] =	dma.local [hbm:s5], s20  }
0x9e: {  	_ =	swait.ge [sflag:s22], s20  }
0x9f: {  	s4 =	ssub.s32 $0x0, s20;
	[sflag:s22] =	ssyncset.done $0x0  }
0xa0: {  	[sflag:s22] =	ssyncadd.s32 s4;
	_ =	sdelay $0x1  }
0xa1: {  	s23 =	simm.s32 $0x1B8B  }
0xa2: {  	_ =	swait.ge [sflag:s23], $0x1  }
0xa3: {  	[sflag:s23] =	ssyncset.done $0x0  }
0xa4: {  	s25 =	simm.s32 $0x1B8E;
	s24 =	sld [smem:$0x3FFE];
	[sflag:s23] =	ssyncadd.s32 $0xFFFFFFFF  }
0xa5: {  	s26 =	simm.s32 $execute0_lowered;
	[smem:$0x3FD2] =	sst s25  }
0xa6: {  	s5 =	sshll.u32 s26, $0x1;
	_ =	strace $0x80000046;
	[dreg:$0x1] =	wrdreg $0xFFFFFFFF  }
0xa7: {  	s28 =	simm.s32 $_size_execute0_lowered;
	s3 =	sadd.s32 s3, s5;
	[dreg:$0x0] =	wrdreg $0x0  }
0xa8: {  	s5 =	sshll.u32 s28, $0x1;
	[dreg:$0x2] =	wrdreg s3  }
0xa9: {  	[dreg:$0x3] =	wrdreg s5  }
0xaa: {  	[dreg:$0x4] =	wrdreg $0xC0  }
0xab: {  	_ =	task [dreg:s7], $0x5FFFF  }
0xac: {  	[dreg:$0x1] =	wrdreg $0xFFFFFFFF  }
0xad: {  	[dreg:$0x0] =	wrdreg $0x60  }
0xae: {  	[dreg:$0x2] =	wrdreg s24  }
0xaf: {  	[dreg:$0x3] =	wrdreg s2  }
0xb0: {  	[dreg:$0x4] =	wrdreg $0xE1000  }
0xb1: {  	[dreg:$0x5] =	wrdreg $0x9  }
0xb2: {  	_ =	task.clear_ibuf [dreg:s7], $0x6FFFF;
	_ =	strace $0x90000046  }
0xb3: {  	s29 =	simm.s32 $0x9;
	_ =	strace $0x80000048  }
0xb4: {  	_ =	swait.ge [sflag:s29], $0x1  }
0xb5: {  	[sflag:s29] =	ssyncadd.s32 $0xFFFFFFFF  }
0xb6: {  	_ =	strace $0x90000048  }
0xb7: {  	_ =	sfence  }
0xb8: {  	s30 =	sld [smem:$0x0];
	_ =	sdelay $0x2  }
0xb9: {  	s31 =	sshll.u32 s1, $0xD;
	s1 =	sshrl.u32 s1, $0x2  }
0xba: {  	s3 =	sand.u32 $0x4000, s31;
	s1 =	sadd.s32 s1, s30  }
0xbb: {  	s0 =	sor.u32 s3, s0;
	s1 =	sshll.u32 s1, $0x11  }
0xbc: {  	s0 =	sor.u32 s1, s0  }
0xbd: {  	s0 =	sadd.s32 $0x8F2B, s0  }
0xbe: {  	[sflag:s0] =	ssyncadd.remote.s32 $0x1  }
0xbf: {  	_ =	sfence.sel $0xFFFF  }
0xc0: {  	[dreg:$0x0] =	wrdreg $0xFFFFFFFF;
	(pc) =	sbr.abs _section_cstart, $3  }
0xc1: {  	[dreg:$0x1] =	wrdreg $0xFFFFFFFF  }
0xc2: {  	_ =	task.clear_ibuf [dreg:s7], $0x2FFFF;
	_ =	strace $0x9FFFFFFF  }
0xc3: {  	(tm) =	ssettm $0x7FFFFFFF  }
tec
execute0_lowered:
.L_overlay_start_1:
0x0: {  	(tag) =	ssettag $0x1  }
0x1: {  	s0 =	rddreg [dreg:$0x0]  }
0x2: {  	s1 =	srdreg.scid;
	s3 =	rddreg [dreg:$0x1]  }
0x3: {  	s5 =	rddreg [dreg:$0x2];
	s10 =	stileid.u32  }
0x4: {  	s8 =	simm.s32 $0x1;
	s1 =	sand.u32 $0x1, s1;
	s6 =	sand.u32 $0x3, s10  }
0x5: {  	s23 =	sshrl.u32 s10, $0x3;
	s25 =	sshll.u32 s10, $0x7;
	s2 =	sshll.u32 s1, $0x4  }
0x6: {  	p1 =	sne.s32 s6, $0x0;
	s1 =	ssub.s32 $0x2, s1;
	s9 =	smul.u32 $0x271, s6  }
0x7: {  	s24 =	smul.u32 $0x24000, s6;
	s4 =	sor.u32 s10, s2;
	s2 =	simm.s32 $0x0  }
0x8: {  	s7 =	sshrl.u32 s1, $0x1;
	s10 =	sand.u32 $0x200, s25;
	p0 =	seq.s32 s4, $0x0  }
0x9: {  	[smem:$0x7FF] =	sst s2;
	s4 =	sshrl.u32 s4, $0x2;
	s1 =	ssub.s32 s1, s7  }
0xa: {  	s22 =	sadd.s32 s0, s9;
	s0 =	smul.u32 $0x90000, s23;
	s26 =	sshrl.u32 s24, $0x2  }
0xb: {  	p0 =	por !p1, !p0;
	_ =	strace $0x80000047;
	s9 =	sadd.s32 $0x1400, s22  }
0xc: {  	[dreg:$0x4] =	wrdreg s22;
	s16 =	smax.u32 s1, $0x1;
	p0 =	por !p0, !p0  }
0xd: {  	[dreg:$0x5] =	wrdreg s9;
	s0 =	sshrl.u32 s0, $0x2;
	s9 =	sand.u32 $0x380, s25  }
0xe: {  	[dreg:$0xb] =	wrdreg s16;
	s8 =	simm.s32 @!p0 $0x0;
	s0 =	sadd.s32 s0, s5  }
0xf: {  	s21 =	ssub.s32 s4, s8;
	s8 =	sadd.s32 $0xA00, s22;
	s5 =	sadd.s32 s26, s0  }
0x10: {  	s0 =	sadd.s32 s9, s0;
	[dreg:$0x6] =	wrdreg s8;
	s7 =	sadd.s32 s10, s5  }
0x11: {  	[dreg:$0x7] =	wrdreg s0;
	s12 =	sadd.s32 $0x80, s7  }
0x12: {  	s14 =	sadd.s32 $0x100, s7;
	[dreg:$0x8] =	wrdreg s12  }
0x13: {  	s15 =	sadd.s32 $0x180, s7;
	[dreg:$0x9] =	wrdreg s14  }
0x14: {  	s17 =	sadd.s32 $0x400, s7;
	[dreg:$0xa] =	wrdreg s15  }
0x15: {  	s18 =	sadd.s32 $0x800, s7;
	[dreg:$0xc] =	wrdreg s17  }
0x16: {  	s19 =	sadd.s32 $0xC00, s7;
	[dreg:$0xd] =	wrdreg s18  }
0x17: {  	s28 =	smul.u32 $0x30, s21;
	s20 =	sadd.s32 $0x1000, s7;
	[dreg:$0xe] =	wrdreg s19  }
0x18: {  	s31 =	smul.u32 $0x4800, s21;
	s21 =	sadd.s32 $0x1400, s7;
	[dreg:$0xf] =	wrdreg s20  }
0x19: {  	s22 =	sadd.s32 $0x1800, s7;
	[dreg:$0x10] =	wrdreg s21  }
0x1a: {  	s23 =	sadd.s32 $0x1C00, s7;
	[dreg:$0x11] =	wrdreg s22  }
0x1b: {  	s24 =	sadd.s32 $0x2000, s7;
	[dreg:$0x12] =	wrdreg s23  }
0x1c: {  	s25 =	sadd.s32 $0x2400, s7;
	[dreg:$0x13] =	wrdreg s24  }
0x1d: {  	s26 =	sadd.s32 $0x2800, s7;
	[dreg:$0x14] =	wrdreg s25  }
0x1e: {  	s1 =	sadd.s32 $0x3000, s7;
	[dreg:$0x15] =	wrdreg s26  }
0x1f: {  	s5 =	sadd.s32 $0x3800, s7;
	[dreg:$0x17] =	wrdreg s1  }
0x20: {  	s8 =	sadd.s32 $0x4000, s7;
	[dreg:$0x19] =	wrdreg s5  }
0x21: {  	s9 =	sadd.s32 $0x4400, s7;
	[dreg:$0x1b] =	wrdreg s8  }
0x22: {  	s6 =	smul.u32 $0x1200, s6;
	s10 =	sadd.s32 $0x4800, s7;
	[dreg:$0x1c] =	wrdreg s9  }
0x23: {  	s16 =	sadd.s32 $0x5C00, s7;
	[dreg:$0x1d] =	wrdreg s10  }
0x24: {  	s11 =	sadd.s32 s6, s31;
	s31 =	sadd.s32 $0x2C00, s7;
	[smem:$0x796] =	sst s16  }
0x25: {  	s6 =	sadd.s32 $0x3C00, s7;
	[dreg:$0x16] =	wrdreg s31  }
0x26: {  	s14 =	sadd.s32 $0x5400, s7;
	[dreg:$0x1a] =	wrdreg s6  }
0x27: {  	s15 =	sadd.s32 $0x5800, s7;
	[smem:$0x794] =	sst s14  }
0x28: {  	s17 =	sadd.s32 $0x6000, s7;
	[smem:$0x795] =	sst s15  }
0x29: {  	s18 =	sadd.s32 $0x6400, s7;
	[smem:$0x797] =	sst s17  }
0x2a: {  	s19 =	sadd.s32 $0x6800, s7;
	[smem:$0x798] =	sst s18  }
0x2b: {  	s20 =	sadd.s32 $0x6C00, s7;
	[smem:$0x799] =	sst s19  }
0x2c: {  	s21 =	sadd.s32 $0x7000, s7;
	[smem:$0x79A] =	sst s20  }
0x2d: {  	s22 =	sadd.s32 $0x7400, s7;
	[smem:$0x79B] =	sst s21  }
0x2e: {  	s23 =	sadd.s32 $0x7800, s7;
	[smem:$0x79C] =	sst s22  }
0x2f: {  	s24 =	sadd.s32 $0x7C00, s7;
	[smem:$0x79D] =	sst s23  }
0x30: {  	s25 =	sadd.s32 $0x8000, s7;
	[smem:$0x79E] =	sst s24  }
0x31: {  	s26 =	sadd.s32 $0x8400, s7;
	[smem:$0x79F] =	sst s25  }
0x32: {  	s1 =	sadd.s32 $0x8C00, s7;
	[smem:$0x7A0] =	sst s26  }
0x33: {  	s5 =	sadd.s32 $0x880, s7;
	[smem:$0x7A2] =	sst s1  }
0x34: {  	s8 =	sadd.s32 $0x1080, s7;
	[smem:$0x7A4] =	sst s5  }
0x35: {  	s9 =	sadd.s32 $0x1480, s7;
	[smem:$0x7A6] =	sst s8  }
0x36: {  	s10 =	sadd.s32 $0x1880, s7;
	[smem:$0x7A7] =	sst s9  }
0x37: {  	s16 =	sadd.s32 $0x2C80, s7;
	[smem:$0x7A8] =	sst s10  }
0x38: {  	s13 =	sshrl.u32 s11, $0x3;
	s11 =	sadd.s32 $0x4C00, s7;
	[smem:$0x7AD] =	sst s16  }
0x39: {  	s31 =	sadd.s32 $0x8800, s7;
	[dreg:$0x1e] =	wrdreg s11  }
0x3a: {  	s6 =	sadd.s32 $0xC80, s7;
	[smem:$0x7A1] =	sst s31  }
0x3b: {  	s14 =	sadd.s32 $0x2480, s7;
	[smem:$0x7A5] =	sst s6  }
0x3c: {  	s15 =	sadd.s32 $0x2880, s7;
	[smem:$0x7AB] =	sst s14  }
0x3d: {  	s17 =	sadd.s32 $0x3080, s7;
	[smem:$0x7AC] =	sst s15  }
0x3e: {  	s18 =	sadd.s32 $0x3480, s7;
	[smem:$0x7AE] =	sst s17  }
0x3f: {  	s19 =	sadd.s32 $0x3880, s7;
	[smem:$0x7AF] =	sst s18  }
0x40: {  	s20 =	sadd.s32 $0x3C80, s7;
	[smem:$0x7B0] =	sst s19  }
0x41: {  	s21 =	sadd.s32 $0x4080, s7;
	[smem:$0x7B1] =	sst s20  }
0x42: {  	s22 =	sadd.s32 $0x4480, s7;
	[smem:$0x7B2] =	sst s21  }
0x43: {  	s23 =	sadd.s32 $0x4880, s7;
	[smem:$0x7B3] =	sst s22  }
0x44: {  	s24 =	sadd.s32 $0x4C80, s7;
	[smem:$0x7B4] =	sst s23  }
0x45: {  	s25 =	sadd.s32 $0x5080, s7;
	[smem:$0x7B5] =	sst s24  }
0x46: {  	s26 =	sadd.s32 $0x5480, s7;
	[smem:$0x7B6] =	sst s25  }
0x47: {  	s1 =	sadd.s32 $0x5C80, s7;
	[smem:$0x7B7] =	sst s26  }
0x48: {  	s5 =	sadd.s32 $0x6480, s7;
	[smem:$0x7B9] =	sst s1  }
0x49: {  	s8 =	sadd.s32 $0x6C80, s7;
	[smem:$0x7BB] =	sst s5  }
0x4a: {  	s9 =	sadd.s32 $0x7080, s7;
	[smem:$0x7BD] =	sst s8  }
0x4b: {  	s10 =	sadd.s32 $0x7480, s7;
	[smem:$0x7BE] =	sst s9  }
0x4c: {  	s16 =	sadd.s32 $0x8880, s7;
	[smem:$0x7BF] =	sst s10  }
0x4d: {  	s12 =	sadd.s32 s3, s13;
	s3 =	sadd.s32 $0x3400, s7;
	[smem:$0x7C4] =	sst s16  }
0x4e: {  	s13 =	sadd.s32 $0x5000, s7;
	[dreg:$0x18] =	wrdreg s3  }
0x4f: {  	s11 =	sadd.s32 $0x1C80, s7;
	[dreg:$0x1f] =	wrdreg s13  }
0x50: {  	s31 =	sadd.s32 $0x5880, s7;
	[smem:$0x7A9] =	sst s11  }
0x51: {  	s6 =	sadd.s32 $0x6880, s7;
	[smem:$0x7B8] =	sst s31  }
0x52: {  	s14 =	sadd.s32 $0x8080, s7;
	[smem:$0x7BC] =	sst s6  }
0x53: {  	s15 =	sadd.s32 $0x8480, s7;
	[smem:$0x7C2] =	sst s14  }
0x54: {  	s17 =	sadd.s32 $0x8C80, s7;
	[smem:$0x7C3] =	sst s15  }
0x55: {  	s18 =	sadd.s32 $0x500, s7;
	[smem:$0x7C5] =	sst s17  }
0x56: {  	s19 =	sadd.s32 $0x900, s7;
	[smem:$0x7C6] =	sst s18  }
0x57: {  	s20 =	sadd.s32 $0xD00, s7;
	[smem:$0x7C7] =	sst s19  }
0x58: {  	s21 =	sadd.s32 $0x1100, s7;
	[smem:$0x7C8] =	sst s20  }
0x59: {  	s22 =	sadd.s32 $0x1500, s7;
	[smem:$0x7C9] =	sst s21  }
0x5a: {  	s23 =	sadd.s32 $0x1900, s7;
	[smem:$0x7CA] =	sst s22  }
0x5b: {  	s24 =	sadd.s32 $0x1D00, s7;
	[smem:$0x7CB] =	sst s23  }
0x5c: {  	s25 =	sadd.s32 $0x2100, s7;
	[smem:$0x7CC] =	sst s24  }
0x5d: {  	s26 =	sadd.s32 $0x2500, s7;
	[smem:$0x7CD] =	sst s25  }
0x5e: {  	s1 =	sadd.s32 $0x2D00, s7;
	[smem:$0x7CE] =	sst s26  }
0x5f: {  	s5 =	sadd.s32 $0x3500, s7;
	[smem:$0x7D0] =	sst s1  }
0x60: {  	s8 =	sadd.s32 $0x3D00, s7;
	[smem:$0x7D2] =	sst s5  }
0x61: {  	s9 =	sadd.s32 $0x4100, s7;
	[smem:$0x7D4] =	sst s8  }
0x62: {  	s10 =	sadd.s32 $0x4500, s7;
	[smem:$0x7D5] =	sst s9  }
0x63: {  	s16 =	sadd.s32 $0x5900, s7;
	[smem:$0x7D6] =	sst s10  }
0x64: {  	s3 =	sadd.s32 $0x480, s7;
	[smem:$0x7DB] =	sst s16  }
0x65: {  	s13 =	sadd.s32 $0x2080, s7;
	[smem:$0x7A3] =	sst s3  }
0x66: {  	s11 =	sadd.s32 $0x7880, s7;
	[smem:$0x7AA] =	sst s13  }
0x67: {  	s31 =	sadd.s32 $0x2900, s7;
	[smem:$0x7C0] =	sst s11  }
0x68: {  	s6 =	sadd.s32 $0x3900, s7;
	[smem:$0x7CF] =	sst s31  }
0x69: {  	s14 =	sadd.s32 $0x5100, s7;
	[smem:$0x7D3] =	sst s6  }
0x6a: {  	s15 =	sadd.s32 $0x5500, s7;
	[smem:$0x7D9] =	sst s14  }
0x6b: {  	s17 =	sadd.s32 $0x5D00, s7;
	[smem:$0x7DA] =	sst s15  }
0x6c: {  	s18 =	sadd.s32 $0x6100, s7;
	[smem:$0x7DC] =	sst s17  }
0x6d: {  	s19 =	sadd.s32 $0x6500, s7;
	[smem:$0x7DD] =	sst s18  }
0x6e: {  	s20 =	sadd.s32 $0x6900, s7;
	[smem:$0x7DE] =	sst s19  }
0x6f: {  	s21 =	sadd.s32 $0x6D00, s7;
	[smem:$0x7DF] =	sst s20  }
0x70: {  	s22 =	sadd.s32 $0x7100, s7;
	[smem:$0x7E0] =	sst s21  }
0x71: {  	s23 =	sadd.s32 $0x7500, s7;
	[smem:$0x7E1] =	sst s22  }
0x72: {  	s24 =	sadd.s32 $0x7900, s7;
	[smem:$0x7E2] =	sst s23  }
0x73: {  	s25 =	sadd.s32 $0x7D00, s7;
	[smem:$0x7E3] =	sst s24  }
0x74: {  	s26 =	sadd.s32 $0x8100, s7;
	[smem:$0x7E4] =	sst s25  }
0x75: {  	s1 =	sadd.s32 $0x8900, s7;
	[smem:$0x7E5] =	sst s26  }
0x76: {  	s5 =	sadd.s32 $0x580, s7;
	[smem:$0x7E7] =	sst s1  }
0x77: {  	s8 =	sadd.s32 $0xD80, s7;
	[smem:$0x7E9] =	sst s5  }
0x78: {  	s9 =	sadd.s32 $0x1180, s7;
	[smem:$0x7EB] =	sst s8  }
0x79: {  	s10 =	sadd.s32 $0x1580, s7;
	[smem:$0x7EC] =	sst s9  }
0x7a: {  	s16 =	sadd.s32 $0x2980, s7;
	[smem:$0x7ED] =	sst s10  }
0x7b: {  	s3 =	sadd.s32 $0x6080, s7;
	[smem:$0x7F2] =	sst s16  }
0x7c: {  	s13 =	sadd.s32 $0x7C80, s7;
	[smem:$0x7BA] =	sst s3  }
0x7d: {  	s11 =	sadd.s32 $0x4900, s7;
	[smem:$0x7C1] =	sst s13  }
0x7e: {  	s31 =	sadd.s32 $0x8500, s7;
	[smem:$0x7D7] =	sst s11  }
0x7f: {  	s6 =	sadd.s32 $0x980, s7;
	[smem:$0x7E6] =	sst s31  }
0x80: {  	s14 =	sadd.s32 $0x2180, s7;
	[smem:$0x7EA] =	sst s6  }
0x81: {  	s15 =	sadd.s32 $0x2580, s7;
	[smem:$0x7F0] =	sst s14  }
0x82: {  	s17 =	sadd.s32 $0x2D80, s7;
	[smem:$0x7F1] =	sst s15  }
0x83: {  	s4 =	simm.s32 $0x1;
	s18 =	sadd.s32 $0x3180, s7;
	[smem:$0x7F3] =	sst s17  }
0x84: {  	s29 =	sadd.s32 $0xFFFFFFFA, s28;
	s19 =	sadd.s32 $0x3580, s7;
	[smem:$0x7F4] =	sst s18  }
0x85: {  	s30 =	sadd.s32 $0x30, s28;
	s20 =	sadd.s32 $0x3980, s7;
	[smem:$0x7F5] =	sst s19  }
0x86: {  	v1 =	vmov s28;
	s28 =	simm.s32 $0x0;
	s21 =	sadd.s32 $0x3D80, s7;
	[smem:$0x7F6] =	sst s20  }
0x87: {  	s22 =	sadd.s32 $0x4180, s7;
	s23 =	sadd.s32 $0x4580, s7;
	[smem:$0x7F7] =	sst s21  }
0x88: {  	s24 =	sadd.s32 $0x4980, s7;
	s25 =	sadd.s32 $0x4D80, s7;
	[smem:$0x7F8] =	sst s22  }
0x89: {  	s26 =	sadd.s32 $0x5180, s7;
	s8 =	sadd.s32 $0x5D80, s7;
	[smem:$0x7F9] =	sst s23  }
0x8a: {  	s9 =	sadd.s32 $0x6180, s7;
	s10 =	sadd.s32 $0x6580, s7;
	[smem:$0x7FA] =	sst s24  }
0x8b: {  	s16 =	sadd.s32 $0x7980, s7;
	s3 =	sadd.s32 $0x3100, s7;
	[smem:$0x7FB] =	sst s25  }
0x8c: {  	s13 =	sadd.s32 $0x4D00, s7;
	s11 =	sadd.s32 $0x1980, s7;
	[smem:$0x7FC] =	sst s26  }
0x8d: {  	s31 =	sadd.s32 $0x5580, s7;
	s14 =	sadd.s32 $0x7180, s7;
	s15 =	sadd.s32 $0x7580, s7  }
0x8e: {  	s17 =	sadd.s32 $0x7D80, s7;
	s18 =	sadd.s32 $0x8180, s7;
	s19 =	sadd.s32 $0x8580, s7  }
0x8f: {  	s20 =	sadd.s32 $0x8980, s7;
	s21 =	sadd.s32 $0x8D80, s7;
	[smem:$0x7D1] =	sst s3  }
0x90: {  	s22 =	simm.s32 $0x1400;
	s23 =	simm.s32 $0x2800;
	[smem:$0x7D8] =	sst s13  }
0x91: {  	s24 =	simm.s32 $0x3C00;
	s25 =	simm.s32 $0x5000;
	[smem:$0x7EE] =	sst s11  }
0x92: {  	s26 =	simm.s32 $0x2;
	s3 =	sadd.s32 $0x8D00, s7;
	[smem:$0x7FD] =	sst s31  }
0x93: {  	v3 =	vimm.f32 $0.0e+00;
	v4 =	vimm.s32 $0x0;
	s13 =	sadd.s32 $0x1D80, s7;
	s11 =	sadd.s32 $0x6980, s7;
	[smem:$0x7E8] =	sst s3  }
0x94: {  	v5 =	vlaneseq.u32;
	v0 =	vmov s29;
	v2 =	vmov s30;
	[smem:$0x7EF] =	sst s13;
	s3 =	sadd.s32 $0x5980, s7;
	s13 =	sadd.s32 $0x6D80, s7  }
.LBB2_1:
0x95: {  	s0 =	rddreg [dreg:$0x5]  }
0x96: {  	[tilespmem:s2], [sflag:$0x1] =	stream.linear.gather [hbm4b:s0+s2], $0x1388, $0x38;
	[tilespmem:$0x12900] =	vst v63  }
0x97: {  	s30 =	rddreg [dreg:$0x6]  }
0x98: {  	[tilespmem:s22], [sflag:$0x1] =	stream.linear.gather [hbm4b:s30+s2], $0x1388, $0x38;
	[tilespmem:$0x12900] =	vst v63  }
0x99: {  	s31 =	rddreg [dreg:$0x4];
	s0 =	simm.s32 $0x5040  }
0x9a: {  	[tilespmem:s23], [sflag:$0x1] =	stream.linear.gather [hbm4b:s31+s2], $0x1388, $0x38;
	[tilespmem:$0x12900] =	vst v63  }
0x9b: {  	[tilespmem:s0+$0xFFFFFFC0] =	vst v3  }
0x9c: {  	[tilespmem:s0+$0x30] =	vst v3  }
0x9d: {  	[tilespmem:s0+$0x20] =	vst v3  }
0x9e: {  	[tilespmem:s0+$0x10] =	vst v3  }
0x9f: {  	[tilespmem:s0+$0x0] =	vst v3  }
0xa0: {  	[tilespmem:s0+$0xFFFFFFF0] =	vst v3  }
0xa1: {  	s1 =	simm.s32 $0x0;
	[tilespmem:s0+$0xFFFFFFE0] =	vst v3  }
.LBB2_2:
0xa2: {  	s1 =	sadd.s32 $0x8, s1;
	[tilespmem:s0+$0xFFFFFFD0] =	vst v3;
	s0 =	sadd.s32 $0x80, s0  }
0xa3: {  	[tilespmem:s0+$0xFFFFFFC0] =	vst v3;
	p0 =	slt.u32 s1, $0x488  }
0xa4: {  	[tilespmem:s0+$0x30] =	vst v3  }
.Ltmp0:
0xa5: {  	[tilespmem:s0+$0x20] =	vst v3;
	(pc) =	sbr.rel @p0 .LBB2_2-.Ltmp0, $4  }
0xa6: {  	[tilespmem:s0+$0x10] =	vst v3  }
0xa7: {  	[tilespmem:s0+$0x0] =	vst v3  }
0xa8: {  	[tilespmem:s0+$0xFFFFFFF0] =	vst v3  }
0xa9: {  	[tilespmem:s0+$0xFFFFFFE0] =	vst v3  }
0xaa: {  	[tilespmem:s0+$0xFFFFFFD0] =	vst v3  }
0xab: {  	_ =	swait.ge [sflag:s4], $0x1388  }
0xac: {  	[sflag:s4] =	ssyncset.done $0x0  }
0xad: {  	[sflag:s4] =	ssyncadd.s32 $0xFFFFEC78  }
0xae: {  	_ =	swait.ge [sflag:s4], $0x1388  }
0xaf: {  	[sflag:s4] =	ssyncset.done $0x0  }
0xb0: {  	[sflag:s4] =	ssyncadd.s32 $0xFFFFEC78  }
0xb1: {  	_ =	swait.ge [sflag:s4], $0x1388  }
0xb2: {  	[sflag:s4] =	ssyncset.done $0x0  }
0xb3: {  	v6 =	vlaneseq.u32;
	v7 =	vimm.s32 $0x0;
	s0 =	simm.s32 $0xFFFFFFFC;
	s29 =	simm.s32 $0x1420;
	[sflag:s4] =	ssyncadd.s32 $0xFFFFEC78  }
.LBB2_4:
0xb4: {  	v8 =	vld [tilespmem:s29+$0xFFFFFFE0];
	_ =	sdelay $0x4  }
0xb5: {  	v8 =	vmul.f32 $3.840000000e+02, v8;
	_ =	sdelay $0x1  }
0xb6: {  	v8 =	vtrunc.f32 v8  }
0xb7: {  	v8 =	vcvt.f32.s32 v8;
	_ =	sdelay $0x1  }
0xb8: {  	v8 =	vsub.s32 v8, v0  }
0xb9: {  	vm1 =	vlt.s32 v6, $0x1388;
	vm0 =	vlt.u32 v8, $0x3C  }
0xba: {  	vm0 =	vmand vm1, vm0  }
0xbb: {  	v8 =	vsel vm0, $0x1, v4  }
0xbc: {  	(xrf0) =	vadd.scan.msk.s32 $0xffff, v8;
	_ =	sdelay $0x5  }
0xbd: {  	v8, _, _ =	vpop (xrf0)  }
0xbe: {  	v8 =	vadd.s32 v8, v7  }
0xbf: {  	v8 =	vadd.s32 $0xFFFFFFFF, v8;
	_ =	sdelay $0x4  }
0xc0: {  	[tilespmem:v8+s24+$0x0] =	vst.idx.msk vm0, v6  }
0xc1: {  	v8 =	vld [tilespmem:s29+$0xFFFFFFF0];
	_ =	sdelay $0x4  }
0xc2: {  	v8 =	vmul.f32 $3.840000000e+02, v8;
	_ =	sdelay $0x1  }
0xc3: {  	v8 =	vtrunc.f32 v8  }
0xc4: {  	v8 =	vcvt.f32.s32 v8;
	_ =	sdelay $0x1  }
0xc5: {  	v9 =	vadd.s32 $0x10, v6;
	v8 =	vsub.s32 v8, v0  }
0xc6: {  	vm2 =	vlt.s32 v9, $0x1388;
	vm11 =	vlt.u32 v8, $0x3C  }
0xc7: {  	vm1 =	vmand vm2, vm11  }
0xc8: {  	v8 =	vsel vm1, $0x1, v4  }
0xc9: {  	(xrf0) =	vadd.scan.msk.s32 $0xffff, v8;
	_ =	sdelay $0x1  }
0xca: {  	v8 =	vmpcnt.ones.xlane vm0;
	_ =	sdelay $0x3  }
0xcb: {  	v7 =	vadd.s32 v7, v8;
	v8, _, _ =	vpop (xrf0)  }
0xcc: {  	v8 =	vadd.s32 v8, v7  }
0xcd: {  	v8 =	vadd.s32 $0xFFFFFFFF, v8;
	_ =	sdelay $0x4  }
0xce: {  	[tilespmem:v8+s24+$0x0] =	vst.idx.msk vm1, v9  }
0xcf: {  	v8 =	vld [tilespmem:s29+$0x0];
	_ =	sdelay $0x4  }
0xd0: {  	v8 =	vmul.f32 $3.840000000e+02, v8;
	_ =	sdelay $0x1  }
0xd1: {  	v8 =	vtrunc.f32 v8  }
0xd2: {  	v8 =	vcvt.f32.s32 v8;
	_ =	sdelay $0x1  }
0xd3: {  	v62 =	vadd.s32 $0x20, v6;
	v8 =	vsub.s32 v8, v0  }
0xd4: {  	vm13 =	vlt.s32 v62, $0x1388;
	vm12 =	vlt.u32 v8, $0x3C  }
0xd5: {  	vm0 =	vmand vm13, vm12  }
0xd6: {  	v8 =	vsel vm0, $0x1, v4  }
0xd7: {  	(xrf0) =	vadd.scan.msk.s32 $0xffff, v8;
	_ =	sdelay $0x1  }
0xd8: {  	v8 =	vmpcnt.ones.xlane vm1;
	_ =	sdelay $0x3  }
0xd9: {  	v7 =	vadd.s32 v7, v8;
	v8, _, _ =	vpop (xrf0)  }
0xda: {  	v8 =	vadd.s32 v8, v7  }
0xdb: {  	v8 =	vadd.s32 $0xFFFFFFFF, v8;
	_ =	sdelay $0x4  }
0xdc: {  	[tilespmem:v8+s24+$0x0] =	vst.idx.msk vm0, v62  }
0xdd: {  	v8 =	vld [tilespmem:s29+$0x10];
	_ =	sdelay $0x4  }
0xde: {  	v8 =	vmul.f32 $3.840000000e+02, v8;
	_ =	sdelay $0x1  }
0xdf: {  	v8 =	vtrunc.f32 v8  }
0xe0: {  	v8 =	vcvt.f32.s32 v8;
	_ =	sdelay $0x1  }
0xe1: {  	v63 =	vadd.s32 $0x30, v6;
	v8 =	vsub.s32 v8, v0  }
0xe2: {  	vm15 =	vlt.s32 v63, $0x1388;
	vm14 =	vlt.u32 v8, $0x3C  }
0xe3: {  	vm1 =	vmand vm15, vm14  }
0xe4: {  	v8 =	vsel vm1, $0x1, v4  }
0xe5: {  	(xrf0) =	vadd.scan.msk.s32 $0xffff, v8;
	_ =	sdelay $0x1  }
0xe6: {  	v8 =	vmpcnt.ones.xlane vm0;
	_ =	sdelay $0x3  }
0xe7: {  	v7 =	vadd.s32 v7, v8;
	v8, _, _ =	vpop (xrf0)  }
0xe8: {  	s0 =	sadd.s32 $0x4, s0;
	v8 =	vadd.s32 v8, v7  }
0xe9: {  	p0 =	slt.u32 s0, $0x134;
	v8 =	vadd.s32 $0xFFFFFFFF, v8  }
.Ltmp1:
0xea: {  	_ = 	snop;
	(pc) =	sbr.rel @p0 .LBB2_4-.Ltmp1, $3  }
0xeb: {  	_ = 	snop  }
0xec: {  	v10 =	vmpcnt.ones.xlane vm1;
	_ =	sdelay $0x1  }
0xed: {  	v6 =	vadd.s32 $0x40, v6;
	s29 =	sadd.s32 $0x40, s29;
	v7 =	vadd.s32 v7, v10;
	[tilespmem:v8+s24+$0x0] =	vst.idx.msk vm1, v63  }
0xee: {  	v8 =	vld [tilespmem:$0x2780];
	_ =	sdelay $0x4  }
0xef: {  	v8 =	vmul.f32 $3.840000000e+02, v8;
	_ =	sdelay $0x1  }
0xf0: {  	v8 =	vtrunc.f32 v8  }
0xf1: {  	v8 =	vcvt.f32.s32 v8;
	_ =	sdelay $0x1  }
0xf2: {  	v8 =	vsub.s32 v8, v0  }
0xf3: {  	vm1 =	vlt.s32 v6, $0x1388;
	vm0 =	vlt.u32 v8, $0x3C  }
0xf4: {  	vm0 =	vmand vm1, vm0  }
0xf5: {  	v61 =	vmpcnt.ones.xlane vm0;
	_ =	sdelay $0x1  }
0xf6: {  	v9 =	vsel vm0, $0x1, v4;
	v8 =	vadd.s32 v7, v61  }
0xf7: {  	(xrf0) =	vadd.scan.msk.s32 $0xffff, v9;
	v8 =	vxor.u32 $0x80000000, v8  }
0xf8: {  	(xrf0) =	vmax.scan.msk.u32 $0xffff, v8;
	_ =	sdelay $0x4  }
0xf9: {  	v62, _, _ =	vpop (xrf0)  }
0xfa: {  	v63, _, _ =	vpop (xrf0)  }
0xfb: {  	(v2sf) =	vpush v63, $0xF;
	_ =	sdelay $0xe  }
0xfc: {  	s0 =	spop (v2sf)  }
0xfd: {  	s1 =	sadd.s32 $0x8000000F, s0  }
0xfe: {  	s29 =	sand.u32 $0xF, s1  }
0xff: {  	p1 =	slt.s32 s1, $0x1;
	p0 =	sne.s32 s29, $0x0;
	s29 =	sshra.s32 s1, $0x1F  }
0x100: {  	s29 =	sshrl.u32 s29, $0x1C;
	p0 =	por !p1, !p0  }
0x101: {  	s1 =	sadd.s32 s29, s1;
	p0 =	por !p0, !p0;
	s29 =	simm.s32 $0x1  }
0x102: {  	s1 =	sshra.s32 s1, $0x4;
	s29 =	simm.s32 @!p0 $0x0  }
0x103: {  	v7 =	vadd.s32 v62, v7;
	s29 =	ssub.s32 s1, s29  }
0x104: {  	v7 =	vadd.s32 $0xFFFFFFFF, v7;
	p0 =	slt.s32 s29, $0x1  }
.Ltmp2:
0x105: {  	_ = 	snop;
	(pc) =	sbr.rel @p0 .LBB2_8-.Ltmp2, $2  }
0x106: {  	_ =	sdelay $0x2  }
0x107: {  	[tilespmem:v7+s24+$0x0] =	vst.idx.msk vm0, v6  }
0x108: {  	s0 =	sxor.u32 $0x80000000, s0  }
0x109: {  	s30 =	simm.s32 $0x3C00;
	s31 =	simm.s32 $0x0;
	v6 =	vmov s0  }
.LBB2_7:
0x10a: {  	v7 =	vld [tilespmem:s30+$0x0];
	_ =	sdelay $0x2  }
0x10b: {  	v8 =	vor.u32 s31, v5  }
0x10c: {  	vm0 =	vlt.s32 v8, v6  }
0x10d: {  	v8 =	vnsel vm0, $0x0, v7;
	_ =	sdelay $0x4  }
0x10e: {  	v9 =	vld.idx.msk [tilespmem:v8+s2+$0x0], $0xffff;
	_ =	sdelay $0x4  }
0x10f: {  	v7 =	vmul.f32 $3.840000000e+02, v9;
	_ =	sdelay $0x1  }
0x110: {  	v7 =	vtrunc.f32 v7  }
0x111: {  	v21 =	vcvt.f32.s32 v7;
	_ =	sdelay $0x1  }
0x112: {  	v10 =	vadd.s32 $0xFFFFFFFA, v21;
	v12 =	vadd.s32 $0xFFFFFFFB, v21  }
0x113: {  	v14 =	vadd.s32 $0xFFFFFFFC, v21;
	v17 =	vadd.s32 $0xFFFFFFFD, v21;
	v38 =	vadd.s32 $0xFFFFFFFE, v21  }
0x114: {  	v22 =	vadd.s32 $0xFFFFFFFF, v21;
	v42 =	vcvt.s32.f32 v21;
	v43 =	vadd.s32 $0x1, v21  }
0x115: {  	v48 =	vadd.s32 $0x2, v21;
	v11 =	vcvt.s32.f32 v10;
	v13 =	vcvt.s32.f32 v12  }
0x116: {  	v25 =	vadd.s32 $0x3, v21;
	v15 =	vcvt.s32.f32 v14;
	v18 =	vcvt.s32.f32 v17  }
0x117: {  	v7 =	vld.idx.msk [tilespmem:v8+s22+$0x0], $0xffff;
	v55 =	vadd.s32 $0x4, v21;
	v19 =	vcvt.s32.f32 v38;
	v20 =	vcvt.s32.f32 v22  }
0x118: {  	v57 =	vadd.s32 $0x5, v21;
	v44 =	vcvt.s32.f32 v43;
	v24 =	vcvt.s32.f32 v48  }
0x119: {  	v27 =	vadd.s32 $0x6, v21;
	v26 =	vcvt.s32.f32 v25;
	v56 =	vcvt.s32.f32 v55  }
0x11a: {  	v58 =	vcvt.s32.f32 v57;
	v28 =	vcvt.s32.f32 v27  }
0x11b: {  	v11 =	vmul.f32 $2.610966100e-03, v11;
	v13 =	vmul.f32 $2.610966100e-03, v13  }
0x11c: {  	v16 =	vmul.f32 $3.840000000e+02, v7;
	v15 =	vmul.f32 $2.610966100e-03, v15  }
0x11d: {  	v18 =	vmul.f32 $2.610966100e-03, v18;
	v19 =	vmul.f32 $2.610966100e-03, v19  }
0x11e: {  	v23 =	vmul.f32 $2.610966100e-03, v20;
	v24 =	vmul.f32 $2.610966100e-03, v24  }
0x11f: {  	v26 =	vmul.f32 $2.610966100e-03, v26;
	v28 =	vmul.f32 $2.610966100e-03, v28;
	v11 =	vsub.f32 v11, v9  }
0x120: {  	v13 =	vsub.f32 v13, v9;
	v16 =	vtrunc.f32 v16;
	v15 =	vsub.f32 v15, v9  }
0x121: {  	v37 =	vsub.f32 v18, v9;
	v41 =	vsub.f32 v23, v9;
	v23 =	vmul.f32 $2.610966100e-03, v44  }
0x122: {  	v50 =	vsub.f32 v24, v9;
	v20 =	vcvt.f32.s32 v16;
	v16 =	vmul.f32 $2.610966100e-03, v42  }
0x123: {  	v52 =	vsub.f32 v26, v9;
	v11 =	vmul.f32 v11, v11;
	v13 =	vmul.f32 v13, v13  }
0x124: {  	vm8 =	vlt.u32 v21, $0x180;
	v36 =	vmul.f32 v15, v15;
	v15 =	vmul.f32 v37, v37  }
0x125: {  	v47 =	vsub.f32 v23, v9;
	v53 =	vmul.f32 v50, v50;
	v54 =	vmul.f32 v52, v52  }
0x126: {  	v46 =	vsub.f32 v16, v9;
	v11 =	vmul.f32 $-2.000000000e+04, v11;
	v13 =	vmul.f32 $-2.000000000e+04, v13  }
0x127: {  	v29 =	vadd.s32 $0xFFFFFFFA, v20;
	v15 =	vmul.f32 $-2.000000000e+04, v15;
	v16 =	vmul.f32 v47, v47  }
0x128: {  	vm15 =	vlt.u32 v10, $0x180;
	v30 =	vcvt.s32.f32 v29;
	v11 =	vmul.f32 $1.442695020e+00, v11  }
0x129: {  	vm4 =	vlt.u32 v12, $0x180;
	v13 =	vmul.f32 $1.442695020e+00, v13;
	v40 =	vmul.f32 $1.442695020e+00, v15  }
0x12a: {  	vm5 =	vlt.u32 v14, $0x180;
	v15 =	vmul.f32 v41, v41;
	v16 =	vmul.f32 $-2.000000000e+04, v16  }
0x12b: {  	v39 =	vsub.f32 v19, v9;
	v30 =	vmul.f32 $2.610966100e-03, v30;
	(erf) = vpow2.f32 v11  }
0x12c: {  	vm1 =	vlt.u32 v17, $0x180;
	v11 =	vmul.f32 $-2.000000000e+04, v36;
	v15 =	vmul.f32 $-2.000000000e+04, v15  }
0x12d: {  	vm6 =	vlt.u32 v38, $0x180;
	(erf) = vpow2.f32 v13;
	v13 =	vmul.f32 v39, v39  }
0x12e: {  	vm7 =	vlt.u32 v22, $0x180;
	v51 =	vmul.f32 $1.442695020e+00, v16;
	v11 =	vmul.f32 $1.442695020e+00, v11  }
0x12f: {  	vm9 =	vlt.u32 v43, $0x180;
	v16 =	vmul.f32 $2.610966100e-03, v58;
	v13 =	vmul.f32 $-2.000000000e+04, v13  }
0x130: {  	v8 =	vld.idx.msk [tilespmem:v8+s23+$0x0], $0xffff;
	vm10 =	vlt.u32 v48, $0x180;
	v15 =	vmul.f32 $1.442695020e+00, v15;
	(erf) = vpow2.f32 v11  }
0x131: {  	vm11 =	vlt.u32 v25, $0x180;
	v45 =	vmul.f32 $1.442695020e+00, v13;
	v13 =	vmul.f32 v46, v46  }
0x132: {  	v16 =	vsub.f32 v16, v9;
	v11 =	vmul.f32 $-2.000000000e+04, v53;
	(erf) = vpow2.f32 v40  }
0x133: {  	vm12 =	vlt.u32 v55, $0x180;
	v13 =	vmul.f32 $-2.000000000e+04, v13;
	(erf) = vpow2.f32 v45  }
0x134: {  	vm14 =	vlt.u32 v57, $0x180;
	v60 =	vmul.f32 v16, v16;
	(erf) = vpow2.f32 v15  }
0x135: {  	v8 =	vnsel vm0, $0x0, v8;
	v15 =	vmul.f32 $2.610966100e-03, v56;
	v49 =	vmul.f32 $1.442695020e+00, v13  }
0x136: {  	v23 =	vadd.s32 $0x7A, v21;
	v11 =	vmul.f32 $1.442695020e+00, v11;
	v13 =	vmul.f32 $-2.000000000e+04, v54  }
0x137: {  	v15 =	vsub.f32 v15, v9;
	v9 =	vsub.f32 v28, v9;
	(erf) = vpow2.f32 v49  }
0x138: {  	v61 =	vsub.f32 v30, v7;
	v13 =	vmul.f32 $1.442695020e+00, v13;
	(erf) = vpow2.f32 v51  }
0x139: {  	vm2 =	vge.s32 v29, v1;
	v59 =	vmul.f32 v15, v15;
	v28 =	vmul.f32 v9, v9  }
0x13a: {  	v43 =	vsub.s32 v29, v1;
	v15 =	vmul.f32 v61, v61;
	(erf) = vpow2.f32 v11  }
0x13b: {  	vm3 =	vlt.s32 v29, v2;
	(erf) = vpow2.f32 v13;
	v63 =	vmul.f32 $-2.000000000e+04, v59  }
0x13c: {  	v22 =	vmul.u32 $0x180, v43;
	v13 =	vmul.f32 $-2.000000000e+04, v60;
	v11 =	vmul.f32 $-2.000000000e+04, v28  }
0x13d: {  	v15 =	vmul.f32 $-2.000000000e+04, v15;
	v28 =	vadd.s32 $0xFFFFFFFB, v20;
	v31 =	vmul.f32 $1.442695020e+00, v63  }
0x13e: {  	vm13 =	vmand vm2, vm3;
	v62 =	vpop (erf);
	v40 =	vcvt.s32.f32 v28;
	v13 =	vmul.f32 $1.442695020e+00, v13  }
0x13f: {  	v48 =	vnsel vm13, $0x0, v22;
	v30 =	vpop (erf);
	v33 =	vmul.f32 $1.442695020e+00, v11;
	(erf) = vpow2.f32 v31  }
0x140: {  	v10 =	vnsel vm4, $0x0, v30;
	v32 =	vpop (erf);
	v35 =	vmul.f32 $1.442695020e+00, v15;
	(erf) = vpow2.f32 v13  }
0x141: {  	v9 =	vnsel vm15, $0x0, v62;
	v34 =	vpop (erf);
	v18 =	vmul.f32 $2.610966100e-03, v40;
	(erf) = vpow2.f32 v33  }
0x142: {  	vm15 =	vlt.u32 v27, $0x180;
	v51 =	vadd.s32 v23, v48;
	v36 =	vpop (erf);
	(erf) = vpow2.f32 v35  }
0x143: {  	v52 =	vadd.s32 $0x1, v51;
	v54 =	vadd.s32 $0x2, v51;
	v37 =	vpop (erf);
	v45 =	vsub.f32 v18, v7  }
0x144: {  	v58 =	vadd.s32 $0x6, v51;
	v26 =	vadd.s32 $0xC, v51;
	v12 =	vnsel vm5, $0x0, v32;
	v38 =	vpop (erf)  }
0x145: {  	v60 =	vadd.s32 $0x7, v51;
	vm4 =	vge.s32 v28, v1;
	v39 =	vpop (erf);
	v49 =	vmul.f32 v45, v45  }
0x146: {  	vm5 =	vlt.s32 v28, v2;
	v11 =	vnsel vm1, $0x0, v34;
	v34 =	vadd.s32 $0x4, v51;
	v41 =	vpop (erf)  }
0x147: {  	vm0 =	vmand vm4, vm5;
	v15 =	vnsel vm6, $0x0, v36;
	v42 =	vpop (erf);
	v53 =	vmul.f32 $-2.000000000e+04, v49  }
0x148: {  	v40 =	vadd.s32 $0x9, v51;
	v31 =	vadd.s32 $0x3, v51;
	v13 =	vnsel vm7, $0x0, v37;
	v44 =	vpop (erf)  }
0x149: {  	v37 =	vadd.s32 $0x8, v51;
	v17 =	vnsel vm8, $0x0, v38;
	v30 =	vmul.f32 $1.442695020e+00, v53;
	v46 =	vpop (erf)  }
0x14a: {  	v35 =	vadd.s32 $0x5, v51;
	v16 =	vnsel vm9, $0x0, v39;
	v14 =	vnsel vm10, $0x0, v41;
	v47 =	vpop (erf)  }
0x14b: {  	v19 =	vnsel vm11, $0x0, v42;
	v42 =	vsub.s32 v28, v1;
	(erf) = vpow2.f32 v30;
	v50 =	vpop (erf)  }
0x14c: {  	v41 =	vadd.s32 $0xA, v51;
	v43 =	vmul.u32 $0x180, v42;
	v24 =	vmul.f32 v50, v8  }
0x14d: {  	v18 =	vnsel vm12, $0x0, v44;
	v22 =	vnsel vm14, $0x0, v46;
	v46 =	vadd.s32 $0xB, v51  }
0x14e: {  	vm14 =	vge.s32 v20, v1;
	v55 =	vmul.f32 v24, v9;
	v32 =	vmul.f32 v24, v10  }
0x14f: {  	v21 =	vnsel vm15, $0x0, v47;
	v33 =	vmul.f32 v24, v12;
	v56 =	vmul.f32 v24, v11  }
0x150: {  	v47 =	vnsel vm0, $0x0, v43;
	v57 =	vmul.f32 v24, v15;
	v59 =	vmul.f32 v24, v13;
	[tilespmem:v51+s25+$0x0] =	vst.idx.add.f32.msk vm13, v55  }
0x151: {  	v61 =	vmul.f32 v24, v17;
	v62 =	vmul.f32 v24, v16;
	[tilespmem:v52+s25+$0x0] =	vst.idx.add.f32.msk vm13, v32;
	v32 =	vadd.s32 $0xFFFFFFFC, v20  }
0x152: {  	vm15 =	vgt.s32 v2, v20;
	v63 =	vmul.f32 v24, v14;
	v36 =	vcvt.s32.f32 v32  }
0x153: {  	v27 =	vadd.s32 v23, v47;
	v45 =	vmul.f32 v24, v19;
	v49 =	vmul.f32 v24, v18  }
0x154: {  	v53 =	vadd.s32 $0x2, v27;
	v50 =	vmul.f32 v24, v22;
	v51 =	vpop (erf);
	[tilespmem:v54+s25+$0x0] =	vst.idx.add.f32.msk vm13, v33;
	v36 =	vmul.f32 $2.610966100e-03, v36  }
0x155: {  	v47 =	vadd.s32 $0xA, v27;
	v24 =	vmul.f32 v24, v21;
	v30 =	vmul.f32 v51, v8;
	[tilespmem:v31+s25+$0x0] =	vst.idx.add.f32.msk vm13, v56  }
0x156: {  	vm6 =	vge.s32 v32, v1;
	v33 =	vadd.s32 $0xFFFFFFFE, v20;
	[tilespmem:v34+s25+$0x0] =	vst.idx.add.f32.msk vm13, v57;
	v44 =	vsub.f32 v36, v7  }
0x157: {  	v55 =	vadd.s32 $0x3, v27;
	vm7 =	vlt.s32 v32, v2;
	vm10 =	vge.s32 v33, v1;
	[tilespmem:v35+s25+$0x0] =	vst.idx.add.f32.msk vm13, v59  }
0x158: {  	v52 =	vadd.s32 $0x1, v27;
	v54 =	vmul.f32 v30, v9;
	[tilespmem:v58+s25+$0x0] =	vst.idx.add.f32.msk vm13, v61;
	v48 =	vmul.f32 v44, v44  }
0x159: {  	vm1 =	vmand vm6, vm7;
	v56 =	vmul.f32 v30, v10;
	v57 =	vmul.f32 v30, v12;
	[tilespmem:v60+s25+$0x0] =	vst.idx.add.f32.msk vm13, v62  }
0x15a: {  	vm11 =	vlt.s32 v33, v2;
	v42 =	vmul.f32 v30, v17;
	[tilespmem:v37+s25+$0x0] =	vst.idx.add.f32.msk vm13, v63;
	v28 =	vmul.f32 $-2.000000000e+04, v48  }
0x15b: {  	v34 =	vadd.s32 $0xFFFFFFFD, v20;
	v43 =	vmul.f32 v30, v16;
	v51 =	vmul.f32 v30, v19;
	[tilespmem:v40+s25+$0x0] =	vst.idx.add.f32.msk vm13, v45  }
0x15c: {  	v59 =	vmul.f32 v30, v11;
	vm8 =	vge.s32 v34, v1;
	[tilespmem:v41+s25+$0x0] =	vst.idx.add.f32.msk vm13, v49;
	v28 =	vmul.f32 $1.442695020e+00, v28  }
0x15d: {  	vm9 =	vlt.s32 v34, v2;
	v58 =	vadd.s32 $0x4, v27;
	v61 =	vmul.f32 v30, v15;
	[tilespmem:v46+s25+$0x0] =	vst.idx.add.f32.msk vm13, v50  }
0x15e: {  	v60 =	vadd.s32 $0x5, v27;
	v41 =	vcvt.s32.f32 v34;
	[tilespmem:v26+s25+$0x0] =	vst.idx.add.f32.msk vm13, v24;
	(erf) = vpow2.f32 v28  }
0x15f: {  	v62 =	vadd.s32 $0x6, v27;
	v63 =	vmul.f32 v30, v13;
	v44 =	vadd.s32 $0x8, v27;
	[tilespmem:v27+s25+$0x0] =	vst.idx.add.f32.msk vm0, v54  }
0x160: {  	v40 =	vadd.s32 $0x7, v27;
	v48 =	vsub.s32 v32, v1;
	v36 =	vmul.f32 $2.610966100e-03, v41;
	[tilespmem:v52+s25+$0x0] =	vst.idx.add.f32.msk vm0, v56  }
0x161: {  	v45 =	vmul.f32 v30, v14;
	v32 =	vadd.s32 $0xFFFFFFFF, v20;
	v49 =	vmul.u32 $0x180, v48;
	[tilespmem:v53+s25+$0x0] =	vst.idx.add.f32.msk vm0, v57  }
0x162: {  	v46 =	vadd.s32 $0x9, v27;
	vm12 =	vge.s32 v32, v1;
	v50 =	vsub.f32 v36, v7;
	[tilespmem:v55+s25+$0x0] =	vst.idx.add.f32.msk vm0, v59  }
0x163: {  	vm13 =	vlt.s32 v32, v2;
	v54 =	vnsel vm1, $0x0, v49;
	v49 =	vcvt.s32.f32 v33;
	[tilespmem:v58+s25+$0x0] =	vst.idx.add.f32.msk vm0, v61  }
0x164: {  	v52 =	vadd.s32 $0xB, v27;
	v56 =	vmul.f32 v30, v18;
	v55 =	vmul.f32 v50, v50;
	[tilespmem:v60+s25+$0x0] =	vst.idx.add.f32.msk vm0, v63  }
0x165: {  	v53 =	vadd.s32 $0xC, v27;
	v57 =	vmul.f32 v30, v22;
	v27 =	vadd.s32 v23, v54;
	[tilespmem:v62+s25+$0x0] =	vst.idx.add.f32.msk vm0, v42  }
0x166: {  	v36 =	vmul.f32 $2.610966100e-03, v49;
	v59 =	vadd.s32 $0x1, v27;
	v28 =	vmul.f32 $-2.000000000e+04, v55;
	[tilespmem:v40+s25+$0x0] =	vst.idx.add.f32.msk vm0, v43  }
0x167: {  	v48 =	vadd.s32 $0x7, v27;
	v54 =	vadd.s32 $0x9, v27;
	v60 =	vmul.f32 v30, v21;
	[tilespmem:v44+s25+$0x0] =	vst.idx.add.f32.msk vm0, v45;
	v58 =	vpop (erf)  }
0x168: {  	v61 =	vadd.s32 $0x2, v27;
	v28 =	vmul.f32 $1.442695020e+00, v28;
	[tilespmem:v46+s25+$0x0] =	vst.idx.add.f32.msk vm0, v51;
	v26 =	vmul.f32 v58, v8  }
0x169: {  	v63 =	vadd.s32 $0x3, v27;
	v30 =	vadd.s32 $0x1, v20;
	v42 =	vadd.s32 $0x4, v27;
	[tilespmem:v47+s25+$0x0] =	vst.idx.add.f32.msk vm0, v56  }
0x16a: {  	vm4 =	vge.s32 v30, v1;
	(erf) = vpow2.f32 v28;
	[tilespmem:v52+s25+$0x0] =	vst.idx.add.f32.msk vm0, v57;
	v62 =	vmul.f32 v26, v9  }
0x16b: {  	vm5 =	vlt.s32 v30, v2;
	v44 =	vadd.s32 $0x5, v27;
	[tilespmem:v53+s25+$0x0] =	vst.idx.add.f32.msk vm0, v60;
	v40 =	vmul.f32 v26, v10  }
0x16c: {  	v46 =	vadd.s32 $0x6, v27;
	v56 =	vsub.s32 v34, v1;
	v41 =	vmul.f32 v26, v12;
	[tilespmem:v27+s25+$0x0] =	vst.idx.add.f32.msk vm1, v62  }
0x16d: {  	v34 =	vadd.s32 $0x3, v20;
	v58 =	vsub.f32 v36, v7;
	v43 =	vmul.f32 v26, v11;
	[tilespmem:v59+s25+$0x0] =	vst.idx.add.f32.msk vm1, v40  }
0x16e: {  	vm0 =	vmand vm8, vm9;
	vm8 =	vge.s32 v34, v1;
	v45 =	vmul.f32 v26, v15;
	[tilespmem:v61+s25+$0x0] =	vst.idx.add.f32.msk vm1, v41  }
0x16f: {  	v52 =	vadd.s32 $0x8, v27;
	vm9 =	vlt.s32 v34, v2;
	v47 =	vmul.f32 v26, v13;
	[tilespmem:v63+s25+$0x0] =	vst.idx.add.f32.msk vm1, v43  }
0x170: {  	v55 =	vadd.s32 $0xA, v27;
	v50 =	vmul.f32 v26, v17;
	v51 =	vmul.f32 v26, v16;
	[tilespmem:v42+s25+$0x0] =	vst.idx.add.f32.msk vm1, v45  }
0x171: {  	v57 =	vmul.u32 $0x180, v56;
	v53 =	vmul.f32 v26, v14;
	v36 =	vmul.f32 v26, v18;
	[tilespmem:v44+s25+$0x0] =	vst.idx.add.f32.msk vm1, v47  }
0x172: {  	v60 =	vadd.s32 $0xB, v27;
	v37 =	vmul.f32 v26, v22;
	v63 =	vmul.f32 v58, v58;
	[tilespmem:v46+s25+$0x0] =	vst.idx.add.f32.msk vm1, v50  }
0x173: {  	v62 =	vnsel vm0, $0x0, v57;
	v59 =	vmul.f32 v26, v19;
	v61 =	vadd.s32 $0xC, v27;
	v38 =	vpop (erf);
	[tilespmem:v48+s25+$0x0] =	vst.idx.add.f32.msk vm1, v51  }
0x174: {  	v27 =	vadd.s32 v23, v62;
	v29 =	vmul.f32 v38, v8;
	v28 =	vmul.f32 $-2.000000000e+04, v63;
	[tilespmem:v52+s25+$0x0] =	vst.idx.add.f32.msk vm1, v53  }
0x175: {  	v40 =	vmul.f32 v26, v21;
	v39 =	vadd.s32 $0x1, v27;
	v41 =	vadd.s32 $0x2, v27;
	[tilespmem:v54+s25+$0x0] =	vst.idx.add.f32.msk vm1, v59  }
0x176: {  	v43 =	vadd.s32 $0x3, v27;
	v42 =	vmul.f32 v29, v9;
	v28 =	vmul.f32 $1.442695020e+00, v28;
	[tilespmem:v55+s25+$0x0] =	vst.idx.add.f32.msk vm1, v36  }
0x177: {  	v56 =	vadd.s32 $0x8, v27;
	v44 =	vmul.f32 v29, v10;
	v45 =	vmul.f32 v29, v12;
	[tilespmem:v60+s25+$0x0] =	vst.idx.add.f32.msk vm1, v37  }
0x178: {  	v46 =	vadd.s32 $0x4, v27;
	v47 =	vmul.f32 v29, v11;
	(erf) = vpow2.f32 v28;
	[tilespmem:v61+s25+$0x0] =	vst.idx.add.f32.msk vm1, v40  }
0x179: {  	v48 =	vadd.s32 $0x5, v27;
	v49 =	vmul.f32 v29, v15;
	v53 =	vcvt.s32.f32 v32;
	[tilespmem:v27+s25+$0x0] =	vst.idx.add.f32.msk vm0, v42  }
0x17a: {  	v50 =	vadd.s32 $0x6, v27;
	v51 =	vmul.f32 v29, v13;
	v57 =	vmul.f32 v29, v14;
	[tilespmem:v39+s25+$0x0] =	vst.idx.add.f32.msk vm0, v44  }
0x17b: {  	v63 =	vmul.f32 v29, v19;
	v52 =	vadd.s32 $0x7, v27;
	v36 =	vmul.f32 $2.610966100e-03, v53;
	[tilespmem:v41+s25+$0x0] =	vst.idx.add.f32.msk vm0, v45  }
0x17c: {  	v58 =	vadd.s32 $0x9, v27;
	v54 =	vmul.f32 v29, v17;
	v55 =	vmul.f32 v29, v16;
	[tilespmem:v43+s25+$0x0] =	vst.idx.add.f32.msk vm0, v47  }
0x17d: {  	v59 =	vadd.s32 $0xA, v27;
	v60 =	vsub.s32 v33, v1;
	v62 =	vsub.f32 v36, v7;
	[tilespmem:v46+s25+$0x0] =	vst.idx.add.f32.msk vm0, v49  }
0x17e: {  	v37 =	vadd.s32 $0xC, v27;
	v33 =	vadd.s32 $0x2, v20;
	v61 =	vmul.u32 $0x180, v60;
	[tilespmem:v48+s25+$0x0] =	vst.idx.add.f32.msk vm0, v51  }
0x17f: {  	v36 =	vadd.s32 $0xB, v27;
	vm1 =	vmand vm10, vm11;
	v39 =	vmul.f32 v62, v62;
	[tilespmem:v50+s25+$0x0] =	vst.idx.add.f32.msk vm0, v54  }
0x180: {  	v40 =	vmul.f32 v29, v18;
	vm6 =	vge.s32 v33, v1;
	v38 =	vnsel vm1, $0x0, v61;
	[tilespmem:v52+s25+$0x0] =	vst.idx.add.f32.msk vm0, v55  }
0x181: {  	vm7 =	vlt.s32 v33, v2;
	v27 =	vadd.s32 v23, v38;
	v28 =	vmul.f32 $-2.000000000e+04, v39;
	v42 =	vpop (erf);
	[tilespmem:v56+s25+$0x0] =	vst.idx.add.f32.msk vm0, v57  }
0x182: {  	v41 =	vmul.f32 v29, v22;
	v43 =	vadd.s32 $0x1, v27;
	v26 =	vmul.f32 v42, v8;
	[tilespmem:v58+s25+$0x0] =	vst.idx.add.f32.msk vm0, v63  }
0x183: {  	v44 =	vmul.f32 v29, v21;
	v45 =	vadd.s32 $0x2, v27;
	v28 =	vmul.f32 $1.442695020e+00, v28;
	[tilespmem:v59+s25+$0x0] =	vst.idx.add.f32.msk vm0, v40  }
0x184: {  	v47 =	vadd.s32 $0x3, v27;
	v60 =	vadd.s32 $0x8, v27;
	v46 =	vmul.f32 v26, v9;
	[tilespmem:v36+s25+$0x0] =	vst.idx.add.f32.msk vm0, v41  }
0x185: {  	v49 =	vadd.s32 $0x4, v27;
	(erf) = vpow2.f32 v28;
	v48 =	vmul.f32 v26, v10;
	[tilespmem:v37+s25+$0x0] =	vst.idx.add.f32.msk vm0, v44  }
0x186: {  	v51 =	vadd.s32 $0x5, v27;
	v50 =	vmul.f32 v26, v12;
	v57 =	vcvt.s32.f32 v20;
	[tilespmem:v27+s25+$0x0] =	vst.idx.add.f32.msk vm1, v46  }
0x187: {  	v54 =	vadd.s32 $0x6, v27;
	v52 =	vmul.f32 v26, v11;
	v53 =	vmul.f32 v26, v15;
	[tilespmem:v43+s25+$0x0] =	vst.idx.add.f32.msk vm1, v48  }
0x188: {  	v55 =	vmul.f32 v26, v13;
	v56 =	vadd.s32 $0x7, v27;
	v35 =	vmul.f32 $2.610966100e-03, v57;
	[tilespmem:v45+s25+$0x0] =	vst.idx.add.f32.msk vm1, v50  }
0x189: {  	v62 =	vadd.s32 $0x9, v27;
	v61 =	vmul.f32 v26, v14;
	v58 =	vmul.f32 v26, v17;
	[tilespmem:v47+s25+$0x0] =	vst.idx.add.f32.msk vm1, v52  }
0x18a: {  	v42 =	vadd.s32 $0xC, v27;
	v37 =	vsub.s32 v32, v1;
	v39 =	vsub.f32 v35, v7;
	[tilespmem:v49+s25+$0x0] =	vst.idx.add.f32.msk vm1, v53  }
0x18b: {  	v63 =	vadd.s32 $0xA, v27;
	v59 =	vmul.f32 v26, v16;
	v38 =	vmul.u32 $0x180, v37;
	[tilespmem:v51+s25+$0x0] =	vst.idx.add.f32.msk vm1, v55  }
0x18c: {  	v41 =	vadd.s32 $0xB, v27;
	vm0 =	vmand vm12, vm13;
	v43 =	vmul.f32 v39, v39;
	[tilespmem:v54+s25+$0x0] =	vst.idx.add.f32.msk vm1, v58  }
0x18d: {  	v40 =	vmul.f32 v26, v19;
	v44 =	vmul.f32 v26, v18;
	v24 =	vnsel vm0, $0x0, v38;
	[tilespmem:v56+s25+$0x0] =	vst.idx.add.f32.msk vm1, v59  }
0x18e: {  	v32 =	vadd.s32 $0x4, v20;
	v46 =	vpop (erf);
	v24 =	vadd.s32 v23, v24;
	v27 =	vmul.f32 $-2.000000000e+04, v43;
	[tilespmem:v60+s25+$0x0] =	vst.idx.add.f32.msk vm1, v61  }
0x18f: {  	v45 =	vmul.f32 v26, v22;
	v28 =	vmul.f32 v46, v8;
	v47 =	vadd.s32 $0x1, v24;
	[tilespmem:v62+s25+$0x0] =	vst.idx.add.f32.msk vm1, v40  }
0x190: {  	v26 =	vmul.f32 v26, v21;
	v48 =	vadd.s32 $0x2, v24;
	v27 =	vmul.f32 $1.442695020e+00, v27;
	[tilespmem:v63+s25+$0x0] =	vst.idx.add.f32.msk vm1, v44  }
0x191: {  	vm10 =	vge.s32 v32, v1;
	v50 =	vadd.s32 $0x3, v24;
	v49 =	vmul.f32 v28, v9;
	[tilespmem:v41+s25+$0x0] =	vst.idx.add.f32.msk vm1, v45  }
0x192: {  	v53 =	vadd.s32 $0x4, v24;
	v51 =	vmul.f32 v28, v10;
	(erf) = vpow2.f32 v27;
	[tilespmem:v42+s25+$0x0] =	vst.idx.add.f32.msk vm1, v26  }
0x193: {  	v55 =	vadd.s32 $0x5, v24;
	v52 =	vmul.f32 v28, v12;
	v60 =	vcvt.s32.f32 v30;
	[tilespmem:v24+s25+$0x0] =	vst.idx.add.f32.msk vm0, v49  }
0x194: {  	v57 =	vadd.s32 $0x6, v24;
	v54 =	vmul.f32 v28, v11;
	v58 =	vmul.f32 v28, v13;
	[tilespmem:v47+s25+$0x0] =	vst.idx.add.f32.msk vm0, v51  }
0x195: {  	v56 =	vmul.f32 v28, v15;
	v59 =	vadd.s32 $0x7, v24;
	v35 =	vmul.f32 $2.610966100e-03, v60;
	[tilespmem:v48+s25+$0x0] =	vst.idx.add.f32.msk vm0, v52  }
0x196: {  	v38 =	vmul.f32 v28, v14;
	v61 =	vmul.f32 v28, v17;
	v63 =	vadd.s32 $0x8, v24;
	[tilespmem:v50+s25+$0x0] =	vst.idx.add.f32.msk vm0, v54  }
0x197: {  	v39 =	vadd.s32 $0x9, v24;
	v41 =	vsub.s32 v20, v1;
	v43 =	vsub.f32 v35, v7;
	[tilespmem:v53+s25+$0x0] =	vst.idx.add.f32.msk vm0, v56  }
0x198: {  	v62 =	vmul.f32 v28, v16;
	v40 =	vadd.s32 $0xA, v24;
	v42 =	vmul.u32 $0x180, v41;
	[tilespmem:v55+s25+$0x0] =	vst.idx.add.f32.msk vm0, v58  }
0x199: {  	v45 =	vadd.s32 $0xB, v24;
	vm1 =	vmand vm14, vm15;
	v47 =	vmul.f32 v43, v43;
	[tilespmem:v57+s25+$0x0] =	vst.idx.add.f32.msk vm0, v61  }
0x19a: {  	v44 =	vmul.f32 v28, v19;
	v24 =	vadd.s32 $0xC, v24;
	v46 =	vnsel vm1, $0x0, v42;
	[tilespmem:v59+s25+$0x0] =	vst.idx.add.f32.msk vm0, v62  }
0x19b: {  	v48 =	vmul.f32 v28, v18;
	v25 =	vadd.s32 v23, v46;
	v50 =	vpop (erf);
	v27 =	vmul.f32 $-2.000000000e+04, v47;
	[tilespmem:v63+s25+$0x0] =	vst.idx.add.f32.msk vm0, v38  }
0x19c: {  	v49 =	vmul.f32 v28, v22;
	v51 =	vadd.s32 $0x1, v25;
	v29 =	vmul.f32 v50, v8;
	[tilespmem:v39+s25+$0x0] =	vst.idx.add.f32.msk vm0, v44  }
0x19d: {  	v52 =	vmul.f32 v28, v21;
	v53 =	vadd.s32 $0x2, v25;
	v27 =	vmul.f32 $1.442695020e+00, v27;
	[tilespmem:v40+s25+$0x0] =	vst.idx.add.f32.msk vm0, v48  }
0x19e: {  	v41 =	vcvt.s32.f32 v33;
	v55 =	vadd.s32 $0x3, v25;
	v54 =	vmul.f32 v9, v29;
	[tilespmem:v45+s25+$0x0] =	vst.idx.add.f32.msk vm0, v49  }
0x19f: {  	v58 =	vadd.s32 $0x4, v25;
	v56 =	vmul.f32 v10, v29;
	(erf) = vpow2.f32 v27;
	[tilespmem:v24+s25+$0x0] =	vst.idx.add.f32.msk vm0, v52  }
0x1a0: {  	vm11 =	vlt.s32 v32, v2;
	v60 =	vadd.s32 $0x5, v25;
	v57 =	vmul.f32 v12, v29;
	[tilespmem:v25+s25+$0x0] =	vst.idx.add.f32.msk vm1, v54  }
0x1a1: {  	v36 =	vmul.f32 $2.610966100e-03, v41;
	v59 =	vmul.f32 v11, v29;
	v62 =	vadd.s32 $0x6, v25;
	[tilespmem:v51+s25+$0x0] =	vst.idx.add.f32.msk vm1, v56  }
0x1a2: {  	v46 =	vadd.s32 $0x9, v25;
	v61 =	vmul.f32 v15, v29;
	v40 =	vadd.s32 $0x7, v25;
	[tilespmem:v53+s25+$0x0] =	vst.idx.add.f32.msk vm1, v57  }
0x1a3: {  	v50 =	vsub.f32 v36, v7;
	v63 =	vmul.f32 v13, v29;
	v44 =	vadd.s32 $0x8, v25;
	[tilespmem:v55+s25+$0x0] =	vst.idx.add.f32.msk vm1, v59  }
0x1a4: {  	v47 =	vadd.s32 $0xA, v25;
	v42 =	vmul.f32 v29, v17;
	v48 =	vsub.s32 v30, v1;
	[tilespmem:v58+s25+$0x0] =	vst.idx.add.f32.msk vm1, v61  }
0x1a5: {  	v43 =	vmul.f32 v16, v29;
	v45 =	vmul.f32 v14, v29;
	v49 =	vmul.u32 $0x180, v48;
	[tilespmem:v60+s25+$0x0] =	vst.idx.add.f32.msk vm1, v63  }
0x1a6: {  	v52 =	vadd.s32 $0xB, v25;
	vm0 =	vmand vm4, vm5;
	v55 =	vmul.f32 v50, v50;
	[tilespmem:v62+s25+$0x0] =	vst.idx.add.f32.msk vm1, v42  }
0x1a7: {  	v54 =	vnsel vm0, $0x0, v49;
	v51 =	vmul.f32 v19, v29;
	v53 =	vadd.s32 $0xC, v25;
	[tilespmem:v40+s25+$0x0] =	vst.idx.add.f32.msk vm1, v43  }
0x1a8: {  	v56 =	vmul.f32 v18, v29;
	v25 =	vadd.s32 v23, v54;
	v58 =	vpop (erf);
	v27 =	vmul.f32 $-2.000000000e+04, v55;
	[tilespmem:v44+s25+$0x0] =	vst.idx.add.f32.msk vm1, v45  }
0x1a9: {  	v57 =	vmul.f32 v22, v29;
	v59 =	vadd.s32 $0x1, v25;
	v28 =	vmul.f32 v58, v8;
	[tilespmem:v46+s25+$0x0] =	vst.idx.add.f32.msk vm1, v51  }
0x1aa: {  	v61 =	vadd.s32 $0x2, v25;
	v60 =	vmul.f32 v21, v29;
	v27 =	vmul.f32 $1.442695020e+00, v27;
	[tilespmem:v47+s25+$0x0] =	vst.idx.add.f32.msk vm1, v56  }
0x1ab: {  	v49 =	vcvt.s32.f32 v34;
	v63 =	vadd.s32 $0x3, v25;
	v62 =	vmul.f32 v28, v9;
	[tilespmem:v52+s25+$0x0] =	vst.idx.add.f32.msk vm1, v57  }
0x1ac: {  	v42 =	vadd.s32 $0x4, v25;
	v40 =	vmul.f32 v28, v10;
	(erf) = vpow2.f32 v27;
	[tilespmem:v53+s25+$0x0] =	vst.idx.add.f32.msk vm1, v60  }
0x1ad: {  	v36 =	vmul.f32 $2.610966100e-03, v49;
	v41 =	vmul.f32 v28, v12;
	v44 =	vadd.s32 $0x5, v25;
	[tilespmem:v25+s25+$0x0] =	vst.idx.add.f32.msk vm0, v62  }
0x1ae: {  	v48 =	vadd.s32 $0x7, v25;
	v43 =	vmul.f32 v28, v11;
	v46 =	vadd.s32 $0x6, v25;
	[tilespmem:v59+s25+$0x0] =	vst.idx.add.f32.msk vm0, v40  }
0x1af: {  	v54 =	vadd.s32 $0x9, v25;
	v58 =	vsub.f32 v36, v7;
	v45 =	vmul.f32 v28, v15;
	[tilespmem:v61+s25+$0x0] =	vst.idx.add.f32.msk vm0, v41  }
0x1b0: {  	v50 =	vmul.f32 v28, v17;
	v47 =	vmul.f32 v28, v13;
	v52 =	vadd.s32 $0x8, v25;
	[tilespmem:v63+s25+$0x0] =	vst.idx.add.f32.msk vm0, v43  }
0x1b1: {  	v55 =	vadd.s32 $0xA, v25;
	v36 =	vmul.f32 v28, v18;
	v56 =	vsub.s32 v33, v1;
	[tilespmem:v42+s25+$0x0] =	vst.idx.add.f32.msk vm0, v45  }
0x1b2: {  	v51 =	vmul.f32 v28, v16;
	v57 =	vmul.u32 $0x180, v56;
	v53 =	vmul.f32 v28, v14;
	[tilespmem:v44+s25+$0x0] =	vst.idx.add.f32.msk vm0, v47  }
0x1b3: {  	v60 =	vadd.s32 $0xB, v25;
	vm1 =	vmand vm6, vm7;
	v63 =	vmul.f32 v58, v58;
	[tilespmem:v46+s25+$0x0] =	vst.idx.add.f32.msk vm0, v50  }
0x1b4: {  	v62 =	vnsel vm1, $0x0, v57;
	v59 =	vmul.f32 v28, v19;
	v61 =	vadd.s32 $0xC, v25;
	[tilespmem:v48+s25+$0x0] =	vst.idx.add.f32.msk vm0, v51  }
0x1b5: {  	v37 =	vmul.f32 v28, v22;
	v25 =	vadd.s32 v23, v62;
	v38 =	vpop (erf);
	v27 =	vmul.f32 $-2.000000000e+04, v63;
	[tilespmem:v52+s25+$0x0] =	vst.idx.add.f32.msk vm0, v53  }
0x1b6: {  	v33 =	vadd.s32 $0x5, v20;
	v39 =	vadd.s32 $0x1, v25;
	v29 =	vmul.f32 v38, v8;
	[tilespmem:v54+s25+$0x0] =	vst.idx.add.f32.msk vm0, v59  }
0x1b7: {  	v40 =	vmul.f32 v28, v21;
	v41 =	vadd.s32 $0x2, v25;
	v27 =	vmul.f32 $1.442695020e+00, v27;
	[tilespmem:v55+s25+$0x0] =	vst.idx.add.f32.msk vm0, v36  }
0x1b8: {  	v20 =	vadd.s32 $0x6, v20;
	v43 =	vadd.s32 $0x3, v25;
	v42 =	vmul.f32 v29, v9;
	[tilespmem:v60+s25+$0x0] =	vst.idx.add.f32.msk vm0, v37  }
0x1b9: {  	v46 =	vadd.s32 $0x4, v25;
	v44 =	vmul.f32 v29, v10;
	(erf) = vpow2.f32 v27;
	[tilespmem:v61+s25+$0x0] =	vst.idx.add.f32.msk vm0, v40  }
0x1ba: {  	v48 =	vadd.s32 $0x5, v25;
	v45 =	vmul.f32 v29, v12;
	v53 =	vcvt.s32.f32 v32;
	[tilespmem:v25+s25+$0x0] =	vst.idx.add.f32.msk vm1, v42  }
0x1bb: {  	v50 =	vadd.s32 $0x6, v25;
	v47 =	vmul.f32 v29, v11;
	v49 =	vmul.f32 v29, v15;
	[tilespmem:v39+s25+$0x0] =	vst.idx.add.f32.msk vm1, v44  }
0x1bc: {  	v51 =	vmul.f32 v29, v13;
	v52 =	vadd.s32 $0x7, v25;
	v36 =	vmul.f32 $2.610966100e-03, v53;
	[tilespmem:v41+s25+$0x0] =	vst.idx.add.f32.msk vm1, v45  }
0x1bd: {  	v56 =	vadd.s32 $0x8, v25;
	v57 =	vmul.f32 v29, v14;
	v54 =	vmul.f32 v29, v17;
	[tilespmem:v43+s25+$0x0] =	vst.idx.add.f32.msk vm1, v47  }
0x1be: {  	v58 =	vadd.s32 $0x9, v25;
	v60 =	vsub.s32 v34, v1;
	v62 =	vsub.f32 v36, v7;
	[tilespmem:v46+s25+$0x0] =	vst.idx.add.f32.msk vm1, v49  }
0x1bf: {  	v59 =	vadd.s32 $0xA, v25;
	v55 =	vmul.f32 v29, v16;
	v61 =	vmul.u32 $0x180, v60;
	[tilespmem:v48+s25+$0x0] =	vst.idx.add.f32.msk vm1, v51  }
0x1c0: {  	v36 =	vadd.s32 $0xB, v25;
	vm0 =	vmand vm8, vm9;
	v39 =	vmul.f32 v62, v62;
	[tilespmem:v50+s25+$0x0] =	vst.idx.add.f32.msk vm1, v54  }
0x1c1: {  	v63 =	vmul.f32 v29, v19;
	v37 =	vadd.s32 $0xC, v25;
	v38 =	vnsel vm0, $0x0, v61;
	[tilespmem:v52+s25+$0x0] =	vst.idx.add.f32.msk vm1, v55  }
0x1c2: {  	v40 =	vmul.f32 v29, v18;
	v25 =	vadd.s32 v23, v38;
	v27 =	vmul.f32 $-2.000000000e+04, v39;
	v42 =	vpop (erf);
	[tilespmem:v56+s25+$0x0] =	vst.idx.add.f32.msk vm1, v57  }
0x1c3: {  	v41 =	vmul.f32 v29, v22;
	v43 =	vadd.s32 $0x1, v25;
	v28 =	vmul.f32 v42, v8;
	[tilespmem:v58+s25+$0x0] =	vst.idx.add.f32.msk vm1, v63  }
0x1c4: {  	v44 =	vmul.f32 v29, v21;
	v45 =	vadd.s32 $0x2, v25;
	v27 =	vmul.f32 $1.442695020e+00, v27;
	[tilespmem:v59+s25+$0x0] =	vst.idx.add.f32.msk vm1, v40  }
0x1c5: {  	vm12 =	vge.s32 v33, v1;
	v47 =	vadd.s32 $0x3, v25;
	v46 =	vmul.f32 v28, v9;
	[tilespmem:v36+s25+$0x0] =	vst.idx.add.f32.msk vm1, v41  }
0x1c6: {  	v50 =	vadd.s32 $0x4, v25;
	(erf) = vpow2.f32 v27;
	v48 =	vmul.f32 v28, v10;
	[tilespmem:v37+s25+$0x0] =	vst.idx.add.f32.msk vm1, v44  }
0x1c7: {  	v52 =	vadd.s32 $0x5, v25;
	v49 =	vmul.f32 v28, v12;
	v57 =	vcvt.s32.f32 v33;
	[tilespmem:v25+s25+$0x0] =	vst.idx.add.f32.msk vm0, v46  }
0x1c8: {  	v38 =	vsub.s32 v32, v1;
	v54 =	vadd.s32 $0x6, v25;
	v51 =	vmul.f32 v28, v11;
	[tilespmem:v43+s25+$0x0] =	vst.idx.add.f32.msk vm0, v48  }
0x1c9: {  	v53 =	vmul.f32 v28, v15;
	v56 =	vadd.s32 $0x7, v25;
	v36 =	vmul.f32 $2.610966100e-03, v57;
	[tilespmem:v45+s25+$0x0] =	vst.idx.add.f32.msk vm0, v49  }
0x1ca: {  	v60 =	vadd.s32 $0x8, v25;
	v62 =	vadd.s32 $0x9, v25;
	v55 =	vmul.f32 v28, v13;
	[tilespmem:v47+s25+$0x0] =	vst.idx.add.f32.msk vm0, v51  }
0x1cb: {  	v39 =	vmul.u32 $0x180, v38;
	v58 =	vmul.f32 v28, v17;
	v40 =	vsub.f32 v36, v7;
	[tilespmem:v50+s25+$0x0] =	vst.idx.add.f32.msk vm0, v53  }
0x1cc: {  	v42 =	vadd.s32 $0xB, v25;
	v63 =	vadd.s32 $0xA, v25;
	v59 =	vmul.f32 v28, v16;
	[tilespmem:v52+s25+$0x0] =	vst.idx.add.f32.msk vm0, v55  }
0x1cd: {  	v61 =	vmul.f32 v28, v14;
	vm1 =	vmand vm10, vm11;
	v45 =	vmul.f32 v40, v40;
	[tilespmem:v54+s25+$0x0] =	vst.idx.add.f32.msk vm0, v58  }
0x1ce: {  	v41 =	vmul.f32 v28, v19;
	v44 =	vnsel vm1, $0x0, v39;
	v43 =	vadd.s32 $0xC, v25;
	[tilespmem:v56+s25+$0x0] =	vst.idx.add.f32.msk vm0, v59  }
0x1cf: {  	v46 =	vmul.f32 v28, v18;
	v25 =	vadd.s32 v23, v44;
	v48 =	vpop (erf);
	v27 =	vmul.f32 $-2.000000000e+04, v45;
	[tilespmem:v60+s25+$0x0] =	vst.idx.add.f32.msk vm0, v61  }
0x1d0: {  	v49 =	vadd.s32 $0x1, v25;
	v47 =	vmul.f32 v28, v22;
	v29 =	vmul.f32 v48, v8;
	[tilespmem:v62+s25+$0x0] =	vst.idx.add.f32.msk vm0, v41  }
0x1d1: {  	v51 =	vadd.s32 $0x2, v25;
	v50 =	vmul.f32 v28, v21;
	v27 =	vmul.f32 $1.442695020e+00, v27;
	[tilespmem:v63+s25+$0x0] =	vst.idx.add.f32.msk vm0, v46  }
0x1d2: {  	vm13 =	vlt.s32 v33, v2;
	v53 =	vadd.s32 $0x3, v25;
	v52 =	vmul.f32 v29, v9;
	[tilespmem:v42+s25+$0x0] =	vst.idx.add.f32.msk vm0, v47  }
0x1d3: {  	v54 =	vmul.f32 v29, v10;
	v56 =	vadd.s32 $0x4, v25;
	(erf) = vpow2.f32 v27;
	[tilespmem:v43+s25+$0x0] =	vst.idx.add.f32.msk vm0, v50  }
0x1d4: {  	v55 =	vmul.f32 v29, v12;
	v59 =	vadd.s32 $0x5, v25;
	v60 =	vcvt.s32.f32 v20;
	[tilespmem:v25+s25+$0x0] =	vst.idx.add.f32.msk vm1, v52  }
0x1d5: {  	v44 =	vsub.s32 v33, v1;
	v57 =	vmul.f32 v29, v11;
	v62 =	vadd.s32 $0x6, v25;
	[tilespmem:v49+s25+$0x0] =	vst.idx.add.f32.msk vm1, v54  }
0x1d6: {  	v58 =	vmul.f32 v29, v15;
	v63 =	vadd.s32 $0x7, v25;
	v34 =	vmul.f32 $2.610966100e-03, v60;
	[tilespmem:v51+s25+$0x0] =	vst.idx.add.f32.msk vm1, v55  }
0x1d7: {  	v45 =	vadd.s32 $0xA, v25;
	v61 =	vmul.f32 v29, v13;
	v41 =	vadd.s32 $0x8, v25;
	[tilespmem:v53+s25+$0x0] =	vst.idx.add.f32.msk vm1, v57  }
0x1d8: {  	v35 =	vmul.f32 v29, v17;
	v43 =	vadd.s32 $0x9, v25;
	v7 =	vsub.f32 v34, v7;
	[tilespmem:v56+s25+$0x0] =	vst.idx.add.f32.msk vm1, v58  }
0x1d9: {  	v40 =	vmul.f32 v29, v16;
	v46 =	vmul.u32 $0x180, v44;
	v42 =	vmul.f32 v29, v14;
	[tilespmem:v59+s25+$0x0] =	vst.idx.add.f32.msk vm1, v61  }
0x1da: {  	v47 =	vadd.s32 $0xB, v25;
	vm0 =	vmand vm12, vm13;
	v7 =	vmul.f32 v7, v7;
	[tilespmem:v62+s25+$0x0] =	vst.idx.add.f32.msk vm1, v35  }
0x1db: {  	v48 =	vmul.f32 v29, v19;
	v25 =	vadd.s32 $0xC, v25;
	v27 =	vnsel vm0, $0x0, v46;
	[tilespmem:v63+s25+$0x0] =	vst.idx.add.f32.msk vm1, v40  }
0x1dc: {  	v49 =	vmul.f32 v29, v18;
	v27 =	vadd.s32 v23, v27;
	v7 =	vmul.f32 $-2.000000000e+04, v7;
	v50 =	vpop (erf);
	[tilespmem:v41+s25+$0x0] =	vst.idx.add.f32.msk vm1, v42  }
0x1dd: {  	v51 =	vmul.f32 v29, v22;
	v52 =	vadd.s32 $0x1, v27;
	v31 =	vmul.f32 v50, v8;
	[tilespmem:v43+s25+$0x0] =	vst.idx.add.f32.msk vm1, v48  }
0x1de: {  	v54 =	vadd.s32 $0x2, v27;
	v53 =	vmul.f32 v29, v21;
	v7 =	vmul.f32 $1.442695020e+00, v7;
	[tilespmem:v45+s25+$0x0] =	vst.idx.add.f32.msk vm1, v49  }
0x1df: {  	v56 =	vadd.s32 $0x3, v27;
	v55 =	vmul.f32 v31, v9;
	[tilespmem:v47+s25+$0x0] =	vst.idx.add.f32.msk vm1, v51  }
0x1e0: {  	v58 =	vadd.s32 $0x4, v27;
	v57 =	vmul.f32 v31, v10;
	(erf) = vpow2.f32 v7;
	[tilespmem:v25+s25+$0x0] =	vst.idx.add.f32.msk vm1, v53  }
0x1e1: {  	v59 =	vadd.s32 $0x5, v27;
	v7 =	vmul.f32 v31, v12;
	[tilespmem:v27+s25+$0x0] =	vst.idx.add.f32.msk vm0, v55  }
0x1e2: {  	v61 =	vadd.s32 $0x6, v27;
	v60 =	vmul.f32 v31, v11;
	[tilespmem:v52+s25+$0x0] =	vst.idx.add.f32.msk vm0, v57  }
0x1e3: {  	vm14 =	vge.s32 v20, v1;
	v63 =	vadd.s32 $0x7, v27;
	[tilespmem:v54+s25+$0x0] =	vst.idx.add.f32.msk vm0, v7;
	v7 =	vmul.f32 v31, v15  }
0x1e4: {  	vm15 =	vlt.s32 v20, v2;
	v38 =	vadd.s32 $0x8, v27;
	v62 =	vmul.f32 v31, v13;
	[tilespmem:v56+s25+$0x0] =	vst.idx.add.f32.msk vm0, v60  }
0x1e5: {  	v39 =	vsub.s32 v20, v1;
	v36 =	vmul.f32 v31, v17;
	[tilespmem:v58+s25+$0x0] =	vst.idx.add.f32.msk vm0, v7;
	v7 =	vadd.s32 $0x9, v27  }
0x1e6: {  	v37 =	vmul.f32 v31, v16;
	v40 =	vadd.s32 $0xA, v27;
	v25 =	vmul.u32 $0x180, v39;
	[tilespmem:v59+s25+$0x0] =	vst.idx.add.f32.msk vm0, v62  }
0x1e7: {  	v41 =	vmul.f32 v31, v14;
	v42 =	vadd.s32 $0xB, v27;
	vm1 =	vmand vm14, vm15;
	[tilespmem:v61+s25+$0x0] =	vst.idx.add.f32.msk vm0, v36  }
0x1e8: {  	v43 =	vmul.f32 v31, v19;
	v25 =	vnsel vm1, $0x0, v25;
	v27 =	vadd.s32 $0xC, v27;
	[tilespmem:v63+s25+$0x0] =	vst.idx.add.f32.msk vm0, v37  }
0x1e9: {  	v44 =	vmul.f32 v31, v18;
	v23 =	vadd.s32 v23, v25;
	v45 =	vpop (erf);
	[tilespmem:v38+s25+$0x0] =	vst.idx.add.f32.msk vm0, v41  }
0x1ea: {  	v46 =	vadd.s32 $0x1, v23;
	v8 =	vmul.f32 v45, v8;
	[tilespmem:v7+s25+$0x0] =	vst.idx.add.f32.msk vm0, v43;
	v7 =	vmul.f32 v31, v22  }
0x1eb: {  	v47 =	vmul.f32 v31, v21;
	v48 =	vadd.s32 $0x2, v23;
	[tilespmem:v40+s25+$0x0] =	vst.idx.add.f32.msk vm0, v44  }
0x1ec: {  	v49 =	vadd.s32 $0x3, v23;
	[tilespmem:v42+s25+$0x0] =	vst.idx.add.f32.msk vm0, v7;
	v7 =	vmul.f32 v8, v9  }
0x1ed: {  	v50 =	vadd.s32 $0x4, v23;
	v10 =	vmul.f32 v8, v10;
	[tilespmem:v27+s25+$0x0] =	vst.idx.add.f32.msk vm0, v47  }
0x1ee: {  	v51 =	vadd.s32 $0x5, v23;
	[tilespmem:v23+s25+$0x0] =	vst.idx.add.f32.msk vm1, v7;
	v7 =	vmul.f32 v8, v12  }
0x1ef: {  	v53 =	vadd.s32 $0x6, v23;
	v52 =	vmul.f32 v8, v11;
	[tilespmem:v46+s25+$0x0] =	vst.idx.add.f32.msk vm1, v10  }
0x1f0: {  	v54 =	vadd.s32 $0x7, v23;
	[tilespmem:v48+s25+$0x0] =	vst.idx.add.f32.msk vm1, v7;
	v7 =	vmul.f32 v8, v15  }
0x1f1: {  	v56 =	vadd.s32 $0x8, v23;
	v55 =	vmul.f32 v8, v13;
	[tilespmem:v49+s25+$0x0] =	vst.idx.add.f32.msk vm1, v52  }
0x1f2: {  	v57 =	vadd.s32 $0x9, v23;
	[tilespmem:v50+s25+$0x0] =	vst.idx.add.f32.msk vm1, v7;
	v7 =	vmul.f32 v8, v17  }
0x1f3: {  	v59 =	vadd.s32 $0xA, v23;
	v58 =	vmul.f32 v8, v16;
	[tilespmem:v51+s25+$0x0] =	vst.idx.add.f32.msk vm1, v55  }
0x1f4: {  	v60 =	vadd.s32 $0xB, v23;
	[tilespmem:v53+s25+$0x0] =	vst.idx.add.f32.msk vm1, v7;
	v7 =	vmul.f32 v8, v14  }
0x1f5: {  	p0 =	sne.s32 s29, $0x1;
	v62 =	vadd.s32 $0xC, v23;
	v61 =	vmul.f32 v8, v19;
	[tilespmem:v54+s25+$0x0] =	vst.idx.add.f32.msk vm1, v58  }
.Ltmp3:
0x1f6: {  	[tilespmem:v56+s25+$0x0] =	vst.idx.add.f32.msk vm1, v7;
	v7 =	vmul.f32 v8, v18;
	(pc) =	sbr.rel @p0 .LBB2_7-.Ltmp3, $4  }
0x1f7: {  	v63 =	vmul.f32 v8, v22;
	[tilespmem:v57+s25+$0x0] =	vst.idx.add.f32.msk vm1, v61  }
0x1f8: {  	[tilespmem:v59+s25+$0x0] =	vst.idx.add.f32.msk vm1, v7;
	v7 =	vmul.f32 v8, v21  }
0x1f9: {  	[tilespmem:v60+s25+$0x0] =	vst.idx.add.f32.msk vm1, v63  }
0x1fa: {  	s30 =	sadd.s32 $0x10, s30;
	s31 =	sadd.s32 $0x10, s31;
	s29 =	sadd.s32 $0xFFFFFFFF, s29;
	[tilespmem:v62+s25+$0x0] =	vst.idx.add.f32.msk vm1, v7  }
.LBB2_8:
0x1fb: {  	s0 =	rddreg [dreg:$0x7]  }
0x1fc: {  	s1 =	simm.s32 $0x80;
	s5 =	simm.s32 $0x400;
	s6 =	simm.s32 $0x5080  }
0x1fd: {  	[spmem:s0] =	stream.strided.scatter [tilespmem:s6], [sflag:$0x2], $0x4800, s5, s1, $0x38;
	[tilespmem:$0x12900] =	vst v63  }
0x1fe: {  	_ =	swait.ge [sflag:s26], $0x4800  }
0x1ff: {  	[sflag:s26] =	ssyncset.done $0x0  }
0x200: {  	[sflag:s26] =	ssyncadd.s32 $0xFFFFB800  }
0x201: {  	s1 =	simm.s32 $0x9900;
	[bflag:$0x0] =	sbarrier.arrive $0xFFFF  }
0x202: {  	[tilespmem:s1], [sflag:$0x1] =	stream.linear.gather [spmem:s7], $0x80, $0x38;
	[tilespmem:$0x12900] =	vst v63  }
0x203: {  	s6 =	simm.s32 $0x9B00;
	s5 =	rddreg [dreg:$0xc]  }
0x204: {  	[tilespmem:s6], [sflag:$0x1] =	stream.linear.gather [spmem:s5], $0x80, $0x38;
	[tilespmem:$0x12900] =	vst v63  }
0x205: {  	s5 =	rddreg [dreg:$0xd];
	s6 =	simm.s32 $0x9D00  }
0x206: {  	[tilespmem:s6], [sflag:$0x1] =	stream.linear.gather [spmem:s5], $0x80, $0x38;
	[tilespmem:$0x12900] =	vst v63  }
0x207: {  	s5 =	rddreg [dreg:$0xe];
	s6 =	simm.s32 $0x9F00  }
0x208: {  	[tilespmem:s6], [sflag:$0x1] =	stream.linear.gather [spmem:s5], $0x80, $0x38;
	[tilespmem:$0x12900] =	vst v63  }
0x209: {  	s5 =	rddreg [dreg:$0xf];
	s6 =	simm.s32 $0xA100  }
0x20a: {  	[tilespmem:s6], [sflag:$0x1] =	stream.linear.gather [spmem:s5], $0x80, $0x38;
	[tilespmem:$0x12900] =	vst v63  }
0x20b: {  	s5 =	rddreg [dreg:$0x10];
	s6 =	simm.s32 $0xA300  }
0x20c: {  	[tilespmem:s6], [sflag:$0x1] =	stream.linear.gather [spmem:s5], $0x80, $0x38;
	[tilespmem:$0x12900] =	vst v63  }
0x20d: {  	s5 =	rddreg [dreg:$0x11];
	s6 =	simm.s32 $0xA500  }
0x20e: {  	[tilespmem:s6], [sflag:$0x1] =	stream.linear.gather [spmem:s5], $0x80, $0x38;
	[tilespmem:$0x12900] =	vst v63  }
0x20f: {  	s5 =	rddreg [dreg:$0x12];
	s6 =	simm.s32 $0xA700  }
0x210: {  	[tilespmem:s6], [sflag:$0x1] =	stream.linear.gather [spmem:s5], $0x80, $0x38;
	[tilespmem:$0x12900] =	vst v63  }
0x211: {  	s5 =	rddreg [dreg:$0x13];
	s6 =	simm.s32 $0xA900  }
0x212: {  	[tilespmem:s6], [sflag:$0x1] =	stream.linear.gather [spmem:s5], $0x80, $0x38;
	[tilespmem:$0x12900] =	vst v63  }
0x213: {  	s5 =	rddreg [dreg:$0x14];
	s6 =	simm.s32 $0xAB00  }
0x214: {  	[tilespmem:s6], [sflag:$0x1] =	stream.linear.gather [spmem:s5], $0x80, $0x38;
	[tilespmem:$0x12900] =	vst v63  }
0x215: {  	s5 =	rddreg [dreg:$0x15];
	s6 =	simm.s32 $0xAD00  }
0x216: {  	[tilespmem:s6], [sflag:$0x1] =	stream.linear.gather [spmem:s5], $0x80, $0x38;
	[tilespmem:$0x12900] =	vst v63  }
0x217: {  	s5 =	rddreg [dreg:$0x16];
	s6 =	simm.s32 $0xAF00  }
0x218: {  	[tilespmem:s6], [sflag:$0x1] =	stream.linear.gather [spmem:s5], $0x80, $0x38;
	[tilespmem:$0x12900] =	vst v63  }
0x219: {  	s5 =	rddreg [dreg:$0x17];
	s6 =	simm.s32 $0xB100  }
0x21a: {  	[tilespmem:s6], [sflag:$0x1] =	stream.linear.gather [spmem:s5], $0x80, $0x38;
	[tilespmem:$0x12900] =	vst v63  }
0x21b: {  	s5 =	rddreg [dreg:$0x18];
	s6 =	simm.s32 $0xB300  }
0x21c: {  	[tilespmem:s6], [sflag:$0x1] =	stream.linear.gather [spmem:s5], $0x80, $0x38;
	[tilespmem:$0x12900] =	vst v63  }
0x21d: {  	s5 =	rddreg [dreg:$0x19];
	s6 =	simm.s32 $0xB500  }
0x21e: {  	[tilespmem:s6], [sflag:$0x1] =	stream.linear.gather [spmem:s5], $0x80, $0x38;
	[tilespmem:$0x12900] =	vst v63  }
0x21f: {  	s5 =	rddreg [dreg:$0x1a];
	s6 =	simm.s32 $0xB700  }
0x220: {  	[tilespmem:s6], [sflag:$0x1] =	stream.linear.gather [spmem:s5], $0x80, $0x38;
	[tilespmem:$0x12900] =	vst v63  }
0x221: {  	s5 =	rddreg [dreg:$0x1b];
	s6 =	simm.s32 $0xB900  }
0x222: {  	[tilespmem:s6], [sflag:$0x1] =	stream.linear.gather [spmem:s5], $0x80, $0x38;
	[tilespmem:$0x12900] =	vst v63  }
0x223: {  	s5 =	rddreg [dreg:$0x1c];
	s6 =	simm.s32 $0xBB00  }
0x224: {  	[tilespmem:s6], [sflag:$0x1] =	stream.linear.gather [spmem:s5], $0x80, $0x38;
	[tilespmem:$0x12900] =	vst v63  }
0x225: {  	s5 =	rddreg [dreg:$0x1d];
	s6 =	simm.s32 $0xBD00  }
0x226: {  	[tilespmem:s6], [sflag:$0x1] =	stream.linear.gather [spmem:s5], $0x80, $0x38;
	[tilespmem:$0x12900] =	vst v63  }
0x227: {  	s5 =	rddreg [dreg:$0x1e];
	s6 =	simm.s32 $0xBF00  }
0x228: {  	[tilespmem:s6], [sflag:$0x1] =	stream.linear.gather [spmem:s5], $0x80, $0x38;
	[tilespmem:$0x12900] =	vst v63  }
0x229: {  	s5 =	rddreg [dreg:$0x1f];
	s6 =	simm.s32 $0xC100  }
0x22a: {  	[tilespmem:s6], [sflag:$0x1] =	stream.linear.gather [spmem:s5], $0x80, $0x38;
	[tilespmem:$0x12900] =	vst v63  }
0x22b: {  	s5 =	sld [smem:$0x794];
	_ =	sdelay $0x1  }
0x22c: {  	s6 =	simm.s32 $0xC300  }
0x22d: {  	[tilespmem:s6], [sflag:$0x1] =	stream.linear.gather [spmem:s5], $0x80, $0x38;
	[tilespmem:$0x12900] =	vst v63  }
0x22e: {  	s5 =	sld [smem:$0x795];
	_ =	sdelay $0x1  }
0x22f: {  	s6 =	simm.s32 $0xC500  }
0x230: {  	[tilespmem:s6], [sflag:$0x1] =	stream.linear.gather [spmem:s5], $0x80, $0x38;
	[tilespmem:$0x12900] =	vst v63  }
0x231: {  	s5 =	sld [smem:$0x796];
	_ =	sdelay $0x1  }
0x232: {  	s6 =	simm.s32 $0xC700  }
0x233: {  	[tilespmem:s6], [sflag:$0x1] =	stream.linear.gather [spmem:s5], $0x80, $0x38;
	[tilespmem:$0x12900] =	vst v63  }
0x234: {  	s5 =	sld [smem:$0x797];
	_ =	sdelay $0x1  }
0x235: {  	s6 =	simm.s32 $0xC900  }
0x236: {  	[tilespmem:s6], [sflag:$0x1] =	stream.linear.gather [spmem:s5], $0x80, $0x38;
	[tilespmem:$0x12900] =	vst v63  }
0x237: {  	s5 =	sld [smem:$0x798];
	_ =	sdelay $0x1  }
0x238: {  	s6 =	simm.s32 $0xCB00  }
0x239: {  	[tilespmem:s6], [sflag:$0x1] =	stream.linear.gather [spmem:s5], $0x80, $0x38;
	[tilespmem:$0x12900] =	vst v63  }
0x23a: {  	s5 =	sld [smem:$0x799];
	_ =	sdelay $0x1  }
0x23b: {  	s6 =	simm.s32 $0xCD00  }
0x23c: {  	[tilespmem:s6], [sflag:$0x1] =	stream.linear.gather [spmem:s5], $0x80, $0x38;
	[tilespmem:$0x12900] =	vst v63  }
0x23d: {  	s5 =	sld [smem:$0x79A];
	_ =	sdelay $0x1  }
0x23e: {  	s6 =	simm.s32 $0xCF00  }
0x23f: {  	[tilespmem:s6], [sflag:$0x1] =	stream.linear.gather [spmem:s5], $0x80, $0x38;
	[tilespmem:$0x12900] =	vst v63  }
0x240: {  	s5 =	sld [smem:$0x79B];
	_ =	sdelay $0x1  }
0x241: {  	s6 =	simm.s32 $0xD100  }
0x242: {  	[tilespmem:s6], [sflag:$0x1] =	stream.linear.gather [spmem:s5], $0x80, $0x38;
	[tilespmem:$0x12900] =	vst v63  }
0x243: {  	s5 =	sld [smem:$0x79C];
	_ =	sdelay $0x1  }
0x244: {  	s6 =	simm.s32 $0xD300  }
0x245: {  	[tilespmem:s6], [sflag:$0x1] =	stream.linear.gather [spmem:s5], $0x80, $0x38;
	[tilespmem:$0x12900] =	vst v63  }
0x246: {  	s5 =	sld [smem:$0x79D];
	_ =	sdelay $0x1  }
0x247: {  	s6 =	simm.s32 $0xD500  }
0x248: {  	[tilespmem:s6], [sflag:$0x1] =	stream.linear.gather [spmem:s5], $0x80, $0x38;
	[tilespmem:$0x12900] =	vst v63  }
0x249: {  	s5 =	sld [smem:$0x79E];
	_ =	sdelay $0x1  }
0x24a: {  	s6 =	simm.s32 $0xD700  }
0x24b: {  	[tilespmem:s6], [sflag:$0x1] =	stream.linear.gather [spmem:s5], $0x80, $0x38;
	[tilespmem:$0x12900] =	vst v63  }
0x24c: {  	s5 =	sld [smem:$0x79F];
	_ =	sdelay $0x1  }
0x24d: {  	s6 =	simm.s32 $0xD900  }
0x24e: {  	[tilespmem:s6], [sflag:$0x1] =	stream.linear.gather [spmem:s5], $0x80, $0x38;
	[tilespmem:$0x12900] =	vst v63  }
0x24f: {  	s5 =	sld [smem:$0x7A0];
	_ =	sdelay $0x1  }
0x250: {  	s6 =	simm.s32 $0xDB00  }
0x251: {  	[tilespmem:s6], [sflag:$0x1] =	stream.linear.gather [spmem:s5], $0x80, $0x38;
	[tilespmem:$0x12900] =	vst v63  }
0x252: {  	s5 =	sld [smem:$0x7A1];
	_ =	sdelay $0x1  }
0x253: {  	s6 =	simm.s32 $0xDD00  }
0x254: {  	[tilespmem:s6], [sflag:$0x1] =	stream.linear.gather [spmem:s5], $0x80, $0x38;
	[tilespmem:$0x12900] =	vst v63  }
0x255: {  	s5 =	sld [smem:$0x7A2];
	_ =	sdelay $0x1  }
0x256: {  	s6 =	simm.s32 $0xDF00  }
0x257: {  	[tilespmem:s6], [sflag:$0x1] =	stream.linear.gather [spmem:s5], $0x80, $0x38;
	[tilespmem:$0x12900] =	vst v63  }
0x258: {  	s5 =	rddreg [dreg:$0x8];
	s6 =	simm.s32 $0x9980  }
0x259: {  	[tilespmem:s6], [sflag:$0x1] =	stream.linear.gather [spmem:s5], $0x80, $0x38;
	[tilespmem:$0x12900] =	vst v63  }
0x25a: {  	s5 =	sld [smem:$0x7A3];
	_ =	sdelay $0x1  }
0x25b: {  	s6 =	simm.s32 $0x9B80  }
0x25c: {  	[tilespmem:s6], [sflag:$0x1] =	stream.linear.gather [spmem:s5], $0x80, $0x38;
	[tilespmem:$0x12900] =	vst v63  }
0x25d: {  	s5 =	sld [smem:$0x7A4];
	_ =	sdelay $0x1  }
0x25e: {  	s6 =	simm.s32 $0x9D80  }
0x25f: {  	[tilespmem:s6], [sflag:$0x1] =	stream.linear.gather [spmem:s5], $0x80, $0x38;
	[tilespmem:$0x12900] =	vst v63  }
0x260: {  	s5 =	sld [smem:$0x7A5];
	_ =	sdelay $0x1  }
0x261: {  	s6 =	simm.s32 $0x9F80  }
0x262: {  	[tilespmem:s6], [sflag:$0x1] =	stream.linear.gather [spmem:s5], $0x80, $0x38;
	[tilespmem:$0x12900] =	vst v63  }
0x263: {  	s5 =	sld [smem:$0x7A6];
	_ =	sdelay $0x1  }
0x264: {  	s6 =	simm.s32 $0xA180  }
0x265: {  	[tilespmem:s6], [sflag:$0x1] =	stream.linear.gather [spmem:s5], $0x80, $0x38;
	[tilespmem:$0x12900] =	vst v63  }
0x266: {  	s5 =	sld [smem:$0x7A7];
	_ =	sdelay $0x1  }
0x267: {  	s6 =	simm.s32 $0xA380  }
0x268: {  	[tilespmem:s6], [sflag:$0x1] =	stream.linear.gather [spmem:s5], $0x80, $0x38;
	[tilespmem:$0x12900] =	vst v63  }
0x269: {  	s5 =	sld [smem:$0x7A8];
	_ =	sdelay $0x1  }
0x26a: {  	s6 =	simm.s32 $0xA580  }
0x26b: {  	[tilespmem:s6], [sflag:$0x1] =	stream.linear.gather [spmem:s5], $0x80, $0x38;
	[tilespmem:$0x12900] =	vst v63  }
0x26c: {  	s5 =	sld [smem:$0x7A9];
	_ =	sdelay $0x1  }
0x26d: {  	s6 =	simm.s32 $0xA780  }
0x26e: {  	[tilespmem:s6], [sflag:$0x1] =	stream.linear.gather [spmem:s5], $0x80, $0x38;
	[tilespmem:$0x12900] =	vst v63  }
0x26f: {  	s5 =	sld [smem:$0x7AA];
	_ =	sdelay $0x1  }
0x270: {  	s6 =	simm.s32 $0xA980  }
0x271: {  	[tilespmem:s6], [sflag:$0x1] =	stream.linear.gather [spmem:s5], $0x80, $0x38;
	[tilespmem:$0x12900] =	vst v63  }
0x272: {  	s5 =	sld [smem:$0x7AB];
	_ =	sdelay $0x1  }
0x273: {  	s6 =	simm.s32 $0xAB80  }
0x274: {  	[tilespmem:s6], [sflag:$0x1] =	stream.linear.gather [spmem:s5], $0x80, $0x38;
	[tilespmem:$0x12900] =	vst v63  }
0x275: {  	s5 =	sld [smem:$0x7AC];
	_ =	sdelay $0x1  }
0x276: {  	s6 =	simm.s32 $0xAD80  }
0x277: {  	[tilespmem:s6], [sflag:$0x1] =	stream.linear.gather [spmem:s5], $0x80, $0x38;
	[tilespmem:$0x12900] =	vst v63  }
0x278: {  	s5 =	sld [smem:$0x7AD];
	_ =	sdelay $0x1  }
0x279: {  	s6 =	simm.s32 $0xAF80  }
0x27a: {  	[tilespmem:s6], [sflag:$0x1] =	stream.linear.gather [spmem:s5], $0x80, $0x38;
	[tilespmem:$0x12900] =	vst v63  }
0x27b: {  	s5 =	sld [smem:$0x7AE];
	_ =	sdelay $0x1  }
0x27c: {  	s6 =	simm.s32 $0xB180  }
0x27d: {  	[tilespmem:s6], [sflag:$0x1] =	stream.linear.gather [spmem:s5], $0x80, $0x38;
	[tilespmem:$0x12900] =	vst v63  }
0x27e: {  	s5 =	sld [smem:$0x7AF];
	_ =	sdelay $0x1  }
0x27f: {  	s6 =	simm.s32 $0xB380  }
0x280: {  	[tilespmem:s6], [sflag:$0x1] =	stream.linear.gather [spmem:s5], $0x80, $0x38;
	[tilespmem:$0x12900] =	vst v63  }
0x281: {  	s5 =	sld [smem:$0x7B0];
	_ =	sdelay $0x1  }
0x282: {  	s6 =	simm.s32 $0xB580  }
0x283: {  	[tilespmem:s6], [sflag:$0x1] =	stream.linear.gather [spmem:s5], $0x80, $0x38;
	[tilespmem:$0x12900] =	vst v63  }
0x284: {  	s5 =	sld [smem:$0x7B1];
	_ =	sdelay $0x1  }
0x285: {  	s6 =	simm.s32 $0xB780  }
0x286: {  	[tilespmem:s6], [sflag:$0x1] =	stream.linear.gather [spmem:s5], $0x80, $0x38;
	[tilespmem:$0x12900] =	vst v63  }
0x287: {  	s5 =	sld [smem:$0x7B2];
	_ =	sdelay $0x1  }
0x288: {  	s6 =	simm.s32 $0xB980  }
0x289: {  	[tilespmem:s6], [sflag:$0x1] =	stream.linear.gather [spmem:s5], $0x80, $0x38;
	[tilespmem:$0x12900] =	vst v63  }
0x28a: {  	s5 =	sld [smem:$0x7B3];
	_ =	sdelay $0x1  }
0x28b: {  	s6 =	simm.s32 $0xBB80  }
0x28c: {  	[tilespmem:s6], [sflag:$0x1] =	stream.linear.gather [spmem:s5], $0x80, $0x38;
	[tilespmem:$0x12900] =	vst v63  }
0x28d: {  	s5 =	sld [smem:$0x7B4];
	_ =	sdelay $0x1  }
0x28e: {  	s6 =	simm.s32 $0xBD80  }
0x28f: {  	[tilespmem:s6], [sflag:$0x1] =	stream.linear.gather [spmem:s5], $0x80, $0x38;
	[tilespmem:$0x12900] =	vst v63  }
0x290: {  	s5 =	sld [smem:$0x7B5];
	_ =	sdelay $0x1  }
0x291: {  	s6 =	simm.s32 $0xBF80  }
0x292: {  	[tilespmem:s6], [sflag:$0x1] =	stream.linear.gather [spmem:s5], $0x80, $0x38;
	[tilespmem:$0x12900] =	vst v63  }
0x293: {  	s5 =	sld [smem:$0x7B6];
	_ =	sdelay $0x1  }
0x294: {  	s6 =	simm.s32 $0xC180  }
0x295: {  	[tilespmem:s6], [sflag:$0x1] =	stream.linear.gather [spmem:s5], $0x80, $0x38;
	[tilespmem:$0x12900] =	vst v63  }
0x296: {  	s5 =	sld [smem:$0x7B7];
	_ =	sdelay $0x1  }
0x297: {  	s6 =	simm.s32 $0xC380  }
0x298: {  	[tilespmem:s6], [sflag:$0x1] =	stream.linear.gather [spmem:s5], $0x80, $0x38;
	[tilespmem:$0x12900] =	vst v63  }
0x299: {  	s5 =	sld [smem:$0x7B8];
	_ =	sdelay $0x1  }
0x29a: {  	s6 =	simm.s32 $0xC580  }
0x29b: {  	[tilespmem:s6], [sflag:$0x1] =	stream.linear.gather [spmem:s5], $0x80, $0x38;
	[tilespmem:$0x12900] =	vst v63  }
0x29c: {  	s5 =	sld [smem:$0x7B9];
	_ =	sdelay $0x1  }
0x29d: {  	s6 =	simm.s32 $0xC780  }
0x29e: {  	[tilespmem:s6], [sflag:$0x1] =	stream.linear.gather [spmem:s5], $0x80, $0x38;
	[tilespmem:$0x12900] =	vst v63  }
0x29f: {  	s5 =	sld [smem:$0x7BA];
	_ =	sdelay $0x1  }
0x2a0: {  	s6 =	simm.s32 $0xC980  }
0x2a1: {  	[tilespmem:s6], [sflag:$0x1] =	stream.linear.gather [spmem:s5], $0x80, $0x38;
	[tilespmem:$0x12900] =	vst v63  }
0x2a2: {  	s5 =	sld [smem:$0x7BB];
	_ =	sdelay $0x1  }
0x2a3: {  	s6 =	simm.s32 $0xCB80  }
0x2a4: {  	[tilespmem:s6], [sflag:$0x1] =	stream.linear.gather [spmem:s5], $0x80, $0x38;
	[tilespmem:$0x12900] =	vst v63  }
0x2a5: {  	s5 =	sld [smem:$0x7BC];
	_ =	sdelay $0x1  }
0x2a6: {  	s6 =	simm.s32 $0xCD80  }
0x2a7: {  	[tilespmem:s6], [sflag:$0x1] =	stream.linear.gather [spmem:s5], $0x80, $0x38;
	[tilespmem:$0x12900] =	vst v63  }
0x2a8: {  	s5 =	sld [smem:$0x7BD];
	_ =	sdelay $0x1  }
0x2a9: {  	s6 =	simm.s32 $0xCF80  }
0x2aa: {  	[tilespmem:s6], [sflag:$0x1] =	stream.linear.gather [spmem:s5], $0x80, $0x38;
	[tilespmem:$0x12900] =	vst v63  }
0x2ab: {  	s5 =	sld [smem:$0x7BE];
	_ =	sdelay $0x1  }
0x2ac: {  	s6 =	simm.s32 $0xD180  }
0x2ad: {  	[tilespmem:s6], [sflag:$0x1] =	stream.linear.gather [spmem:s5], $0x80, $0x38;
	[tilespmem:$0x12900] =	vst v63  }
0x2ae: {  	s5 =	sld [smem:$0x7BF];
	_ =	sdelay $0x1  }
0x2af: {  	s6 =	simm.s32 $0xD380  }
0x2b0: {  	[tilespmem:s6], [sflag:$0x1] =	stream.linear.gather [spmem:s5], $0x80, $0x38;
	[tilespmem:$0x12900] =	vst v63  }
0x2b1: {  	s5 =	sld [smem:$0x7C0];
	_ =	sdelay $0x1  }
0x2b2: {  	s6 =	simm.s32 $0xD580  }
0x2b3: {  	[tilespmem:s6], [sflag:$0x1] =	stream.linear.gather [spmem:s5], $0x80, $0x38;
	[tilespmem:$0x12900] =	vst v63  }
0x2b4: {  	s5 =	sld [smem:$0x7C1];
	_ =	sdelay $0x1  }
0x2b5: {  	s6 =	simm.s32 $0xD780  }
0x2b6: {  	[tilespmem:s6], [sflag:$0x1] =	stream.linear.gather [spmem:s5], $0x80, $0x38;
	[tilespmem:$0x12900] =	vst v63  }
0x2b7: {  	s5 =	sld [smem:$0x7C2];
	_ =	sdelay $0x1  }
0x2b8: {  	s6 =	simm.s32 $0xD980  }
0x2b9: {  	[tilespmem:s6], [sflag:$0x1] =	stream.linear.gather [spmem:s5], $0x80, $0x38;
	[tilespmem:$0x12900] =	vst v63  }
0x2ba: {  	s5 =	sld [smem:$0x7C3];
	_ =	sdelay $0x1  }
0x2bb: {  	s6 =	simm.s32 $0xDB80  }
0x2bc: {  	[tilespmem:s6], [sflag:$0x1] =	stream.linear.gather [spmem:s5], $0x80, $0x38;
	[tilespmem:$0x12900] =	vst v63  }
0x2bd: {  	s5 =	sld [smem:$0x7C4];
	_ =	sdelay $0x1  }
0x2be: {  	s6 =	simm.s32 $0xDD80  }
0x2bf: {  	[tilespmem:s6], [sflag:$0x1] =	stream.linear.gather [spmem:s5], $0x80, $0x38;
	[tilespmem:$0x12900] =	vst v63  }
0x2c0: {  	s5 =	sld [smem:$0x7C5];
	_ =	sdelay $0x1  }
0x2c1: {  	s6 =	simm.s32 $0xDF80  }
0x2c2: {  	[tilespmem:s6], [sflag:$0x1] =	stream.linear.gather [spmem:s5], $0x80, $0x38;
	[tilespmem:$0x12900] =	vst v63  }
0x2c3: {  	s5 =	rddreg [dreg:$0x9];
	s6 =	simm.s32 $0x9A00  }
0x2c4: {  	[tilespmem:s6], [sflag:$0x1] =	stream.linear.gather [spmem:s5], $0x80, $0x38;
	[tilespmem:$0x12900] =	vst v63  }
0x2c5: {  	s5 =	sld [smem:$0x7C6];
	_ =	sdelay $0x1  }
0x2c6: {  	s6 =	simm.s32 $0x9C00  }
0x2c7: {  	[tilespmem:s6], [sflag:$0x1] =	stream.linear.gather [spmem:s5], $0x80, $0x38;
	[tilespmem:$0x12900] =	vst v63  }
0x2c8: {  	s5 =	sld [smem:$0x7C7];
	_ =	sdelay $0x1  }
0x2c9: {  	s6 =	simm.s32 $0x9E00  }
0x2ca: {  	[tilespmem:s6], [sflag:$0x1] =	stream.linear.gather [spmem:s5], $0x80, $0x38;
	[tilespmem:$0x12900] =	vst v63  }
0x2cb: {  	s5 =	sld [smem:$0x7C8];
	_ =	sdelay $0x1  }
0x2cc: {  	s6 =	simm.s32 $0xA000  }
0x2cd: {  	[tilespmem:s6], [sflag:$0x1] =	stream.linear.gather [spmem:s5], $0x80, $0x38;
	[tilespmem:$0x12900] =	vst v63  }
0x2ce: {  	s5 =	sld [smem:$0x7C9];
	_ =	sdelay $0x1  }
0x2cf: {  	s6 =	simm.s32 $0xA200  }
0x2d0: {  	[tilespmem:s6], [sflag:$0x1] =	stream.linear.gather [spmem:s5], $0x80, $0x38;
	[tilespmem:$0x12900] =	vst v63  }
0x2d1: {  	s5 =	sld [smem:$0x7CA];
	_ =	sdelay $0x1  }
0x2d2: {  	s6 =	simm.s32 $0xA400  }
0x2d3: {  	[tilespmem:s6], [sflag:$0x1] =	stream.linear.gather [spmem:s5], $0x80, $0x38;
	[tilespmem:$0x12900] =	vst v63  }
0x2d4: {  	s5 =	sld [smem:$0x7CB];
	_ =	sdelay $0x1  }
0x2d5: {  	s6 =	simm.s32 $0xA600  }
0x2d6: {  	[tilespmem:s6], [sflag:$0x1] =	stream.linear.gather [spmem:s5], $0x80, $0x38;
	[tilespmem:$0x12900] =	vst v63  }
0x2d7: {  	s5 =	sld [smem:$0x7CC];
	_ =	sdelay $0x1  }
0x2d8: {  	s6 =	simm.s32 $0xA800  }
0x2d9: {  	[tilespmem:s6], [sflag:$0x1] =	stream.linear.gather [spmem:s5], $0x80, $0x38;
	[tilespmem:$0x12900] =	vst v63  }
0x2da: {  	s5 =	sld [smem:$0x7CD];
	_ =	sdelay $0x1  }
0x2db: {  	s6 =	simm.s32 $0xAA00  }
0x2dc: {  	[tilespmem:s6], [sflag:$0x1] =	stream.linear.gather [spmem:s5], $0x80, $0x38;
	[tilespmem:$0x12900] =	vst v63  }
0x2dd: {  	s5 =	sld [smem:$0x7CE];
	_ =	sdelay $0x1  }
0x2de: {  	s6 =	simm.s32 $0xAC00  }
0x2df: {  	[tilespmem:s6], [sflag:$0x1] =	stream.linear.gather [spmem:s5], $0x80, $0x38;
	[tilespmem:$0x12900] =	vst v63  }
0x2e0: {  	s5 =	sld [smem:$0x7CF];
	_ =	sdelay $0x1  }
0x2e1: {  	s6 =	simm.s32 $0xAE00  }
0x2e2: {  	[tilespmem:s6], [sflag:$0x1] =	stream.linear.gather [spmem:s5], $0x80, $0x38;
	[tilespmem:$0x12900] =	vst v63  }
0x2e3: {  	s5 =	sld [smem:$0x7D0];
	_ =	sdelay $0x1  }
0x2e4: {  	s6 =	simm.s32 $0xB000  }
0x2e5: {  	[tilespmem:s6], [sflag:$0x1] =	stream.linear.gather [spmem:s5], $0x80, $0x38;
	[tilespmem:$0x12900] =	vst v63  }
0x2e6: {  	s5 =	sld [smem:$0x7D1];
	_ =	sdelay $0x1  }
0x2e7: {  	s6 =	simm.s32 $0xB200  }
0x2e8: {  	[tilespmem:s6], [sflag:$0x1] =	stream.linear.gather [spmem:s5], $0x80, $0x38;
	[tilespmem:$0x12900] =	vst v63  }
0x2e9: {  	s5 =	sld [smem:$0x7D2];
	_ =	sdelay $0x1  }
0x2ea: {  	s6 =	simm.s32 $0xB400  }
0x2eb: {  	[tilespmem:s6], [sflag:$0x1] =	stream.linear.gather [spmem:s5], $0x80, $0x38;
	[tilespmem:$0x12900] =	vst v63  }
0x2ec: {  	s5 =	sld [smem:$0x7D3];
	_ =	sdelay $0x1  }
0x2ed: {  	s6 =	simm.s32 $0xB600  }
0x2ee: {  	[tilespmem:s6], [sflag:$0x1] =	stream.linear.gather [spmem:s5], $0x80, $0x38;
	[tilespmem:$0x12900] =	vst v63  }
0x2ef: {  	s5 =	sld [smem:$0x7D4];
	_ =	sdelay $0x1  }
0x2f0: {  	s6 =	simm.s32 $0xB800  }
0x2f1: {  	[tilespmem:s6], [sflag:$0x1] =	stream.linear.gather [spmem:s5], $0x80, $0x38;
	[tilespmem:$0x12900] =	vst v63  }
0x2f2: {  	s5 =	sld [smem:$0x7D5];
	_ =	sdelay $0x1  }
0x2f3: {  	s6 =	simm.s32 $0xBA00  }
0x2f4: {  	[tilespmem:s6], [sflag:$0x1] =	stream.linear.gather [spmem:s5], $0x80, $0x38;
	[tilespmem:$0x12900] =	vst v63  }
0x2f5: {  	s5 =	sld [smem:$0x7D6];
	_ =	sdelay $0x1  }
0x2f6: {  	s6 =	simm.s32 $0xBC00  }
0x2f7: {  	[tilespmem:s6], [sflag:$0x1] =	stream.linear.gather [spmem:s5], $0x80, $0x38;
	[tilespmem:$0x12900] =	vst v63  }
0x2f8: {  	s5 =	sld [smem:$0x7D7];
	_ =	sdelay $0x1  }
0x2f9: {  	s6 =	simm.s32 $0xBE00  }
0x2fa: {  	[tilespmem:s6], [sflag:$0x1] =	stream.linear.gather [spmem:s5], $0x80, $0x38;
	[tilespmem:$0x12900] =	vst v63  }
0x2fb: {  	s5 =	sld [smem:$0x7D8];
	_ =	sdelay $0x1  }
0x2fc: {  	s6 =	simm.s32 $0xC000  }
0x2fd: {  	[tilespmem:s6], [sflag:$0x1] =	stream.linear.gather [spmem:s5], $0x80, $0x38;
	[tilespmem:$0x12900] =	vst v63  }
0x2fe: {  	s5 =	sld [smem:$0x7D9];
	_ =	sdelay $0x1  }
0x2ff: {  	s6 =	simm.s32 $0xC200  }
0x300: {  	[tilespmem:s6], [sflag:$0x1] =	stream.linear.gather [spmem:s5], $0x80, $0x38;
	[tilespmem:$0x12900] =	vst v63  }
0x301: {  	s5 =	sld [smem:$0x7DA];
	_ =	sdelay $0x1  }
0x302: {  	s6 =	simm.s32 $0xC400  }
0x303: {  	[tilespmem:s6], [sflag:$0x1] =	stream.linear.gather [spmem:s5], $0x80, $0x38;
	[tilespmem:$0x12900] =	vst v63  }
0x304: {  	s5 =	sld [smem:$0x7DB];
	_ =	sdelay $0x1  }
0x305: {  	s6 =	simm.s32 $0xC600  }
0x306: {  	[tilespmem:s6], [sflag:$0x1] =	stream.linear.gather [spmem:s5], $0x80, $0x38;
	[tilespmem:$0x12900] =	vst v63  }
0x307: {  	s5 =	sld [smem:$0x7DC];
	_ =	sdelay $0x1  }
0x308: {  	s6 =	simm.s32 $0xC800  }
0x309: {  	[tilespmem:s6], [sflag:$0x1] =	stream.linear.gather [spmem:s5], $0x80, $0x38;
	[tilespmem:$0x12900] =	vst v63  }
0x30a: {  	s5 =	sld [smem:$0x7DD];
	_ =	sdelay $0x1  }
0x30b: {  	s6 =	simm.s32 $0xCA00  }
0x30c: {  	[tilespmem:s6], [sflag:$0x1] =	stream.linear.gather [spmem:s5], $0x80, $0x38;
	[tilespmem:$0x12900] =	vst v63  }
0x30d: {  	s5 =	sld [smem:$0x7DE];
	_ =	sdelay $0x1  }
0x30e: {  	s6 =	simm.s32 $0xCC00  }
0x30f: {  	[tilespmem:s6], [sflag:$0x1] =	stream.linear.gather [spmem:s5], $0x80, $0x38;
	[tilespmem:$0x12900] =	vst v63  }
0x310: {  	s5 =	sld [smem:$0x7DF];
	_ =	sdelay $0x1  }
0x311: {  	s6 =	simm.s32 $0xCE00  }
0x312: {  	[tilespmem:s6], [sflag:$0x1] =	stream.linear.gather [spmem:s5], $0x80, $0x38;
	[tilespmem:$0x12900] =	vst v63  }
0x313: {  	s5 =	sld [smem:$0x7E0];
	_ =	sdelay $0x1  }
0x314: {  	s6 =	simm.s32 $0xD000  }
0x315: {  	[tilespmem:s6], [sflag:$0x1] =	stream.linear.gather [spmem:s5], $0x80, $0x38;
	[tilespmem:$0x12900] =	vst v63  }
0x316: {  	s5 =	sld [smem:$0x7E1];
	_ =	sdelay $0x1  }
0x317: {  	s6 =	simm.s32 $0xD200  }
0x318: {  	[tilespmem:s6], [sflag:$0x1] =	stream.linear.gather [spmem:s5], $0x80, $0x38;
	[tilespmem:$0x12900] =	vst v63  }
0x319: {  	s5 =	sld [smem:$0x7E2];
	_ =	sdelay $0x1  }
0x31a: {  	s6 =	simm.s32 $0xD400  }
0x31b: {  	[tilespmem:s6], [sflag:$0x1] =	stream.linear.gather [spmem:s5], $0x80, $0x38;
	[tilespmem:$0x12900] =	vst v63  }
0x31c: {  	s5 =	sld [smem:$0x7E3];
	_ =	sdelay $0x1  }
0x31d: {  	s6 =	simm.s32 $0xD600  }
0x31e: {  	[tilespmem:s6], [sflag:$0x1] =	stream.linear.gather [spmem:s5], $0x80, $0x38;
	[tilespmem:$0x12900] =	vst v63  }
0x31f: {  	s5 =	sld [smem:$0x7E4];
	_ =	sdelay $0x1  }
0x320: {  	s6 =	simm.s32 $0xD800  }
0x321: {  	[tilespmem:s6], [sflag:$0x1] =	stream.linear.gather [spmem:s5], $0x80, $0x38;
	[tilespmem:$0x12900] =	vst v63  }
0x322: {  	s5 =	sld [smem:$0x7E5];
	_ =	sdelay $0x1  }
0x323: {  	s6 =	simm.s32 $0xDA00  }
0x324: {  	[tilespmem:s6], [sflag:$0x1] =	stream.linear.gather [spmem:s5], $0x80, $0x38;
	[tilespmem:$0x12900] =	vst v63  }
0x325: {  	s5 =	sld [smem:$0x7E6];
	_ =	sdelay $0x1  }
0x326: {  	s6 =	simm.s32 $0xDC00  }
0x327: {  	[tilespmem:s6], [sflag:$0x1] =	stream.linear.gather [spmem:s5], $0x80, $0x38;
	[tilespmem:$0x12900] =	vst v63  }
0x328: {  	s5 =	sld [smem:$0x7E7];
	_ =	sdelay $0x1  }
0x329: {  	s6 =	simm.s32 $0xDE00  }
0x32a: {  	[tilespmem:s6], [sflag:$0x1] =	stream.linear.gather [spmem:s5], $0x80, $0x38;
	[tilespmem:$0x12900] =	vst v63  }
0x32b: {  	s5 =	sld [smem:$0x7E8];
	_ =	sdelay $0x1  }
0x32c: {  	s6 =	simm.s32 $0xE000  }
0x32d: {  	[tilespmem:s6], [sflag:$0x1] =	stream.linear.gather [spmem:s5], $0x80, $0x38;
	[tilespmem:$0x12900] =	vst v63  }
0x32e: {  	s5 =	rddreg [dreg:$0xa];
	s6 =	simm.s32 $0x9A80  }
0x32f: {  	[tilespmem:s6], [sflag:$0x1] =	stream.linear.gather [spmem:s5], $0x80, $0x38;
	[tilespmem:$0x12900] =	vst v63  }
0x330: {  	s5 =	sld [smem:$0x7E9];
	_ =	sdelay $0x1  }
0x331: {  	s6 =	simm.s32 $0x9C80  }
0x332: {  	[tilespmem:s6], [sflag:$0x1] =	stream.linear.gather [spmem:s5], $0x80, $0x38;
	[tilespmem:$0x12900] =	vst v63  }
0x333: {  	s5 =	sld [smem:$0x7EA];
	_ =	sdelay $0x1  }
0x334: {  	s6 =	simm.s32 $0x9E80  }
0x335: {  	[tilespmem:s6], [sflag:$0x1] =	stream.linear.gather [spmem:s5], $0x80, $0x38;
	[tilespmem:$0x12900] =	vst v63  }
0x336: {  	s5 =	sld [smem:$0x7EB];
	_ =	sdelay $0x1  }
0x337: {  	s6 =	simm.s32 $0xA080  }
0x338: {  	[tilespmem:s6], [sflag:$0x1] =	stream.linear.gather [spmem:s5], $0x80, $0x38;
	[tilespmem:$0x12900] =	vst v63  }
0x339: {  	s5 =	sld [smem:$0x7EC];
	_ =	sdelay $0x1  }
0x33a: {  	s6 =	simm.s32 $0xA280  }
0x33b: {  	[tilespmem:s6], [sflag:$0x1] =	stream.linear.gather [spmem:s5], $0x80, $0x38;
	[tilespmem:$0x12900] =	vst v63  }
0x33c: {  	s5 =	sld [smem:$0x7ED];
	_ =	sdelay $0x1  }
0x33d: {  	s6 =	simm.s32 $0xA480  }
0x33e: {  	[tilespmem:s6], [sflag:$0x1] =	stream.linear.gather [spmem:s5], $0x80, $0x38;
	[tilespmem:$0x12900] =	vst v63  }
0x33f: {  	s5 =	sld [smem:$0x7EE];
	_ =	sdelay $0x1  }
0x340: {  	s6 =	simm.s32 $0xA680  }
0x341: {  	[tilespmem:s6], [sflag:$0x1] =	stream.linear.gather [spmem:s5], $0x80, $0x38;
	[tilespmem:$0x12900] =	vst v63  }
0x342: {  	s5 =	sld [smem:$0x7EF];
	_ =	sdelay $0x1  }
0x343: {  	s6 =	simm.s32 $0xA880  }
0x344: {  	[tilespmem:s6], [sflag:$0x1] =	stream.linear.gather [spmem:s5], $0x80, $0x38;
	[tilespmem:$0x12900] =	vst v63  }
0x345: {  	s5 =	sld [smem:$0x7F0];
	_ =	sdelay $0x1  }
0x346: {  	s6 =	simm.s32 $0xAA80  }
0x347: {  	[tilespmem:s6], [sflag:$0x1] =	stream.linear.gather [spmem:s5], $0x80, $0x38;
	[tilespmem:$0x12900] =	vst v63  }
0x348: {  	s5 =	sld [smem:$0x7F1];
	_ =	sdelay $0x1  }
0x349: {  	s6 =	simm.s32 $0xAC80  }
0x34a: {  	[tilespmem:s6], [sflag:$0x1] =	stream.linear.gather [spmem:s5], $0x80, $0x38;
	[tilespmem:$0x12900] =	vst v63  }
0x34b: {  	s5 =	sld [smem:$0x7F2];
	_ =	sdelay $0x1  }
0x34c: {  	s6 =	simm.s32 $0xAE80  }
0x34d: {  	[tilespmem:s6], [sflag:$0x1] =	stream.linear.gather [spmem:s5], $0x80, $0x38;
	[tilespmem:$0x12900] =	vst v63  }
0x34e: {  	s5 =	sld [smem:$0x7F3];
	_ =	sdelay $0x1  }
0x34f: {  	s6 =	simm.s32 $0xB080  }
0x350: {  	[tilespmem:s6], [sflag:$0x1] =	stream.linear.gather [spmem:s5], $0x80, $0x38;
	[tilespmem:$0x12900] =	vst v63  }
0x351: {  	s5 =	sld [smem:$0x7F4];
	_ =	sdelay $0x1  }
0x352: {  	s6 =	simm.s32 $0xB280  }
0x353: {  	[tilespmem:s6], [sflag:$0x1] =	stream.linear.gather [spmem:s5], $0x80, $0x38;
	[tilespmem:$0x12900] =	vst v63  }
0x354: {  	s5 =	sld [smem:$0x7F5];
	_ =	sdelay $0x1  }
0x355: {  	s6 =	simm.s32 $0xB480  }
0x356: {  	[tilespmem:s6], [sflag:$0x1] =	stream.linear.gather [spmem:s5], $0x80, $0x38;
	[tilespmem:$0x12900] =	vst v63  }
0x357: {  	s5 =	sld [smem:$0x7F6];
	_ =	sdelay $0x1  }
0x358: {  	s6 =	simm.s32 $0xB680  }
0x359: {  	[tilespmem:s6], [sflag:$0x1] =	stream.linear.gather [spmem:s5], $0x80, $0x38;
	[tilespmem:$0x12900] =	vst v63  }
0x35a: {  	s5 =	sld [smem:$0x7F7];
	_ =	sdelay $0x1  }
0x35b: {  	s6 =	simm.s32 $0xB880  }
0x35c: {  	[tilespmem:s6], [sflag:$0x1] =	stream.linear.gather [spmem:s5], $0x80, $0x38;
	[tilespmem:$0x12900] =	vst v63  }
0x35d: {  	s5 =	sld [smem:$0x7F8];
	_ =	sdelay $0x1  }
0x35e: {  	s6 =	simm.s32 $0xBA80  }
0x35f: {  	[tilespmem:s6], [sflag:$0x1] =	stream.linear.gather [spmem:s5], $0x80, $0x38;
	[tilespmem:$0x12900] =	vst v63  }
0x360: {  	s5 =	sld [smem:$0x7F9];
	_ =	sdelay $0x1  }
0x361: {  	s6 =	simm.s32 $0xBC80  }
0x362: {  	[tilespmem:s6], [sflag:$0x1] =	stream.linear.gather [spmem:s5], $0x80, $0x38;
	[tilespmem:$0x12900] =	vst v63  }
0x363: {  	s5 =	sld [smem:$0x7FA];
	_ =	sdelay $0x1  }
0x364: {  	s6 =	simm.s32 $0xBE80  }
0x365: {  	[tilespmem:s6], [sflag:$0x1] =	stream.linear.gather [spmem:s5], $0x80, $0x38;
	[tilespmem:$0x12900] =	vst v63  }
0x366: {  	s5 =	sld [smem:$0x7FB];
	_ =	sdelay $0x1  }
0x367: {  	s6 =	simm.s32 $0xC080  }
0x368: {  	[tilespmem:s6], [sflag:$0x1] =	stream.linear.gather [spmem:s5], $0x80, $0x38;
	[tilespmem:$0x12900] =	vst v63  }
0x369: {  	s5 =	sld [smem:$0x7FC];
	_ =	sdelay $0x1  }
0x36a: {  	s1 =	sld [smem:$0x7FD];
	s6 =	simm.s32 $0xC280  }
0x36b: {  	[tilespmem:s6], [sflag:$0x1] =	stream.linear.gather [spmem:s5], $0x80, $0x38;
	[tilespmem:$0x12900] =	vst v63  }
0x36c: {  	s5 =	simm.s32 $0xC480  }
0x36d: {  	[tilespmem:s5], [sflag:$0x1] =	stream.linear.gather [spmem:s1], $0x80, $0x38;
	[tilespmem:$0x12900] =	vst v63  }
0x36e: {  	s6 =	simm.s32 $0xC680  }
0x36f: {  	[tilespmem:s6], [sflag:$0x1] =	stream.linear.gather [spmem:s3], $0x80, $0x38;
	[tilespmem:$0x12900] =	vst v63  }
0x370: {  	s1 =	simm.s32 $0xC880  }
0x371: {  	[tilespmem:s1], [sflag:$0x1] =	stream.linear.gather [spmem:s8], $0x80, $0x38;
	[tilespmem:$0x12900] =	vst v63  }
0x372: {  	s5 =	simm.s32 $0xCA80  }
0x373: {  	[tilespmem:s5], [sflag:$0x1] =	stream.linear.gather [spmem:s9], $0x80, $0x38;
	[tilespmem:$0x12900] =	vst v63  }
0x374: {  	s6 =	simm.s32 $0xCC80  }
0x375: {  	[tilespmem:s6], [sflag:$0x1] =	stream.linear.gather [spmem:s10], $0x80, $0x38;
	[tilespmem:$0x12900] =	vst v63  }
0x376: {  	s1 =	simm.s32 $0xCE80  }
0x377: {  	[tilespmem:s1], [sflag:$0x1] =	stream.linear.gather [spmem:s11], $0x80, $0x38;
	[tilespmem:$0x12900] =	vst v63  }
0x378: {  	s5 =	simm.s32 $0xD080  }
0x379: {  	[tilespmem:s5], [sflag:$0x1] =	stream.linear.gather [spmem:s13], $0x80, $0x38;
	[tilespmem:$0x12900] =	vst v63  }
0x37a: {  	s6 =	simm.s32 $0xD280  }
0x37b: {  	[tilespmem:s6], [sflag:$0x1] =	stream.linear.gather [spmem:s14], $0x80, $0x38;
	[tilespmem:$0x12900] =	vst v63  }
0x37c: {  	s1 =	simm.s32 $0xD480  }
0x37d: {  	[tilespmem:s1], [sflag:$0x1] =	stream.linear.gather [spmem:s15], $0x80, $0x38;
	[tilespmem:$0x12900] =	vst v63  }
0x37e: {  	s5 =	simm.s32 $0xD680  }
0x37f: {  	[tilespmem:s5], [sflag:$0x1] =	stream.linear.gather [spmem:s16], $0x80, $0x38;
	[tilespmem:$0x12900] =	vst v63  }
0x380: {  	s6 =	simm.s32 $0xD880  }
0x381: {  	[tilespmem:s6], [sflag:$0x1] =	stream.linear.gather [spmem:s17], $0x80, $0x38;
	[tilespmem:$0x12900] =	vst v63  }
0x382: {  	s1 =	simm.s32 $0xDA80  }
0x383: {  	[tilespmem:s1], [sflag:$0x1] =	stream.linear.gather [spmem:s18], $0x80, $0x38;
	[tilespmem:$0x12900] =	vst v63  }
0x384: {  	s5 =	simm.s32 $0xDC80  }
0x385: {  	[tilespmem:s5], [sflag:$0x1] =	stream.linear.gather [spmem:s19], $0x80, $0x38;
	[tilespmem:$0x12900] =	vst v63  }
0x386: {  	s6 =	simm.s32 $0xDE80  }
0x387: {  	[tilespmem:s6], [sflag:$0x1] =	stream.linear.gather [spmem:s20], $0x80, $0x38;
	[tilespmem:$0x12900] =	vst v63  }
0x388: {  	s1 =	simm.s32 $0xE080  }
0x389: {  	[tilespmem:s1], [sflag:$0x1] =	stream.linear.gather [spmem:s21], $0x80, $0x38;
	[tilespmem:$0x12900] =	vst v63  }
0x38a: {  	_ =	swait.ge [sflag:s4], $0x1200  }
0x38b: {  	[sflag:s4] =	ssyncset.done $0x0  }
0x38c: {  	[sflag:s4] =	ssyncadd.s32 $0xFFFFEE00  }
0x38d: {  	_ =	swait.ge [sflag:s4], $0x1200  }
0x38e: {  	[sflag:s4] =	ssyncset.done $0x0  }
0x38f: {  	[sflag:s4] =	ssyncadd.s32 $0xFFFFEE00  }
0x390: {  	_ =	swait.ge [sflag:s4], $0x1200  }
0x391: {  	[sflag:s4] =	ssyncset.done $0x0  }
0x392: {  	p0 =	por $0x0, $0x0;
	[sflag:s4] =	ssyncadd.s32 $0xFFFFEE00  }
0x393: {  	s30 =	simm.s32 $0x1;
	s5 =	simm.s32 $0x0;
	_ =	swait.ge [sflag:s4], $0x1200  }
0x394: {  	s0 =	sand.u32 $0x7E00, s5;
	s6 =	sand.u32 $0x40, s5;
	[sflag:s4] =	ssyncset.done $0x0  }
0x395: {  	s30 =	simm.s32 @!p0 $0x0;
	s29 =	sor.u32 s6, s0;
	[sflag:s4] =	ssyncadd.s32 $0xFFFFEE00  }
0x396: {  	s5 =	sshll.u32 s30, $0x6;
	v6 =	vld [tilespmem:s29+$0x9980]  }
0x397: {  	s0 =	sadd.s32 $0x0, s5;
	v7 =	vld [tilespmem:s29+$0x9900]  }
0x398: {  	s6 =	sor.u32 $0x100, s0  }
0x399: {  	v8 =	vld [tilespmem:s6+$0x9900]  }
0x39a: {  	s5 =	sor.u32 $0x180, s0  }
0x39b: {  	v9 =	vld [tilespmem:s5+$0x9900]  }
0x39c: {  	v6 =	vadd.f32 v6, v7;
	_ =	sdelay $0x1  }
0x39d: {  	v6 =	vadd.f32 v8, v6;
	_ =	sdelay $0x1  }
0x39e: {  	v7 =	vld [tilespmem:s29+$0x9990];
	v6 =	vadd.f32 v9, v6  }
0x39f: {  	s6 =	sadd.s32 $0x10, s0;
	v8 =	vld [tilespmem:s29+$0x9910]  }
0x3a0: {  	s30 =	sor.u32 $0x100, s6;
	[tilespmem:s29+$0x9900] =	vst v6  }
0x3a1: {  	v6 =	vld [tilespmem:s30+$0x9900]  }
0x3a2: {  	s1 =	sor.u32 $0x180, s6  }
0x3a3: {  	v9 =	vld [tilespmem:s1+$0x9900]  }
0x3a4: {  	v7 =	vadd.f32 v7, v8;
	_ =	sdelay $0x1  }
0x3a5: {  	v6 =	vadd.f32 v6, v7;
	_ =	sdelay $0x1  }
0x3a6: {  	v8 =	vld [tilespmem:s29+$0x9920];
	v6 =	vadd.f32 v9, v6  }
0x3a7: {  	s5 =	sadd.s32 $0x20, s0;
	v7 =	vld [tilespmem:s29+$0x99A0]  }
0x3a8: {  	s30 =	sor.u32 $0x100, s5;
	[tilespmem:s29+$0x9910] =	vst v6  }
0x3a9: {  	v6 =	vld [tilespmem:s30+$0x9900]  }
0x3aa: {  	s1 =	sor.u32 $0x180, s5  }
0x3ab: {  	v9 =	vld [tilespmem:s1+$0x9900]  }
0x3ac: {  	v7 =	vadd.f32 v7, v8;
	_ =	sdelay $0x1  }
0x3ad: {  	v6 =	vadd.f32 v6, v7;
	_ =	sdelay $0x1  }
0x3ae: {  	v10 =	vld [tilespmem:s29+$0x9930];
	v6 =	vadd.f32 v9, v6  }
0x3af: {  	s0 =	sadd.s32 $0x30, s0;
	v8 =	vld [tilespmem:s29+$0x99B0]  }
0x3b0: {  	s6 =	sor.u32 $0x100, s0;
	[tilespmem:s29+$0x9920] =	vst v6  }
0x3b1: {  	v7 =	vld [tilespmem:s6+$0x9900]  }
0x3b2: {  	s0 =	sor.u32 $0x180, s0  }
0x3b3: {  	v6 =	vld [tilespmem:s0+$0x9900]  }
0x3b4: {  	s31 =	simm.s32 $0x100;
	s30 =	simm.s32 $0x0;
	v8 =	vadd.f32 v8, v10;
	s0 =	simm.s32 $0x40  }
.LBB2_9:
0x3b5: {  	s1 =	sand.u32 $0x40, s0  }
0x3b6: {  	s5 =	sand.u32 $0x7E00, s31;
	v7 =	vadd.f32 v7, v8;
	p0 =	por !p0, !p0;
	s6 =	simm.s32 $0x1  }
0x3b7: {  	s30 =	sadd.s32 $0x4, s30;
	s6 =	simm.s32 @!p0 $0x0;
	s5 =	sor.u32 s1, s5  }
0x3b8: {  	p1 =	slt.u32 s30, $0x11C;
	s1 =	sshll.u32 s6, $0x6;
	v8 =	vld [tilespmem:s5+$0x9980];
	v6 =	vadd.f32 v6, v7  }
0x3b9: {  	s1 =	sadd.s32 s1, s31;
	v7 =	vld [tilespmem:s5+$0x9900]  }
0x3ba: {  	s6 =	sor.u32 $0x100, s1;
	[tilespmem:s29+$0x9930] =	vst v6;
	s29 =	smov.u32 s5  }
0x3bb: {  	s5 =	sor.u32 $0x180, s1;
	v6 =	vld [tilespmem:s6+$0x9900]  }
0x3bc: {  	v9 =	vld [tilespmem:s5+$0x9900];
	_ =	sdelay $0x1  }
0x3bd: {  	v7 =	vadd.f32 v8, v7;
	_ =	sdelay $0x1  }
0x3be: {  	v6 =	vadd.f32 v6, v7;
	_ =	sdelay $0x1  }
0x3bf: {  	v6 =	vadd.f32 v9, v6;
	v7 =	vld [tilespmem:s29+$0x9990]  }
0x3c0: {  	s5 =	sadd.s32 $0x10, s1;
	v8 =	vld [tilespmem:s29+$0x9910]  }
0x3c1: {  	s6 =	sor.u32 $0x100, s5;
	[tilespmem:s29+$0x9900] =	vst v6  }
0x3c2: {  	v6 =	vld [tilespmem:s6+$0x9900]  }
0x3c3: {  	s5 =	sor.u32 $0x180, s5  }
0x3c4: {  	v9 =	vld [tilespmem:s5+$0x9900]  }
0x3c5: {  	v7 =	vadd.f32 v7, v8;
	_ =	sdelay $0x1  }
0x3c6: {  	v6 =	vadd.f32 v6, v7;
	_ =	sdelay $0x1  }
0x3c7: {  	v6 =	vadd.f32 v9, v6;
	v7 =	vld [tilespmem:s29+$0x99A0]  }
0x3c8: {  	s5 =	sadd.s32 $0x20, s1;
	v8 =	vld [tilespmem:s29+$0x9920]  }
0x3c9: {  	s6 =	sor.u32 $0x100, s5;
	[tilespmem:s29+$0x9910] =	vst v6  }
0x3ca: {  	v6 =	vld [tilespmem:s6+$0x9900]  }
0x3cb: {  	s5 =	sor.u32 $0x180, s5  }
0x3cc: {  	v9 =	vld [tilespmem:s5+$0x9900]  }
0x3cd: {  	v7 =	vadd.f32 v7, v8;
	_ =	sdelay $0x1  }
0x3ce: {  	v6 =	vadd.f32 v6, v7;
	_ =	sdelay $0x1  }
0x3cf: {  	v6 =	vadd.f32 v9, v6;
	v8 =	vld [tilespmem:s29+$0x99B0]  }
0x3d0: {  	s1 =	sadd.s32 $0x30, s1;
	v9 =	vld [tilespmem:s29+$0x9930]  }
0x3d1: {  	s5 =	sor.u32 $0x100, s1;
	[tilespmem:s29+$0x9920] =	vst v6  }
.Ltmp4:
0x3d2: {  	s1 =	sor.u32 $0x180, s1;
	v7 =	vld [tilespmem:s5+$0x9900];
	(pc) =	sbr.rel @p1 .LBB2_9-.Ltmp4, $3  }
0x3d3: {  	v6 =	vld [tilespmem:s1+$0x9900];
	_ =	sdelay $0x1  }
0x3d4: {  	v8 =	vadd.f32 v8, v9  }
0x3d5: {  	s0 =	sadd.s32 $0x40, s0;
	s31 =	sadd.s32 $0x100, s31  }
0x3d6: {  	v7 =	vadd.f32 v7, v8;
	_ =	sdelay $0x1  }
0x3d7: {  	v6 =	vadd.f32 v6, v7  }
0x3d8: {  	s0 =	simm.s32 $0x9900  }
0x3d9: {  	s1 =	simm.s32 $0x10;
	s30 =	sadd.s32 $0x0, s12;
	[tilespmem:s29+$0x9930] =	vst v6;
	s29 =	simm.s32 $0x9B00  }
.LBB2_11:
0x3da: {  	[hbm4b:s30+s2] =	stream.linear.scatter [tilespmem:s0], [sflag:$0x2], $0x80, $0x38;
	[tilespmem:$0x12900] =	vst v63  }
0x3db: {  	s5 =	smov.u32 s1;
	s0 =	smov.u32 s29;
	p0 =	sne.s32 s1, $0x230  }
.Ltmp5:
0x3dc: {  	s1 =	sadd.s32 $0x10, s1;
	(pc) =	sbr.rel @p0 .LBB2_11-.Ltmp5, $2  }
0x3dd: {  	_ =	sdelay $0x2  }
0x3de: {  	s29 =	sadd.s32 $0x200, s29;
	s30 =	sadd.s32 s5, s12  }
0x3df: {  	[hbm4b:s30+s2] =	stream.linear.scatter [tilespmem:s0], [sflag:$0x2], $0x80, $0x38;
	[tilespmem:$0x12900] =	vst v63  }
0x3e0: {  	_ =	swait.ge [sflag:s26], $0x1200  }
0x3e1: {  	s28 =	sadd.s32 $0x1, s28;
	s31 =	rddreg [dreg:$0xb]  }
0x3e2: {  	p0 =	sne.s32 s28, s31  }
.Ltmp6:
0x3e3: {  	_ = 	snop;
	(pc) =	sbr.rel @p0 .LBB2_1-.Ltmp6, $3  }
0x3e4: {  	_ =	sdelay $0x1  }
0x3e5: {  	[sflag:s26] =	ssyncset.done $0x0  }
0x3e6: {  	[sflag:s26] =	ssyncadd.s32 $0xFFFFEE00  }
0x3e7: {  	_ =	sfence.sel $0x180000  }
0x3e8: {  	[bflag:$0x0] =	sbarrier.arrive $0xFFFF  }
0x3e9: {  	_ =	strace $0x90000047  }
0x3ea: {  	s0 =	stileid.u32;
	[bflag:$0x2] =	sbarrier.arrive $0xFFFF  }
0x3eb: {  	p0 =	sne.s32 s0, $0x0;
	s0 =	rddreg [dreg:$0x3]  }
0x3ec: {  	s0 =	sadd.s32 @!p0 $0x100000, s0  }
0x3ed: {  	[sflag:s0] =	ssyncadd.tile.s32 @!p0 $0x1;
	_ =	shalt  }
.Lfunc_end2:
_tile_overlayer_lowered:
.L_overlay_start_2:
0x3ee: {  	(tag) =	ssettag $0x2  }
0x3ef: {  	s0 =	rddreg [dreg:$0x0];
	s2 =	stileid.u32  }
0x3f0: {  	s1 =	rddreg [dreg:$0x1];
	p0 =	sne.s32 s2, $0x0  }
0x3f1: {  	s3 =	rddreg [dreg:$0x2];
	[bflag:$0x3] =	sbarrier.arrive $0xFFFF;
	s2 =	simm.s32 @!p0 $0x1C02  }
0x3f2: {  	[timem:s3], [sflag:s2] =	dma.local @!p0 [hbm:s0], s1  }
0x3f3: {  	s0 =	simm.s32 @!p0 $0x2  }
0x3f4: {  	_ =	swait.ge @!p0 [sflag:s0], s1  }
0x3f5: {  	s1 =	ssub.s32 @!p0 $0x0, s1;
	[sflag:s0] =	ssyncset.done @!p0 $0x0  }
0x3f6: {  	[sflag:s0] =	ssyncadd.s32 @!p0 s1  }
0x3f7: {  	[bflag:$0x3] =	sbarrier.arrive $0xFFFF  }
0x3f8: {  	_ =	shalt  }

</sc_bundles>
